<compile_context>
chip_gen: v7x
topology: tpu7x:2x2x1
jax: 0.10.2.dev20260603
libtpu: 0.0.44.dev20260713+nightly
codegen_flags: <defaults>
</compile_context>

<pallas_src>
import functools

import jax
import jax.numpy as jnp
from jax import lax
from jax.experimental import pallas as pl
from jax.experimental.pallas import tpu as pltpu
from jax.experimental.pallas import tpu_sc as plsc

_L = 16
_H = 224
_W = 224
_HW = _H * _W
_NIMG = 192
_NWORKERS = 32
_IMGS_PER_WORKER = _NIMG // _NWORKERS
_ROW_VECS = _W // 16
_QUNROLL = 8
_LN_TOTAL = 12.20958646482997


def _sc_hist_body(x_hbm, out_hbm, buf, qbuf, hist, ebuf, sem):
    wid = lax.axis_index("s") * 2 + lax.axis_index("c")
    img0 = wid * _IMGS_PER_WORKER

    iota = lax.iota(jnp.int32, 16)
    ones = jnp.ones((16,), jnp.float32)
    zeros = jnp.zeros((16,), jnp.float32)
    ione = jnp.ones((16,), jnp.int32)
    izero = jnp.zeros((16,), jnp.int32)
    cm1_first = jnp.where(iota == 0, jnp.full((16,), 223, jnp.int32), iota - 1)
    cp1_last = jnp.where(
        iota == 15, jnp.full((16,), -15, jnp.int32), iota + 1
    ) + (_W - 16)

    pltpu.async_copy(x_hbm.at[img0], buf, sem)

    def _image(k, _):
        img = img0 + k
        pltpu.make_async_copy(x_hbm.at[img], buf, sem).wait()

        def _quant_blk(i, _):
            base = i * (16 * _QUNROLL)
            vals = [buf[pl.ds(base + u * 16, 16)] for u in range(_QUNROLL)]
            qs = [(v * (_L - 1)).astype(jnp.int32) for v in vals]
            for u in range(_QUNROLL):
                qbuf[pl.ds(base + u * 16, 16)] = qs[u]
            return _
        lax.fori_loop(0, _HW // (16 * _QUNROLL), _quant_blk, None)

        nxt = jnp.minimum(img + 1, img0 + _IMGS_PER_WORKER - 1)
        pltpu.async_copy(x_hbm.at[nxt], buf, sem)

        def _zero(i, _):
            hist[pl.ds(i * 16, 16)] = zeros
            return _
        lax.fori_loop(0, 256 // 16, _zero, None)

        def _rowquad(i, _):
            rows = [(4 * i + r) * _W for r in range(4)]
            prev0 = jnp.where(i == 0, (_H - 1) * _W, rows[0] - _W)
            bases = [prev0] + rows

            def _load(jb):
                cb = jb * 16
                qs = [qbuf[pl.ds(rb + cb, 16)] for rb in rows]
                n90_0 = qbuf[pl.ds(prev0 + cb, 16)]
                if jb == 0:
                    lefts = [
                        plsc.load_gather(qbuf, [rb + cm1_first])
                        for rb in bases
                    ]
                else:
                    lefts = [
                        qbuf[pl.ds(rb + cb - 1, 16)] for rb in bases
                    ]
                if jb == _ROW_VECS - 1:
                    rights = [
                        plsc.load_gather(qbuf, [rb + cp1_last])
                        for rb in bases[:4]
                    ]
                else:
                    rights = [
                        qbuf[pl.ds(rb + cb + 1, 16)] for rb in bases[:4]
                    ]
                return qs, n90_0, lefts, rights

            def _compute(vals):
                qs, n90_0, lefts, rights = vals
                ups = [n90_0] + qs[:3]
                idxs = []
                for r in range(4):
                    q16 = qs[r] * _L
                    idxs += [
                        q16 + lefts[r + 1],
                        q16 + rights[r],
                        q16 + ups[r],
                        q16 + lefts[r],
                    ]
                return idxs

            def _scatter(idxs):
                for idx in idxs:
                    plsc.addupdate_scatter(hist, [idx], ones)

            vals = _load(0)
            idxs = _compute(vals)
            vals = _load(1)
            for jb in range(2, _ROW_VECS):
                _scatter(idxs)
                idxs = _compute(vals)
                vals = _load(jb)
            _scatter(idxs)
            idxs = _compute(vals)
            _scatter(idxs)
            return _

        lax.fori_loop(0, _H // 4, _rowquad, None)

        acc = zeros
        for v in range(256 // 16):
            h = hist[pl.ds(v * 16, 16)]
            hi = h.astype(jnp.int32)
            e = izero
            for p in range(1, 18):
                e = e + jnp.where(hi >= (1 << p), ione, izero)
            m = h / (ione << e).astype(jnp.float32)
            t = m - 1.0
            z = t / (t + 2.0)
            z2 = z * z
            ln_m = 2.0 * z * (1.0 + z2 * (
                0.3333333333 + z2 * (0.2 + z2 * 0.1428571429)))
            ln_h = e.astype(jnp.float32) * 0.6931471805599453 + ln_m
            acc = acc + h * ln_h
        total = float(4 * _HW)
        s = jnp.sum(acc)
        ebuf[...] = jnp.full((16,), _LN_TOTAL, jnp.float32) - s * (1.0 / total)
        pltpu.sync_copy(ebuf, out_hbm.at[img])
        return _

    lax.fori_loop(0, _IMGS_PER_WORKER, _image, None)
    pltpu.make_async_copy(x_hbm.at[img0], buf, sem).wait()


_sc_hist = functools.partial(
    pl.kernel,
    out_type=jax.ShapeDtypeStruct((_NIMG, 16), jnp.float32),
    mesh=plsc.VectorSubcoreMesh(core_axis_name="c", subcore_axis_name="s"),
    scratch_types=[
        pltpu.VMEM((_HW,), jnp.float32),
        pltpu.VMEM((_HW,), jnp.int32),
        pltpu.VMEM((_L * _L,), jnp.float32),
        pltpu.VMEM((16,), jnp.float32),
        pltpu.SemaphoreType.DMA,
    ],
    compiler_params=pltpu.CompilerParams(needs_layout_passes=False),
)(_sc_hist_body)


def kernel(x):
    b, c, h, w = x.shape
    xr = x.reshape(_NIMG, _HW)
    ent = _sc_hist(xr)[:, 0]
    return jnp.broadcast_to(ent.reshape(b, c, 1, 1), (b, c, h, w))

# --- scband reference (transcript-rebuilt; emitter-appended) ---
"""Pipeline reference for scband-glcmattention-head-90048284328251 (READ-ONLY COPY).

The authoritative reference and input builder live on the scoring server;
editing this copy changes nothing except your own understanding.
"""

import jax, jax.numpy as jnp
import numpy as np

GRAY_LEVELS = 16
DIST = 1


def setup_inputs(seed: int = 0) -> dict:
    key = jax.random.key(seed)
    x = jax.random.uniform(key, (2, 96, 224, 224), dtype=jnp.float32)
    return {"x": x}


def reference(x):
    L = GRAY_LEVELS
    d = DIST
    B, C, H, W = x.shape
    # torch: (image * (L-1)).to(torch.uint8) truncates toward zero; x in [0,1) so floor == truncate
    q = (x * (L - 1)).astype(jnp.int32)
    # angles 0, 45, 90, 135 applied to each 2D image (dims 0=H -> axis 2, 1=W -> axis 3)
    rolls = [
        ((d,), (3,)),        # angle 0:   roll shift=d along dim 1 (W)
        ((d, -d), (2, 3)),   # angle 45:  roll (d, -d) along (H, W)
        ((d,), (2,)),        # angle 90:  roll shift=d along dim 0 (H)
        ((d, d), (2, 3)),    # angle 135: roll (d, d) along (H, W)
    ]
    N = B * C
    row = jnp.arange(N)[:, None]
    hist = jnp.zeros((N, L * L), dtype=jnp.float32)
    for shifts, axes in rolls:
        shifted = jnp.roll(q, shifts, axis=axes)
        pair = (q * L + shifted).reshape(N, H * W)
        hist = hist.at[row, pair].add(1.0)
    glcm = hist / jnp.sum(hist, axis=1, keepdims=True)
    entropy = -jnp.sum(glcm * jnp.log(glcm + 1e-10), axis=1)
    return jnp.broadcast_to(entropy.reshape(B, C, 1, 1), (B, C, H, W))

if __name__ == "__main__":
    import jax
    _d = setup_inputs()
    print(jax.jit(kernel)(*tuple(_d.values())))

</pallas_src>

<mosaic_0001>
#map = affine_map<(d0, d1) -> (0, 0)>
module attributes {stable_mosaic.version = 14 : i64} {
  func.func @_sc_hist_body(%arg0: i32, %arg1: i32, %arg2: memref<192x50176xf32, #tpu.memory_space<hbm>>, %arg3: memref<192x16xf32, #tpu.memory_space<hbm>>, %arg4: memref<50176xf32, #tpu.memory_space<vmem>>, %arg5: memref<50176xi32, #tpu.memory_space<vmem>>, %arg6: memref<256xf32, #tpu.memory_space<vmem>>, %arg7: memref<16xf32, #tpu.memory_space<vmem>>, %arg8: memref<!tpu.dma_semaphore, #tpu.memory_space<semaphore_mem>>) attributes {dimension_semantics = [#tpu.dimension_semantics<core_parallel>, #tpu.dimension_semantics<subcore_parallel>], iteration_bounds = array<i64: 2, 16>, scalar_prefetch = 0 : i64, scratch_operands = 5 : i64, tpu.core_type = #tpu.core_type<sc_vector_subcore>, window_params = [{transform_indices = #map}, {transform_indices = #map}]} {
    %mul3A = arith.constant 2 : i32
    %mul3A_0 = arith.muli %arg1, %mul3A : i32
    %add3A = arith.addi %mul3A_0, %arg0 : i32
    %mul3A_1 = arith.constant 6 : i32
    %mul3A_2 = arith.muli %add3A, %mul3A_1 : i32
    %iota3A = tpu.iota {dimensions = array<i32: 0>} : vector<16xi32>
    %broadcast_in_dim3A = arith.constant 1.000000e+00 : f32
    %broadcast_in_dim3A_3 = vector.broadcast %broadcast_in_dim3A : f32 to vector<16xf32>
    %broadcast_in_dim3A_4 = arith.constant 0.000000e+00 : f32
    %broadcast_in_dim3A_5 = vector.broadcast %broadcast_in_dim3A_4 : f32 to vector<16xf32>
    %broadcast_in_dim3A_6 = arith.constant 1 : i32
    %broadcast_in_dim3A_7 = vector.broadcast %broadcast_in_dim3A_6 : i32 to vector<16xi32>
    %broadcast_in_dim3A_8 = arith.constant 0 : i32
    %broadcast_in_dim3A_9 = vector.broadcast %broadcast_in_dim3A_8 : i32 to vector<16xi32>
    %eq3A = arith.constant 0 : i32
    %eq3A_10 = vector.broadcast %eq3A : i32 to vector<16xi32>
    %eq3A_11 = arith.cmpi eq, %iota3A, %eq3A_10 : vector<16xi32>
    %broadcast_in_dim3A_12 = arith.constant 223 : i32
    %broadcast_in_dim3A_13 = vector.broadcast %broadcast_in_dim3A_12 : i32 to vector<16xi32>
    %sub3A = arith.constant 1 : i32
    %sub3A_14 = vector.broadcast %sub3A : i32 to vector<16xi32>
    %sub3A_15 = arith.subi %iota3A, %sub3A_14 : vector<16xi32>
    %select_n3A = arith.select %eq3A_11, %broadcast_in_dim3A_13, %sub3A_15 : vector<16xi1>, vector<16xi32>
    %eq3A_16 = arith.constant 15 : i32
    %eq3A_17 = vector.broadcast %eq3A_16 : i32 to vector<16xi32>
    %eq3A_18 = arith.cmpi eq, %iota3A, %eq3A_17 : vector<16xi32>
    %broadcast_in_dim3A_19 = arith.constant -15 : i32
    %broadcast_in_dim3A_20 = vector.broadcast %broadcast_in_dim3A_19 : i32 to vector<16xi32>
    %add3A_21 = arith.constant 1 : i32
    %add3A_22 = vector.broadcast %add3A_21 : i32 to vector<16xi32>
    %add3A_23 = arith.addi %iota3A, %add3A_22 : vector<16xi32>
    %select_n3A_24 = arith.select %eq3A_18, %broadcast_in_dim3A_20, %add3A_23 : vector<16xi1>, vector<16xi32>
    %add3A_25 = arith.constant 208 : i32
    %add3A_26 = vector.broadcast %add3A_25 : i32 to vector<16xi32>
    %add3A_27 = arith.addi %select_n3A_24, %add3A_26 : vector<16xi32>
    %dma_start3A = arith.constant 0 : i32
    %dma_start3A_28 = tpu.memref_slice %arg2[%mul3A_2, %dma_start3A] : memref<192x50176xf32, #tpu.memory_space<hbm>> -> memref<1x50176xf32, #tpu.memory_space<hbm>>
    %dma_start3A_29 = tpu.memref_squeeze %dma_start3A_28 : memref<1x50176xf32, #tpu.memory_space<hbm>> -> memref<50176xf32, #tpu.memory_space<hbm>>
    %dma_start3A_30 = arith.constant 0 : i32
    %dma_start3A_31 = tpu.memref_slice %arg2[%mul3A_2, %dma_start3A_30] : memref<192x50176xf32, #tpu.memory_space<hbm>> -> memref<1x50176xf32, #tpu.memory_space<hbm>>
    %dma_start3A_32 = tpu.memref_squeeze %dma_start3A_31 : memref<1x50176xf32, #tpu.memory_space<hbm>> -> memref<50176xf32, #tpu.memory_space<hbm>>
    tpu.enqueue_dma source(%dma_start3A_32 : memref<50176xf32, #tpu.memory_space<hbm>>) target(%arg4 : memref<50176xf32, #tpu.memory_space<vmem>>) target_semaphore(%arg8 : memref<!tpu.dma_semaphore, #tpu.memory_space<semaphore_mem>>)
    %scan3A = arith.constant 0 : i32
    %scan3A_33 = arith.constant 6 : i32
    %scan3A_34 = arith.addi %scan3A, %scan3A_33 : i32
    %scan3A_35 = arith.constant 1 : i32
    scf.for %scan3A_42 = %scan3A to %scan3A_34 step %scan3A_35  : i32 {
      %add3A_43 = arith.addi %mul3A_2, %scan3A_42 : i32
      %dma_wait3A_44 = arith.constant 0 : i32
      %dma_wait3A_45 = tpu.memref_slice %arg2[%add3A_43, %dma_wait3A_44] : memref<192x50176xf32, #tpu.memory_space<hbm>> -> memref<1x50176xf32, #tpu.memory_space<hbm>>
      %dma_wait3A_46 = tpu.memref_squeeze %dma_wait3A_45 : memref<1x50176xf32, #tpu.memory_space<hbm>> -> memref<50176xf32, #tpu.memory_space<hbm>>
      %dma_wait3A_47 = arith.constant 0 : i32
      %dma_wait3A_48 = tpu.memref_slice %arg2[%add3A_43, %dma_wait3A_47] : memref<192x50176xf32, #tpu.memory_space<hbm>> -> memref<1x50176xf32, #tpu.memory_space<hbm>>
      %dma_wait3A_49 = tpu.memref_squeeze %dma_wait3A_48 : memref<1x50176xf32, #tpu.memory_space<hbm>> -> memref<50176xf32, #tpu.memory_space<hbm>>
      tpu.wait_dma2 semaphore(%arg8 : memref<!tpu.dma_semaphore, #tpu.memory_space<semaphore_mem>>) src(%dma_wait3A_49 : memref<50176xf32, #tpu.memory_space<hbm>>) dst(%arg4 : memref<50176xf32, #tpu.memory_space<vmem>>)
      %scan3A_50 = arith.constant 0 : i32
      %scan3A_51 = arith.constant 392 : i32
      %scan3A_52 = arith.addi %scan3A_50, %scan3A_51 : i32
      %scan3A_53 = arith.constant 1 : i32
      scf.for %scan3A_2066 = %scan3A_50 to %scan3A_52 step %scan3A_53  : i32 {
        %mul3A_2067 = arith.constant 128 : i32
        %mul3A_2068 = arith.muli %scan3A_2066, %mul3A_2067 : i32
        %add3A_2069 = arith.constant 0 : i32
        %add3A_2070 = arith.addi %mul3A_2068, %add3A_2069 : i32
        %get3A_2071 = arith.index_cast %add3A_2070 : i32 to index
        %get3A_2072 = tpu.vector_load %arg4[%get3A_2071] {strides = array<i32>} : memref<50176xf32, #tpu.memory_space<vmem>>, vector<16xf32>,
        %add3A_2073 = arith.constant 16 : i32
        %add3A_2074 = arith.addi %mul3A_2068, %add3A_2073 : i32
        %get3A_2075 = arith.index_cast %add3A_2074 : i32 to index
        %get3A_2076 = tpu.vector_load %arg4[%get3A_2075] {strides = array<i32>} : memref<50176xf32, #tpu.memory_space<vmem>>, vector<16xf32>,
        %add3A_2077 = arith.constant 32 : i32
        %add3A_2078 = arith.addi %mul3A_2068, %add3A_2077 : i32
        %get3A_2079 = arith.index_cast %add3A_2078 : i32 to index
        %get3A_2080 = tpu.vector_load %arg4[%get3A_2079] {strides = array<i32>} : memref<50176xf32, #tpu.memory_space<vmem>>, vector<16xf32>,
        %add3A_2081 = arith.constant 48 : i32
        %add3A_2082 = arith.addi %mul3A_2068, %add3A_2081 : i32
        %get3A_2083 = arith.index_cast %add3A_2082 : i32 to index
        %get3A_2084 = tpu.vector_load %arg4[%get3A_2083] {strides = array<i32>} : memref<50176xf32, #tpu.memory_space<vmem>>, vector<16xf32>,
        %add3A_2085 = arith.constant 64 : i32
        %add3A_2086 = arith.addi %mul3A_2068, %add3A_2085 : i32
        %get3A_2087 = arith.index_cast %add3A_2086 : i32 to index
        %get3A_2088 = tpu.vector_load %arg4[%get3A_2087] {strides = array<i32>} : memref<50176xf32, #tpu.memory_space<vmem>>, vector<16xf32>,
        %add3A_2089 = arith.constant 80 : i32
        %add3A_2090 = arith.addi %mul3A_2068, %add3A_2089 : i32
        %get3A_2091 = arith.index_cast %add3A_2090 : i32 to index
        %get3A_2092 = tpu.vector_load %arg4[%get3A_2091] {strides = array<i32>} : memref<50176xf32, #tpu.memory_space<vmem>>, vector<16xf32>,
        %add3A_2093 = arith.constant 96 : i32
        %add3A_2094 = arith.addi %mul3A_2068, %add3A_2093 : i32
        %get3A_2095 = arith.index_cast %add3A_2094 : i32 to index
        %get3A_2096 = tpu.vector_load %arg4[%get3A_2095] {strides = array<i32>} : memref<50176xf32, #tpu.memory_space<vmem>>, vector<16xf32>,
        %add3A_2097 = arith.constant 112 : i32
        %add3A_2098 = arith.addi %mul3A_2068, %add3A_2097 : i32
        %get3A_2099 = arith.index_cast %add3A_2098 : i32 to index
        %get3A_2100 = tpu.vector_load %arg4[%get3A_2099] {strides = array<i32>} : memref<50176xf32, #tpu.memory_space<vmem>>, vector<16xf32>,
        %mul3A_2101 = arith.constant 1.500000e+01 : f32
        %mul3A_2102 = vector.broadcast %mul3A_2101 : f32 to vector<16xf32>
        %mul3A_2103 = arith.mulf %get3A_2072, %mul3A_2102 : vector<16xf32>
        %convert_element_type3A_2104 = arith.fptosi %mul3A_2103 : vector<16xf32> to vector<16xi32>
        %mul3A_2105 = arith.constant 1.500000e+01 : f32
        %mul3A_2106 = vector.broadcast %mul3A_2105 : f32 to vector<16xf32>
        %mul3A_2107 = arith.mulf %get3A_2076, %mul3A_2106 : vector<16xf32>
        %convert_element_type3A_2108 = arith.fptosi %mul3A_2107 : vector<16xf32> to vector<16xi32>
        %mul3A_2109 = arith.constant 1.500000e+01 : f32
        %mul3A_2110 = vector.broadcast %mul3A_2109 : f32 to vector<16xf32>
        %mul3A_2111 = arith.mulf %get3A_2080, %mul3A_2110 : vector<16xf32>
        %convert_element_type3A_2112 = arith.fptosi %mul3A_2111 : vector<16xf32> to vector<16xi32>
        %mul3A_2113 = arith.constant 1.500000e+01 : f32
        %mul3A_2114 = vector.broadcast %mul3A_2113 : f32 to vector<16xf32>
        %mul3A_2115 = arith.mulf %get3A_2084, %mul3A_2114 : vector<16xf32>
        %convert_element_type3A_2116 = arith.fptosi %mul3A_2115 : vector<16xf32> to vector<16xi32>
        %mul3A_2117 = arith.constant 1.500000e+01 : f32
        %mul3A_2118 = vector.broadcast %mul3A_2117 : f32 to vector<16xf32>
        %mul3A_2119 = arith.mulf %get3A_2088, %mul3A_2118 : vector<16xf32>
        %convert_element_type3A_2120 = arith.fptosi %mul3A_2119 : vector<16xf32> to vector<16xi32>
        %mul3A_2121 = arith.constant 1.500000e+01 : f32
        %mul3A_2122 = vector.broadcast %mul3A_2121 : f32 to vector<16xf32>
        %mul3A_2123 = arith.mulf %get3A_2092, %mul3A_2122 : vector<16xf32>
        %convert_element_type3A_2124 = arith.fptosi %mul3A_2123 : vector<16xf32> to vector<16xi32>
        %mul3A_2125 = arith.constant 1.500000e+01 : f32
        %mul3A_2126 = vector.broadcast %mul3A_2125 : f32 to vector<16xf32>
        %mul3A_2127 = arith.mulf %get3A_2096, %mul3A_2126 : vector<16xf32>
        %convert_element_type3A_2128 = arith.fptosi %mul3A_2127 : vector<16xf32> to vector<16xi32>
        %mul3A_2129 = arith.constant 1.500000e+01 : f32
        %mul3A_2130 = vector.broadcast %mul3A_2129 : f32 to vector<16xf32>
        %mul3A_2131 = arith.mulf %get3A_2100, %mul3A_2130 : vector<16xf32>
        %convert_element_type3A_2132 = arith.fptosi %mul3A_2131 : vector<16xf32> to vector<16xi32>
        %add3A_2133 = arith.constant 0 : i32
        %add3A_2134 = arith.addi %mul3A_2068, %add3A_2133 : i32
        %swap3A_2135 = arith.index_cast %add3A_2134 : i32 to index
        %swap3A_2136 = tpu.vector_load %arg5[%swap3A_2135] {strides = array<i32>} : memref<50176xi32, #tpu.memory_space<vmem>>, vector<16xi32>,
        tpu.vector_store %arg5[%swap3A_2135], %convert_element_type3A_2104 {strides = array<i32>} : memref<50176xi32, #tpu.memory_space<vmem>>, vector<16xi32>,
        %add3A_2137 = arith.constant 16 : i32
        %add3A_2138 = arith.addi %mul3A_2068, %add3A_2137 : i32
        %swap3A_2139 = arith.index_cast %add3A_2138 : i32 to index
        %swap3A_2140 = tpu.vector_load %arg5[%swap3A_2139] {strides = array<i32>} : memref<50176xi32, #tpu.memory_space<vmem>>, vector<16xi32>,
        tpu.vector_store %arg5[%swap3A_2139], %convert_element_type3A_2108 {strides = array<i32>} : memref<50176xi32, #tpu.memory_space<vmem>>, vector<16xi32>,
        %add3A_2141 = arith.constant 32 : i32
        %add3A_2142 = arith.addi %mul3A_2068, %add3A_2141 : i32
        %swap3A_2143 = arith.index_cast %add3A_2142 : i32 to index
        %swap3A_2144 = tpu.vector_load %arg5[%swap3A_2143] {strides = array<i32>} : memref<50176xi32, #tpu.memory_space<vmem>>, vector<16xi32>,
        tpu.vector_store %arg5[%swap3A_2143], %convert_element_type3A_2112 {strides = array<i32>} : memref<50176xi32, #tpu.memory_space<vmem>>, vector<16xi32>,
        %add3A_2145 = arith.constant 48 : i32
        %add3A_2146 = arith.addi %mul3A_2068, %add3A_2145 : i32
        %swap3A_2147 = arith.index_cast %add3A_2146 : i32 to index
        %swap3A_2148 = tpu.vector_load %arg5[%swap3A_2147] {strides = array<i32>} : memref<50176xi32, #tpu.memory_space<vmem>>, vector<16xi32>,
        tpu.vector_store %arg5[%swap3A_2147], %convert_element_type3A_2116 {strides = array<i32>} : memref<50176xi32, #tpu.memory_space<vmem>>, vector<16xi32>,
        %add3A_2149 = arith.constant 64 : i32
        %add3A_2150 = arith.addi %mul3A_2068, %add3A_2149 : i32
        %swap3A_2151 = arith.index_cast %add3A_2150 : i32 to index
        %swap3A_2152 = tpu.vector_load %arg5[%swap3A_2151] {strides = array<i32>} : memref<50176xi32, #tpu.memory_space<vmem>>, vector<16xi32>,
        tpu.vector_store %arg5[%swap3A_2151], %convert_element_type3A_2120 {strides = array<i32>} : memref<50176xi32, #tpu.memory_space<vmem>>, vector<16xi32>,
        %add3A_2153 = arith.constant 80 : i32
        %add3A_2154 = arith.addi %mul3A_2068, %add3A_2153 : i32
        %swap3A_2155 = arith.index_cast %add3A_2154 : i32 to index
        %swap3A_2156 = tpu.vector_load %arg5[%swap3A_2155] {strides = array<i32>} : memref<50176xi32, #tpu.memory_space<vmem>>, vector<16xi32>,
        tpu.vector_store %arg5[%swap3A_2155], %convert_element_type3A_2124 {strides = array<i32>} : memref<50176xi32, #tpu.memory_space<vmem>>, vector<16xi32>,
        %add3A_2157 = arith.constant 96 : i32
        %add3A_2158 = arith.addi %mul3A_2068, %add3A_2157 : i32
        %swap3A_2159 = arith.index_cast %add3A_2158 : i32 to index
        %swap3A_2160 = tpu.vector_load %arg5[%swap3A_2159] {strides = array<i32>} : memref<50176xi32, #tpu.memory_space<vmem>>, vector<16xi32>,
        tpu.vector_store %arg5[%swap3A_2159], %convert_element_type3A_2128 {strides = array<i32>} : memref<50176xi32, #tpu.memory_space<vmem>>, vector<16xi32>,
        %add3A_2161 = arith.constant 112 : i32
        %add3A_2162 = arith.addi %mul3A_2068, %add3A_2161 : i32
        %swap3A_2163 = arith.index_cast %add3A_2162 : i32 to index
        %swap3A_2164 = tpu.vector_load %arg5[%swap3A_2163] {strides = array<i32>} : memref<50176xi32, #tpu.memory_space<vmem>>, vector<16xi32>,
        tpu.vector_store %arg5[%swap3A_2163], %convert_element_type3A_2132 {strides = array<i32>} : memref<50176xi32, #tpu.memory_space<vmem>>, vector<16xi32>,
      }
      %scan3A_54 = arith.constant 392 : i32
      %add3A_55 = arith.constant 1 : i32
      %add3A_56 = arith.addi %add3A_43, %add3A_55 : i32
      %add3A_57 = arith.constant 6 : i32
      %add3A_58 = arith.addi %mul3A_2, %add3A_57 : i32
      %sub3A_59 = arith.constant 1 : i32
      %sub3A_60 = arith.subi %add3A_58, %sub3A_59 : i32
      %min3A = arith.minsi %add3A_56, %sub3A_60 : i32
      %dma_start3A_61 = arith.constant 0 : i32
      %dma_start3A_62 = tpu.memref_slice %arg2[%min3A, %dma_start3A_61] : memref<192x50176xf32, #tpu.memory_space<hbm>> -> memref<1x50176xf32, #tpu.memory_space<hbm>>
      %dma_start3A_63 = tpu.memref_squeeze %dma_start3A_62 : memref<1x50176xf32, #tpu.memory_space<hbm>> -> memref<50176xf32, #tpu.memory_space<hbm>>
      %dma_start3A_64 = arith.constant 0 : i32
      %dma_start3A_65 = tpu.memref_slice %arg2[%min3A, %dma_start3A_64] : memref<192x50176xf32, #tpu.memory_space<hbm>> -> memref<1x50176xf32, #tpu.memory_space<hbm>>
      %dma_start3A_66 = tpu.memref_squeeze %dma_start3A_65 : memref<1x50176xf32, #tpu.memory_space<hbm>> -> memref<50176xf32, #tpu.memory_space<hbm>>
      tpu.enqueue_dma source(%dma_start3A_66 : memref<50176xf32, #tpu.memory_space<hbm>>) target(%arg4 : memref<50176xf32, #tpu.memory_space<vmem>>) target_semaphore(%arg8 : memref<!tpu.dma_semaphore, #tpu.memory_space<semaphore_mem>>)
      %scan3A_67 = arith.constant 0 : i32
      %scan3A_68 = arith.constant 16 : i32
      %scan3A_69 = arith.addi %scan3A_67, %scan3A_68 : i32
      %scan3A_70 = arith.constant 1 : i32
      scf.for %scan3A_2066 = %scan3A_67 to %scan3A_69 step %scan3A_70  : i32 {
        %mul3A_2067 = arith.constant 16 : i32
        %mul3A_2068 = arith.muli %scan3A_2066, %mul3A_2067 : i32
        %swap3A_2069 = arith.index_cast %mul3A_2068 : i32 to index
        %swap3A_2070 = tpu.vector_load %arg6[%swap3A_2069] {strides = array<i32>} : memref<256xf32, #tpu.memory_space<vmem>>, vector<16xf32>,
        tpu.vector_store %arg6[%swap3A_2069], %broadcast_in_dim3A_5 {strides = array<i32>} : memref<256xf32, #tpu.memory_space<vmem>>, vector<16xf32>,
      }
      %scan3A_71 = arith.constant 16 : i32
      %scan3A_72 = arith.constant 0 : i32
      %scan3A_73 = arith.constant 56 : i32
      %scan3A_74 = arith.addi %scan3A_72, %scan3A_73 : i32
      %scan3A_75 = arith.constant 1 : i32
      scf.for %scan3A_2066 = %scan3A_72 to %scan3A_74 step %scan3A_75  : i32 {
        %mul3A_2067 = arith.constant 4 : i32
        %mul3A_2068 = arith.muli %mul3A_2067, %scan3A_2066 : i32
        %add3A_2069 = arith.constant 0 : i32
        %add3A_2070 = arith.addi %mul3A_2068, %add3A_2069 : i32
        %mul3A_2071 = arith.constant 224 : i32
        %mul3A_2072 = arith.muli %add3A_2070, %mul3A_2071 : i32
        %mul3A_2073 = arith.constant 4 : i32
        %mul3A_2074 = arith.muli %mul3A_2073, %scan3A_2066 : i32
        %add3A_2075 = arith.constant 1 : i32
        %add3A_2076 = arith.addi %mul3A_2074, %add3A_2075 : i32
        %mul3A_2077 = arith.constant 224 : i32
        %mul3A_2078 = arith.muli %add3A_2076, %mul3A_2077 : i32
        %mul3A_2079 = arith.constant 4 : i32
        %mul3A_2080 = arith.muli %mul3A_2079, %scan3A_2066 : i32
        %add3A_2081 = arith.constant 2 : i32
        %add3A_2082 = arith.addi %mul3A_2080, %add3A_2081 : i32
        %mul3A_2083 = arith.constant 224 : i32
        %mul3A_2084 = arith.muli %add3A_2082, %mul3A_2083 : i32
        %mul3A_2085 = arith.constant 4 : i32
        %mul3A_2086 = arith.muli %mul3A_2085, %scan3A_2066 : i32
        %add3A_2087 = arith.constant 3 : i32
        %add3A_2088 = arith.addi %mul3A_2086, %add3A_2087 : i32
        %mul3A_2089 = arith.constant 224 : i32
        %mul3A_2090 = arith.muli %add3A_2088, %mul3A_2089 : i32
        %eq3A_2091 = arith.constant 0 : i32
        %eq3A_2092 = arith.cmpi eq, %scan3A_2066, %eq3A_2091 : i32
        %sub3A_2093 = arith.constant 224 : i32
        %sub3A_2094 = arith.subi %mul3A_2072, %sub3A_2093 : i32
        %jit3A = arith.constant 49952 : i32
        %select_n3A_2095 = arith.select %eq3A_2092, %jit3A, %sub3A_2094 : i32
        %add3A_2096 = arith.constant 0 : i32
        %add3A_2097 = arith.addi %mul3A_2072, %add3A_2096 : i32
        %get3A_2098 = arith.index_cast %add3A_2097 : i32 to index
        %get3A_2099 = tpu.vector_load %arg5[%get3A_2098] {strides = array<i32>} : memref<50176xi32, #tpu.memory_space<vmem>>, vector<16xi32>,
        %add3A_2100 = arith.constant 0 : i32
        %add3A_2101 = arith.addi %mul3A_2078, %add3A_2100 : i32
        %get3A_2102 = arith.index_cast %add3A_2101 : i32 to index
        %get3A_2103 = tpu.vector_load %arg5[%get3A_2102] {strides = array<i32>} : memref<50176xi32, #tpu.memory_space<vmem>>, vector<16xi32>,
        %add3A_2104 = arith.constant 0 : i32
        %add3A_2105 = arith.addi %mul3A_2084, %add3A_2104 : i32
        %get3A_2106 = arith.index_cast %add3A_2105 : i32 to index
        %get3A_2107 = tpu.vector_load %arg5[%get3A_2106] {strides = array<i32>} : memref<50176xi32, #tpu.memory_space<vmem>>, vector<16xi32>,
        %add3A_2108 = arith.constant 0 : i32
        %add3A_2109 = arith.addi %mul3A_2090, %add3A_2108 : i32
        %get3A_2110 = arith.index_cast %add3A_2109 : i32 to index
        %get3A_2111 = tpu.vector_load %arg5[%get3A_2110] {strides = array<i32>} : memref<50176xi32, #tpu.memory_space<vmem>>, vector<16xi32>,
        %add3A_2112 = arith.constant 0 : i32
        %add3A_2113 = arith.addi %select_n3A_2095, %add3A_2112 : i32
        %get3A_2114 = arith.index_cast %add3A_2113 : i32 to index
        %get3A_2115 = tpu.vector_load %arg5[%get3A_2114] {strides = array<i32>} : memref<50176xi32, #tpu.memory_space<vmem>>, vector<16xi32>,
        %add3A_2116 = vector.broadcast %select_n3A_2095 : i32 to vector<16xi32>
        %add3A_2117 = arith.addi %add3A_2116, %select_n3A : vector<16xi32>
        %gather3A = tpu.vector_load_idx %arg5[%add3A_2117] : memref<50176xi32, #tpu.memory_space<vmem>>[vector<16xi32>], vector<16xi32>,
        %add3A_2118 = vector.broadcast %mul3A_2072 : i32 to vector<16xi32>
        %add3A_2119 = arith.addi %add3A_2118, %select_n3A : vector<16xi32>
        %gather3A_2120 = tpu.vector_load_idx %arg5[%add3A_2119] : memref<50176xi32, #tpu.memory_space<vmem>>[vector<16xi32>], vector<16xi32>,
        %add3A_2121 = vector.broadcast %mul3A_2078 : i32 to vector<16xi32>
        %add3A_2122 = arith.addi %add3A_2121, %select_n3A : vector<16xi32>
        %gather3A_2123 = tpu.vector_load_idx %arg5[%add3A_2122] : memref<50176xi32, #tpu.memory_space<vmem>>[vector<16xi32>], vector<16xi32>,
        %add3A_2124 = vector.broadcast %mul3A_2084 : i32 to vector<16xi32>
        %add3A_2125 = arith.addi %add3A_2124, %select_n3A : vector<16xi32>
        %gather3A_2126 = tpu.vector_load_idx %arg5[%add3A_2125] : memref<50176xi32, #tpu.memory_space<vmem>>[vector<16xi32>], vector<16xi32>,
        %add3A_2127 = vector.broadcast %mul3A_2090 : i32 to vector<16xi32>
        %add3A_2128 = arith.addi %add3A_2127, %select_n3A : vector<16xi32>
        %gather3A_2129 = tpu.vector_load_idx %arg5[%add3A_2128] : memref<50176xi32, #tpu.memory_space<vmem>>[vector<16xi32>], vector<16xi32>,
        %add3A_2130 = arith.constant 0 : i32
        %add3A_2131 = arith.addi %select_n3A_2095, %add3A_2130 : i32
        %add3A_2132 = arith.constant 1 : i32
        %add3A_2133 = arith.addi %add3A_2131, %add3A_2132 : i32
        %get3A_2134 = arith.index_cast %add3A_2133 : i32 to index
        %get3A_2135 = tpu.vector_load %arg5[%get3A_2134] {strides = array<i32>} : memref<50176xi32, #tpu.memory_space<vmem>>, vector<16xi32>,
        %add3A_2136 = arith.constant 0 : i32
        %add3A_2137 = arith.addi %mul3A_2072, %add3A_2136 : i32
        %add3A_2138 = arith.constant 1 : i32
        %add3A_2139 = arith.addi %add3A_2137, %add3A_2138 : i32
        %get3A_2140 = arith.index_cast %add3A_2139 : i32 to index
        %get3A_2141 = tpu.vector_load %arg5[%get3A_2140] {strides = array<i32>} : memref<50176xi32, #tpu.memory_space<vmem>>, vector<16xi32>,
        %add3A_2142 = arith.constant 0 : i32
        %add3A_2143 = arith.addi %mul3A_2078, %add3A_2142 : i32
        %add3A_2144 = arith.constant 1 : i32
        %add3A_2145 = arith.addi %add3A_2143, %add3A_2144 : i32
        %get3A_2146 = arith.index_cast %add3A_2145 : i32 to index
        %get3A_2147 = tpu.vector_load %arg5[%get3A_2146] {strides = array<i32>} : memref<50176xi32, #tpu.memory_space<vmem>>, vector<16xi32>,
        %add3A_2148 = arith.constant 0 : i32
        %add3A_2149 = arith.addi %mul3A_2084, %add3A_2148 : i32
        %add3A_2150 = arith.constant 1 : i32
        %add3A_2151 = arith.addi %add3A_2149, %add3A_2150 : i32
        %get3A_2152 = arith.index_cast %add3A_2151 : i32 to index
        %get3A_2153 = tpu.vector_load %arg5[%get3A_2152] {strides = array<i32>} : memref<50176xi32, #tpu.memory_space<vmem>>, vector<16xi32>,
        %mul3A_2154 = arith.constant 16 : i32
        %mul3A_2155 = vector.broadcast %mul3A_2154 : i32 to vector<16xi32>
        %mul3A_2156 = arith.muli %get3A_2099, %mul3A_2155 : vector<16xi32>
        %add3A_2157 = arith.addi %mul3A_2156, %gather3A_2120 : vector<16xi32>
        %add3A_2158 = arith.addi %mul3A_2156, %get3A_2135 : vector<16xi32>
        %add3A_2159 = arith.addi %mul3A_2156, %get3A_2115 : vector<16xi32>
        %add3A_2160 = arith.addi %mul3A_2156, %gather3A : vector<16xi32>
        %mul3A_2161 = arith.constant 16 : i32
        %mul3A_2162 = vector.broadcast %mul3A_2161 : i32 to vector<16xi32>
        %mul3A_2163 = arith.muli %get3A_2103, %mul3A_2162 : vector<16xi32>
        %add3A_2164 = arith.addi %mul3A_2163, %gather3A_2123 : vector<16xi32>
        %add3A_2165 = arith.addi %mul3A_2163, %get3A_2141 : vector<16xi32>
        %add3A_2166 = arith.addi %mul3A_2163, %get3A_2099 : vector<16xi32>
        %add3A_2167 = arith.addi %mul3A_2163, %gather3A_2120 : vector<16xi32>
        %mul3A_2168 = arith.constant 16 : i32
        %mul3A_2169 = vector.broadcast %mul3A_2168 : i32 to vector<16xi32>
        %mul3A_2170 = arith.muli %get3A_2107, %mul3A_2169 : vector<16xi32>
        %add3A_2171 = arith.addi %mul3A_2170, %gather3A_2126 : vector<16xi32>
        %add3A_2172 = arith.addi %mul3A_2170, %get3A_2147 : vector<16xi32>
        %add3A_2173 = arith.addi %mul3A_2170, %get3A_2103 : vector<16xi32>
        %add3A_2174 = arith.addi %mul3A_2170, %gather3A_2123 : vector<16xi32>
        %mul3A_2175 = arith.constant 16 : i32
        %mul3A_2176 = vector.broadcast %mul3A_2175 : i32 to vector<16xi32>
        %mul3A_2177 = arith.muli %get3A_2111, %mul3A_2176 : vector<16xi32>
        %add3A_2178 = arith.addi %mul3A_2177, %gather3A_2129 : vector<16xi32>
        %add3A_2179 = arith.addi %mul3A_2177, %get3A_2153 : vector<16xi32>
        %add3A_2180 = arith.addi %mul3A_2177, %get3A_2107 : vector<16xi32>
        %add3A_2181 = arith.addi %mul3A_2177, %gather3A_2126 : vector<16xi32>
        %add3A_2182 = arith.constant 16 : i32
        %add3A_2183 = arith.addi %mul3A_2072, %add3A_2182 : i32
        %get3A_2184 = arith.index_cast %add3A_2183 : i32 to index
        %get3A_2185 = tpu.vector_load %arg5[%get3A_2184] {strides = array<i32>} : memref<50176xi32, #tpu.memory_space<vmem>>, vector<16xi32>,
        %add3A_2186 = arith.constant 16 : i32
        %add3A_2187 = arith.addi %mul3A_2078, %add3A_2186 : i32
        %get3A_2188 = arith.index_cast %add3A_2187 : i32 to index
        %get3A_2189 = tpu.vector_load %arg5[%get3A_2188] {strides = array<i32>} : memref<50176xi32, #tpu.memory_space<vmem>>, vector<16xi32>,
        %add3A_2190 = arith.constant 16 : i32
        %add3A_2191 = arith.addi %mul3A_2084, %add3A_2190 : i32
        %get3A_2192 = arith.index_cast %add3A_2191 : i32 to index
        %get3A_2193 = tpu.vector_load %arg5[%get3A_2192] {strides = array<i32>} : memref<50176xi32, #tpu.memory_space<vmem>>, vector<16xi32>,
        %add3A_2194 = arith.constant 16 : i32
        %add3A_2195 = arith.addi %mul3A_2090, %add3A_2194 : i32
        %get3A_2196 = arith.index_cast %add3A_2195 : i32 to index
        %get3A_2197 = tpu.vector_load %arg5[%get3A_2196] {strides = array<i32>} : memref<50176xi32, #tpu.memory_space<vmem>>, vector<16xi32>,
        %add3A_2198 = arith.constant 16 : i32
        %add3A_2199 = arith.addi %select_n3A_2095, %add3A_2198 : i32
        %get3A_2200 = arith.index_cast %add3A_2199 : i32 to index
        %get3A_2201 = tpu.vector_load %arg5[%get3A_2200] {strides = array<i32>} : memref<50176xi32, #tpu.memory_space<vmem>>, vector<16xi32>,
        %add3A_2202 = arith.constant 16 : i32
        %add3A_2203 = arith.addi %select_n3A_2095, %add3A_2202 : i32
        %sub3A_2204 = arith.constant 1 : i32
        %sub3A_2205 = arith.subi %add3A_2203, %sub3A_2204 : i32
        %get3A_2206 = arith.index_cast %sub3A_2205 : i32 to index
        %get3A_2207 = tpu.vector_load %arg5[%get3A_2206] {strides = array<i32>} : memref<50176xi32, #tpu.memory_space<vmem>>, vector<16xi32>,
        %add3A_2208 = arith.constant 16 : i32
        %add3A_2209 = arith.addi %mul3A_2072, %add3A_2208 : i32
        %sub3A_2210 = arith.constant 1 : i32
        %sub3A_2211 = arith.subi %add3A_2209, %sub3A_2210 : i32
        %get3A_2212 = arith.index_cast %sub3A_2211 : i32 to index
        %get3A_2213 = tpu.vector_load %arg5[%get3A_2212] {strides = array<i32>} : memref<50176xi32, #tpu.memory_space<vmem>>, vector<16xi32>,
        %add3A_2214 = arith.constant 16 : i32
        %add3A_2215 = arith.addi %mul3A_2078, %add3A_2214 : i32
        %sub3A_2216 = arith.constant 1 : i32
        %sub3A_2217 = arith.subi %add3A_2215, %sub3A_2216 : i32
        %get3A_2218 = arith.index_cast %sub3A_2217 : i32 to index
        %get3A_2219 = tpu.vector_load %arg5[%get3A_2218] {strides = array<i32>} : memref<50176xi32, #tpu.memory_space<vmem>>, vector<16xi32>,
        %add3A_2220 = arith.constant 16 : i32
        %add3A_2221 = arith.addi %mul3A_2084, %add3A_2220 : i32
        %sub3A_2222 = arith.constant 1 : i32
        %sub3A_2223 = arith.subi %add3A_2221, %sub3A_2222 : i32
        %get3A_2224 = arith.index_cast %sub3A_2223 : i32 to index
        %get3A_2225 = tpu.vector_load %arg5[%get3A_2224] {strides = array<i32>} : memref<50176xi32, #tpu.memory_space<vmem>>, vector<16xi32>,
        %add3A_2226 = arith.constant 16 : i32
        %add3A_2227 = arith.addi %mul3A_2090, %add3A_2226 : i32
        %sub3A_2228 = arith.constant 1 : i32
        %sub3A_2229 = arith.subi %add3A_2227, %sub3A_2228 : i32
        %get3A_2230 = arith.index_cast %sub3A_2229 : i32 to index
        %get3A_2231 = tpu.vector_load %arg5[%get3A_2230] {strides = array<i32>} : memref<50176xi32, #tpu.memory_space<vmem>>, vector<16xi32>,
        %add3A_2232 = arith.constant 16 : i32
        %add3A_2233 = arith.addi %select_n3A_2095, %add3A_2232 : i32
        %add3A_2234 = arith.constant 1 : i32
        %add3A_2235 = arith.addi %add3A_2233, %add3A_2234 : i32
        %get3A_2236 = arith.index_cast %add3A_2235 : i32 to index
        %get3A_2237 = tpu.vector_load %arg5[%get3A_2236] {strides = array<i32>} : memref<50176xi32, #tpu.memory_space<vmem>>, vector<16xi32>,
        %add3A_2238 = arith.constant 16 : i32
        %add3A_2239 = arith.addi %mul3A_2072, %add3A_2238 : i32
        %add3A_2240 = arith.constant 1 : i32
        %add3A_2241 = arith.addi %add3A_2239, %add3A_2240 : i32
        %get3A_2242 = arith.index_cast %add3A_2241 : i32 to index
        %get3A_2243 = tpu.vector_load %arg5[%get3A_2242] {strides = array<i32>} : memref<50176xi32, #tpu.memory_space<vmem>>, vector<16xi32>,
        %add3A_2244 = arith.constant 16 : i32
        %add3A_2245 = arith.addi %mul3A_2078, %add3A_2244 : i32
        %add3A_2246 = arith.constant 1 : i32
        %add3A_2247 = arith.addi %add3A_2245, %add3A_2246 : i32
        %get3A_2248 = arith.index_cast %add3A_2247 : i32 to index
        %get3A_2249 = tpu.vector_load %arg5[%get3A_2248] {strides = array<i32>} : memref<50176xi32, #tpu.memory_space<vmem>>, vector<16xi32>,
        %add3A_2250 = arith.constant 16 : i32
        %add3A_2251 = arith.addi %mul3A_2084, %add3A_2250 : i32
        %add3A_2252 = arith.constant 1 : i32
        %add3A_2253 = arith.addi %add3A_2251, %add3A_2252 : i32
        %get3A_2254 = arith.index_cast %add3A_2253 : i32 to index
        %get3A_2255 = tpu.vector_load %arg5[%get3A_2254] {strides = array<i32>} : memref<50176xi32, #tpu.memory_space<vmem>>, vector<16xi32>,
        tpu.vector_store_idx %arg6[%add3A_2157], %broadcast_in_dim3A_3 {add = true} : memref<256xf32, #tpu.memory_space<vmem>>[vector<16xi32>], vector<16xf32>,
        tpu.vector_store_idx %arg6[%add3A_2158], %broadcast_in_dim3A_3 {add = true} : memref<256xf32, #tpu.memory_space<vmem>>[vector<16xi32>], vector<16xf32>,
        tpu.vector_store_idx %arg6[%add3A_2159], %broadcast_in_dim3A_3 {add = true} : memref<256xf32, #tpu.memory_space<vmem>>[vector<16xi32>], vector<16xf32>,
        tpu.vector_store_idx %arg6[%add3A_2160], %broadcast_in_dim3A_3 {add = true} : memref<256xf32, #tpu.memory_space<vmem>>[vector<16xi32>], vector<16xf32>,
        tpu.vector_store_idx %arg6[%add3A_2164], %broadcast_in_dim3A_3 {add = true} : memref<256xf32, #tpu.memory_space<vmem>>[vector<16xi32>], vector<16xf32>,
        tpu.vector_store_idx %arg6[%add3A_2165], %broadcast_in_dim3A_3 {add = true} : memref<256xf32, #tpu.memory_space<vmem>>[vector<16xi32>], vector<16xf32>,
        tpu.vector_store_idx %arg6[%add3A_2166], %broadcast_in_dim3A_3 {add = true} : memref<256xf32, #tpu.memory_space<vmem>>[vector<16xi32>], vector<16xf32>,
        tpu.vector_store_idx %arg6[%add3A_2167], %broadcast_in_dim3A_3 {add = true} : memref<256xf32, #tpu.memory_space<vmem>>[vector<16xi32>], vector<16xf32>,
        tpu.vector_store_idx %arg6[%add3A_2171], %broadcast_in_dim3A_3 {add = true} : memref<256xf32, #tpu.memory_space<vmem>>[vector<16xi32>], vector<16xf32>,
        tpu.vector_store_idx %arg6[%add3A_2172], %broadcast_in_dim3A_3 {add = true} : memref<256xf32, #tpu.memory_space<vmem>>[vector<16xi32>], vector<16xf32>,
        tpu.vector_store_idx %arg6[%add3A_2173], %broadcast_in_dim3A_3 {add = true} : memref<256xf32, #tpu.memory_space<vmem>>[vector<16xi32>], vector<16xf32>,
        tpu.vector_store_idx %arg6[%add3A_2174], %broadcast_in_dim3A_3 {add = true} : memref<256xf32, #tpu.memory_space<vmem>>[vector<16xi32>], vector<16xf32>,
        tpu.vector_store_idx %arg6[%add3A_2178], %broadcast_in_dim3A_3 {add = true} : memref<256xf32, #tpu.memory_space<vmem>>[vector<16xi32>], vector<16xf32>,
        tpu.vector_store_idx %arg6[%add3A_2179], %broadcast_in_dim3A_3 {add = true} : memref<256xf32, #tpu.memory_space<vmem>>[vector<16xi32>], vector<16xf32>,
        tpu.vector_store_idx %arg6[%add3A_2180], %broadcast_in_dim3A_3 {add = true} : memref<256xf32, #tpu.memory_space<vmem>>[vector<16xi32>], vector<16xf32>,
        tpu.vector_store_idx %arg6[%add3A_2181], %broadcast_in_dim3A_3 {add = true} : memref<256xf32, #tpu.memory_space<vmem>>[vector<16xi32>], vector<16xf32>,
        %mul3A_2256 = arith.constant 16 : i32
        %mul3A_2257 = vector.broadcast %mul3A_2256 : i32 to vector<16xi32>
        %mul3A_2258 = arith.muli %get3A_2185, %mul3A_2257 : vector<16xi32>
        %add3A_2259 = arith.addi %mul3A_2258, %get3A_2213 : vector<16xi32>
        %add3A_2260 = arith.addi %mul3A_2258, %get3A_2237 : vector<16xi32>
        %add3A_2261 = arith.addi %mul3A_2258, %get3A_2201 : vector<16xi32>
        %add3A_2262 = arith.addi %mul3A_2258, %get3A_2207 : vector<16xi32>
        %mul3A_2263 = arith.constant 16 : i32
        %mul3A_2264 = vector.broadcast %mul3A_2263 : i32 to vector<16xi32>
        %mul3A_2265 = arith.muli %get3A_2189, %mul3A_2264 : vector<16xi32>
        %add3A_2266 = arith.addi %mul3A_2265, %get3A_2219 : vector<16xi32>
        %add3A_2267 = arith.addi %mul3A_2265, %get3A_2243 : vector<16xi32>
        %add3A_2268 = arith.addi %mul3A_2265, %get3A_2185 : vector<16xi32>
        %add3A_2269 = arith.addi %mul3A_2265, %get3A_2213 : vector<16xi32>
        %mul3A_2270 = arith.constant 16 : i32
        %mul3A_2271 = vector.broadcast %mul3A_2270 : i32 to vector<16xi32>
        %mul3A_2272 = arith.muli %get3A_2193, %mul3A_2271 : vector<16xi32>
        %add3A_2273 = arith.addi %mul3A_2272, %get3A_2225 : vector<16xi32>
        %add3A_2274 = arith.addi %mul3A_2272, %get3A_2249 : vector<16xi32>
        %add3A_2275 = arith.addi %mul3A_2272, %get3A_2189 : vector<16xi32>
        %add3A_2276 = arith.addi %mul3A_2272, %get3A_2219 : vector<16xi32>
        %mul3A_2277 = arith.constant 16 : i32
        %mul3A_2278 = vector.broadcast %mul3A_2277 : i32 to vector<16xi32>
        %mul3A_2279 = arith.muli %get3A_2197, %mul3A_2278 : vector<16xi32>
        %add3A_2280 = arith.addi %mul3A_2279, %get3A_2231 : vector<16xi32>
        %add3A_2281 = arith.addi %mul3A_2279, %get3A_2255 : vector<16xi32>
        %add3A_2282 = arith.addi %mul3A_2279, %get3A_2193 : vector<16xi32>
        %add3A_2283 = arith.addi %mul3A_2279, %get3A_2225 : vector<16xi32>
        %add3A_2284 = arith.constant 32 : i32
        %add3A_2285 = arith.addi %mul3A_2072, %add3A_2284 : i32
        %get3A_2286 = arith.index_cast %add3A_2285 : i32 to index
        %get3A_2287 = tpu.vector_load %arg5[%get3A_2286] {strides = array<i32>} : memref<50176xi32, #tpu.memory_space<vmem>>, vector<16xi32>,
        %add3A_2288 = arith.constant 32 : i32
        %add3A_2289 = arith.addi %mul3A_2078, %add3A_2288 : i32
        %get3A_2290 = arith.index_cast %add3A_2289 : i32 to index
        %get3A_2291 = tpu.vector_load %arg5[%get3A_2290] {strides = array<i32>} : memref<50176xi32, #tpu.memory_space<vmem>>, vector<16xi32>,
        %add3A_2292 = arith.constant 32 : i32
        %add3A_2293 = arith.addi %mul3A_2084, %add3A_2292 : i32
        %get3A_2294 = arith.index_cast %add3A_2293 : i32 to index
        %get3A_2295 = tpu.vector_load %arg5[%get3A_2294] {strides = array<i32>} : memref<50176xi32, #tpu.memory_space<vmem>>, vector<16xi32>,
        %add3A_2296 = arith.constant 32 : i32
        %add3A_2297 = arith.addi %mul3A_2090, %add3A_2296 : i32
        %get3A_2298 = arith.index_cast %add3A_2297 : i32 to index
        %get3A_2299 = tpu.vector_load %arg5[%get3A_2298] {strides = array<i32>} : memref<50176xi32, #tpu.memory_space<vmem>>, vector<16xi32>,
        %add3A_2300 = arith.constant 32 : i32
        %add3A_2301 = arith.addi %select_n3A_2095, %add3A_2300 : i32
        %get3A_2302 = arith.index_cast %add3A_2301 : i32 to index
        %get3A_2303 = tpu.vector_load %arg5[%get3A_2302] {strides = array<i32>} : memref<50176xi32, #tpu.memory_space<vmem>>, vector<16xi32>,
        %add3A_2304 = arith.constant 32 : i32
        %add3A_2305 = arith.addi %select_n3A_2095, %add3A_2304 : i32
        %sub3A_2306 = arith.constant 1 : i32
        %sub3A_2307 = arith.subi %add3A_2305, %sub3A_2306 : i32
        %get3A_2308 = arith.index_cast %sub3A_2307 : i32 to index
        %get3A_2309 = tpu.vector_load %arg5[%get3A_2308] {strides = array<i32>} : memref<50176xi32, #tpu.memory_space<vmem>>, vector<16xi32>,
        %add3A_2310 = arith.constant 32 : i32
        %add3A_2311 = arith.addi %mul3A_2072, %add3A_2310 : i32
        %sub3A_2312 = arith.constant 1 : i32
        %sub3A_2313 = arith.subi %add3A_2311, %sub3A_2312 : i32
        %get3A_2314 = arith.index_cast %sub3A_2313 : i32 to index
        %get3A_2315 = tpu.vector_load %arg5[%get3A_2314] {strides = array<i32>} : memref<50176xi32, #tpu.memory_space<vmem>>, vector<16xi32>,
        %add3A_2316 = arith.constant 32 : i32
        %add3A_2317 = arith.addi %mul3A_2078, %add3A_2316 : i32
        %sub3A_2318 = arith.constant 1 : i32
        %sub3A_2319 = arith.subi %add3A_2317, %sub3A_2318 : i32
        %get3A_2320 = arith.index_cast %sub3A_2319 : i32 to index
        %get3A_2321 = tpu.vector_load %arg5[%get3A_2320] {strides = array<i32>} : memref<50176xi32, #tpu.memory_space<vmem>>, vector<16xi32>,
        %add3A_2322 = arith.constant 32 : i32
        %add3A_2323 = arith.addi %mul3A_2084, %add3A_2322 : i32
        %sub3A_2324 = arith.constant 1 : i32
        %sub3A_2325 = arith.subi %add3A_2323, %sub3A_2324 : i32
        %get3A_2326 = arith.index_cast %sub3A_2325 : i32 to index
        %get3A_2327 = tpu.vector_load %arg5[%get3A_2326] {strides = array<i32>} : memref<50176xi32, #tpu.memory_space<vmem>>, vector<16xi32>,
        %add3A_2328 = arith.constant 32 : i32
        %add3A_2329 = arith.addi %mul3A_2090, %add3A_2328 : i32
        %sub3A_2330 = arith.constant 1 : i32
        %sub3A_2331 = arith.subi %add3A_2329, %sub3A_2330 : i32
        %get3A_2332 = arith.index_cast %sub3A_2331 : i32 to index
        %get3A_2333 = tpu.vector_load %arg5[%get3A_2332] {strides = array<i32>} : memref<50176xi32, #tpu.memory_space<vmem>>, vector<16xi32>,
        %add3A_2334 = arith.constant 32 : i32
        %add3A_2335 = arith.addi %select_n3A_2095, %add3A_2334 : i32
        %add3A_2336 = arith.constant 1 : i32
        %add3A_2337 = arith.addi %add3A_2335, %add3A_2336 : i32
        %get3A_2338 = arith.index_cast %add3A_2337 : i32 to index
        %get3A_2339 = tpu.vector_load %arg5[%get3A_2338] {strides = array<i32>} : memref<50176xi32, #tpu.memory_space<vmem>>, vector<16xi32>,
        %add3A_2340 = arith.constant 32 : i32
        %add3A_2341 = arith.addi %mul3A_2072, %add3A_2340 : i32
        %add3A_2342 = arith.constant 1 : i32
        %add3A_2343 = arith.addi %add3A_2341, %add3A_2342 : i32
        %get3A_2344 = arith.index_cast %add3A_2343 : i32 to index
        %get3A_2345 = tpu.vector_load %arg5[%get3A_2344] {strides = array<i32>} : memref<50176xi32, #tpu.memory_space<vmem>>, vector<16xi32>,
        %add3A_2346 = arith.constant 32 : i32
        %add3A_2347 = arith.addi %mul3A_2078, %add3A_2346 : i32
        %add3A_2348 = arith.constant 1 : i32
        %add3A_2349 = arith.addi %add3A_2347, %add3A_2348 : i32
        %get3A_2350 = arith.index_cast %add3A_2349 : i32 to index
        %get3A_2351 = tpu.vector_load %arg5[%get3A_2350] {strides = array<i32>} : memref<50176xi32, #tpu.memory_space<vmem>>, vector<16xi32>,
        %add3A_2352 = arith.constant 32 : i32
        %add3A_2353 = arith.addi %mul3A_2084, %add3A_2352 : i32
        %add3A_2354 = arith.constant 1 : i32
        %add3A_2355 = arith.addi %add3A_2353, %add3A_2354 : i32
        %get3A_2356 = arith.index_cast %add3A_2355 : i32 to index
        %get3A_2357 = tpu.vector_load %arg5[%get3A_2356] {strides = array<i32>} : memref<50176xi32, #tpu.memory_space<vmem>>, vector<16xi32>,
        tpu.vector_store_idx %arg6[%add3A_2259], %broadcast_in_dim3A_3 {add = true} : memref<256xf32, #tpu.memory_space<vmem>>[vector<16xi32>], vector<16xf32>,
        tpu.vector_store_idx %arg6[%add3A_2260], %broadcast_in_dim3A_3 {add = true} : memref<256xf32, #tpu.memory_space<vmem>>[vector<16xi32>], vector<16xf32>,
        tpu.vector_store_idx %arg6[%add3A_2261], %broadcast_in_dim3A_3 {add = true} : memref<256xf32, #tpu.memory_space<vmem>>[vector<16xi32>], vector<16xf32>,
        tpu.vector_store_idx %arg6[%add3A_2262], %broadcast_in_dim3A_3 {add = true} : memref<256xf32, #tpu.memory_space<vmem>>[vector<16xi32>], vector<16xf32>,
        tpu.vector_store_idx %arg6[%add3A_2266], %broadcast_in_dim3A_3 {add = true} : memref<256xf32, #tpu.memory_space<vmem>>[vector<16xi32>], vector<16xf32>,
        tpu.vector_store_idx %arg6[%add3A_2267], %broadcast_in_dim3A_3 {add = true} : memref<256xf32, #tpu.memory_space<vmem>>[vector<16xi32>], vector<16xf32>,
        tpu.vector_store_idx %arg6[%add3A_2268], %broadcast_in_dim3A_3 {add = true} : memref<256xf32, #tpu.memory_space<vmem>>[vector<16xi32>], vector<16xf32>,
        tpu.vector_store_idx %arg6[%add3A_2269], %broadcast_in_dim3A_3 {add = true} : memref<256xf32, #tpu.memory_space<vmem>>[vector<16xi32>], vector<16xf32>,
        tpu.vector_store_idx %arg6[%add3A_2273], %broadcast_in_dim3A_3 {add = true} : memref<256xf32, #tpu.memory_space<vmem>>[vector<16xi32>], vector<16xf32>,
        tpu.vector_store_idx %arg6[%add3A_2274], %broadcast_in_dim3A_3 {add = true} : memref<256xf32, #tpu.memory_space<vmem>>[vector<16xi32>], vector<16xf32>,
        tpu.vector_store_idx %arg6[%add3A_2275], %broadcast_in_dim3A_3 {add = true} : memref<256xf32, #tpu.memory_space<vmem>>[vector<16xi32>], vector<16xf32>,
        tpu.vector_store_idx %arg6[%add3A_2276], %broadcast_in_dim3A_3 {add = true} : memref<256xf32, #tpu.memory_space<vmem>>[vector<16xi32>], vector<16xf32>,
        tpu.vector_store_idx %arg6[%add3A_2280], %broadcast_in_dim3A_3 {add = true} : memref<256xf32, #tpu.memory_space<vmem>>[vector<16xi32>], vector<16xf32>,
        tpu.vector_store_idx %arg6[%add3A_2281], %broadcast_in_dim3A_3 {add = true} : memref<256xf32, #tpu.memory_space<vmem>>[vector<16xi32>], vector<16xf32>,
        tpu.vector_store_idx %arg6[%add3A_2282], %broadcast_in_dim3A_3 {add = true} : memref<256xf32, #tpu.memory_space<vmem>>[vector<16xi32>], vector<16xf32>,
        tpu.vector_store_idx %arg6[%add3A_2283], %broadcast_in_dim3A_3 {add = true} : memref<256xf32, #tpu.memory_space<vmem>>[vector<16xi32>], vector<16xf32>,
        %mul3A_2358 = arith.constant 16 : i32
        %mul3A_2359 = vector.broadcast %mul3A_2358 : i32 to vector<16xi32>
        %mul3A_2360 = arith.muli %get3A_2287, %mul3A_2359 : vector<16xi32>
        %add3A_2361 = arith.addi %mul3A_2360, %get3A_2315 : vector<16xi32>
        %add3A_2362 = arith.addi %mul3A_2360, %get3A_2339 : vector<16xi32>
        %add3A_2363 = arith.addi %mul3A_2360, %get3A_2303 : vector<16xi32>
        %add3A_2364 = arith.addi %mul3A_2360, %get3A_2309 : vector<16xi32>
        %mul3A_2365 = arith.constant 16 : i32
        %mul3A_2366 = vector.broadcast %mul3A_2365 : i32 to vector<16xi32>
        %mul3A_2367 = arith.muli %get3A_2291, %mul3A_2366 : vector<16xi32>
        %add3A_2368 = arith.addi %mul3A_2367, %get3A_2321 : vector<16xi32>
        %add3A_2369 = arith.addi %mul3A_2367, %get3A_2345 : vector<16xi32>
        %add3A_2370 = arith.addi %mul3A_2367, %get3A_2287 : vector<16xi32>
        %add3A_2371 = arith.addi %mul3A_2367, %get3A_2315 : vector<16xi32>
        %mul3A_2372 = arith.constant 16 : i32
        %mul3A_2373 = vector.broadcast %mul3A_2372 : i32 to vector<16xi32>
        %mul3A_2374 = arith.muli %get3A_2295, %mul3A_2373 : vector<16xi32>
        %add3A_2375 = arith.addi %mul3A_2374, %get3A_2327 : vector<16xi32>
        %add3A_2376 = arith.addi %mul3A_2374, %get3A_2351 : vector<16xi32>
        %add3A_2377 = arith.addi %mul3A_2374, %get3A_2291 : vector<16xi32>
        %add3A_2378 = arith.addi %mul3A_2374, %get3A_2321 : vector<16xi32>
        %mul3A_2379 = arith.constant 16 : i32
        %mul3A_2380 = vector.broadcast %mul3A_2379 : i32 to vector<16xi32>
        %mul3A_2381 = arith.muli %get3A_2299, %mul3A_2380 : vector<16xi32>
        %add3A_2382 = arith.addi %mul3A_2381, %get3A_2333 : vector<16xi32>
        %add3A_2383 = arith.addi %mul3A_2381, %get3A_2357 : vector<16xi32>
        %add3A_2384 = arith.addi %mul3A_2381, %get3A_2295 : vector<16xi32>
        %add3A_2385 = arith.addi %mul3A_2381, %get3A_2327 : vector<16xi32>
        %add3A_2386 = arith.constant 48 : i32
        %add3A_2387 = arith.addi %mul3A_2072, %add3A_2386 : i32
        %get3A_2388 = arith.index_cast %add3A_2387 : i32 to index
        %get3A_2389 = tpu.vector_load %arg5[%get3A_2388] {strides = array<i32>} : memref<50176xi32, #tpu.memory_space<vmem>>, vector<16xi32>,
        %add3A_2390 = arith.constant 48 : i32
        %add3A_2391 = arith.addi %mul3A_2078, %add3A_2390 : i32
        %get3A_2392 = arith.index_cast %add3A_2391 : i32 to index
        %get3A_2393 = tpu.vector_load %arg5[%get3A_2392] {strides = array<i32>} : memref<50176xi32, #tpu.memory_space<vmem>>, vector<16xi32>,
        %add3A_2394 = arith.constant 48 : i32
        %add3A_2395 = arith.addi %mul3A_2084, %add3A_2394 : i32
        %get3A_2396 = arith.index_cast %add3A_2395 : i32 to index
        %get3A_2397 = tpu.vector_load %arg5[%get3A_2396] {strides = array<i32>} : memref<50176xi32, #tpu.memory_space<vmem>>, vector<16xi32>,
        %add3A_2398 = arith.constant 48 : i32
        %add3A_2399 = arith.addi %mul3A_2090, %add3A_2398 : i32
        %get3A_2400 = arith.index_cast %add3A_2399 : i32 to index
        %get3A_2401 = tpu.vector_load %arg5[%get3A_2400] {strides = array<i32>} : memref<50176xi32, #tpu.memory_space<vmem>>, vector<16xi32>,
        %add3A_2402 = arith.constant 48 : i32
        %add3A_2403 = arith.addi %select_n3A_2095, %add3A_2402 : i32
        %get3A_2404 = arith.index_cast %add3A_2403 : i32 to index
        %get3A_2405 = tpu.vector_load %arg5[%get3A_2404] {strides = array<i32>} : memref<50176xi32, #tpu.memory_space<vmem>>, vector<16xi32>,
        %add3A_2406 = arith.constant 48 : i32
        %add3A_2407 = arith.addi %select_n3A_2095, %add3A_2406 : i32
        %sub3A_2408 = arith.constant 1 : i32
        %sub3A_2409 = arith.subi %add3A_2407, %sub3A_2408 : i32
        %get3A_2410 = arith.index_cast %sub3A_2409 : i32 to index
        %get3A_2411 = tpu.vector_load %arg5[%get3A_2410] {strides = array<i32>} : memref<50176xi32, #tpu.memory_space<vmem>>, vector<16xi32>,
        %add3A_2412 = arith.constant 48 : i32
        %add3A_2413 = arith.addi %mul3A_2072, %add3A_2412 : i32
        %sub3A_2414 = arith.constant 1 : i32
        %sub3A_2415 = arith.subi %add3A_2413, %sub3A_2414 : i32
        %get3A_2416 = arith.index_cast %sub3A_2415 : i32 to index
        %get3A_2417 = tpu.vector_load %arg5[%get3A_2416] {strides = array<i32>} : memref<50176xi32, #tpu.memory_space<vmem>>, vector<16xi32>,
        %add3A_2418 = arith.constant 48 : i32
        %add3A_2419 = arith.addi %mul3A_2078, %add3A_2418 : i32
        %sub3A_2420 = arith.constant 1 : i32
        %sub3A_2421 = arith.subi %add3A_2419, %sub3A_2420 : i32
        %get3A_2422 = arith.index_cast %sub3A_2421 : i32 to index
        %get3A_2423 = tpu.vector_load %arg5[%get3A_2422] {strides = array<i32>} : memref<50176xi32, #tpu.memory_space<vmem>>, vector<16xi32>,
        %add3A_2424 = arith.constant 48 : i32
        %add3A_2425 = arith.addi %mul3A_2084, %add3A_2424 : i32
        %sub3A_2426 = arith.constant 1 : i32
        %sub3A_2427 = arith.subi %add3A_2425, %sub3A_2426 : i32
        %get3A_2428 = arith.index_cast %sub3A_2427 : i32 to index
        %get3A_2429 = tpu.vector_load %arg5[%get3A_2428] {strides = array<i32>} : memref<50176xi32, #tpu.memory_space<vmem>>, vector<16xi32>,
        %add3A_2430 = arith.constant 48 : i32
        %add3A_2431 = arith.addi %mul3A_2090, %add3A_2430 : i32
        %sub3A_2432 = arith.constant 1 : i32
        %sub3A_2433 = arith.subi %add3A_2431, %sub3A_2432 : i32
        %get3A_2434 = arith.index_cast %sub3A_2433 : i32 to index
        %get3A_2435 = tpu.vector_load %arg5[%get3A_2434] {strides = array<i32>} : memref<50176xi32, #tpu.memory_space<vmem>>, vector<16xi32>,
        %add3A_2436 = arith.constant 48 : i32
        %add3A_2437 = arith.addi %select_n3A_2095, %add3A_2436 : i32
        %add3A_2438 = arith.constant 1 : i32
        %add3A_2439 = arith.addi %add3A_2437, %add3A_2438 : i32
        %get3A_2440 = arith.index_cast %add3A_2439 : i32 to index
        %get3A_2441 = tpu.vector_load %arg5[%get3A_2440] {strides = array<i32>} : memref<50176xi32, #tpu.memory_space<vmem>>, vector<16xi32>,
        %add3A_2442 = arith.constant 48 : i32
        %add3A_2443 = arith.addi %mul3A_2072, %add3A_2442 : i32
        %add3A_2444 = arith.constant 1 : i32
        %add3A_2445 = arith.addi %add3A_2443, %add3A_2444 : i32
        %get3A_2446 = arith.index_cast %add3A_2445 : i32 to index
        %get3A_2447 = tpu.vector_load %arg5[%get3A_2446] {strides = array<i32>} : memref<50176xi32, #tpu.memory_space<vmem>>, vector<16xi32>,
        %add3A_2448 = arith.constant 48 : i32
        %add3A_2449 = arith.addi %mul3A_2078, %add3A_2448 : i32
        %add3A_2450 = arith.constant 1 : i32
        %add3A_2451 = arith.addi %add3A_2449, %add3A_2450 : i32
        %get3A_2452 = arith.index_cast %add3A_2451 : i32 to index
        %get3A_2453 = tpu.vector_load %arg5[%get3A_2452] {strides = array<i32>} : memref<50176xi32, #tpu.memory_space<vmem>>, vector<16xi32>,
        %add3A_2454 = arith.constant 48 : i32
        %add3A_2455 = arith.addi %mul3A_2084, %add3A_2454 : i32
        %add3A_2456 = arith.constant 1 : i32
        %add3A_2457 = arith.addi %add3A_2455, %add3A_2456 : i32
        %get3A_2458 = arith.index_cast %add3A_2457 : i32 to index
        %get3A_2459 = tpu.vector_load %arg5[%get3A_2458] {strides = array<i32>} : memref<50176xi32, #tpu.memory_space<vmem>>, vector<16xi32>,
        tpu.vector_store_idx %arg6[%add3A_2361], %broadcast_in_dim3A_3 {add = true} : memref<256xf32, #tpu.memory_space<vmem>>[vector<16xi32>], vector<16xf32>,
        tpu.vector_store_idx %arg6[%add3A_2362], %broadcast_in_dim3A_3 {add = true} : memref<256xf32, #tpu.memory_space<vmem>>[vector<16xi32>], vector<16xf32>,
        tpu.vector_store_idx %arg6[%add3A_2363], %broadcast_in_dim3A_3 {add = true} : memref<256xf32, #tpu.memory_space<vmem>>[vector<16xi32>], vector<16xf32>,
        tpu.vector_store_idx %arg6[%add3A_2364], %broadcast_in_dim3A_3 {add = true} : memref<256xf32, #tpu.memory_space<vmem>>[vector<16xi32>], vector<16xf32>,
        tpu.vector_store_idx %arg6[%add3A_2368], %broadcast_in_dim3A_3 {add = true} : memref<256xf32, #tpu.memory_space<vmem>>[vector<16xi32>], vector<16xf32>,
        tpu.vector_store_idx %arg6[%add3A_2369], %broadcast_in_dim3A_3 {add = true} : memref<256xf32, #tpu.memory_space<vmem>>[vector<16xi32>], vector<16xf32>,
        tpu.vector_store_idx %arg6[%add3A_2370], %broadcast_in_dim3A_3 {add = true} : memref<256xf32, #tpu.memory_space<vmem>>[vector<16xi32>], vector<16xf32>,
        tpu.vector_store_idx %arg6[%add3A_2371], %broadcast_in_dim3A_3 {add = true} : memref<256xf32, #tpu.memory_space<vmem>>[vector<16xi32>], vector<16xf32>,
        tpu.vector_store_idx %arg6[%add3A_2375], %broadcast_in_dim3A_3 {add = true} : memref<256xf32, #tpu.memory_space<vmem>>[vector<16xi32>], vector<16xf32>,
        tpu.vector_store_idx %arg6[%add3A_2376], %broadcast_in_dim3A_3 {add = true} : memref<256xf32, #tpu.memory_space<vmem>>[vector<16xi32>], vector<16xf32>,
        tpu.vector_store_idx %arg6[%add3A_2377], %broadcast_in_dim3A_3 {add = true} : memref<256xf32, #tpu.memory_space<vmem>>[vector<16xi32>], vector<16xf32>,
        tpu.vector_store_idx %arg6[%add3A_2378], %broadcast_in_dim3A_3 {add = true} : memref<256xf32, #tpu.memory_space<vmem>>[vector<16xi32>], vector<16xf32>,
        tpu.vector_store_idx %arg6[%add3A_2382], %broadcast_in_dim3A_3 {add = true} : memref<256xf32, #tpu.memory_space<vmem>>[vector<16xi32>], vector<16xf32>,
        tpu.vector_store_idx %arg6[%add3A_2383], %broadcast_in_dim3A_3 {add = true} : memref<256xf32, #tpu.memory_space<vmem>>[vector<16xi32>], vector<16xf32>,
        tpu.vector_store_idx %arg6[%add3A_2384], %broadcast_in_dim3A_3 {add = true} : memref<256xf32, #tpu.memory_space<vmem>>[vector<16xi32>], vector<16xf32>,
        tpu.vector_store_idx %arg6[%add3A_2385], %broadcast_in_dim3A_3 {add = true} : memref<256xf32, #tpu.memory_space<vmem>>[vector<16xi32>], vector<16xf32>,
        %mul3A_2460 = arith.constant 16 : i32
        %mul3A_2461 = vector.broadcast %mul3A_2460 : i32 to vector<16xi32>
        %mul3A_2462 = arith.muli %get3A_2389, %mul3A_2461 : vector<16xi32>
        %add3A_2463 = arith.addi %mul3A_2462, %get3A_2417 : vector<16xi32>
        %add3A_2464 = arith.addi %mul3A_2462, %get3A_2441 : vector<16xi32>
        %add3A_2465 = arith.addi %mul3A_2462, %get3A_2405 : vector<16xi32>
        %add3A_2466 = arith.addi %mul3A_2462, %get3A_2411 : vector<16xi32>
        %mul3A_2467 = arith.constant 16 : i32
        %mul3A_2468 = vector.broadcast %mul3A_2467 : i32 to vector<16xi32>
        %mul3A_2469 = arith.muli %get3A_2393, %mul3A_2468 : vector<16xi32>
        %add3A_2470 = arith.addi %mul3A_2469, %get3A_2423 : vector<16xi32>
        %add3A_2471 = arith.addi %mul3A_2469, %get3A_2447 : vector<16xi32>
        %add3A_2472 = arith.addi %mul3A_2469, %get3A_2389 : vector<16xi32>
        %add3A_2473 = arith.addi %mul3A_2469, %get3A_2417 : vector<16xi32>
        %mul3A_2474 = arith.constant 16 : i32
        %mul3A_2475 = vector.broadcast %mul3A_2474 : i32 to vector<16xi32>
        %mul3A_2476 = arith.muli %get3A_2397, %mul3A_2475 : vector<16xi32>
        %add3A_2477 = arith.addi %mul3A_2476, %get3A_2429 : vector<16xi32>
        %add3A_2478 = arith.addi %mul3A_2476, %get3A_2453 : vector<16xi32>
        %add3A_2479 = arith.addi %mul3A_2476, %get3A_2393 : vector<16xi32>
        %add3A_2480 = arith.addi %mul3A_2476, %get3A_2423 : vector<16xi32>
        %mul3A_2481 = arith.constant 16 : i32
        %mul3A_2482 = vector.broadcast %mul3A_2481 : i32 to vector<16xi32>
        %mul3A_2483 = arith.muli %get3A_2401, %mul3A_2482 : vector<16xi32>
        %add3A_2484 = arith.addi %mul3A_2483, %get3A_2435 : vector<16xi32>
        %add3A_2485 = arith.addi %mul3A_2483, %get3A_2459 : vector<16xi32>
        %add3A_2486 = arith.addi %mul3A_2483, %get3A_2397 : vector<16xi32>
        %add3A_2487 = arith.addi %mul3A_2483, %get3A_2429 : vector<16xi32>
        %add3A_2488 = arith.constant 64 : i32
        %add3A_2489 = arith.addi %mul3A_2072, %add3A_2488 : i32
        %get3A_2490 = arith.index_cast %add3A_2489 : i32 to index
        %get3A_2491 = tpu.vector_load %arg5[%get3A_2490] {strides = array<i32>} : memref<50176xi32, #tpu.memory_space<vmem>>, vector<16xi32>,
        %add3A_2492 = arith.constant 64 : i32
        %add3A_2493 = arith.addi %mul3A_2078, %add3A_2492 : i32
        %get3A_2494 = arith.index_cast %add3A_2493 : i32 to index
        %get3A_2495 = tpu.vector_load %arg5[%get3A_2494] {strides = array<i32>} : memref<50176xi32, #tpu.memory_space<vmem>>, vector<16xi32>,
        %add3A_2496 = arith.constant 64 : i32
        %add3A_2497 = arith.addi %mul3A_2084, %add3A_2496 : i32
        %get3A_2498 = arith.index_cast %add3A_2497 : i32 to index
        %get3A_2499 = tpu.vector_load %arg5[%get3A_2498] {strides = array<i32>} : memref<50176xi32, #tpu.memory_space<vmem>>, vector<16xi32>,
        %add3A_2500 = arith.constant 64 : i32
        %add3A_2501 = arith.addi %mul3A_2090, %add3A_2500 : i32
        %get3A_2502 = arith.index_cast %add3A_2501 : i32 to index
        %get3A_2503 = tpu.vector_load %arg5[%get3A_2502] {strides = array<i32>} : memref<50176xi32, #tpu.memory_space<vmem>>, vector<16xi32>,
        %add3A_2504 = arith.constant 64 : i32
        %add3A_2505 = arith.addi %select_n3A_2095, %add3A_2504 : i32
        %get3A_2506 = arith.index_cast %add3A_2505 : i32 to index
        %get3A_2507 = tpu.vector_load %arg5[%get3A_2506] {strides = array<i32>} : memref<50176xi32, #tpu.memory_space<vmem>>, vector<16xi32>,
        %add3A_2508 = arith.constant 64 : i32
        %add3A_2509 = arith.addi %select_n3A_2095, %add3A_2508 : i32
        %sub3A_2510 = arith.constant 1 : i32
        %sub3A_2511 = arith.subi %add3A_2509, %sub3A_2510 : i32
        %get3A_2512 = arith.index_cast %sub3A_2511 : i32 to index
        %get3A_2513 = tpu.vector_load %arg5[%get3A_2512] {strides = array<i32>} : memref<50176xi32, #tpu.memory_space<vmem>>, vector<16xi32>,
        %add3A_2514 = arith.constant 64 : i32
        %add3A_2515 = arith.addi %mul3A_2072, %add3A_2514 : i32
        %sub3A_2516 = arith.constant 1 : i32
        %sub3A_2517 = arith.subi %add3A_2515, %sub3A_2516 : i32
        %get3A_2518 = arith.index_cast %sub3A_2517 : i32 to index
        %get3A_2519 = tpu.vector_load %arg5[%get3A_2518] {strides = array<i32>} : memref<50176xi32, #tpu.memory_space<vmem>>, vector<16xi32>,
        %add3A_2520 = arith.constant 64 : i32
        %add3A_2521 = arith.addi %mul3A_2078, %add3A_2520 : i32
        %sub3A_2522 = arith.constant 1 : i32
        %sub3A_2523 = arith.subi %add3A_2521, %sub3A_2522 : i32
        %get3A_2524 = arith.index_cast %sub3A_2523 : i32 to index
        %get3A_2525 = tpu.vector_load %arg5[%get3A_2524] {strides = array<i32>} : memref<50176xi32, #tpu.memory_space<vmem>>, vector<16xi32>,
        %add3A_2526 = arith.constant 64 : i32
        %add3A_2527 = arith.addi %mul3A_2084, %add3A_2526 : i32
        %sub3A_2528 = arith.constant 1 : i32
        %sub3A_2529 = arith.subi %add3A_2527, %sub3A_2528 : i32
        %get3A_2530 = arith.index_cast %sub3A_2529 : i32 to index
        %get3A_2531 = tpu.vector_load %arg5[%get3A_2530] {strides = array<i32>} : memref<50176xi32, #tpu.memory_space<vmem>>, vector<16xi32>,
        %add3A_2532 = arith.constant 64 : i32
        %add3A_2533 = arith.addi %mul3A_2090, %add3A_2532 : i32
        %sub3A_2534 = arith.constant 1 : i32
        %sub3A_2535 = arith.subi %add3A_2533, %sub3A_2534 : i32
        %get3A_2536 = arith.index_cast %sub3A_2535 : i32 to index
        %get3A_2537 = tpu.vector_load %arg5[%get3A_2536] {strides = array<i32>} : memref<50176xi32, #tpu.memory_space<vmem>>, vector<16xi32>,
        %add3A_2538 = arith.constant 64 : i32
        %add3A_2539 = arith.addi %select_n3A_2095, %add3A_2538 : i32
        %add3A_2540 = arith.constant 1 : i32
        %add3A_2541 = arith.addi %add3A_2539, %add3A_2540 : i32
        %get3A_2542 = arith.index_cast %add3A_2541 : i32 to index
        %get3A_2543 = tpu.vector_load %arg5[%get3A_2542] {strides = array<i32>} : memref<50176xi32, #tpu.memory_space<vmem>>, vector<16xi32>,
        %add3A_2544 = arith.constant 64 : i32
        %add3A_2545 = arith.addi %mul3A_2072, %add3A_2544 : i32
        %add3A_2546 = arith.constant 1 : i32
        %add3A_2547 = arith.addi %add3A_2545, %add3A_2546 : i32
        %get3A_2548 = arith.index_cast %add3A_2547 : i32 to index
        %get3A_2549 = tpu.vector_load %arg5[%get3A_2548] {strides = array<i32>} : memref<50176xi32, #tpu.memory_space<vmem>>, vector<16xi32>,
        %add3A_2550 = arith.constant 64 : i32
        %add3A_2551 = arith.addi %mul3A_2078, %add3A_2550 : i32
        %add3A_2552 = arith.constant 1 : i32
        %add3A_2553 = arith.addi %add3A_2551, %add3A_2552 : i32
        %get3A_2554 = arith.index_cast %add3A_2553 : i32 to index
        %get3A_2555 = tpu.vector_load %arg5[%get3A_2554] {strides = array<i32>} : memref<50176xi32, #tpu.memory_space<vmem>>, vector<16xi32>,
        %add3A_2556 = arith.constant 64 : i32
        %add3A_2557 = arith.addi %mul3A_2084, %add3A_2556 : i32
        %add3A_2558 = arith.constant 1 : i32
        %add3A_2559 = arith.addi %add3A_2557, %add3A_2558 : i32
        %get3A_2560 = arith.index_cast %add3A_2559 : i32 to index
        %get3A_2561 = tpu.vector_load %arg5[%get3A_2560] {strides = array<i32>} : memref<50176xi32, #tpu.memory_space<vmem>>, vector<16xi32>,
        tpu.vector_store_idx %arg6[%add3A_2463], %broadcast_in_dim3A_3 {add = true} : memref<256xf32, #tpu.memory_space<vmem>>[vector<16xi32>], vector<16xf32>,
        tpu.vector_store_idx %arg6[%add3A_2464], %broadcast_in_dim3A_3 {add = true} : memref<256xf32, #tpu.memory_space<vmem>>[vector<16xi32>], vector<16xf32>,
        tpu.vector_store_idx %arg6[%add3A_2465], %broadcast_in_dim3A_3 {add = true} : memref<256xf32, #tpu.memory_space<vmem>>[vector<16xi32>], vector<16xf32>,
        tpu.vector_store_idx %arg6[%add3A_2466], %broadcast_in_dim3A_3 {add = true} : memref<256xf32, #tpu.memory_space<vmem>>[vector<16xi32>], vector<16xf32>,
        tpu.vector_store_idx %arg6[%add3A_2470], %broadcast_in_dim3A_3 {add = true} : memref<256xf32, #tpu.memory_space<vmem>>[vector<16xi32>], vector<16xf32>,
        tpu.vector_store_idx %arg6[%add3A_2471], %broadcast_in_dim3A_3 {add = true} : memref<256xf32, #tpu.memory_space<vmem>>[vector<16xi32>], vector<16xf32>,
        tpu.vector_store_idx %arg6[%add3A_2472], %broadcast_in_dim3A_3 {add = true} : memref<256xf32, #tpu.memory_space<vmem>>[vector<16xi32>], vector<16xf32>,
        tpu.vector_store_idx %arg6[%add3A_2473], %broadcast_in_dim3A_3 {add = true} : memref<256xf32, #tpu.memory_space<vmem>>[vector<16xi32>], vector<16xf32>,
        tpu.vector_store_idx %arg6[%add3A_2477], %broadcast_in_dim3A_3 {add = true} : memref<256xf32, #tpu.memory_space<vmem>>[vector<16xi32>], vector<16xf32>,
        tpu.vector_store_idx %arg6[%add3A_2478], %broadcast_in_dim3A_3 {add = true} : memref<256xf32, #tpu.memory_space<vmem>>[vector<16xi32>], vector<16xf32>,
        tpu.vector_store_idx %arg6[%add3A_2479], %broadcast_in_dim3A_3 {add = true} : memref<256xf32, #tpu.memory_space<vmem>>[vector<16xi32>], vector<16xf32>,
        tpu.vector_store_idx %arg6[%add3A_2480], %broadcast_in_dim3A_3 {add = true} : memref<256xf32, #tpu.memory_space<vmem>>[vector<16xi32>], vector<16xf32>,
        tpu.vector_store_idx %arg6[%add3A_2484], %broadcast_in_dim3A_3 {add = true} : memref<256xf32, #tpu.memory_space<vmem>>[vector<16xi32>], vector<16xf32>,
        tpu.vector_store_idx %arg6[%add3A_2485], %broadcast_in_dim3A_3 {add = true} : memref<256xf32, #tpu.memory_space<vmem>>[vector<16xi32>], vector<16xf32>,
        tpu.vector_store_idx %arg6[%add3A_2486], %broadcast_in_dim3A_3 {add = true} : memref<256xf32, #tpu.memory_space<vmem>>[vector<16xi32>], vector<16xf32>,
        tpu.vector_store_idx %arg6[%add3A_2487], %broadcast_in_dim3A_3 {add = true} : memref<256xf32, #tpu.memory_space<vmem>>[vector<16xi32>], vector<16xf32>,
        %mul3A_2562 = arith.constant 16 : i32
        %mul3A_2563 = vector.broadcast %mul3A_2562 : i32 to vector<16xi32>
        %mul3A_2564 = arith.muli %get3A_2491, %mul3A_2563 : vector<16xi32>
        %add3A_2565 = arith.addi %mul3A_2564, %get3A_2519 : vector<16xi32>
        %add3A_2566 = arith.addi %mul3A_2564, %get3A_2543 : vector<16xi32>
        %add3A_2567 = arith.addi %mul3A_2564, %get3A_2507 : vector<16xi32>
        %add3A_2568 = arith.addi %mul3A_2564, %get3A_2513 : vector<16xi32>
        %mul3A_2569 = arith.constant 16 : i32
        %mul3A_2570 = vector.broadcast %mul3A_2569 : i32 to vector<16xi32>
        %mul3A_2571 = arith.muli %get3A_2495, %mul3A_2570 : vector<16xi32>
        %add3A_2572 = arith.addi %mul3A_2571, %get3A_2525 : vector<16xi32>
        %add3A_2573 = arith.addi %mul3A_2571, %get3A_2549 : vector<16xi32>
        %add3A_2574 = arith.addi %mul3A_2571, %get3A_2491 : vector<16xi32>
        %add3A_2575 = arith.addi %mul3A_2571, %get3A_2519 : vector<16xi32>
        %mul3A_2576 = arith.constant 16 : i32
        %mul3A_2577 = vector.broadcast %mul3A_2576 : i32 to vector<16xi32>
        %mul3A_2578 = arith.muli %get3A_2499, %mul3A_2577 : vector<16xi32>
        %add3A_2579 = arith.addi %mul3A_2578, %get3A_2531 : vector<16xi32>
        %add3A_2580 = arith.addi %mul3A_2578, %get3A_2555 : vector<16xi32>
        %add3A_2581 = arith.addi %mul3A_2578, %get3A_2495 : vector<16xi32>
        %add3A_2582 = arith.addi %mul3A_2578, %get3A_2525 : vector<16xi32>
        %mul3A_2583 = arith.constant 16 : i32
        %mul3A_2584 = vector.broadcast %mul3A_2583 : i32 to vector<16xi32>
        %mul3A_2585 = arith.muli %get3A_2503, %mul3A_2584 : vector<16xi32>
        %add3A_2586 = arith.addi %mul3A_2585, %get3A_2537 : vector<16xi32>
        %add3A_2587 = arith.addi %mul3A_2585, %get3A_2561 : vector<16xi32>
        %add3A_2588 = arith.addi %mul3A_2585, %get3A_2499 : vector<16xi32>
        %add3A_2589 = arith.addi %mul3A_2585, %get3A_2531 : vector<16xi32>
        %add3A_2590 = arith.constant 80 : i32
        %add3A_2591 = arith.addi %mul3A_2072, %add3A_2590 : i32
        %get3A_2592 = arith.index_cast %add3A_2591 : i32 to index
        %get3A_2593 = tpu.vector_load %arg5[%get3A_2592] {strides = array<i32>} : memref<50176xi32, #tpu.memory_space<vmem>>, vector<16xi32>,
        %add3A_2594 = arith.constant 80 : i32
        %add3A_2595 = arith.addi %mul3A_2078, %add3A_2594 : i32
        %get3A_2596 = arith.index_cast %add3A_2595 : i32 to index
        %get3A_2597 = tpu.vector_load %arg5[%get3A_2596] {strides = array<i32>} : memref<50176xi32, #tpu.memory_space<vmem>>, vector<16xi32>,
        %add3A_2598 = arith.constant 80 : i32
        %add3A_2599 = arith.addi %mul3A_2084, %add3A_2598 : i32
        %get3A_2600 = arith.index_cast %add3A_2599 : i32 to index
        %get3A_2601 = tpu.vector_load %arg5[%get3A_2600] {strides = array<i32>} : memref<50176xi32, #tpu.memory_space<vmem>>, vector<16xi32>,
        %add3A_2602 = arith.constant 80 : i32
        %add3A_2603 = arith.addi %mul3A_2090, %add3A_2602 : i32
        %get3A_2604 = arith.index_cast %add3A_2603 : i32 to index
        %get3A_2605 = tpu.vector_load %arg5[%get3A_2604] {strides = array<i32>} : memref<50176xi32, #tpu.memory_space<vmem>>, vector<16xi32>,
        %add3A_2606 = arith.constant 80 : i32
        %add3A_2607 = arith.addi %select_n3A_2095, %add3A_2606 : i32
        %get3A_2608 = arith.index_cast %add3A_2607 : i32 to index
        %get3A_2609 = tpu.vector_load %arg5[%get3A_2608] {strides = array<i32>} : memref<50176xi32, #tpu.memory_space<vmem>>, vector<16xi32>,
        %add3A_2610 = arith.constant 80 : i32
        %add3A_2611 = arith.addi %select_n3A_2095, %add3A_2610 : i32
        %sub3A_2612 = arith.constant 1 : i32
        %sub3A_2613 = arith.subi %add3A_2611, %sub3A_2612 : i32
        %get3A_2614 = arith.index_cast %sub3A_2613 : i32 to index
        %get3A_2615 = tpu.vector_load %arg5[%get3A_2614] {strides = array<i32>} : memref<50176xi32, #tpu.memory_space<vmem>>, vector<16xi32>,
        %add3A_2616 = arith.constant 80 : i32
        %add3A_2617 = arith.addi %mul3A_2072, %add3A_2616 : i32
        %sub3A_2618 = arith.constant 1 : i32
        %sub3A_2619 = arith.subi %add3A_2617, %sub3A_2618 : i32
        %get3A_2620 = arith.index_cast %sub3A_2619 : i32 to index
        %get3A_2621 = tpu.vector_load %arg5[%get3A_2620] {strides = array<i32>} : memref<50176xi32, #tpu.memory_space<vmem>>, vector<16xi32>,
        %add3A_2622 = arith.constant 80 : i32
        %add3A_2623 = arith.addi %mul3A_2078, %add3A_2622 : i32
        %sub3A_2624 = arith.constant 1 : i32
        %sub3A_2625 = arith.subi %add3A_2623, %sub3A_2624 : i32
        %get3A_2626 = arith.index_cast %sub3A_2625 : i32 to index
        %get3A_2627 = tpu.vector_load %arg5[%get3A_2626] {strides = array<i32>} : memref<50176xi32, #tpu.memory_space<vmem>>, vector<16xi32>,
        %add3A_2628 = arith.constant 80 : i32
        %add3A_2629 = arith.addi %mul3A_2084, %add3A_2628 : i32
        %sub3A_2630 = arith.constant 1 : i32
        %sub3A_2631 = arith.subi %add3A_2629, %sub3A_2630 : i32
        %get3A_2632 = arith.index_cast %sub3A_2631 : i32 to index
        %get3A_2633 = tpu.vector_load %arg5[%get3A_2632] {strides = array<i32>} : memref<50176xi32, #tpu.memory_space<vmem>>, vector<16xi32>,
        %add3A_2634 = arith.constant 80 : i32
        %add3A_2635 = arith.addi %mul3A_2090, %add3A_2634 : i32
        %sub3A_2636 = arith.constant 1 : i32
        %sub3A_2637 = arith.subi %add3A_2635, %sub3A_2636 : i32
        %get3A_2638 = arith.index_cast %sub3A_2637 : i32 to index
        %get3A_2639 = tpu.vector_load %arg5[%get3A_2638] {strides = array<i32>} : memref<50176xi32, #tpu.memory_space<vmem>>, vector<16xi32>,
        %add3A_2640 = arith.constant 80 : i32
        %add3A_2641 = arith.addi %select_n3A_2095, %add3A_2640 : i32
        %add3A_2642 = arith.constant 1 : i32
        %add3A_2643 = arith.addi %add3A_2641, %add3A_2642 : i32
        %get3A_2644 = arith.index_cast %add3A_2643 : i32 to index
        %get3A_2645 = tpu.vector_load %arg5[%get3A_2644] {strides = array<i32>} : memref<50176xi32, #tpu.memory_space<vmem>>, vector<16xi32>,
        %add3A_2646 = arith.constant 80 : i32
        %add3A_2647 = arith.addi %mul3A_2072, %add3A_2646 : i32
        %add3A_2648 = arith.constant 1 : i32
        %add3A_2649 = arith.addi %add3A_2647, %add3A_2648 : i32
        %get3A_2650 = arith.index_cast %add3A_2649 : i32 to index
        %get3A_2651 = tpu.vector_load %arg5[%get3A_2650] {strides = array<i32>} : memref<50176xi32, #tpu.memory_space<vmem>>, vector<16xi32>,
        %add3A_2652 = arith.constant 80 : i32
        %add3A_2653 = arith.addi %mul3A_2078, %add3A_2652 : i32
        %add3A_2654 = arith.constant 1 : i32
        %add3A_2655 = arith.addi %add3A_2653, %add3A_2654 : i32
        %get3A_2656 = arith.index_cast %add3A_2655 : i32 to index
        %get3A_2657 = tpu.vector_load %arg5[%get3A_2656] {strides = array<i32>} : memref<50176xi32, #tpu.memory_space<vmem>>, vector<16xi32>,
        %add3A_2658 = arith.constant 80 : i32
        %add3A_2659 = arith.addi %mul3A_2084, %add3A_2658 : i32
        %add3A_2660 = arith.constant 1 : i32
        %add3A_2661 = arith.addi %add3A_2659, %add3A_2660 : i32
        %get3A_2662 = arith.index_cast %add3A_2661 : i32 to index
        %get3A_2663 = tpu.vector_load %arg5[%get3A_2662] {strides = array<i32>} : memref<50176xi32, #tpu.memory_space<vmem>>, vector<16xi32>,
        tpu.vector_store_idx %arg6[%add3A_2565], %broadcast_in_dim3A_3 {add = true} : memref<256xf32, #tpu.memory_space<vmem>>[vector<16xi32>], vector<16xf32>,
        tpu.vector_store_idx %arg6[%add3A_2566], %broadcast_in_dim3A_3 {add = true} : memref<256xf32, #tpu.memory_space<vmem>>[vector<16xi32>], vector<16xf32>,
        tpu.vector_store_idx %arg6[%add3A_2567], %broadcast_in_dim3A_3 {add = true} : memref<256xf32, #tpu.memory_space<vmem>>[vector<16xi32>], vector<16xf32>,
        tpu.vector_store_idx %arg6[%add3A_2568], %broadcast_in_dim3A_3 {add = true} : memref<256xf32, #tpu.memory_space<vmem>>[vector<16xi32>], vector<16xf32>,
        tpu.vector_store_idx %arg6[%add3A_2572], %broadcast_in_dim3A_3 {add = true} : memref<256xf32, #tpu.memory_space<vmem>>[vector<16xi32>], vector<16xf32>,
        tpu.vector_store_idx %arg6[%add3A_2573], %broadcast_in_dim3A_3 {add = true} : memref<256xf32, #tpu.memory_space<vmem>>[vector<16xi32>], vector<16xf32>,
        tpu.vector_store_idx %arg6[%add3A_2574], %broadcast_in_dim3A_3 {add = true} : memref<256xf32, #tpu.memory_space<vmem>>[vector<16xi32>], vector<16xf32>,
        tpu.vector_store_idx %arg6[%add3A_2575], %broadcast_in_dim3A_3 {add = true} : memref<256xf32, #tpu.memory_space<vmem>>[vector<16xi32>], vector<16xf32>,
        tpu.vector_store_idx %arg6[%add3A_2579], %broadcast_in_dim3A_3 {add = true} : memref<256xf32, #tpu.memory_space<vmem>>[vector<16xi32>], vector<16xf32>,
        tpu.vector_store_idx %arg6[%add3A_2580], %broadcast_in_dim3A_3 {add = true} : memref<256xf32, #tpu.memory_space<vmem>>[vector<16xi32>], vector<16xf32>,
        tpu.vector_store_idx %arg6[%add3A_2581], %broadcast_in_dim3A_3 {add = true} : memref<256xf32, #tpu.memory_space<vmem>>[vector<16xi32>], vector<16xf32>,
        tpu.vector_store_idx %arg6[%add3A_2582], %broadcast_in_dim3A_3 {add = true} : memref<256xf32, #tpu.memory_space<vmem>>[vector<16xi32>], vector<16xf32>,
        tpu.vector_store_idx %arg6[%add3A_2586], %broadcast_in_dim3A_3 {add = true} : memref<256xf32, #tpu.memory_space<vmem>>[vector<16xi32>], vector<16xf32>,
        tpu.vector_store_idx %arg6[%add3A_2587], %broadcast_in_dim3A_3 {add = true} : memref<256xf32, #tpu.memory_space<vmem>>[vector<16xi32>], vector<16xf32>,
        tpu.vector_store_idx %arg6[%add3A_2588], %broadcast_in_dim3A_3 {add = true} : memref<256xf32, #tpu.memory_space<vmem>>[vector<16xi32>], vector<16xf32>,
        tpu.vector_store_idx %arg6[%add3A_2589], %broadcast_in_dim3A_3 {add = true} : memref<256xf32, #tpu.memory_space<vmem>>[vector<16xi32>], vector<16xf32>,
        %mul3A_2664 = arith.constant 16 : i32
        %mul3A_2665 = vector.broadcast %mul3A_2664 : i32 to vector<16xi32>
        %mul3A_2666 = arith.muli %get3A_2593, %mul3A_2665 : vector<16xi32>
        %add3A_2667 = arith.addi %mul3A_2666, %get3A_2621 : vector<16xi32>
        %add3A_2668 = arith.addi %mul3A_2666, %get3A_2645 : vector<16xi32>
        %add3A_2669 = arith.addi %mul3A_2666, %get3A_2609 : vector<16xi32>
        %add3A_2670 = arith.addi %mul3A_2666, %get3A_2615 : vector<16xi32>
        %mul3A_2671 = arith.constant 16 : i32
        %mul3A_2672 = vector.broadcast %mul3A_2671 : i32 to vector<16xi32>
        %mul3A_2673 = arith.muli %get3A_2597, %mul3A_2672 : vector<16xi32>
        %add3A_2674 = arith.addi %mul3A_2673, %get3A_2627 : vector<16xi32>
        %add3A_2675 = arith.addi %mul3A_2673, %get3A_2651 : vector<16xi32>
        %add3A_2676 = arith.addi %mul3A_2673, %get3A_2593 : vector<16xi32>
        %add3A_2677 = arith.addi %mul3A_2673, %get3A_2621 : vector<16xi32>
        %mul3A_2678 = arith.constant 16 : i32
        %mul3A_2679 = vector.broadcast %mul3A_2678 : i32 to vector<16xi32>
        %mul3A_2680 = arith.muli %get3A_2601, %mul3A_2679 : vector<16xi32>
        %add3A_2681 = arith.addi %mul3A_2680, %get3A_2633 : vector<16xi32>
        %add3A_2682 = arith.addi %mul3A_2680, %get3A_2657 : vector<16xi32>
        %add3A_2683 = arith.addi %mul3A_2680, %get3A_2597 : vector<16xi32>
        %add3A_2684 = arith.addi %mul3A_2680, %get3A_2627 : vector<16xi32>
        %mul3A_2685 = arith.constant 16 : i32
        %mul3A_2686 = vector.broadcast %mul3A_2685 : i32 to vector<16xi32>
        %mul3A_2687 = arith.muli %get3A_2605, %mul3A_2686 : vector<16xi32>
        %add3A_2688 = arith.addi %mul3A_2687, %get3A_2639 : vector<16xi32>
        %add3A_2689 = arith.addi %mul3A_2687, %get3A_2663 : vector<16xi32>
        %add3A_2690 = arith.addi %mul3A_2687, %get3A_2601 : vector<16xi32>
        %add3A_2691 = arith.addi %mul3A_2687, %get3A_2633 : vector<16xi32>
        %add3A_2692 = arith.constant 96 : i32
        %add3A_2693 = arith.addi %mul3A_2072, %add3A_2692 : i32
        %get3A_2694 = arith.index_cast %add3A_2693 : i32 to index
        %get3A_2695 = tpu.vector_load %arg5[%get3A_2694] {strides = array<i32>} : memref<50176xi32, #tpu.memory_space<vmem>>, vector<16xi32>,
        %add3A_2696 = arith.constant 96 : i32
        %add3A_2697 = arith.addi %mul3A_2078, %add3A_2696 : i32
        %get3A_2698 = arith.index_cast %add3A_2697 : i32 to index
        %get3A_2699 = tpu.vector_load %arg5[%get3A_2698] {strides = array<i32>} : memref<50176xi32, #tpu.memory_space<vmem>>, vector<16xi32>,
        %add3A_2700 = arith.constant 96 : i32
        %add3A_2701 = arith.addi %mul3A_2084, %add3A_2700 : i32
        %get3A_2702 = arith.index_cast %add3A_2701 : i32 to index
        %get3A_2703 = tpu.vector_load %arg5[%get3A_2702] {strides = array<i32>} : memref<50176xi32, #tpu.memory_space<vmem>>, vector<16xi32>,
        %add3A_2704 = arith.constant 96 : i32
        %add3A_2705 = arith.addi %mul3A_2090, %add3A_2704 : i32
        %get3A_2706 = arith.index_cast %add3A_2705 : i32 to index
        %get3A_2707 = tpu.vector_load %arg5[%get3A_2706] {strides = array<i32>} : memref<50176xi32, #tpu.memory_space<vmem>>, vector<16xi32>,
        %add3A_2708 = arith.constant 96 : i32
        %add3A_2709 = arith.addi %select_n3A_2095, %add3A_2708 : i32
        %get3A_2710 = arith.index_cast %add3A_2709 : i32 to index
        %get3A_2711 = tpu.vector_load %arg5[%get3A_2710] {strides = array<i32>} : memref<50176xi32, #tpu.memory_space<vmem>>, vector<16xi32>,
        %add3A_2712 = arith.constant 96 : i32
        %add3A_2713 = arith.addi %select_n3A_2095, %add3A_2712 : i32
        %sub3A_2714 = arith.constant 1 : i32
        %sub3A_2715 = arith.subi %add3A_2713, %sub3A_2714 : i32
        %get3A_2716 = arith.index_cast %sub3A_2715 : i32 to index
        %get3A_2717 = tpu.vector_load %arg5[%get3A_2716] {strides = array<i32>} : memref<50176xi32, #tpu.memory_space<vmem>>, vector<16xi32>,
        %add3A_2718 = arith.constant 96 : i32
        %add3A_2719 = arith.addi %mul3A_2072, %add3A_2718 : i32
        %sub3A_2720 = arith.constant 1 : i32
        %sub3A_2721 = arith.subi %add3A_2719, %sub3A_2720 : i32
        %get3A_2722 = arith.index_cast %sub3A_2721 : i32 to index
        %get3A_2723 = tpu.vector_load %arg5[%get3A_2722] {strides = array<i32>} : memref<50176xi32, #tpu.memory_space<vmem>>, vector<16xi32>,
        %add3A_2724 = arith.constant 96 : i32
        %add3A_2725 = arith.addi %mul3A_2078, %add3A_2724 : i32
        %sub3A_2726 = arith.constant 1 : i32
        %sub3A_2727 = arith.subi %add3A_2725, %sub3A_2726 : i32
        %get3A_2728 = arith.index_cast %sub3A_2727 : i32 to index
        %get3A_2729 = tpu.vector_load %arg5[%get3A_2728] {strides = array<i32>} : memref<50176xi32, #tpu.memory_space<vmem>>, vector<16xi32>,
        %add3A_2730 = arith.constant 96 : i32
        %add3A_2731 = arith.addi %mul3A_2084, %add3A_2730 : i32
        %sub3A_2732 = arith.constant 1 : i32
        %sub3A_2733 = arith.subi %add3A_2731, %sub3A_2732 : i32
        %get3A_2734 = arith.index_cast %sub3A_2733 : i32 to index
        %get3A_2735 = tpu.vector_load %arg5[%get3A_2734] {strides = array<i32>} : memref<50176xi32, #tpu.memory_space<vmem>>, vector<16xi32>,
        %add3A_2736 = arith.constant 96 : i32
        %add3A_2737 = arith.addi %mul3A_2090, %add3A_2736 : i32
        %sub3A_2738 = arith.constant 1 : i32
        %sub3A_2739 = arith.subi %add3A_2737, %sub3A_2738 : i32
        %get3A_2740 = arith.index_cast %sub3A_2739 : i32 to index
        %get3A_2741 = tpu.vector_load %arg5[%get3A_2740] {strides = array<i32>} : memref<50176xi32, #tpu.memory_space<vmem>>, vector<16xi32>,
        %add3A_2742 = arith.constant 96 : i32
        %add3A_2743 = arith.addi %select_n3A_2095, %add3A_2742 : i32
        %add3A_2744 = arith.constant 1 : i32
        %add3A_2745 = arith.addi %add3A_2743, %add3A_2744 : i32
        %get3A_2746 = arith.index_cast %add3A_2745 : i32 to index
        %get3A_2747 = tpu.vector_load %arg5[%get3A_2746] {strides = array<i32>} : memref<50176xi32, #tpu.memory_space<vmem>>, vector<16xi32>,
        %add3A_2748 = arith.constant 96 : i32
        %add3A_2749 = arith.addi %mul3A_2072, %add3A_2748 : i32
        %add3A_2750 = arith.constant 1 : i32
        %add3A_2751 = arith.addi %add3A_2749, %add3A_2750 : i32
        %get3A_2752 = arith.index_cast %add3A_2751 : i32 to index
        %get3A_2753 = tpu.vector_load %arg5[%get3A_2752] {strides = array<i32>} : memref<50176xi32, #tpu.memory_space<vmem>>, vector<16xi32>,
        %add3A_2754 = arith.constant 96 : i32
        %add3A_2755 = arith.addi %mul3A_2078, %add3A_2754 : i32
        %add3A_2756 = arith.constant 1 : i32
        %add3A_2757 = arith.addi %add3A_2755, %add3A_2756 : i32
        %get3A_2758 = arith.index_cast %add3A_2757 : i32 to index
        %get3A_2759 = tpu.vector_load %arg5[%get3A_2758] {strides = array<i32>} : memref<50176xi32, #tpu.memory_space<vmem>>, vector<16xi32>,
        %add3A_2760 = arith.constant 96 : i32
        %add3A_2761 = arith.addi %mul3A_2084, %add3A_2760 : i32
        %add3A_2762 = arith.constant 1 : i32
        %add3A_2763 = arith.addi %add3A_2761, %add3A_2762 : i32
        %get3A_2764 = arith.index_cast %add3A_2763 : i32 to index
        %get3A_2765 = tpu.vector_load %arg5[%get3A_2764] {strides = array<i32>} : memref<50176xi32, #tpu.memory_space<vmem>>, vector<16xi32>,
        tpu.vector_store_idx %arg6[%add3A_2667], %broadcast_in_dim3A_3 {add = true} : memref<256xf32, #tpu.memory_space<vmem>>[vector<16xi32>], vector<16xf32>,
        tpu.vector_store_idx %arg6[%add3A_2668], %broadcast_in_dim3A_3 {add = true} : memref<256xf32, #tpu.memory_space<vmem>>[vector<16xi32>], vector<16xf32>,
        tpu.vector_store_idx %arg6[%add3A_2669], %broadcast_in_dim3A_3 {add = true} : memref<256xf32, #tpu.memory_space<vmem>>[vector<16xi32>], vector<16xf32>,
        tpu.vector_store_idx %arg6[%add3A_2670], %broadcast_in_dim3A_3 {add = true} : memref<256xf32, #tpu.memory_space<vmem>>[vector<16xi32>], vector<16xf32>,
        tpu.vector_store_idx %arg6[%add3A_2674], %broadcast_in_dim3A_3 {add = true} : memref<256xf32, #tpu.memory_space<vmem>>[vector<16xi32>], vector<16xf32>,
        tpu.vector_store_idx %arg6[%add3A_2675], %broadcast_in_dim3A_3 {add = true} : memref<256xf32, #tpu.memory_space<vmem>>[vector<16xi32>], vector<16xf32>,
        tpu.vector_store_idx %arg6[%add3A_2676], %broadcast_in_dim3A_3 {add = true} : memref<256xf32, #tpu.memory_space<vmem>>[vector<16xi32>], vector<16xf32>,
        tpu.vector_store_idx %arg6[%add3A_2677], %broadcast_in_dim3A_3 {add = true} : memref<256xf32, #tpu.memory_space<vmem>>[vector<16xi32>], vector<16xf32>,
        tpu.vector_store_idx %arg6[%add3A_2681], %broadcast_in_dim3A_3 {add = true} : memref<256xf32, #tpu.memory_space<vmem>>[vector<16xi32>], vector<16xf32>,
        tpu.vector_store_idx %arg6[%add3A_2682], %broadcast_in_dim3A_3 {add = true} : memref<256xf32, #tpu.memory_space<vmem>>[vector<16xi32>], vector<16xf32>,
        tpu.vector_store_idx %arg6[%add3A_2683], %broadcast_in_dim3A_3 {add = true} : memref<256xf32, #tpu.memory_space<vmem>>[vector<16xi32>], vector<16xf32>,
        tpu.vector_store_idx %arg6[%add3A_2684], %broadcast_in_dim3A_3 {add = true} : memref<256xf32, #tpu.memory_space<vmem>>[vector<16xi32>], vector<16xf32>,
        tpu.vector_store_idx %arg6[%add3A_2688], %broadcast_in_dim3A_3 {add = true} : memref<256xf32, #tpu.memory_space<vmem>>[vector<16xi32>], vector<16xf32>,
        tpu.vector_store_idx %arg6[%add3A_2689], %broadcast_in_dim3A_3 {add = true} : memref<256xf32, #tpu.memory_space<vmem>>[vector<16xi32>], vector<16xf32>,
        tpu.vector_store_idx %arg6[%add3A_2690], %broadcast_in_dim3A_3 {add = true} : memref<256xf32, #tpu.memory_space<vmem>>[vector<16xi32>], vector<16xf32>,
        tpu.vector_store_idx %arg6[%add3A_2691], %broadcast_in_dim3A_3 {add = true} : memref<256xf32, #tpu.memory_space<vmem>>[vector<16xi32>], vector<16xf32>,
        %mul3A_2766 = arith.constant 16 : i32
        %mul3A_2767 = vector.broadcast %mul3A_2766 : i32 to vector<16xi32>
        %mul3A_2768 = arith.muli %get3A_2695, %mul3A_2767 : vector<16xi32>
        %add3A_2769 = arith.addi %mul3A_2768, %get3A_2723 : vector<16xi32>
        %add3A_2770 = arith.addi %mul3A_2768, %get3A_2747 : vector<16xi32>
        %add3A_2771 = arith.addi %mul3A_2768, %get3A_2711 : vector<16xi32>
        %add3A_2772 = arith.addi %mul3A_2768, %get3A_2717 : vector<16xi32>
        %mul3A_2773 = arith.constant 16 : i32
        %mul3A_2774 = vector.broadcast %mul3A_2773 : i32 to vector<16xi32>
        %mul3A_2775 = arith.muli %get3A_2699, %mul3A_2774 : vector<16xi32>
        %add3A_2776 = arith.addi %mul3A_2775, %get3A_2729 : vector<16xi32>
        %add3A_2777 = arith.addi %mul3A_2775, %get3A_2753 : vector<16xi32>
        %add3A_2778 = arith.addi %mul3A_2775, %get3A_2695 : vector<16xi32>
        %add3A_2779 = arith.addi %mul3A_2775, %get3A_2723 : vector<16xi32>
        %mul3A_2780 = arith.constant 16 : i32
        %mul3A_2781 = vector.broadcast %mul3A_2780 : i32 to vector<16xi32>
        %mul3A_2782 = arith.muli %get3A_2703, %mul3A_2781 : vector<16xi32>
        %add3A_2783 = arith.addi %mul3A_2782, %get3A_2735 : vector<16xi32>
        %add3A_2784 = arith.addi %mul3A_2782, %get3A_2759 : vector<16xi32>
        %add3A_2785 = arith.addi %mul3A_2782, %get3A_2699 : vector<16xi32>
        %add3A_2786 = arith.addi %mul3A_2782, %get3A_2729 : vector<16xi32>
        %mul3A_2787 = arith.constant 16 : i32
        %mul3A_2788 = vector.broadcast %mul3A_2787 : i32 to vector<16xi32>
        %mul3A_2789 = arith.muli %get3A_2707, %mul3A_2788 : vector<16xi32>
        %add3A_2790 = arith.addi %mul3A_2789, %get3A_2741 : vector<16xi32>
        %add3A_2791 = arith.addi %mul3A_2789, %get3A_2765 : vector<16xi32>
        %add3A_2792 = arith.addi %mul3A_2789, %get3A_2703 : vector<16xi32>
        %add3A_2793 = arith.addi %mul3A_2789, %get3A_2735 : vector<16xi32>
        %add3A_2794 = arith.constant 112 : i32
        %add3A_2795 = arith.addi %mul3A_2072, %add3A_2794 : i32
        %get3A_2796 = arith.index_cast %add3A_2795 : i32 to index
        %get3A_2797 = tpu.vector_load %arg5[%get3A_2796] {strides = array<i32>} : memref<50176xi32, #tpu.memory_space<vmem>>, vector<16xi32>,
        %add3A_2798 = arith.constant 112 : i32
        %add3A_2799 = arith.addi %mul3A_2078, %add3A_2798 : i32
        %get3A_2800 = arith.index_cast %add3A_2799 : i32 to index
        %get3A_2801 = tpu.vector_load %arg5[%get3A_2800] {strides = array<i32>} : memref<50176xi32, #tpu.memory_space<vmem>>, vector<16xi32>,
        %add3A_2802 = arith.constant 112 : i32
        %add3A_2803 = arith.addi %mul3A_2084, %add3A_2802 : i32
        %get3A_2804 = arith.index_cast %add3A_2803 : i32 to index
        %get3A_2805 = tpu.vector_load %arg5[%get3A_2804] {strides = array<i32>} : memref<50176xi32, #tpu.memory_space<vmem>>, vector<16xi32>,
        %add3A_2806 = arith.constant 112 : i32
        %add3A_2807 = arith.addi %mul3A_2090, %add3A_2806 : i32
        %get3A_2808 = arith.index_cast %add3A_2807 : i32 to index
        %get3A_2809 = tpu.vector_load %arg5[%get3A_2808] {strides = array<i32>} : memref<50176xi32, #tpu.memory_space<vmem>>, vector<16xi32>,
        %add3A_2810 = arith.constant 112 : i32
        %add3A_2811 = arith.addi %select_n3A_2095, %add3A_2810 : i32
        %get3A_2812 = arith.index_cast %add3A_2811 : i32 to index
        %get3A_2813 = tpu.vector_load %arg5[%get3A_2812] {strides = array<i32>} : memref<50176xi32, #tpu.memory_space<vmem>>, vector<16xi32>,
        %add3A_2814 = arith.constant 112 : i32
        %add3A_2815 = arith.addi %select_n3A_2095, %add3A_2814 : i32
        %sub3A_2816 = arith.constant 1 : i32
        %sub3A_2817 = arith.subi %add3A_2815, %sub3A_2816 : i32
        %get3A_2818 = arith.index_cast %sub3A_2817 : i32 to index
        %get3A_2819 = tpu.vector_load %arg5[%get3A_2818] {strides = array<i32>} : memref<50176xi32, #tpu.memory_space<vmem>>, vector<16xi32>,
        %add3A_2820 = arith.constant 112 : i32
        %add3A_2821 = arith.addi %mul3A_2072, %add3A_2820 : i32
        %sub3A_2822 = arith.constant 1 : i32
        %sub3A_2823 = arith.subi %add3A_2821, %sub3A_2822 : i32
        %get3A_2824 = arith.index_cast %sub3A_2823 : i32 to index
        %get3A_2825 = tpu.vector_load %arg5[%get3A_2824] {strides = array<i32>} : memref<50176xi32, #tpu.memory_space<vmem>>, vector<16xi32>,
        %add3A_2826 = arith.constant 112 : i32
        %add3A_2827 = arith.addi %mul3A_2078, %add3A_2826 : i32
        %sub3A_2828 = arith.constant 1 : i32
        %sub3A_2829 = arith.subi %add3A_2827, %sub3A_2828 : i32
        %get3A_2830 = arith.index_cast %sub3A_2829 : i32 to index
        %get3A_2831 = tpu.vector_load %arg5[%get3A_2830] {strides = array<i32>} : memref<50176xi32, #tpu.memory_space<vmem>>, vector<16xi32>,
        %add3A_2832 = arith.constant 112 : i32
        %add3A_2833 = arith.addi %mul3A_2084, %add3A_2832 : i32
        %sub3A_2834 = arith.constant 1 : i32
        %sub3A_2835 = arith.subi %add3A_2833, %sub3A_2834 : i32
        %get3A_2836 = arith.index_cast %sub3A_2835 : i32 to index
        %get3A_2837 = tpu.vector_load %arg5[%get3A_2836] {strides = array<i32>} : memref<50176xi32, #tpu.memory_space<vmem>>, vector<16xi32>,
        %add3A_2838 = arith.constant 112 : i32
        %add3A_2839 = arith.addi %mul3A_2090, %add3A_2838 : i32
        %sub3A_2840 = arith.constant 1 : i32
        %sub3A_2841 = arith.subi %add3A_2839, %sub3A_2840 : i32
        %get3A_2842 = arith.index_cast %sub3A_2841 : i32 to index
        %get3A_2843 = tpu.vector_load %arg5[%get3A_2842] {strides = array<i32>} : memref<50176xi32, #tpu.memory_space<vmem>>, vector<16xi32>,
        %add3A_2844 = arith.constant 112 : i32
        %add3A_2845 = arith.addi %select_n3A_2095, %add3A_2844 : i32
        %add3A_2846 = arith.constant 1 : i32
        %add3A_2847 = arith.addi %add3A_2845, %add3A_2846 : i32
        %get3A_2848 = arith.index_cast %add3A_2847 : i32 to index
        %get3A_2849 = tpu.vector_load %arg5[%get3A_2848] {strides = array<i32>} : memref<50176xi32, #tpu.memory_space<vmem>>, vector<16xi32>,
        %add3A_2850 = arith.constant 112 : i32
        %add3A_2851 = arith.addi %mul3A_2072, %add3A_2850 : i32
        %add3A_2852 = arith.constant 1 : i32
        %add3A_2853 = arith.addi %add3A_2851, %add3A_2852 : i32
        %get3A_2854 = arith.index_cast %add3A_2853 : i32 to index
        %get3A_2855 = tpu.vector_load %arg5[%get3A_2854] {strides = array<i32>} : memref<50176xi32, #tpu.memory_space<vmem>>, vector<16xi32>,
        %add3A_2856 = arith.constant 112 : i32
        %add3A_2857 = arith.addi %mul3A_2078, %add3A_2856 : i32
        %add3A_2858 = arith.constant 1 : i32
        %add3A_2859 = arith.addi %add3A_2857, %add3A_2858 : i32
        %get3A_2860 = arith.index_cast %add3A_2859 : i32 to index
        %get3A_2861 = tpu.vector_load %arg5[%get3A_2860] {strides = array<i32>} : memref<50176xi32, #tpu.memory_space<vmem>>, vector<16xi32>,
        %add3A_2862 = arith.constant 112 : i32
        %add3A_2863 = arith.addi %mul3A_2084, %add3A_2862 : i32
        %add3A_2864 = arith.constant 1 : i32
        %add3A_2865 = arith.addi %add3A_2863, %add3A_2864 : i32
        %get3A_2866 = arith.index_cast %add3A_2865 : i32 to index
        %get3A_2867 = tpu.vector_load %arg5[%get3A_2866] {strides = array<i32>} : memref<50176xi32, #tpu.memory_space<vmem>>, vector<16xi32>,
        tpu.vector_store_idx %arg6[%add3A_2769], %broadcast_in_dim3A_3 {add = true} : memref<256xf32, #tpu.memory_space<vmem>>[vector<16xi32>], vector<16xf32>,
        tpu.vector_store_idx %arg6[%add3A_2770], %broadcast_in_dim3A_3 {add = true} : memref<256xf32, #tpu.memory_space<vmem>>[vector<16xi32>], vector<16xf32>,
        tpu.vector_store_idx %arg6[%add3A_2771], %broadcast_in_dim3A_3 {add = true} : memref<256xf32, #tpu.memory_space<vmem>>[vector<16xi32>], vector<16xf32>,
        tpu.vector_store_idx %arg6[%add3A_2772], %broadcast_in_dim3A_3 {add = true} : memref<256xf32, #tpu.memory_space<vmem>>[vector<16xi32>], vector<16xf32>,
        tpu.vector_store_idx %arg6[%add3A_2776], %broadcast_in_dim3A_3 {add = true} : memref<256xf32, #tpu.memory_space<vmem>>[vector<16xi32>], vector<16xf32>,
        tpu.vector_store_idx %arg6[%add3A_2777], %broadcast_in_dim3A_3 {add = true} : memref<256xf32, #tpu.memory_space<vmem>>[vector<16xi32>], vector<16xf32>,
        tpu.vector_store_idx %arg6[%add3A_2778], %broadcast_in_dim3A_3 {add = true} : memref<256xf32, #tpu.memory_space<vmem>>[vector<16xi32>], vector<16xf32>,
        tpu.vector_store_idx %arg6[%add3A_2779], %broadcast_in_dim3A_3 {add = true} : memref<256xf32, #tpu.memory_space<vmem>>[vector<16xi32>], vector<16xf32>,
        tpu.vector_store_idx %arg6[%add3A_2783], %broadcast_in_dim3A_3 {add = true} : memref<256xf32, #tpu.memory_space<vmem>>[vector<16xi32>], vector<16xf32>,
        tpu.vector_store_idx %arg6[%add3A_2784], %broadcast_in_dim3A_3 {add = true} : memref<256xf32, #tpu.memory_space<vmem>>[vector<16xi32>], vector<16xf32>,
        tpu.vector_store_idx %arg6[%add3A_2785], %broadcast_in_dim3A_3 {add = true} : memref<256xf32, #tpu.memory_space<vmem>>[vector<16xi32>], vector<16xf32>,
        tpu.vector_store_idx %arg6[%add3A_2786], %broadcast_in_dim3A_3 {add = true} : memref<256xf32, #tpu.memory_space<vmem>>[vector<16xi32>], vector<16xf32>,
        tpu.vector_store_idx %arg6[%add3A_2790], %broadcast_in_dim3A_3 {add = true} : memref<256xf32, #tpu.memory_space<vmem>>[vector<16xi32>], vector<16xf32>,
        tpu.vector_store_idx %arg6[%add3A_2791], %broadcast_in_dim3A_3 {add = true} : memref<256xf32, #tpu.memory_space<vmem>>[vector<16xi32>], vector<16xf32>,
        tpu.vector_store_idx %arg6[%add3A_2792], %broadcast_in_dim3A_3 {add = true} : memref<256xf32, #tpu.memory_space<vmem>>[vector<16xi32>], vector<16xf32>,
        tpu.vector_store_idx %arg6[%add3A_2793], %broadcast_in_dim3A_3 {add = true} : memref<256xf32, #tpu.memory_space<vmem>>[vector<16xi32>], vector<16xf32>,
        %mul3A_2868 = arith.constant 16 : i32
        %mul3A_2869 = vector.broadcast %mul3A_2868 : i32 to vector<16xi32>
        %mul3A_2870 = arith.muli %get3A_2797, %mul3A_2869 : vector<16xi32>
        %add3A_2871 = arith.addi %mul3A_2870, %get3A_2825 : vector<16xi32>
        %add3A_2872 = arith.addi %mul3A_2870, %get3A_2849 : vector<16xi32>
        %add3A_2873 = arith.addi %mul3A_2870, %get3A_2813 : vector<16xi32>
        %add3A_2874 = arith.addi %mul3A_2870, %get3A_2819 : vector<16xi32>
        %mul3A_2875 = arith.constant 16 : i32
        %mul3A_2876 = vector.broadcast %mul3A_2875 : i32 to vector<16xi32>
        %mul3A_2877 = arith.muli %get3A_2801, %mul3A_2876 : vector<16xi32>
        %add3A_2878 = arith.addi %mul3A_2877, %get3A_2831 : vector<16xi32>
        %add3A_2879 = arith.addi %mul3A_2877, %get3A_2855 : vector<16xi32>
        %add3A_2880 = arith.addi %mul3A_2877, %get3A_2797 : vector<16xi32>
        %add3A_2881 = arith.addi %mul3A_2877, %get3A_2825 : vector<16xi32>
        %mul3A_2882 = arith.constant 16 : i32
        %mul3A_2883 = vector.broadcast %mul3A_2882 : i32 to vector<16xi32>
        %mul3A_2884 = arith.muli %get3A_2805, %mul3A_2883 : vector<16xi32>
        %add3A_2885 = arith.addi %mul3A_2884, %get3A_2837 : vector<16xi32>
        %add3A_2886 = arith.addi %mul3A_2884, %get3A_2861 : vector<16xi32>
        %add3A_2887 = arith.addi %mul3A_2884, %get3A_2801 : vector<16xi32>
        %add3A_2888 = arith.addi %mul3A_2884, %get3A_2831 : vector<16xi32>
        %mul3A_2889 = arith.constant 16 : i32
        %mul3A_2890 = vector.broadcast %mul3A_2889 : i32 to vector<16xi32>
        %mul3A_2891 = arith.muli %get3A_2809, %mul3A_2890 : vector<16xi32>
        %add3A_2892 = arith.addi %mul3A_2891, %get3A_2843 : vector<16xi32>
        %add3A_2893 = arith.addi %mul3A_2891, %get3A_2867 : vector<16xi32>
        %add3A_2894 = arith.addi %mul3A_2891, %get3A_2805 : vector<16xi32>
        %add3A_2895 = arith.addi %mul3A_2891, %get3A_2837 : vector<16xi32>
        %add3A_2896 = arith.constant 128 : i32
        %add3A_2897 = arith.addi %mul3A_2072, %add3A_2896 : i32
        %get3A_2898 = arith.index_cast %add3A_2897 : i32 to index
        %get3A_2899 = tpu.vector_load %arg5[%get3A_2898] {strides = array<i32>} : memref<50176xi32, #tpu.memory_space<vmem>>, vector<16xi32>,
        %add3A_2900 = arith.constant 128 : i32
        %add3A_2901 = arith.addi %mul3A_2078, %add3A_2900 : i32
        %get3A_2902 = arith.index_cast %add3A_2901 : i32 to index
        %get3A_2903 = tpu.vector_load %arg5[%get3A_2902] {strides = array<i32>} : memref<50176xi32, #tpu.memory_space<vmem>>, vector<16xi32>,
        %add3A_2904 = arith.constant 128 : i32
        %add3A_2905 = arith.addi %mul3A_2084, %add3A_2904 : i32
        %get3A_2906 = arith.index_cast %add3A_2905 : i32 to index
        %get3A_2907 = tpu.vector_load %arg5[%get3A_2906] {strides = array<i32>} : memref<50176xi32, #tpu.memory_space<vmem>>, vector<16xi32>,
        %add3A_2908 = arith.constant 128 : i32
        %add3A_2909 = arith.addi %mul3A_2090, %add3A_2908 : i32
        %get3A_2910 = arith.index_cast %add3A_2909 : i32 to index
        %get3A_2911 = tpu.vector_load %arg5[%get3A_2910] {strides = array<i32>} : memref<50176xi32, #tpu.memory_space<vmem>>, vector<16xi32>,
        %add3A_2912 = arith.constant 128 : i32
        %add3A_2913 = arith.addi %select_n3A_2095, %add3A_2912 : i32
        %get3A_2914 = arith.index_cast %add3A_2913 : i32 to index
        %get3A_2915 = tpu.vector_load %arg5[%get3A_2914] {strides = array<i32>} : memref<50176xi32, #tpu.memory_space<vmem>>, vector<16xi32>,
        %add3A_2916 = arith.constant 128 : i32
        %add3A_2917 = arith.addi %select_n3A_2095, %add3A_2916 : i32
        %sub3A_2918 = arith.constant 1 : i32
        %sub3A_2919 = arith.subi %add3A_2917, %sub3A_2918 : i32
        %get3A_2920 = arith.index_cast %sub3A_2919 : i32 to index
        %get3A_2921 = tpu.vector_load %arg5[%get3A_2920] {strides = array<i32>} : memref<50176xi32, #tpu.memory_space<vmem>>, vector<16xi32>,
        %add3A_2922 = arith.constant 128 : i32
        %add3A_2923 = arith.addi %mul3A_2072, %add3A_2922 : i32
        %sub3A_2924 = arith.constant 1 : i32
        %sub3A_2925 = arith.subi %add3A_2923, %sub3A_2924 : i32
        %get3A_2926 = arith.index_cast %sub3A_2925 : i32 to index
        %get3A_2927 = tpu.vector_load %arg5[%get3A_2926] {strides = array<i32>} : memref<50176xi32, #tpu.memory_space<vmem>>, vector<16xi32>,
        %add3A_2928 = arith.constant 128 : i32
        %add3A_2929 = arith.addi %mul3A_2078, %add3A_2928 : i32
        %sub3A_2930 = arith.constant 1 : i32
        %sub3A_2931 = arith.subi %add3A_2929, %sub3A_2930 : i32
        %get3A_2932 = arith.index_cast %sub3A_2931 : i32 to index
        %get3A_2933 = tpu.vector_load %arg5[%get3A_2932] {strides = array<i32>} : memref<50176xi32, #tpu.memory_space<vmem>>, vector<16xi32>,
        %add3A_2934 = arith.constant 128 : i32
        %add3A_2935 = arith.addi %mul3A_2084, %add3A_2934 : i32
        %sub3A_2936 = arith.constant 1 : i32
        %sub3A_2937 = arith.subi %add3A_2935, %sub3A_2936 : i32
        %get3A_2938 = arith.index_cast %sub3A_2937 : i32 to index
        %get3A_2939 = tpu.vector_load %arg5[%get3A_2938] {strides = array<i32>} : memref<50176xi32, #tpu.memory_space<vmem>>, vector<16xi32>,
        %add3A_2940 = arith.constant 128 : i32
        %add3A_2941 = arith.addi %mul3A_2090, %add3A_2940 : i32
        %sub3A_2942 = arith.constant 1 : i32
        %sub3A_2943 = arith.subi %add3A_2941, %sub3A_2942 : i32
        %get3A_2944 = arith.index_cast %sub3A_2943 : i32 to index
        %get3A_2945 = tpu.vector_load %arg5[%get3A_2944] {strides = array<i32>} : memref<50176xi32, #tpu.memory_space<vmem>>, vector<16xi32>,
        %add3A_2946 = arith.constant 128 : i32
        %add3A_2947 = arith.addi %select_n3A_2095, %add3A_2946 : i32
        %add3A_2948 = arith.constant 1 : i32
        %add3A_2949 = arith.addi %add3A_2947, %add3A_2948 : i32
        %get3A_2950 = arith.index_cast %add3A_2949 : i32 to index
        %get3A_2951 = tpu.vector_load %arg5[%get3A_2950] {strides = array<i32>} : memref<50176xi32, #tpu.memory_space<vmem>>, vector<16xi32>,
        %add3A_2952 = arith.constant 128 : i32
        %add3A_2953 = arith.addi %mul3A_2072, %add3A_2952 : i32
        %add3A_2954 = arith.constant 1 : i32
        %add3A_2955 = arith.addi %add3A_2953, %add3A_2954 : i32
        %get3A_2956 = arith.index_cast %add3A_2955 : i32 to index
        %get3A_2957 = tpu.vector_load %arg5[%get3A_2956] {strides = array<i32>} : memref<50176xi32, #tpu.memory_space<vmem>>, vector<16xi32>,
        %add3A_2958 = arith.constant 128 : i32
        %add3A_2959 = arith.addi %mul3A_2078, %add3A_2958 : i32
        %add3A_2960 = arith.constant 1 : i32
        %add3A_2961 = arith.addi %add3A_2959, %add3A_2960 : i32
        %get3A_2962 = arith.index_cast %add3A_2961 : i32 to index
        %get3A_2963 = tpu.vector_load %arg5[%get3A_2962] {strides = array<i32>} : memref<50176xi32, #tpu.memory_space<vmem>>, vector<16xi32>,
        %add3A_2964 = arith.constant 128 : i32
        %add3A_2965 = arith.addi %mul3A_2084, %add3A_2964 : i32
        %add3A_2966 = arith.constant 1 : i32
        %add3A_2967 = arith.addi %add3A_2965, %add3A_2966 : i32
        %get3A_2968 = arith.index_cast %add3A_2967 : i32 to index
        %get3A_2969 = tpu.vector_load %arg5[%get3A_2968] {strides = array<i32>} : memref<50176xi32, #tpu.memory_space<vmem>>, vector<16xi32>,
        tpu.vector_store_idx %arg6[%add3A_2871], %broadcast_in_dim3A_3 {add = true} : memref<256xf32, #tpu.memory_space<vmem>>[vector<16xi32>], vector<16xf32>,
        tpu.vector_store_idx %arg6[%add3A_2872], %broadcast_in_dim3A_3 {add = true} : memref<256xf32, #tpu.memory_space<vmem>>[vector<16xi32>], vector<16xf32>,
        tpu.vector_store_idx %arg6[%add3A_2873], %broadcast_in_dim3A_3 {add = true} : memref<256xf32, #tpu.memory_space<vmem>>[vector<16xi32>], vector<16xf32>,
        tpu.vector_store_idx %arg6[%add3A_2874], %broadcast_in_dim3A_3 {add = true} : memref<256xf32, #tpu.memory_space<vmem>>[vector<16xi32>], vector<16xf32>,
        tpu.vector_store_idx %arg6[%add3A_2878], %broadcast_in_dim3A_3 {add = true} : memref<256xf32, #tpu.memory_space<vmem>>[vector<16xi32>], vector<16xf32>,
        tpu.vector_store_idx %arg6[%add3A_2879], %broadcast_in_dim3A_3 {add = true} : memref<256xf32, #tpu.memory_space<vmem>>[vector<16xi32>], vector<16xf32>,
        tpu.vector_store_idx %arg6[%add3A_2880], %broadcast_in_dim3A_3 {add = true} : memref<256xf32, #tpu.memory_space<vmem>>[vector<16xi32>], vector<16xf32>,
        tpu.vector_store_idx %arg6[%add3A_2881], %broadcast_in_dim3A_3 {add = true} : memref<256xf32, #tpu.memory_space<vmem>>[vector<16xi32>], vector<16xf32>,
        tpu.vector_store_idx %arg6[%add3A_2885], %broadcast_in_dim3A_3 {add = true} : memref<256xf32, #tpu.memory_space<vmem>>[vector<16xi32>], vector<16xf32>,
        tpu.vector_store_idx %arg6[%add3A_2886], %broadcast_in_dim3A_3 {add = true} : memref<256xf32, #tpu.memory_space<vmem>>[vector<16xi32>], vector<16xf32>,
        tpu.vector_store_idx %arg6[%add3A_2887], %broadcast_in_dim3A_3 {add = true} : memref<256xf32, #tpu.memory_space<vmem>>[vector<16xi32>], vector<16xf32>,
        tpu.vector_store_idx %arg6[%add3A_2888], %broadcast_in_dim3A_3 {add = true} : memref<256xf32, #tpu.memory_space<vmem>>[vector<16xi32>], vector<16xf32>,
        tpu.vector_store_idx %arg6[%add3A_2892], %broadcast_in_dim3A_3 {add = true} : memref<256xf32, #tpu.memory_space<vmem>>[vector<16xi32>], vector<16xf32>,
        tpu.vector_store_idx %arg6[%add3A_2893], %broadcast_in_dim3A_3 {add = true} : memref<256xf32, #tpu.memory_space<vmem>>[vector<16xi32>], vector<16xf32>,
        tpu.vector_store_idx %arg6[%add3A_2894], %broadcast_in_dim3A_3 {add = true} : memref<256xf32, #tpu.memory_space<vmem>>[vector<16xi32>], vector<16xf32>,
        tpu.vector_store_idx %arg6[%add3A_2895], %broadcast_in_dim3A_3 {add = true} : memref<256xf32, #tpu.memory_space<vmem>>[vector<16xi32>], vector<16xf32>,
        %mul3A_2970 = arith.constant 16 : i32
        %mul3A_2971 = vector.broadcast %mul3A_2970 : i32 to vector<16xi32>
        %mul3A_2972 = arith.muli %get3A_2899, %mul3A_2971 : vector<16xi32>
        %add3A_2973 = arith.addi %mul3A_2972, %get3A_2927 : vector<16xi32>
        %add3A_2974 = arith.addi %mul3A_2972, %get3A_2951 : vector<16xi32>
        %add3A_2975 = arith.addi %mul3A_2972, %get3A_2915 : vector<16xi32>
        %add3A_2976 = arith.addi %mul3A_2972, %get3A_2921 : vector<16xi32>
        %mul3A_2977 = arith.constant 16 : i32
        %mul3A_2978 = vector.broadcast %mul3A_2977 : i32 to vector<16xi32>
        %mul3A_2979 = arith.muli %get3A_2903, %mul3A_2978 : vector<16xi32>
        %add3A_2980 = arith.addi %mul3A_2979, %get3A_2933 : vector<16xi32>
        %add3A_2981 = arith.addi %mul3A_2979, %get3A_2957 : vector<16xi32>
        %add3A_2982 = arith.addi %mul3A_2979, %get3A_2899 : vector<16xi32>
        %add3A_2983 = arith.addi %mul3A_2979, %get3A_2927 : vector<16xi32>
        %mul3A_2984 = arith.constant 16 : i32
        %mul3A_2985 = vector.broadcast %mul3A_2984 : i32 to vector<16xi32>
        %mul3A_2986 = arith.muli %get3A_2907, %mul3A_2985 : vector<16xi32>
        %add3A_2987 = arith.addi %mul3A_2986, %get3A_2939 : vector<16xi32>
        %add3A_2988 = arith.addi %mul3A_2986, %get3A_2963 : vector<16xi32>
        %add3A_2989 = arith.addi %mul3A_2986, %get3A_2903 : vector<16xi32>
        %add3A_2990 = arith.addi %mul3A_2986, %get3A_2933 : vector<16xi32>
        %mul3A_2991 = arith.constant 16 : i32
        %mul3A_2992 = vector.broadcast %mul3A_2991 : i32 to vector<16xi32>
        %mul3A_2993 = arith.muli %get3A_2911, %mul3A_2992 : vector<16xi32>
        %add3A_2994 = arith.addi %mul3A_2993, %get3A_2945 : vector<16xi32>
        %add3A_2995 = arith.addi %mul3A_2993, %get3A_2969 : vector<16xi32>
        %add3A_2996 = arith.addi %mul3A_2993, %get3A_2907 : vector<16xi32>
        %add3A_2997 = arith.addi %mul3A_2993, %get3A_2939 : vector<16xi32>
        %add3A_2998 = arith.constant 144 : i32
        %add3A_2999 = arith.addi %mul3A_2072, %add3A_2998 : i32
        %get3A_3000 = arith.index_cast %add3A_2999 : i32 to index
        %get3A_3001 = tpu.vector_load %arg5[%get3A_3000] {strides = array<i32>} : memref<50176xi32, #tpu.memory_space<vmem>>, vector<16xi32>,
        %add3A_3002 = arith.constant 144 : i32
        %add3A_3003 = arith.addi %mul3A_2078, %add3A_3002 : i32
        %get3A_3004 = arith.index_cast %add3A_3003 : i32 to index
        %get3A_3005 = tpu.vector_load %arg5[%get3A_3004] {strides = array<i32>} : memref<50176xi32, #tpu.memory_space<vmem>>, vector<16xi32>,
        %add3A_3006 = arith.constant 144 : i32
        %add3A_3007 = arith.addi %mul3A_2084, %add3A_3006 : i32
        %get3A_3008 = arith.index_cast %add3A_3007 : i32 to index
        %get3A_3009 = tpu.vector_load %arg5[%get3A_3008] {strides = array<i32>} : memref<50176xi32, #tpu.memory_space<vmem>>, vector<16xi32>,
        %add3A_3010 = arith.constant 144 : i32
        %add3A_3011 = arith.addi %mul3A_2090, %add3A_3010 : i32
        %get3A_3012 = arith.index_cast %add3A_3011 : i32 to index
        %get3A_3013 = tpu.vector_load %arg5[%get3A_3012] {strides = array<i32>} : memref<50176xi32, #tpu.memory_space<vmem>>, vector<16xi32>,
        %add3A_3014 = arith.constant 144 : i32
        %add3A_3015 = arith.addi %select_n3A_2095, %add3A_3014 : i32
        %get3A_3016 = arith.index_cast %add3A_3015 : i32 to index
        %get3A_3017 = tpu.vector_load %arg5[%get3A_3016] {strides = array<i32>} : memref<50176xi32, #tpu.memory_space<vmem>>, vector<16xi32>,
        %add3A_3018 = arith.constant 144 : i32
        %add3A_3019 = arith.addi %select_n3A_2095, %add3A_3018 : i32
        %sub3A_3020 = arith.constant 1 : i32
        %sub3A_3021 = arith.subi %add3A_3019, %sub3A_3020 : i32
        %get3A_3022 = arith.index_cast %sub3A_3021 : i32 to index
        %get3A_3023 = tpu.vector_load %arg5[%get3A_3022] {strides = array<i32>} : memref<50176xi32, #tpu.memory_space<vmem>>, vector<16xi32>,
        %add3A_3024 = arith.constant 144 : i32
        %add3A_3025 = arith.addi %mul3A_2072, %add3A_3024 : i32
        %sub3A_3026 = arith.constant 1 : i32
        %sub3A_3027 = arith.subi %add3A_3025, %sub3A_3026 : i32
        %get3A_3028 = arith.index_cast %sub3A_3027 : i32 to index
        %get3A_3029 = tpu.vector_load %arg5[%get3A_3028] {strides = array<i32>} : memref<50176xi32, #tpu.memory_space<vmem>>, vector<16xi32>,
        %add3A_3030 = arith.constant 144 : i32
        %add3A_3031 = arith.addi %mul3A_2078, %add3A_3030 : i32
        %sub3A_3032 = arith.constant 1 : i32
        %sub3A_3033 = arith.subi %add3A_3031, %sub3A_3032 : i32
        %get3A_3034 = arith.index_cast %sub3A_3033 : i32 to index
        %get3A_3035 = tpu.vector_load %arg5[%get3A_3034] {strides = array<i32>} : memref<50176xi32, #tpu.memory_space<vmem>>, vector<16xi32>,
        %add3A_3036 = arith.constant 144 : i32
        %add3A_3037 = arith.addi %mul3A_2084, %add3A_3036 : i32
        %sub3A_3038 = arith.constant 1 : i32
        %sub3A_3039 = arith.subi %add3A_3037, %sub3A_3038 : i32
        %get3A_3040 = arith.index_cast %sub3A_3039 : i32 to index
        %get3A_3041 = tpu.vector_load %arg5[%get3A_3040] {strides = array<i32>} : memref<50176xi32, #tpu.memory_space<vmem>>, vector<16xi32>,
        %add3A_3042 = arith.constant 144 : i32
        %add3A_3043 = arith.addi %mul3A_2090, %add3A_3042 : i32
        %sub3A_3044 = arith.constant 1 : i32
        %sub3A_3045 = arith.subi %add3A_3043, %sub3A_3044 : i32
        %get3A_3046 = arith.index_cast %sub3A_3045 : i32 to index
        %get3A_3047 = tpu.vector_load %arg5[%get3A_3046] {strides = array<i32>} : memref<50176xi32, #tpu.memory_space<vmem>>, vector<16xi32>,
        %add3A_3048 = arith.constant 144 : i32
        %add3A_3049 = arith.addi %select_n3A_2095, %add3A_3048 : i32
        %add3A_3050 = arith.constant 1 : i32
        %add3A_3051 = arith.addi %add3A_3049, %add3A_3050 : i32
        %get3A_3052 = arith.index_cast %add3A_3051 : i32 to index
        %get3A_3053 = tpu.vector_load %arg5[%get3A_3052] {strides = array<i32>} : memref<50176xi32, #tpu.memory_space<vmem>>, vector<16xi32>,
        %add3A_3054 = arith.constant 144 : i32
        %add3A_3055 = arith.addi %mul3A_2072, %add3A_3054 : i32
        %add3A_3056 = arith.constant 1 : i32
        %add3A_3057 = arith.addi %add3A_3055, %add3A_3056 : i32
        %get3A_3058 = arith.index_cast %add3A_3057 : i32 to index
        %get3A_3059 = tpu.vector_load %arg5[%get3A_3058] {strides = array<i32>} : memref<50176xi32, #tpu.memory_space<vmem>>, vector<16xi32>,
        %add3A_3060 = arith.constant 144 : i32
        %add3A_3061 = arith.addi %mul3A_2078, %add3A_3060 : i32
        %add3A_3062 = arith.constant 1 : i32
        %add3A_3063 = arith.addi %add3A_3061, %add3A_3062 : i32
        %get3A_3064 = arith.index_cast %add3A_3063 : i32 to index
        %get3A_3065 = tpu.vector_load %arg5[%get3A_3064] {strides = array<i32>} : memref<50176xi32, #tpu.memory_space<vmem>>, vector<16xi32>,
        %add3A_3066 = arith.constant 144 : i32
        %add3A_3067 = arith.addi %mul3A_2084, %add3A_3066 : i32
        %add3A_3068 = arith.constant 1 : i32
        %add3A_3069 = arith.addi %add3A_3067, %add3A_3068 : i32
        %get3A_3070 = arith.index_cast %add3A_3069 : i32 to index
        %get3A_3071 = tpu.vector_load %arg5[%get3A_3070] {strides = array<i32>} : memref<50176xi32, #tpu.memory_space<vmem>>, vector<16xi32>,
        tpu.vector_store_idx %arg6[%add3A_2973], %broadcast_in_dim3A_3 {add = true} : memref<256xf32, #tpu.memory_space<vmem>>[vector<16xi32>], vector<16xf32>,
        tpu.vector_store_idx %arg6[%add3A_2974], %broadcast_in_dim3A_3 {add = true} : memref<256xf32, #tpu.memory_space<vmem>>[vector<16xi32>], vector<16xf32>,
        tpu.vector_store_idx %arg6[%add3A_2975], %broadcast_in_dim3A_3 {add = true} : memref<256xf32, #tpu.memory_space<vmem>>[vector<16xi32>], vector<16xf32>,
        tpu.vector_store_idx %arg6[%add3A_2976], %broadcast_in_dim3A_3 {add = true} : memref<256xf32, #tpu.memory_space<vmem>>[vector<16xi32>], vector<16xf32>,
        tpu.vector_store_idx %arg6[%add3A_2980], %broadcast_in_dim3A_3 {add = true} : memref<256xf32, #tpu.memory_space<vmem>>[vector<16xi32>], vector<16xf32>,
        tpu.vector_store_idx %arg6[%add3A_2981], %broadcast_in_dim3A_3 {add = true} : memref<256xf32, #tpu.memory_space<vmem>>[vector<16xi32>], vector<16xf32>,
        tpu.vector_store_idx %arg6[%add3A_2982], %broadcast_in_dim3A_3 {add = true} : memref<256xf32, #tpu.memory_space<vmem>>[vector<16xi32>], vector<16xf32>,
        tpu.vector_store_idx %arg6[%add3A_2983], %broadcast_in_dim3A_3 {add = true} : memref<256xf32, #tpu.memory_space<vmem>>[vector<16xi32>], vector<16xf32>,
        tpu.vector_store_idx %arg6[%add3A_2987], %broadcast_in_dim3A_3 {add = true} : memref<256xf32, #tpu.memory_space<vmem>>[vector<16xi32>], vector<16xf32>,
        tpu.vector_store_idx %arg6[%add3A_2988], %broadcast_in_dim3A_3 {add = true} : memref<256xf32, #tpu.memory_space<vmem>>[vector<16xi32>], vector<16xf32>,
        tpu.vector_store_idx %arg6[%add3A_2989], %broadcast_in_dim3A_3 {add = true} : memref<256xf32, #tpu.memory_space<vmem>>[vector<16xi32>], vector<16xf32>,
        tpu.vector_store_idx %arg6[%add3A_2990], %broadcast_in_dim3A_3 {add = true} : memref<256xf32, #tpu.memory_space<vmem>>[vector<16xi32>], vector<16xf32>,
        tpu.vector_store_idx %arg6[%add3A_2994], %broadcast_in_dim3A_3 {add = true} : memref<256xf32, #tpu.memory_space<vmem>>[vector<16xi32>], vector<16xf32>,
        tpu.vector_store_idx %arg6[%add3A_2995], %broadcast_in_dim3A_3 {add = true} : memref<256xf32, #tpu.memory_space<vmem>>[vector<16xi32>], vector<16xf32>,
        tpu.vector_store_idx %arg6[%add3A_2996], %broadcast_in_dim3A_3 {add = true} : memref<256xf32, #tpu.memory_space<vmem>>[vector<16xi32>], vector<16xf32>,
        tpu.vector_store_idx %arg6[%add3A_2997], %broadcast_in_dim3A_3 {add = true} : memref<256xf32, #tpu.memory_space<vmem>>[vector<16xi32>], vector<16xf32>,
        %mul3A_3072 = arith.constant 16 : i32
        %mul3A_3073 = vector.broadcast %mul3A_3072 : i32 to vector<16xi32>
        %mul3A_3074 = arith.muli %get3A_3001, %mul3A_3073 : vector<16xi32>
        %add3A_3075 = arith.addi %mul3A_3074, %get3A_3029 : vector<16xi32>
        %add3A_3076 = arith.addi %mul3A_3074, %get3A_3053 : vector<16xi32>
        %add3A_3077 = arith.addi %mul3A_3074, %get3A_3017 : vector<16xi32>
        %add3A_3078 = arith.addi %mul3A_3074, %get3A_3023 : vector<16xi32>
        %mul3A_3079 = arith.constant 16 : i32
        %mul3A_3080 = vector.broadcast %mul3A_3079 : i32 to vector<16xi32>
        %mul3A_3081 = arith.muli %get3A_3005, %mul3A_3080 : vector<16xi32>
        %add3A_3082 = arith.addi %mul3A_3081, %get3A_3035 : vector<16xi32>
        %add3A_3083 = arith.addi %mul3A_3081, %get3A_3059 : vector<16xi32>
        %add3A_3084 = arith.addi %mul3A_3081, %get3A_3001 : vector<16xi32>
        %add3A_3085 = arith.addi %mul3A_3081, %get3A_3029 : vector<16xi32>
        %mul3A_3086 = arith.constant 16 : i32
        %mul3A_3087 = vector.broadcast %mul3A_3086 : i32 to vector<16xi32>
        %mul3A_3088 = arith.muli %get3A_3009, %mul3A_3087 : vector<16xi32>
        %add3A_3089 = arith.addi %mul3A_3088, %get3A_3041 : vector<16xi32>
        %add3A_3090 = arith.addi %mul3A_3088, %get3A_3065 : vector<16xi32>
        %add3A_3091 = arith.addi %mul3A_3088, %get3A_3005 : vector<16xi32>
        %add3A_3092 = arith.addi %mul3A_3088, %get3A_3035 : vector<16xi32>
        %mul3A_3093 = arith.constant 16 : i32
        %mul3A_3094 = vector.broadcast %mul3A_3093 : i32 to vector<16xi32>
        %mul3A_3095 = arith.muli %get3A_3013, %mul3A_3094 : vector<16xi32>
        %add3A_3096 = arith.addi %mul3A_3095, %get3A_3047 : vector<16xi32>
        %add3A_3097 = arith.addi %mul3A_3095, %get3A_3071 : vector<16xi32>
        %add3A_3098 = arith.addi %mul3A_3095, %get3A_3009 : vector<16xi32>
        %add3A_3099 = arith.addi %mul3A_3095, %get3A_3041 : vector<16xi32>
        %add3A_3100 = arith.constant 160 : i32
        %add3A_3101 = arith.addi %mul3A_2072, %add3A_3100 : i32
        %get3A_3102 = arith.index_cast %add3A_3101 : i32 to index
        %get3A_3103 = tpu.vector_load %arg5[%get3A_3102] {strides = array<i32>} : memref<50176xi32, #tpu.memory_space<vmem>>, vector<16xi32>,
        %add3A_3104 = arith.constant 160 : i32
        %add3A_3105 = arith.addi %mul3A_2078, %add3A_3104 : i32
        %get3A_3106 = arith.index_cast %add3A_3105 : i32 to index
        %get3A_3107 = tpu.vector_load %arg5[%get3A_3106] {strides = array<i32>} : memref<50176xi32, #tpu.memory_space<vmem>>, vector<16xi32>,
        %add3A_3108 = arith.constant 160 : i32
        %add3A_3109 = arith.addi %mul3A_2084, %add3A_3108 : i32
        %get3A_3110 = arith.index_cast %add3A_3109 : i32 to index
        %get3A_3111 = tpu.vector_load %arg5[%get3A_3110] {strides = array<i32>} : memref<50176xi32, #tpu.memory_space<vmem>>, vector<16xi32>,
        %add3A_3112 = arith.constant 160 : i32
        %add3A_3113 = arith.addi %mul3A_2090, %add3A_3112 : i32
        %get3A_3114 = arith.index_cast %add3A_3113 : i32 to index
        %get3A_3115 = tpu.vector_load %arg5[%get3A_3114] {strides = array<i32>} : memref<50176xi32, #tpu.memory_space<vmem>>, vector<16xi32>,
        %add3A_3116 = arith.constant 160 : i32
        %add3A_3117 = arith.addi %select_n3A_2095, %add3A_3116 : i32
        %get3A_3118 = arith.index_cast %add3A_3117 : i32 to index
        %get3A_3119 = tpu.vector_load %arg5[%get3A_3118] {strides = array<i32>} : memref<50176xi32, #tpu.memory_space<vmem>>, vector<16xi32>,
        %add3A_3120 = arith.constant 160 : i32
        %add3A_3121 = arith.addi %select_n3A_2095, %add3A_3120 : i32
        %sub3A_3122 = arith.constant 1 : i32
        %sub3A_3123 = arith.subi %add3A_3121, %sub3A_3122 : i32
        %get3A_3124 = arith.index_cast %sub3A_3123 : i32 to index
        %get3A_3125 = tpu.vector_load %arg5[%get3A_3124] {strides = array<i32>} : memref<50176xi32, #tpu.memory_space<vmem>>, vector<16xi32>,
        %add3A_3126 = arith.constant 160 : i32
        %add3A_3127 = arith.addi %mul3A_2072, %add3A_3126 : i32
        %sub3A_3128 = arith.constant 1 : i32
        %sub3A_3129 = arith.subi %add3A_3127, %sub3A_3128 : i32
        %get3A_3130 = arith.index_cast %sub3A_3129 : i32 to index
        %get3A_3131 = tpu.vector_load %arg5[%get3A_3130] {strides = array<i32>} : memref<50176xi32, #tpu.memory_space<vmem>>, vector<16xi32>,
        %add3A_3132 = arith.constant 160 : i32
        %add3A_3133 = arith.addi %mul3A_2078, %add3A_3132 : i32
        %sub3A_3134 = arith.constant 1 : i32
        %sub3A_3135 = arith.subi %add3A_3133, %sub3A_3134 : i32
        %get3A_3136 = arith.index_cast %sub3A_3135 : i32 to index
        %get3A_3137 = tpu.vector_load %arg5[%get3A_3136] {strides = array<i32>} : memref<50176xi32, #tpu.memory_space<vmem>>, vector<16xi32>,
        %add3A_3138 = arith.constant 160 : i32
        %add3A_3139 = arith.addi %mul3A_2084, %add3A_3138 : i32
        %sub3A_3140 = arith.constant 1 : i32
        %sub3A_3141 = arith.subi %add3A_3139, %sub3A_3140 : i32
        %get3A_3142 = arith.index_cast %sub3A_3141 : i32 to index
        %get3A_3143 = tpu.vector_load %arg5[%get3A_3142] {strides = array<i32>} : memref<50176xi32, #tpu.memory_space<vmem>>, vector<16xi32>,
        %add3A_3144 = arith.constant 160 : i32
        %add3A_3145 = arith.addi %mul3A_2090, %add3A_3144 : i32
        %sub3A_3146 = arith.constant 1 : i32
        %sub3A_3147 = arith.subi %add3A_3145, %sub3A_3146 : i32
        %get3A_3148 = arith.index_cast %sub3A_3147 : i32 to index
        %get3A_3149 = tpu.vector_load %arg5[%get3A_3148] {strides = array<i32>} : memref<50176xi32, #tpu.memory_space<vmem>>, vector<16xi32>,
        %add3A_3150 = arith.constant 160 : i32
        %add3A_3151 = arith.addi %select_n3A_2095, %add3A_3150 : i32
        %add3A_3152 = arith.constant 1 : i32
        %add3A_3153 = arith.addi %add3A_3151, %add3A_3152 : i32
        %get3A_3154 = arith.index_cast %add3A_3153 : i32 to index
        %get3A_3155 = tpu.vector_load %arg5[%get3A_3154] {strides = array<i32>} : memref<50176xi32, #tpu.memory_space<vmem>>, vector<16xi32>,
        %add3A_3156 = arith.constant 160 : i32
        %add3A_3157 = arith.addi %mul3A_2072, %add3A_3156 : i32
        %add3A_3158 = arith.constant 1 : i32
        %add3A_3159 = arith.addi %add3A_3157, %add3A_3158 : i32
        %get3A_3160 = arith.index_cast %add3A_3159 : i32 to index
        %get3A_3161 = tpu.vector_load %arg5[%get3A_3160] {strides = array<i32>} : memref<50176xi32, #tpu.memory_space<vmem>>, vector<16xi32>,
        %add3A_3162 = arith.constant 160 : i32
        %add3A_3163 = arith.addi %mul3A_2078, %add3A_3162 : i32
        %add3A_3164 = arith.constant 1 : i32
        %add3A_3165 = arith.addi %add3A_3163, %add3A_3164 : i32
        %get3A_3166 = arith.index_cast %add3A_3165 : i32 to index
        %get3A_3167 = tpu.vector_load %arg5[%get3A_3166] {strides = array<i32>} : memref<50176xi32, #tpu.memory_space<vmem>>, vector<16xi32>,
        %add3A_3168 = arith.constant 160 : i32
        %add3A_3169 = arith.addi %mul3A_2084, %add3A_3168 : i32
        %add3A_3170 = arith.constant 1 : i32
        %add3A_3171 = arith.addi %add3A_3169, %add3A_3170 : i32
        %get3A_3172 = arith.index_cast %add3A_3171 : i32 to index
        %get3A_3173 = tpu.vector_load %arg5[%get3A_3172] {strides = array<i32>} : memref<50176xi32, #tpu.memory_space<vmem>>, vector<16xi32>,
        tpu.vector_store_idx %arg6[%add3A_3075], %broadcast_in_dim3A_3 {add = true} : memref<256xf32, #tpu.memory_space<vmem>>[vector<16xi32>], vector<16xf32>,
        tpu.vector_store_idx %arg6[%add3A_3076], %broadcast_in_dim3A_3 {add = true} : memref<256xf32, #tpu.memory_space<vmem>>[vector<16xi32>], vector<16xf32>,
        tpu.vector_store_idx %arg6[%add3A_3077], %broadcast_in_dim3A_3 {add = true} : memref<256xf32, #tpu.memory_space<vmem>>[vector<16xi32>], vector<16xf32>,
        tpu.vector_store_idx %arg6[%add3A_3078], %broadcast_in_dim3A_3 {add = true} : memref<256xf32, #tpu.memory_space<vmem>>[vector<16xi32>], vector<16xf32>,
        tpu.vector_store_idx %arg6[%add3A_3082], %broadcast_in_dim3A_3 {add = true} : memref<256xf32, #tpu.memory_space<vmem>>[vector<16xi32>], vector<16xf32>,
        tpu.vector_store_idx %arg6[%add3A_3083], %broadcast_in_dim3A_3 {add = true} : memref<256xf32, #tpu.memory_space<vmem>>[vector<16xi32>], vector<16xf32>,
        tpu.vector_store_idx %arg6[%add3A_3084], %broadcast_in_dim3A_3 {add = true} : memref<256xf32, #tpu.memory_space<vmem>>[vector<16xi32>], vector<16xf32>,
        tpu.vector_store_idx %arg6[%add3A_3085], %broadcast_in_dim3A_3 {add = true} : memref<256xf32, #tpu.memory_space<vmem>>[vector<16xi32>], vector<16xf32>,
        tpu.vector_store_idx %arg6[%add3A_3089], %broadcast_in_dim3A_3 {add = true} : memref<256xf32, #tpu.memory_space<vmem>>[vector<16xi32>], vector<16xf32>,
        tpu.vector_store_idx %arg6[%add3A_3090], %broadcast_in_dim3A_3 {add = true} : memref<256xf32, #tpu.memory_space<vmem>>[vector<16xi32>], vector<16xf32>,
        tpu.vector_store_idx %arg6[%add3A_3091], %broadcast_in_dim3A_3 {add = true} : memref<256xf32, #tpu.memory_space<vmem>>[vector<16xi32>], vector<16xf32>,
        tpu.vector_store_idx %arg6[%add3A_3092], %broadcast_in_dim3A_3 {add = true} : memref<256xf32, #tpu.memory_space<vmem>>[vector<16xi32>], vector<16xf32>,
        tpu.vector_store_idx %arg6[%add3A_3096], %broadcast_in_dim3A_3 {add = true} : memref<256xf32, #tpu.memory_space<vmem>>[vector<16xi32>], vector<16xf32>,
        tpu.vector_store_idx %arg6[%add3A_3097], %broadcast_in_dim3A_3 {add = true} : memref<256xf32, #tpu.memory_space<vmem>>[vector<16xi32>], vector<16xf32>,
        tpu.vector_store_idx %arg6[%add3A_3098], %broadcast_in_dim3A_3 {add = true} : memref<256xf32, #tpu.memory_space<vmem>>[vector<16xi32>], vector<16xf32>,
        tpu.vector_store_idx %arg6[%add3A_3099], %broadcast_in_dim3A_3 {add = true} : memref<256xf32, #tpu.memory_space<vmem>>[vector<16xi32>], vector<16xf32>,
        %mul3A_3174 = arith.constant 16 : i32
        %mul3A_3175 = vector.broadcast %mul3A_3174 : i32 to vector<16xi32>
        %mul3A_3176 = arith.muli %get3A_3103, %mul3A_3175 : vector<16xi32>
        %add3A_3177 = arith.addi %mul3A_3176, %get3A_3131 : vector<16xi32>
        %add3A_3178 = arith.addi %mul3A_3176, %get3A_3155 : vector<16xi32>
        %add3A_3179 = arith.addi %mul3A_3176, %get3A_3119 : vector<16xi32>
        %add3A_3180 = arith.addi %mul3A_3176, %get3A_3125 : vector<16xi32>
        %mul3A_3181 = arith.constant 16 : i32
        %mul3A_3182 = vector.broadcast %mul3A_3181 : i32 to vector<16xi32>
        %mul3A_3183 = arith.muli %get3A_3107, %mul3A_3182 : vector<16xi32>
        %add3A_3184 = arith.addi %mul3A_3183, %get3A_3137 : vector<16xi32>
        %add3A_3185 = arith.addi %mul3A_3183, %get3A_3161 : vector<16xi32>
        %add3A_3186 = arith.addi %mul3A_3183, %get3A_3103 : vector<16xi32>
        %add3A_3187 = arith.addi %mul3A_3183, %get3A_3131 : vector<16xi32>
        %mul3A_3188 = arith.constant 16 : i32
        %mul3A_3189 = vector.broadcast %mul3A_3188 : i32 to vector<16xi32>
        %mul3A_3190 = arith.muli %get3A_3111, %mul3A_3189 : vector<16xi32>
        %add3A_3191 = arith.addi %mul3A_3190, %get3A_3143 : vector<16xi32>
        %add3A_3192 = arith.addi %mul3A_3190, %get3A_3167 : vector<16xi32>
        %add3A_3193 = arith.addi %mul3A_3190, %get3A_3107 : vector<16xi32>
        %add3A_3194 = arith.addi %mul3A_3190, %get3A_3137 : vector<16xi32>
        %mul3A_3195 = arith.constant 16 : i32
        %mul3A_3196 = vector.broadcast %mul3A_3195 : i32 to vector<16xi32>
        %mul3A_3197 = arith.muli %get3A_3115, %mul3A_3196 : vector<16xi32>
        %add3A_3198 = arith.addi %mul3A_3197, %get3A_3149 : vector<16xi32>
        %add3A_3199 = arith.addi %mul3A_3197, %get3A_3173 : vector<16xi32>
        %add3A_3200 = arith.addi %mul3A_3197, %get3A_3111 : vector<16xi32>
        %add3A_3201 = arith.addi %mul3A_3197, %get3A_3143 : vector<16xi32>
        %add3A_3202 = arith.constant 176 : i32
        %add3A_3203 = arith.addi %mul3A_2072, %add3A_3202 : i32
        %get3A_3204 = arith.index_cast %add3A_3203 : i32 to index
        %get3A_3205 = tpu.vector_load %arg5[%get3A_3204] {strides = array<i32>} : memref<50176xi32, #tpu.memory_space<vmem>>, vector<16xi32>,
        %add3A_3206 = arith.constant 176 : i32
        %add3A_3207 = arith.addi %mul3A_2078, %add3A_3206 : i32
        %get3A_3208 = arith.index_cast %add3A_3207 : i32 to index
        %get3A_3209 = tpu.vector_load %arg5[%get3A_3208] {strides = array<i32>} : memref<50176xi32, #tpu.memory_space<vmem>>, vector<16xi32>,
        %add3A_3210 = arith.constant 176 : i32
        %add3A_3211 = arith.addi %mul3A_2084, %add3A_3210 : i32
        %get3A_3212 = arith.index_cast %add3A_3211 : i32 to index
        %get3A_3213 = tpu.vector_load %arg5[%get3A_3212] {strides = array<i32>} : memref<50176xi32, #tpu.memory_space<vmem>>, vector<16xi32>,
        %add3A_3214 = arith.constant 176 : i32
        %add3A_3215 = arith.addi %mul3A_2090, %add3A_3214 : i32
        %get3A_3216 = arith.index_cast %add3A_3215 : i32 to index
        %get3A_3217 = tpu.vector_load %arg5[%get3A_3216] {strides = array<i32>} : memref<50176xi32, #tpu.memory_space<vmem>>, vector<16xi32>,
        %add3A_3218 = arith.constant 176 : i32
        %add3A_3219 = arith.addi %select_n3A_2095, %add3A_3218 : i32
        %get3A_3220 = arith.index_cast %add3A_3219 : i32 to index
        %get3A_3221 = tpu.vector_load %arg5[%get3A_3220] {strides = array<i32>} : memref<50176xi32, #tpu.memory_space<vmem>>, vector<16xi32>,
        %add3A_3222 = arith.constant 176 : i32
        %add3A_3223 = arith.addi %select_n3A_2095, %add3A_3222 : i32
        %sub3A_3224 = arith.constant 1 : i32
        %sub3A_3225 = arith.subi %add3A_3223, %sub3A_3224 : i32
        %get3A_3226 = arith.index_cast %sub3A_3225 : i32 to index
        %get3A_3227 = tpu.vector_load %arg5[%get3A_3226] {strides = array<i32>} : memref<50176xi32, #tpu.memory_space<vmem>>, vector<16xi32>,
        %add3A_3228 = arith.constant 176 : i32
        %add3A_3229 = arith.addi %mul3A_2072, %add3A_3228 : i32
        %sub3A_3230 = arith.constant 1 : i32
        %sub3A_3231 = arith.subi %add3A_3229, %sub3A_3230 : i32
        %get3A_3232 = arith.index_cast %sub3A_3231 : i32 to index
        %get3A_3233 = tpu.vector_load %arg5[%get3A_3232] {strides = array<i32>} : memref<50176xi32, #tpu.memory_space<vmem>>, vector<16xi32>,
        %add3A_3234 = arith.constant 176 : i32
        %add3A_3235 = arith.addi %mul3A_2078, %add3A_3234 : i32
        %sub3A_3236 = arith.constant 1 : i32
        %sub3A_3237 = arith.subi %add3A_3235, %sub3A_3236 : i32
        %get3A_3238 = arith.index_cast %sub3A_3237 : i32 to index
        %get3A_3239 = tpu.vector_load %arg5[%get3A_3238] {strides = array<i32>} : memref<50176xi32, #tpu.memory_space<vmem>>, vector<16xi32>,
        %add3A_3240 = arith.constant 176 : i32
        %add3A_3241 = arith.addi %mul3A_2084, %add3A_3240 : i32
        %sub3A_3242 = arith.constant 1 : i32
        %sub3A_3243 = arith.subi %add3A_3241, %sub3A_3242 : i32
        %get3A_3244 = arith.index_cast %sub3A_3243 : i32 to index
        %get3A_3245 = tpu.vector_load %arg5[%get3A_3244] {strides = array<i32>} : memref<50176xi32, #tpu.memory_space<vmem>>, vector<16xi32>,
        %add3A_3246 = arith.constant 176 : i32
        %add3A_3247 = arith.addi %mul3A_2090, %add3A_3246 : i32
        %sub3A_3248 = arith.constant 1 : i32
        %sub3A_3249 = arith.subi %add3A_3247, %sub3A_3248 : i32
        %get3A_3250 = arith.index_cast %sub3A_3249 : i32 to index
        %get3A_3251 = tpu.vector_load %arg5[%get3A_3250] {strides = array<i32>} : memref<50176xi32, #tpu.memory_space<vmem>>, vector<16xi32>,
        %add3A_3252 = arith.constant 176 : i32
        %add3A_3253 = arith.addi %select_n3A_2095, %add3A_3252 : i32
        %add3A_3254 = arith.constant 1 : i32
        %add3A_3255 = arith.addi %add3A_3253, %add3A_3254 : i32
        %get3A_3256 = arith.index_cast %add3A_3255 : i32 to index
        %get3A_3257 = tpu.vector_load %arg5[%get3A_3256] {strides = array<i32>} : memref<50176xi32, #tpu.memory_space<vmem>>, vector<16xi32>,
        %add3A_3258 = arith.constant 176 : i32
        %add3A_3259 = arith.addi %mul3A_2072, %add3A_3258 : i32
        %add3A_3260 = arith.constant 1 : i32
        %add3A_3261 = arith.addi %add3A_3259, %add3A_3260 : i32
        %get3A_3262 = arith.index_cast %add3A_3261 : i32 to index
        %get3A_3263 = tpu.vector_load %arg5[%get3A_3262] {strides = array<i32>} : memref<50176xi32, #tpu.memory_space<vmem>>, vector<16xi32>,
        %add3A_3264 = arith.constant 176 : i32
        %add3A_3265 = arith.addi %mul3A_2078, %add3A_3264 : i32
        %add3A_3266 = arith.constant 1 : i32
        %add3A_3267 = arith.addi %add3A_3265, %add3A_3266 : i32
        %get3A_3268 = arith.index_cast %add3A_3267 : i32 to index
        %get3A_3269 = tpu.vector_load %arg5[%get3A_3268] {strides = array<i32>} : memref<50176xi32, #tpu.memory_space<vmem>>, vector<16xi32>,
        %add3A_3270 = arith.constant 176 : i32
        %add3A_3271 = arith.addi %mul3A_2084, %add3A_3270 : i32
        %add3A_3272 = arith.constant 1 : i32
        %add3A_3273 = arith.addi %add3A_3271, %add3A_3272 : i32
        %get3A_3274 = arith.index_cast %add3A_3273 : i32 to index
        %get3A_3275 = tpu.vector_load %arg5[%get3A_3274] {strides = array<i32>} : memref<50176xi32, #tpu.memory_space<vmem>>, vector<16xi32>,
        tpu.vector_store_idx %arg6[%add3A_3177], %broadcast_in_dim3A_3 {add = true} : memref<256xf32, #tpu.memory_space<vmem>>[vector<16xi32>], vector<16xf32>,
        tpu.vector_store_idx %arg6[%add3A_3178], %broadcast_in_dim3A_3 {add = true} : memref<256xf32, #tpu.memory_space<vmem>>[vector<16xi32>], vector<16xf32>,
        tpu.vector_store_idx %arg6[%add3A_3179], %broadcast_in_dim3A_3 {add = true} : memref<256xf32, #tpu.memory_space<vmem>>[vector<16xi32>], vector<16xf32>,
        tpu.vector_store_idx %arg6[%add3A_3180], %broadcast_in_dim3A_3 {add = true} : memref<256xf32, #tpu.memory_space<vmem>>[vector<16xi32>], vector<16xf32>,
        tpu.vector_store_idx %arg6[%add3A_3184], %broadcast_in_dim3A_3 {add = true} : memref<256xf32, #tpu.memory_space<vmem>>[vector<16xi32>], vector<16xf32>,
        tpu.vector_store_idx %arg6[%add3A_3185], %broadcast_in_dim3A_3 {add = true} : memref<256xf32, #tpu.memory_space<vmem>>[vector<16xi32>], vector<16xf32>,
        tpu.vector_store_idx %arg6[%add3A_3186], %broadcast_in_dim3A_3 {add = true} : memref<256xf32, #tpu.memory_space<vmem>>[vector<16xi32>], vector<16xf32>,
        tpu.vector_store_idx %arg6[%add3A_3187], %broadcast_in_dim3A_3 {add = true} : memref<256xf32, #tpu.memory_space<vmem>>[vector<16xi32>], vector<16xf32>,
        tpu.vector_store_idx %arg6[%add3A_3191], %broadcast_in_dim3A_3 {add = true} : memref<256xf32, #tpu.memory_space<vmem>>[vector<16xi32>], vector<16xf32>,
        tpu.vector_store_idx %arg6[%add3A_3192], %broadcast_in_dim3A_3 {add = true} : memref<256xf32, #tpu.memory_space<vmem>>[vector<16xi32>], vector<16xf32>,
        tpu.vector_store_idx %arg6[%add3A_3193], %broadcast_in_dim3A_3 {add = true} : memref<256xf32, #tpu.memory_space<vmem>>[vector<16xi32>], vector<16xf32>,
        tpu.vector_store_idx %arg6[%add3A_3194], %broadcast_in_dim3A_3 {add = true} : memref<256xf32, #tpu.memory_space<vmem>>[vector<16xi32>], vector<16xf32>,
        tpu.vector_store_idx %arg6[%add3A_3198], %broadcast_in_dim3A_3 {add = true} : memref<256xf32, #tpu.memory_space<vmem>>[vector<16xi32>], vector<16xf32>,
        tpu.vector_store_idx %arg6[%add3A_3199], %broadcast_in_dim3A_3 {add = true} : memref<256xf32, #tpu.memory_space<vmem>>[vector<16xi32>], vector<16xf32>,
        tpu.vector_store_idx %arg6[%add3A_3200], %broadcast_in_dim3A_3 {add = true} : memref<256xf32, #tpu.memory_space<vmem>>[vector<16xi32>], vector<16xf32>,
        tpu.vector_store_idx %arg6[%add3A_3201], %broadcast_in_dim3A_3 {add = true} : memref<256xf32, #tpu.memory_space<vmem>>[vector<16xi32>], vector<16xf32>,
        %mul3A_3276 = arith.constant 16 : i32
        %mul3A_3277 = vector.broadcast %mul3A_3276 : i32 to vector<16xi32>
        %mul3A_3278 = arith.muli %get3A_3205, %mul3A_3277 : vector<16xi32>
        %add3A_3279 = arith.addi %mul3A_3278, %get3A_3233 : vector<16xi32>
        %add3A_3280 = arith.addi %mul3A_3278, %get3A_3257 : vector<16xi32>
        %add3A_3281 = arith.addi %mul3A_3278, %get3A_3221 : vector<16xi32>
        %add3A_3282 = arith.addi %mul3A_3278, %get3A_3227 : vector<16xi32>
        %mul3A_3283 = arith.constant 16 : i32
        %mul3A_3284 = vector.broadcast %mul3A_3283 : i32 to vector<16xi32>
        %mul3A_3285 = arith.muli %get3A_3209, %mul3A_3284 : vector<16xi32>
        %add3A_3286 = arith.addi %mul3A_3285, %get3A_3239 : vector<16xi32>
        %add3A_3287 = arith.addi %mul3A_3285, %get3A_3263 : vector<16xi32>
        %add3A_3288 = arith.addi %mul3A_3285, %get3A_3205 : vector<16xi32>
        %add3A_3289 = arith.addi %mul3A_3285, %get3A_3233 : vector<16xi32>
        %mul3A_3290 = arith.constant 16 : i32
        %mul3A_3291 = vector.broadcast %mul3A_3290 : i32 to vector<16xi32>
        %mul3A_3292 = arith.muli %get3A_3213, %mul3A_3291 : vector<16xi32>
        %add3A_3293 = arith.addi %mul3A_3292, %get3A_3245 : vector<16xi32>
        %add3A_3294 = arith.addi %mul3A_3292, %get3A_3269 : vector<16xi32>
        %add3A_3295 = arith.addi %mul3A_3292, %get3A_3209 : vector<16xi32>
        %add3A_3296 = arith.addi %mul3A_3292, %get3A_3239 : vector<16xi32>
        %mul3A_3297 = arith.constant 16 : i32
        %mul3A_3298 = vector.broadcast %mul3A_3297 : i32 to vector<16xi32>
        %mul3A_3299 = arith.muli %get3A_3217, %mul3A_3298 : vector<16xi32>
        %add3A_3300 = arith.addi %mul3A_3299, %get3A_3251 : vector<16xi32>
        %add3A_3301 = arith.addi %mul3A_3299, %get3A_3275 : vector<16xi32>
        %add3A_3302 = arith.addi %mul3A_3299, %get3A_3213 : vector<16xi32>
        %add3A_3303 = arith.addi %mul3A_3299, %get3A_3245 : vector<16xi32>
        %add3A_3304 = arith.constant 192 : i32
        %add3A_3305 = arith.addi %mul3A_2072, %add3A_3304 : i32
        %get3A_3306 = arith.index_cast %add3A_3305 : i32 to index
        %get3A_3307 = tpu.vector_load %arg5[%get3A_3306] {strides = array<i32>} : memref<50176xi32, #tpu.memory_space<vmem>>, vector<16xi32>,
        %add3A_3308 = arith.constant 192 : i32
        %add3A_3309 = arith.addi %mul3A_2078, %add3A_3308 : i32
        %get3A_3310 = arith.index_cast %add3A_3309 : i32 to index
        %get3A_3311 = tpu.vector_load %arg5[%get3A_3310] {strides = array<i32>} : memref<50176xi32, #tpu.memory_space<vmem>>, vector<16xi32>,
        %add3A_3312 = arith.constant 192 : i32
        %add3A_3313 = arith.addi %mul3A_2084, %add3A_3312 : i32
        %get3A_3314 = arith.index_cast %add3A_3313 : i32 to index
        %get3A_3315 = tpu.vector_load %arg5[%get3A_3314] {strides = array<i32>} : memref<50176xi32, #tpu.memory_space<vmem>>, vector<16xi32>,
        %add3A_3316 = arith.constant 192 : i32
        %add3A_3317 = arith.addi %mul3A_2090, %add3A_3316 : i32
        %get3A_3318 = arith.index_cast %add3A_3317 : i32 to index
        %get3A_3319 = tpu.vector_load %arg5[%get3A_3318] {strides = array<i32>} : memref<50176xi32, #tpu.memory_space<vmem>>, vector<16xi32>,
        %add3A_3320 = arith.constant 192 : i32
        %add3A_3321 = arith.addi %select_n3A_2095, %add3A_3320 : i32
        %get3A_3322 = arith.index_cast %add3A_3321 : i32 to index
        %get3A_3323 = tpu.vector_load %arg5[%get3A_3322] {strides = array<i32>} : memref<50176xi32, #tpu.memory_space<vmem>>, vector<16xi32>,
        %add3A_3324 = arith.constant 192 : i32
        %add3A_3325 = arith.addi %select_n3A_2095, %add3A_3324 : i32
        %sub3A_3326 = arith.constant 1 : i32
        %sub3A_3327 = arith.subi %add3A_3325, %sub3A_3326 : i32
        %get3A_3328 = arith.index_cast %sub3A_3327 : i32 to index
        %get3A_3329 = tpu.vector_load %arg5[%get3A_3328] {strides = array<i32>} : memref<50176xi32, #tpu.memory_space<vmem>>, vector<16xi32>,
        %add3A_3330 = arith.constant 192 : i32
        %add3A_3331 = arith.addi %mul3A_2072, %add3A_3330 : i32
        %sub3A_3332 = arith.constant 1 : i32
        %sub3A_3333 = arith.subi %add3A_3331, %sub3A_3332 : i32
        %get3A_3334 = arith.index_cast %sub3A_3333 : i32 to index
        %get3A_3335 = tpu.vector_load %arg5[%get3A_3334] {strides = array<i32>} : memref<50176xi32, #tpu.memory_space<vmem>>, vector<16xi32>,
        %add3A_3336 = arith.constant 192 : i32
        %add3A_3337 = arith.addi %mul3A_2078, %add3A_3336 : i32
        %sub3A_3338 = arith.constant 1 : i32
        %sub3A_3339 = arith.subi %add3A_3337, %sub3A_3338 : i32
        %get3A_3340 = arith.index_cast %sub3A_3339 : i32 to index
        %get3A_3341 = tpu.vector_load %arg5[%get3A_3340] {strides = array<i32>} : memref<50176xi32, #tpu.memory_space<vmem>>, vector<16xi32>,
        %add3A_3342 = arith.constant 192 : i32
        %add3A_3343 = arith.addi %mul3A_2084, %add3A_3342 : i32
        %sub3A_3344 = arith.constant 1 : i32
        %sub3A_3345 = arith.subi %add3A_3343, %sub3A_3344 : i32
        %get3A_3346 = arith.index_cast %sub3A_3345 : i32 to index
        %get3A_3347 = tpu.vector_load %arg5[%get3A_3346] {strides = array<i32>} : memref<50176xi32, #tpu.memory_space<vmem>>, vector<16xi32>,
        %add3A_3348 = arith.constant 192 : i32
        %add3A_3349 = arith.addi %mul3A_2090, %add3A_3348 : i32
        %sub3A_3350 = arith.constant 1 : i32
        %sub3A_3351 = arith.subi %add3A_3349, %sub3A_3350 : i32
        %get3A_3352 = arith.index_cast %sub3A_3351 : i32 to index
        %get3A_3353 = tpu.vector_load %arg5[%get3A_3352] {strides = array<i32>} : memref<50176xi32, #tpu.memory_space<vmem>>, vector<16xi32>,
        %add3A_3354 = arith.constant 192 : i32
        %add3A_3355 = arith.addi %select_n3A_2095, %add3A_3354 : i32
        %add3A_3356 = arith.constant 1 : i32
        %add3A_3357 = arith.addi %add3A_3355, %add3A_3356 : i32
        %get3A_3358 = arith.index_cast %add3A_3357 : i32 to index
        %get3A_3359 = tpu.vector_load %arg5[%get3A_3358] {strides = array<i32>} : memref<50176xi32, #tpu.memory_space<vmem>>, vector<16xi32>,
        %add3A_3360 = arith.constant 192 : i32
        %add3A_3361 = arith.addi %mul3A_2072, %add3A_3360 : i32
        %add3A_3362 = arith.constant 1 : i32
        %add3A_3363 = arith.addi %add3A_3361, %add3A_3362 : i32
        %get3A_3364 = arith.index_cast %add3A_3363 : i32 to index
        %get3A_3365 = tpu.vector_load %arg5[%get3A_3364] {strides = array<i32>} : memref<50176xi32, #tpu.memory_space<vmem>>, vector<16xi32>,
        %add3A_3366 = arith.constant 192 : i32
        %add3A_3367 = arith.addi %mul3A_2078, %add3A_3366 : i32
        %add3A_3368 = arith.constant 1 : i32
        %add3A_3369 = arith.addi %add3A_3367, %add3A_3368 : i32
        %get3A_3370 = arith.index_cast %add3A_3369 : i32 to index
        %get3A_3371 = tpu.vector_load %arg5[%get3A_3370] {strides = array<i32>} : memref<50176xi32, #tpu.memory_space<vmem>>, vector<16xi32>,
        %add3A_3372 = arith.constant 192 : i32
        %add3A_3373 = arith.addi %mul3A_2084, %add3A_3372 : i32
        %add3A_3374 = arith.constant 1 : i32
        %add3A_3375 = arith.addi %add3A_3373, %add3A_3374 : i32
        %get3A_3376 = arith.index_cast %add3A_3375 : i32 to index
        %get3A_3377 = tpu.vector_load %arg5[%get3A_3376] {strides = array<i32>} : memref<50176xi32, #tpu.memory_space<vmem>>, vector<16xi32>,
        tpu.vector_store_idx %arg6[%add3A_3279], %broadcast_in_dim3A_3 {add = true} : memref<256xf32, #tpu.memory_space<vmem>>[vector<16xi32>], vector<16xf32>,
        tpu.vector_store_idx %arg6[%add3A_3280], %broadcast_in_dim3A_3 {add = true} : memref<256xf32, #tpu.memory_space<vmem>>[vector<16xi32>], vector<16xf32>,
        tpu.vector_store_idx %arg6[%add3A_3281], %broadcast_in_dim3A_3 {add = true} : memref<256xf32, #tpu.memory_space<vmem>>[vector<16xi32>], vector<16xf32>,
        tpu.vector_store_idx %arg6[%add3A_3282], %broadcast_in_dim3A_3 {add = true} : memref<256xf32, #tpu.memory_space<vmem>>[vector<16xi32>], vector<16xf32>,
        tpu.vector_store_idx %arg6[%add3A_3286], %broadcast_in_dim3A_3 {add = true} : memref<256xf32, #tpu.memory_space<vmem>>[vector<16xi32>], vector<16xf32>,
        tpu.vector_store_idx %arg6[%add3A_3287], %broadcast_in_dim3A_3 {add = true} : memref<256xf32, #tpu.memory_space<vmem>>[vector<16xi32>], vector<16xf32>,
        tpu.vector_store_idx %arg6[%add3A_3288], %broadcast_in_dim3A_3 {add = true} : memref<256xf32, #tpu.memory_space<vmem>>[vector<16xi32>], vector<16xf32>,
        tpu.vector_store_idx %arg6[%add3A_3289], %broadcast_in_dim3A_3 {add = true} : memref<256xf32, #tpu.memory_space<vmem>>[vector<16xi32>], vector<16xf32>,
        tpu.vector_store_idx %arg6[%add3A_3293], %broadcast_in_dim3A_3 {add = true} : memref<256xf32, #tpu.memory_space<vmem>>[vector<16xi32>], vector<16xf32>,
        tpu.vector_store_idx %arg6[%add3A_3294], %broadcast_in_dim3A_3 {add = true} : memref<256xf32, #tpu.memory_space<vmem>>[vector<16xi32>], vector<16xf32>,
        tpu.vector_store_idx %arg6[%add3A_3295], %broadcast_in_dim3A_3 {add = true} : memref<256xf32, #tpu.memory_space<vmem>>[vector<16xi32>], vector<16xf32>,
        tpu.vector_store_idx %arg6[%add3A_3296], %broadcast_in_dim3A_3 {add = true} : memref<256xf32, #tpu.memory_space<vmem>>[vector<16xi32>], vector<16xf32>,
        tpu.vector_store_idx %arg6[%add3A_3300], %broadcast_in_dim3A_3 {add = true} : memref<256xf32, #tpu.memory_space<vmem>>[vector<16xi32>], vector<16xf32>,
        tpu.vector_store_idx %arg6[%add3A_3301], %broadcast_in_dim3A_3 {add = true} : memref<256xf32, #tpu.memory_space<vmem>>[vector<16xi32>], vector<16xf32>,
        tpu.vector_store_idx %arg6[%add3A_3302], %broadcast_in_dim3A_3 {add = true} : memref<256xf32, #tpu.memory_space<vmem>>[vector<16xi32>], vector<16xf32>,
        tpu.vector_store_idx %arg6[%add3A_3303], %broadcast_in_dim3A_3 {add = true} : memref<256xf32, #tpu.memory_space<vmem>>[vector<16xi32>], vector<16xf32>,
        %mul3A_3378 = arith.constant 16 : i32
        %mul3A_3379 = vector.broadcast %mul3A_3378 : i32 to vector<16xi32>
        %mul3A_3380 = arith.muli %get3A_3307, %mul3A_3379 : vector<16xi32>
        %add3A_3381 = arith.addi %mul3A_3380, %get3A_3335 : vector<16xi32>
        %add3A_3382 = arith.addi %mul3A_3380, %get3A_3359 : vector<16xi32>
        %add3A_3383 = arith.addi %mul3A_3380, %get3A_3323 : vector<16xi32>
        %add3A_3384 = arith.addi %mul3A_3380, %get3A_3329 : vector<16xi32>
        %mul3A_3385 = arith.constant 16 : i32
        %mul3A_3386 = vector.broadcast %mul3A_3385 : i32 to vector<16xi32>
        %mul3A_3387 = arith.muli %get3A_3311, %mul3A_3386 : vector<16xi32>
        %add3A_3388 = arith.addi %mul3A_3387, %get3A_3341 : vector<16xi32>
        %add3A_3389 = arith.addi %mul3A_3387, %get3A_3365 : vector<16xi32>
        %add3A_3390 = arith.addi %mul3A_3387, %get3A_3307 : vector<16xi32>
        %add3A_3391 = arith.addi %mul3A_3387, %get3A_3335 : vector<16xi32>
        %mul3A_3392 = arith.constant 16 : i32
        %mul3A_3393 = vector.broadcast %mul3A_3392 : i32 to vector<16xi32>
        %mul3A_3394 = arith.muli %get3A_3315, %mul3A_3393 : vector<16xi32>
        %add3A_3395 = arith.addi %mul3A_3394, %get3A_3347 : vector<16xi32>
        %add3A_3396 = arith.addi %mul3A_3394, %get3A_3371 : vector<16xi32>
        %add3A_3397 = arith.addi %mul3A_3394, %get3A_3311 : vector<16xi32>
        %add3A_3398 = arith.addi %mul3A_3394, %get3A_3341 : vector<16xi32>
        %mul3A_3399 = arith.constant 16 : i32
        %mul3A_3400 = vector.broadcast %mul3A_3399 : i32 to vector<16xi32>
        %mul3A_3401 = arith.muli %get3A_3319, %mul3A_3400 : vector<16xi32>
        %add3A_3402 = arith.addi %mul3A_3401, %get3A_3353 : vector<16xi32>
        %add3A_3403 = arith.addi %mul3A_3401, %get3A_3377 : vector<16xi32>
        %add3A_3404 = arith.addi %mul3A_3401, %get3A_3315 : vector<16xi32>
        %add3A_3405 = arith.addi %mul3A_3401, %get3A_3347 : vector<16xi32>
        %add3A_3406 = arith.constant 208 : i32
        %add3A_3407 = arith.addi %mul3A_2072, %add3A_3406 : i32
        %get3A_3408 = arith.index_cast %add3A_3407 : i32 to index
        %get3A_3409 = tpu.vector_load %arg5[%get3A_3408] {strides = array<i32>} : memref<50176xi32, #tpu.memory_space<vmem>>, vector<16xi32>,
        %add3A_3410 = arith.constant 208 : i32
        %add3A_3411 = arith.addi %mul3A_2078, %add3A_3410 : i32
        %get3A_3412 = arith.index_cast %add3A_3411 : i32 to index
        %get3A_3413 = tpu.vector_load %arg5[%get3A_3412] {strides = array<i32>} : memref<50176xi32, #tpu.memory_space<vmem>>, vector<16xi32>,
        %add3A_3414 = arith.constant 208 : i32
        %add3A_3415 = arith.addi %mul3A_2084, %add3A_3414 : i32
        %get3A_3416 = arith.index_cast %add3A_3415 : i32 to index
        %get3A_3417 = tpu.vector_load %arg5[%get3A_3416] {strides = array<i32>} : memref<50176xi32, #tpu.memory_space<vmem>>, vector<16xi32>,
        %add3A_3418 = arith.constant 208 : i32
        %add3A_3419 = arith.addi %mul3A_2090, %add3A_3418 : i32
        %get3A_3420 = arith.index_cast %add3A_3419 : i32 to index
        %get3A_3421 = tpu.vector_load %arg5[%get3A_3420] {strides = array<i32>} : memref<50176xi32, #tpu.memory_space<vmem>>, vector<16xi32>,
        %add3A_3422 = arith.constant 208 : i32
        %add3A_3423 = arith.addi %select_n3A_2095, %add3A_3422 : i32
        %get3A_3424 = arith.index_cast %add3A_3423 : i32 to index
        %get3A_3425 = tpu.vector_load %arg5[%get3A_3424] {strides = array<i32>} : memref<50176xi32, #tpu.memory_space<vmem>>, vector<16xi32>,
        %add3A_3426 = arith.constant 208 : i32
        %add3A_3427 = arith.addi %select_n3A_2095, %add3A_3426 : i32
        %sub3A_3428 = arith.constant 1 : i32
        %sub3A_3429 = arith.subi %add3A_3427, %sub3A_3428 : i32
        %get3A_3430 = arith.index_cast %sub3A_3429 : i32 to index
        %get3A_3431 = tpu.vector_load %arg5[%get3A_3430] {strides = array<i32>} : memref<50176xi32, #tpu.memory_space<vmem>>, vector<16xi32>,
        %add3A_3432 = arith.constant 208 : i32
        %add3A_3433 = arith.addi %mul3A_2072, %add3A_3432 : i32
        %sub3A_3434 = arith.constant 1 : i32
        %sub3A_3435 = arith.subi %add3A_3433, %sub3A_3434 : i32
        %get3A_3436 = arith.index_cast %sub3A_3435 : i32 to index
        %get3A_3437 = tpu.vector_load %arg5[%get3A_3436] {strides = array<i32>} : memref<50176xi32, #tpu.memory_space<vmem>>, vector<16xi32>,
        %add3A_3438 = arith.constant 208 : i32
        %add3A_3439 = arith.addi %mul3A_2078, %add3A_3438 : i32
        %sub3A_3440 = arith.constant 1 : i32
        %sub3A_3441 = arith.subi %add3A_3439, %sub3A_3440 : i32
        %get3A_3442 = arith.index_cast %sub3A_3441 : i32 to index
        %get3A_3443 = tpu.vector_load %arg5[%get3A_3442] {strides = array<i32>} : memref<50176xi32, #tpu.memory_space<vmem>>, vector<16xi32>,
        %add3A_3444 = arith.constant 208 : i32
        %add3A_3445 = arith.addi %mul3A_2084, %add3A_3444 : i32
        %sub3A_3446 = arith.constant 1 : i32
        %sub3A_3447 = arith.subi %add3A_3445, %sub3A_3446 : i32
        %get3A_3448 = arith.index_cast %sub3A_3447 : i32 to index
        %get3A_3449 = tpu.vector_load %arg5[%get3A_3448] {strides = array<i32>} : memref<50176xi32, #tpu.memory_space<vmem>>, vector<16xi32>,
        %add3A_3450 = arith.constant 208 : i32
        %add3A_3451 = arith.addi %mul3A_2090, %add3A_3450 : i32
        %sub3A_3452 = arith.constant 1 : i32
        %sub3A_3453 = arith.subi %add3A_3451, %sub3A_3452 : i32
        %get3A_3454 = arith.index_cast %sub3A_3453 : i32 to index
        %get3A_3455 = tpu.vector_load %arg5[%get3A_3454] {strides = array<i32>} : memref<50176xi32, #tpu.memory_space<vmem>>, vector<16xi32>,
        %add3A_3456 = vector.broadcast %select_n3A_2095 : i32 to vector<16xi32>
        %add3A_3457 = arith.addi %add3A_3456, %add3A_27 : vector<16xi32>
        %gather3A_3458 = tpu.vector_load_idx %arg5[%add3A_3457] : memref<50176xi32, #tpu.memory_space<vmem>>[vector<16xi32>], vector<16xi32>,
        %add3A_3459 = vector.broadcast %mul3A_2072 : i32 to vector<16xi32>
        %add3A_3460 = arith.addi %add3A_3459, %add3A_27 : vector<16xi32>
        %gather3A_3461 = tpu.vector_load_idx %arg5[%add3A_3460] : memref<50176xi32, #tpu.memory_space<vmem>>[vector<16xi32>], vector<16xi32>,
        %add3A_3462 = vector.broadcast %mul3A_2078 : i32 to vector<16xi32>
        %add3A_3463 = arith.addi %add3A_3462, %add3A_27 : vector<16xi32>
        %gather3A_3464 = tpu.vector_load_idx %arg5[%add3A_3463] : memref<50176xi32, #tpu.memory_space<vmem>>[vector<16xi32>], vector<16xi32>,
        %add3A_3465 = vector.broadcast %mul3A_2084 : i32 to vector<16xi32>
        %add3A_3466 = arith.addi %add3A_3465, %add3A_27 : vector<16xi32>
        %gather3A_3467 = tpu.vector_load_idx %arg5[%add3A_3466] : memref<50176xi32, #tpu.memory_space<vmem>>[vector<16xi32>], vector<16xi32>,
        tpu.vector_store_idx %arg6[%add3A_3381], %broadcast_in_dim3A_3 {add = true} : memref<256xf32, #tpu.memory_space<vmem>>[vector<16xi32>], vector<16xf32>,
        tpu.vector_store_idx %arg6[%add3A_3382], %broadcast_in_dim3A_3 {add = true} : memref<256xf32, #tpu.memory_space<vmem>>[vector<16xi32>], vector<16xf32>,
        tpu.vector_store_idx %arg6[%add3A_3383], %broadcast_in_dim3A_3 {add = true} : memref<256xf32, #tpu.memory_space<vmem>>[vector<16xi32>], vector<16xf32>,
        tpu.vector_store_idx %arg6[%add3A_3384], %broadcast_in_dim3A_3 {add = true} : memref<256xf32, #tpu.memory_space<vmem>>[vector<16xi32>], vector<16xf32>,
        tpu.vector_store_idx %arg6[%add3A_3388], %broadcast_in_dim3A_3 {add = true} : memref<256xf32, #tpu.memory_space<vmem>>[vector<16xi32>], vector<16xf32>,
        tpu.vector_store_idx %arg6[%add3A_3389], %broadcast_in_dim3A_3 {add = true} : memref<256xf32, #tpu.memory_space<vmem>>[vector<16xi32>], vector<16xf32>,
        tpu.vector_store_idx %arg6[%add3A_3390], %broadcast_in_dim3A_3 {add = true} : memref<256xf32, #tpu.memory_space<vmem>>[vector<16xi32>], vector<16xf32>,
        tpu.vector_store_idx %arg6[%add3A_3391], %broadcast_in_dim3A_3 {add = true} : memref<256xf32, #tpu.memory_space<vmem>>[vector<16xi32>], vector<16xf32>,
        tpu.vector_store_idx %arg6[%add3A_3395], %broadcast_in_dim3A_3 {add = true} : memref<256xf32, #tpu.memory_space<vmem>>[vector<16xi32>], vector<16xf32>,
        tpu.vector_store_idx %arg6[%add3A_3396], %broadcast_in_dim3A_3 {add = true} : memref<256xf32, #tpu.memory_space<vmem>>[vector<16xi32>], vector<16xf32>,
        tpu.vector_store_idx %arg6[%add3A_3397], %broadcast_in_dim3A_3 {add = true} : memref<256xf32, #tpu.memory_space<vmem>>[vector<16xi32>], vector<16xf32>,
        tpu.vector_store_idx %arg6[%add3A_3398], %broadcast_in_dim3A_3 {add = true} : memref<256xf32, #tpu.memory_space<vmem>>[vector<16xi32>], vector<16xf32>,
        tpu.vector_store_idx %arg6[%add3A_3402], %broadcast_in_dim3A_3 {add = true} : memref<256xf32, #tpu.memory_space<vmem>>[vector<16xi32>], vector<16xf32>,
        tpu.vector_store_idx %arg6[%add3A_3403], %broadcast_in_dim3A_3 {add = true} : memref<256xf32, #tpu.memory_space<vmem>>[vector<16xi32>], vector<16xf32>,
        tpu.vector_store_idx %arg6[%add3A_3404], %broadcast_in_dim3A_3 {add = true} : memref<256xf32, #tpu.memory_space<vmem>>[vector<16xi32>], vector<16xf32>,
        tpu.vector_store_idx %arg6[%add3A_3405], %broadcast_in_dim3A_3 {add = true} : memref<256xf32, #tpu.memory_space<vmem>>[vector<16xi32>], vector<16xf32>,
        %mul3A_3468 = arith.constant 16 : i32
        %mul3A_3469 = vector.broadcast %mul3A_3468 : i32 to vector<16xi32>
        %mul3A_3470 = arith.muli %get3A_3409, %mul3A_3469 : vector<16xi32>
        %add3A_3471 = arith.addi %mul3A_3470, %get3A_3437 : vector<16xi32>
        %add3A_3472 = arith.addi %mul3A_3470, %gather3A_3458 : vector<16xi32>
        %add3A_3473 = arith.addi %mul3A_3470, %get3A_3425 : vector<16xi32>
        %add3A_3474 = arith.addi %mul3A_3470, %get3A_3431 : vector<16xi32>
        %mul3A_3475 = arith.constant 16 : i32
        %mul3A_3476 = vector.broadcast %mul3A_3475 : i32 to vector<16xi32>
        %mul3A_3477 = arith.muli %get3A_3413, %mul3A_3476 : vector<16xi32>
        %add3A_3478 = arith.addi %mul3A_3477, %get3A_3443 : vector<16xi32>
        %add3A_3479 = arith.addi %mul3A_3477, %gather3A_3461 : vector<16xi32>
        %add3A_3480 = arith.addi %mul3A_3477, %get3A_3409 : vector<16xi32>
        %add3A_3481 = arith.addi %mul3A_3477, %get3A_3437 : vector<16xi32>
        %mul3A_3482 = arith.constant 16 : i32
        %mul3A_3483 = vector.broadcast %mul3A_3482 : i32 to vector<16xi32>
        %mul3A_3484 = arith.muli %get3A_3417, %mul3A_3483 : vector<16xi32>
        %add3A_3485 = arith.addi %mul3A_3484, %get3A_3449 : vector<16xi32>
        %add3A_3486 = arith.addi %mul3A_3484, %gather3A_3464 : vector<16xi32>
        %add3A_3487 = arith.addi %mul3A_3484, %get3A_3413 : vector<16xi32>
        %add3A_3488 = arith.addi %mul3A_3484, %get3A_3443 : vector<16xi32>
        %mul3A_3489 = arith.constant 16 : i32
        %mul3A_3490 = vector.broadcast %mul3A_3489 : i32 to vector<16xi32>
        %mul3A_3491 = arith.muli %get3A_3421, %mul3A_3490 : vector<16xi32>
        %add3A_3492 = arith.addi %mul3A_3491, %get3A_3455 : vector<16xi32>
        %add3A_3493 = arith.addi %mul3A_3491, %gather3A_3467 : vector<16xi32>
        %add3A_3494 = arith.addi %mul3A_3491, %get3A_3417 : vector<16xi32>
        %add3A_3495 = arith.addi %mul3A_3491, %get3A_3449 : vector<16xi32>
        tpu.vector_store_idx %arg6[%add3A_3471], %broadcast_in_dim3A_3 {add = true} : memref<256xf32, #tpu.memory_space<vmem>>[vector<16xi32>], vector<16xf32>,
        tpu.vector_store_idx %arg6[%add3A_3472], %broadcast_in_dim3A_3 {add = true} : memref<256xf32, #tpu.memory_space<vmem>>[vector<16xi32>], vector<16xf32>,
        tpu.vector_store_idx %arg6[%add3A_3473], %broadcast_in_dim3A_3 {add = true} : memref<256xf32, #tpu.memory_space<vmem>>[vector<16xi32>], vector<16xf32>,
        tpu.vector_store_idx %arg6[%add3A_3474], %broadcast_in_dim3A_3 {add = true} : memref<256xf32, #tpu.memory_space<vmem>>[vector<16xi32>], vector<16xf32>,
        tpu.vector_store_idx %arg6[%add3A_3478], %broadcast_in_dim3A_3 {add = true} : memref<256xf32, #tpu.memory_space<vmem>>[vector<16xi32>], vector<16xf32>,
        tpu.vector_store_idx %arg6[%add3A_3479], %broadcast_in_dim3A_3 {add = true} : memref<256xf32, #tpu.memory_space<vmem>>[vector<16xi32>], vector<16xf32>,
        tpu.vector_store_idx %arg6[%add3A_3480], %broadcast_in_dim3A_3 {add = true} : memref<256xf32, #tpu.memory_space<vmem>>[vector<16xi32>], vector<16xf32>,
        tpu.vector_store_idx %arg6[%add3A_3481], %broadcast_in_dim3A_3 {add = true} : memref<256xf32, #tpu.memory_space<vmem>>[vector<16xi32>], vector<16xf32>,
        tpu.vector_store_idx %arg6[%add3A_3485], %broadcast_in_dim3A_3 {add = true} : memref<256xf32, #tpu.memory_space<vmem>>[vector<16xi32>], vector<16xf32>,
        tpu.vector_store_idx %arg6[%add3A_3486], %broadcast_in_dim3A_3 {add = true} : memref<256xf32, #tpu.memory_space<vmem>>[vector<16xi32>], vector<16xf32>,
        tpu.vector_store_idx %arg6[%add3A_3487], %broadcast_in_dim3A_3 {add = true} : memref<256xf32, #tpu.memory_space<vmem>>[vector<16xi32>], vector<16xf32>,
        tpu.vector_store_idx %arg6[%add3A_3488], %broadcast_in_dim3A_3 {add = true} : memref<256xf32, #tpu.memory_space<vmem>>[vector<16xi32>], vector<16xf32>,
        tpu.vector_store_idx %arg6[%add3A_3492], %broadcast_in_dim3A_3 {add = true} : memref<256xf32, #tpu.memory_space<vmem>>[vector<16xi32>], vector<16xf32>,
        tpu.vector_store_idx %arg6[%add3A_3493], %broadcast_in_dim3A_3 {add = true} : memref<256xf32, #tpu.memory_space<vmem>>[vector<16xi32>], vector<16xf32>,
        tpu.vector_store_idx %arg6[%add3A_3494], %broadcast_in_dim3A_3 {add = true} : memref<256xf32, #tpu.memory_space<vmem>>[vector<16xi32>], vector<16xf32>,
        tpu.vector_store_idx %arg6[%add3A_3495], %broadcast_in_dim3A_3 {add = true} : memref<256xf32, #tpu.memory_space<vmem>>[vector<16xi32>], vector<16xf32>,
      }
      %scan3A_76 = arith.constant 56 : i32
      %get3A = arith.constant 0 : index
      %get3A_77 = tpu.vector_load %arg6[%get3A] {strides = array<i32>} : memref<256xf32, #tpu.memory_space<vmem>>, vector<16xf32>,
      %convert_element_type3A = arith.fptosi %get3A_77 : vector<16xf32> to vector<16xi32>
      %ge3A = arith.constant 2 : i32
      %ge3A_78 = vector.broadcast %ge3A : i32 to vector<16xi32>
      %ge3A_79 = arith.cmpi sge, %convert_element_type3A, %ge3A_78 : vector<16xi32>
      %select_n3A_80 = arith.select %ge3A_79, %broadcast_in_dim3A_7, %broadcast_in_dim3A_9 : vector<16xi1>, vector<16xi32>
      %add3A_81 = arith.addi %broadcast_in_dim3A_9, %select_n3A_80 : vector<16xi32>
      %ge3A_82 = arith.constant 4 : i32
      %ge3A_83 = vector.broadcast %ge3A_82 : i32 to vector<16xi32>
      %ge3A_84 = arith.cmpi sge, %convert_element_type3A, %ge3A_83 : vector<16xi32>
      %select_n3A_85 = arith.select %ge3A_84, %broadcast_in_dim3A_7, %broadcast_in_dim3A_9 : vector<16xi1>, vector<16xi32>
      %add3A_86 = arith.addi %add3A_81, %select_n3A_85 : vector<16xi32>
      %ge3A_87 = arith.constant 8 : i32
      %ge3A_88 = vector.broadcast %ge3A_87 : i32 to vector<16xi32>
      %ge3A_89 = arith.cmpi sge, %convert_element_type3A, %ge3A_88 : vector<16xi32>
      %select_n3A_90 = arith.select %ge3A_89, %broadcast_in_dim3A_7, %broadcast_in_dim3A_9 : vector<16xi1>, vector<16xi32>
      %add3A_91 = arith.addi %add3A_86, %select_n3A_90 : vector<16xi32>
      %ge3A_92 = arith.constant 16 : i32
      %ge3A_93 = vector.broadcast %ge3A_92 : i32 to vector<16xi32>
      %ge3A_94 = arith.cmpi sge, %convert_element_type3A, %ge3A_93 : vector<16xi32>
      %select_n3A_95 = arith.select %ge3A_94, %broadcast_in_dim3A_7, %broadcast_in_dim3A_9 : vector<16xi1>, vector<16xi32>
      %add3A_96 = arith.addi %add3A_91, %select_n3A_95 : vector<16xi32>
      %ge3A_97 = arith.constant 32 : i32
      %ge3A_98 = vector.broadcast %ge3A_97 : i32 to vector<16xi32>
      %ge3A_99 = arith.cmpi sge, %convert_element_type3A, %ge3A_98 : vector<16xi32>
      %select_n3A_100 = arith.select %ge3A_99, %broadcast_in_dim3A_7, %broadcast_in_dim3A_9 : vector<16xi1>, vector<16xi32>
      %add3A_101 = arith.addi %add3A_96, %select_n3A_100 : vector<16xi32>
      %ge3A_102 = arith.constant 64 : i32
      %ge3A_103 = vector.broadcast %ge3A_102 : i32 to vector<16xi32>
      %ge3A_104 = arith.cmpi sge, %convert_element_type3A, %ge3A_103 : vector<16xi32>
      %select_n3A_105 = arith.select %ge3A_104, %broadcast_in_dim3A_7, %broadcast_in_dim3A_9 : vector<16xi1>, vector<16xi32>
      %add3A_106 = arith.addi %add3A_101, %select_n3A_105 : vector<16xi32>
      %ge3A_107 = arith.constant 128 : i32
      %ge3A_108 = vector.broadcast %ge3A_107 : i32 to vector<16xi32>
      %ge3A_109 = arith.cmpi sge, %convert_element_type3A, %ge3A_108 : vector<16xi32>
      %select_n3A_110 = arith.select %ge3A_109, %broadcast_in_dim3A_7, %broadcast_in_dim3A_9 : vector<16xi1>, vector<16xi32>
      %add3A_111 = arith.addi %add3A_106, %select_n3A_110 : vector<16xi32>
      %ge3A_112 = arith.constant 256 : i32
      %ge3A_113 = vector.broadcast %ge3A_112 : i32 to vector<16xi32>
      %ge3A_114 = arith.cmpi sge, %convert_element_type3A, %ge3A_113 : vector<16xi32>
      %select_n3A_115 = arith.select %ge3A_114, %broadcast_in_dim3A_7, %broadcast_in_dim3A_9 : vector<16xi1>, vector<16xi32>
      %add3A_116 = arith.addi %add3A_111, %select_n3A_115 : vector<16xi32>
      %ge3A_117 = arith.constant 512 : i32
      %ge3A_118 = vector.broadcast %ge3A_117 : i32 to vector<16xi32>
      %ge3A_119 = arith.cmpi sge, %convert_element_type3A, %ge3A_118 : vector<16xi32>
      %select_n3A_120 = arith.select %ge3A_119, %broadcast_in_dim3A_7, %broadcast_in_dim3A_9 : vector<16xi1>, vector<16xi32>
      %add3A_121 = arith.addi %add3A_116, %select_n3A_120 : vector<16xi32>
      %ge3A_122 = arith.constant 1024 : i32
      %ge3A_123 = vector.broadcast %ge3A_122 : i32 to vector<16xi32>
      %ge3A_124 = arith.cmpi sge, %convert_element_type3A, %ge3A_123 : vector<16xi32>
      %select_n3A_125 = arith.select %ge3A_124, %broadcast_in_dim3A_7, %broadcast_in_dim3A_9 : vector<16xi1>, vector<16xi32>
      %add3A_126 = arith.addi %add3A_121, %select_n3A_125 : vector<16xi32>
      %ge3A_127 = arith.constant 2048 : i32
      %ge3A_128 = vector.broadcast %ge3A_127 : i32 to vector<16xi32>
      %ge3A_129 = arith.cmpi sge, %convert_element_type3A, %ge3A_128 : vector<16xi32>
      %select_n3A_130 = arith.select %ge3A_129, %broadcast_in_dim3A_7, %broadcast_in_dim3A_9 : vector<16xi1>, vector<16xi32>
      %add3A_131 = arith.addi %add3A_126, %select_n3A_130 : vector<16xi32>
      %ge3A_132 = arith.constant 4096 : i32
      %ge3A_133 = vector.broadcast %ge3A_132 : i32 to vector<16xi32>
      %ge3A_134 = arith.cmpi sge, %convert_element_type3A, %ge3A_133 : vector<16xi32>
      %select_n3A_135 = arith.select %ge3A_134, %broadcast_in_dim3A_7, %broadcast_in_dim3A_9 : vector<16xi1>, vector<16xi32>
      %add3A_136 = arith.addi %add3A_131, %select_n3A_135 : vector<16xi32>
      %ge3A_137 = arith.constant 8192 : i32
      %ge3A_138 = vector.broadcast %ge3A_137 : i32 to vector<16xi32>
      %ge3A_139 = arith.cmpi sge, %convert_element_type3A, %ge3A_138 : vector<16xi32>
      %select_n3A_140 = arith.select %ge3A_139, %broadcast_in_dim3A_7, %broadcast_in_dim3A_9 : vector<16xi1>, vector<16xi32>
      %add3A_141 = arith.addi %add3A_136, %select_n3A_140 : vector<16xi32>
      %ge3A_142 = arith.constant 16384 : i32
      %ge3A_143 = vector.broadcast %ge3A_142 : i32 to vector<16xi32>
      %ge3A_144 = arith.cmpi sge, %convert_element_type3A, %ge3A_143 : vector<16xi32>
      %select_n3A_145 = arith.select %ge3A_144, %broadcast_in_dim3A_7, %broadcast_in_dim3A_9 : vector<16xi1>, vector<16xi32>
      %add3A_146 = arith.addi %add3A_141, %select_n3A_145 : vector<16xi32>
      %ge3A_147 = arith.constant 32768 : i32
      %ge3A_148 = vector.broadcast %ge3A_147 : i32 to vector<16xi32>
      %ge3A_149 = arith.cmpi sge, %convert_element_type3A, %ge3A_148 : vector<16xi32>
      %select_n3A_150 = arith.select %ge3A_149, %broadcast_in_dim3A_7, %broadcast_in_dim3A_9 : vector<16xi1>, vector<16xi32>
      %add3A_151 = arith.addi %add3A_146, %select_n3A_150 : vector<16xi32>
      %ge3A_152 = arith.constant 65536 : i32
      %ge3A_153 = vector.broadcast %ge3A_152 : i32 to vector<16xi32>
      %ge3A_154 = arith.cmpi sge, %convert_element_type3A, %ge3A_153 : vector<16xi32>
      %select_n3A_155 = arith.select %ge3A_154, %broadcast_in_dim3A_7, %broadcast_in_dim3A_9 : vector<16xi1>, vector<16xi32>
      %add3A_156 = arith.addi %add3A_151, %select_n3A_155 : vector<16xi32>
      %ge3A_157 = arith.constant 131072 : i32
      %ge3A_158 = vector.broadcast %ge3A_157 : i32 to vector<16xi32>
      %ge3A_159 = arith.cmpi sge, %convert_element_type3A, %ge3A_158 : vector<16xi32>
      %select_n3A_160 = arith.select %ge3A_159, %broadcast_in_dim3A_7, %broadcast_in_dim3A_9 : vector<16xi1>, vector<16xi32>
      %add3A_161 = arith.addi %add3A_156, %select_n3A_160 : vector<16xi32>
      %shift_left3A = arith.shli %broadcast_in_dim3A_7, %add3A_161 : vector<16xi32>
      %convert_element_type3A_162 = arith.sitofp %shift_left3A : vector<16xi32> to vector<16xf32>
      %div3A = arith.divf %get3A_77, %convert_element_type3A_162 : vector<16xf32>
      %sub3A_163 = arith.constant 1.000000e+00 : f32
      %sub3A_164 = vector.broadcast %sub3A_163 : f32 to vector<16xf32>
      %sub3A_165 = arith.subf %div3A, %sub3A_164 : vector<16xf32>
      %add3A_166 = arith.constant 2.000000e+00 : f32
      %add3A_167 = vector.broadcast %add3A_166 : f32 to vector<16xf32>
      %add3A_168 = arith.addf %sub3A_165, %add3A_167 : vector<16xf32>
      %div3A_169 = arith.divf %sub3A_165, %add3A_168 : vector<16xf32>
      %mul3A_170 = arith.mulf %div3A_169, %div3A_169 : vector<16xf32>
      %mul3A_171 = arith.constant 2.000000e+00 : f32
      %mul3A_172 = vector.broadcast %mul3A_171 : f32 to vector<16xf32>
      %mul3A_173 = arith.mulf %mul3A_172, %div3A_169 : vector<16xf32>
      %mul3A_174 = arith.constant 0.142857149 : f32
      %mul3A_175 = vector.broadcast %mul3A_174 : f32 to vector<16xf32>
      %mul3A_176 = arith.mulf %mul3A_170, %mul3A_175 : vector<16xf32>
      %add3A_177 = arith.constant 2.000000e-01 : f32
      %add3A_178 = vector.broadcast %add3A_177 : f32 to vector<16xf32>
      %add3A_179 = arith.addf %add3A_178, %mul3A_176 : vector<16xf32>
      %mul3A_180 = arith.mulf %mul3A_170, %add3A_179 : vector<16xf32>
      %add3A_181 = arith.constant 0.333333343 : f32
      %add3A_182 = vector.broadcast %add3A_181 : f32 to vector<16xf32>
      %add3A_183 = arith.addf %add3A_182, %mul3A_180 : vector<16xf32>
      %mul3A_184 = arith.mulf %mul3A_170, %add3A_183 : vector<16xf32>
      %add3A_185 = arith.constant 1.000000e+00 : f32
      %add3A_186 = vector.broadcast %add3A_185 : f32 to vector<16xf32>
      %add3A_187 = arith.addf %add3A_186, %mul3A_184 : vector<16xf32>
      %mul3A_188 = arith.mulf %mul3A_173, %add3A_187 : vector<16xf32>
      %convert_element_type3A_189 = arith.sitofp %add3A_161 : vector<16xi32> to vector<16xf32>
      %mul3A_190 = arith.constant 0.693147182 : f32
      %mul3A_191 = vector.broadcast %mul3A_190 : f32 to vector<16xf32>
      %mul3A_192 = arith.mulf %convert_element_type3A_189, %mul3A_191 : vector<16xf32>
      %add3A_193 = arith.addf %mul3A_192, %mul3A_188 : vector<16xf32>
      %mul3A_194 = arith.mulf %get3A_77, %add3A_193 : vector<16xf32>
      %add3A_195 = arith.addf %broadcast_in_dim3A_5, %mul3A_194 : vector<16xf32>
      %get3A_196 = arith.constant 16 : index
      %get3A_197 = tpu.vector_load %arg6[%get3A_196] {strides = array<i32>} : memref<256xf32, #tpu.memory_space<vmem>>, vector<16xf32>,
      %convert_element_type3A_198 = arith.fptosi %get3A_197 : vector<16xf32> to vector<16xi32>
      %ge3A_199 = arith.constant 2 : i32
      %ge3A_200 = vector.broadcast %ge3A_199 : i32 to vector<16xi32>
      %ge3A_201 = arith.cmpi sge, %convert_element_type3A_198, %ge3A_200 : vector<16xi32>
      %select_n3A_202 = arith.select %ge3A_201, %broadcast_in_dim3A_7, %broadcast_in_dim3A_9 : vector<16xi1>, vector<16xi32>
      %add3A_203 = arith.addi %broadcast_in_dim3A_9, %select_n3A_202 : vector<16xi32>
      %ge3A_204 = arith.constant 4 : i32
      %ge3A_205 = vector.broadcast %ge3A_204 : i32 to vector<16xi32>
      %ge3A_206 = arith.cmpi sge, %convert_element_type3A_198, %ge3A_205 : vector<16xi32>
      %select_n3A_207 = arith.select %ge3A_206, %broadcast_in_dim3A_7, %broadcast_in_dim3A_9 : vector<16xi1>, vector<16xi32>
      %add3A_208 = arith.addi %add3A_203, %select_n3A_207 : vector<16xi32>
      %ge3A_209 = arith.constant 8 : i32
      %ge3A_210 = vector.broadcast %ge3A_209 : i32 to vector<16xi32>
      %ge3A_211 = arith.cmpi sge, %convert_element_type3A_198, %ge3A_210 : vector<16xi32>
      %select_n3A_212 = arith.select %ge3A_211, %broadcast_in_dim3A_7, %broadcast_in_dim3A_9 : vector<16xi1>, vector<16xi32>
      %add3A_213 = arith.addi %add3A_208, %select_n3A_212 : vector<16xi32>
      %ge3A_214 = arith.constant 16 : i32
      %ge3A_215 = vector.broadcast %ge3A_214 : i32 to vector<16xi32>
      %ge3A_216 = arith.cmpi sge, %convert_element_type3A_198, %ge3A_215 : vector<16xi32>
      %select_n3A_217 = arith.select %ge3A_216, %broadcast_in_dim3A_7, %broadcast_in_dim3A_9 : vector<16xi1>, vector<16xi32>
      %add3A_218 = arith.addi %add3A_213, %select_n3A_217 : vector<16xi32>
      %ge3A_219 = arith.constant 32 : i32
      %ge3A_220 = vector.broadcast %ge3A_219 : i32 to vector<16xi32>
      %ge3A_221 = arith.cmpi sge, %convert_element_type3A_198, %ge3A_220 : vector<16xi32>
      %select_n3A_222 = arith.select %ge3A_221, %broadcast_in_dim3A_7, %broadcast_in_dim3A_9 : vector<16xi1>, vector<16xi32>
      %add3A_223 = arith.addi %add3A_218, %select_n3A_222 : vector<16xi32>
      %ge3A_224 = arith.constant 64 : i32
      %ge3A_225 = vector.broadcast %ge3A_224 : i32 to vector<16xi32>
      %ge3A_226 = arith.cmpi sge, %convert_element_type3A_198, %ge3A_225 : vector<16xi32>
      %select_n3A_227 = arith.select %ge3A_226, %broadcast_in_dim3A_7, %broadcast_in_dim3A_9 : vector<16xi1>, vector<16xi32>
      %add3A_228 = arith.addi %add3A_223, %select_n3A_227 : vector<16xi32>
      %ge3A_229 = arith.constant 128 : i32
      %ge3A_230 = vector.broadcast %ge3A_229 : i32 to vector<16xi32>
      %ge3A_231 = arith.cmpi sge, %convert_element_type3A_198, %ge3A_230 : vector<16xi32>
      %select_n3A_232 = arith.select %ge3A_231, %broadcast_in_dim3A_7, %broadcast_in_dim3A_9 : vector<16xi1>, vector<16xi32>
      %add3A_233 = arith.addi %add3A_228, %select_n3A_232 : vector<16xi32>
      %ge3A_234 = arith.constant 256 : i32
      %ge3A_235 = vector.broadcast %ge3A_234 : i32 to vector<16xi32>
      %ge3A_236 = arith.cmpi sge, %convert_element_type3A_198, %ge3A_235 : vector<16xi32>
      %select_n3A_237 = arith.select %ge3A_236, %broadcast_in_dim3A_7, %broadcast_in_dim3A_9 : vector<16xi1>, vector<16xi32>
      %add3A_238 = arith.addi %add3A_233, %select_n3A_237 : vector<16xi32>
      %ge3A_239 = arith.constant 512 : i32
      %ge3A_240 = vector.broadcast %ge3A_239 : i32 to vector<16xi32>
      %ge3A_241 = arith.cmpi sge, %convert_element_type3A_198, %ge3A_240 : vector<16xi32>
      %select_n3A_242 = arith.select %ge3A_241, %broadcast_in_dim3A_7, %broadcast_in_dim3A_9 : vector<16xi1>, vector<16xi32>
      %add3A_243 = arith.addi %add3A_238, %select_n3A_242 : vector<16xi32>
      %ge3A_244 = arith.constant 1024 : i32
      %ge3A_245 = vector.broadcast %ge3A_244 : i32 to vector<16xi32>
      %ge3A_246 = arith.cmpi sge, %convert_element_type3A_198, %ge3A_245 : vector<16xi32>
      %select_n3A_247 = arith.select %ge3A_246, %broadcast_in_dim3A_7, %broadcast_in_dim3A_9 : vector<16xi1>, vector<16xi32>
      %add3A_248 = arith.addi %add3A_243, %select_n3A_247 : vector<16xi32>
      %ge3A_249 = arith.constant 2048 : i32
      %ge3A_250 = vector.broadcast %ge3A_249 : i32 to vector<16xi32>
      %ge3A_251 = arith.cmpi sge, %convert_element_type3A_198, %ge3A_250 : vector<16xi32>
      %select_n3A_252 = arith.select %ge3A_251, %broadcast_in_dim3A_7, %broadcast_in_dim3A_9 : vector<16xi1>, vector<16xi32>
      %add3A_253 = arith.addi %add3A_248, %select_n3A_252 : vector<16xi32>
      %ge3A_254 = arith.constant 4096 : i32
      %ge3A_255 = vector.broadcast %ge3A_254 : i32 to vector<16xi32>
      %ge3A_256 = arith.cmpi sge, %convert_element_type3A_198, %ge3A_255 : vector<16xi32>
      %select_n3A_257 = arith.select %ge3A_256, %broadcast_in_dim3A_7, %broadcast_in_dim3A_9 : vector<16xi1>, vector<16xi32>
      %add3A_258 = arith.addi %add3A_253, %select_n3A_257 : vector<16xi32>
      %ge3A_259 = arith.constant 8192 : i32
      %ge3A_260 = vector.broadcast %ge3A_259 : i32 to vector<16xi32>
      %ge3A_261 = arith.cmpi sge, %convert_element_type3A_198, %ge3A_260 : vector<16xi32>
      %select_n3A_262 = arith.select %ge3A_261, %broadcast_in_dim3A_7, %broadcast_in_dim3A_9 : vector<16xi1>, vector<16xi32>
      %add3A_263 = arith.addi %add3A_258, %select_n3A_262 : vector<16xi32>
      %ge3A_264 = arith.constant 16384 : i32
      %ge3A_265 = vector.broadcast %ge3A_264 : i32 to vector<16xi32>
      %ge3A_266 = arith.cmpi sge, %convert_element_type3A_198, %ge3A_265 : vector<16xi32>
      %select_n3A_267 = arith.select %ge3A_266, %broadcast_in_dim3A_7, %broadcast_in_dim3A_9 : vector<16xi1>, vector<16xi32>
      %add3A_268 = arith.addi %add3A_263, %select_n3A_267 : vector<16xi32>
      %ge3A_269 = arith.constant 32768 : i32
      %ge3A_270 = vector.broadcast %ge3A_269 : i32 to vector<16xi32>
      %ge3A_271 = arith.cmpi sge, %convert_element_type3A_198, %ge3A_270 : vector<16xi32>
      %select_n3A_272 = arith.select %ge3A_271, %broadcast_in_dim3A_7, %broadcast_in_dim3A_9 : vector<16xi1>, vector<16xi32>
      %add3A_273 = arith.addi %add3A_268, %select_n3A_272 : vector<16xi32>
      %ge3A_274 = arith.constant 65536 : i32
      %ge3A_275 = vector.broadcast %ge3A_274 : i32 to vector<16xi32>
      %ge3A_276 = arith.cmpi sge, %convert_element_type3A_198, %ge3A_275 : vector<16xi32>
      %select_n3A_277 = arith.select %ge3A_276, %broadcast_in_dim3A_7, %broadcast_in_dim3A_9 : vector<16xi1>, vector<16xi32>
      %add3A_278 = arith.addi %add3A_273, %select_n3A_277 : vector<16xi32>
      %ge3A_279 = arith.constant 131072 : i32
      %ge3A_280 = vector.broadcast %ge3A_279 : i32 to vector<16xi32>
      %ge3A_281 = arith.cmpi sge, %convert_element_type3A_198, %ge3A_280 : vector<16xi32>
      %select_n3A_282 = arith.select %ge3A_281, %broadcast_in_dim3A_7, %broadcast_in_dim3A_9 : vector<16xi1>, vector<16xi32>
      %add3A_283 = arith.addi %add3A_278, %select_n3A_282 : vector<16xi32>
      %shift_left3A_284 = arith.shli %broadcast_in_dim3A_7, %add3A_283 : vector<16xi32>
      %convert_element_type3A_285 = arith.sitofp %shift_left3A_284 : vector<16xi32> to vector<16xf32>
      %div3A_286 = arith.divf %get3A_197, %convert_element_type3A_285 : vector<16xf32>
      %sub3A_287 = arith.constant 1.000000e+00 : f32
      %sub3A_288 = vector.broadcast %sub3A_287 : f32 to vector<16xf32>
      %sub3A_289 = arith.subf %div3A_286, %sub3A_288 : vector<16xf32>
      %add3A_290 = arith.constant 2.000000e+00 : f32
      %add3A_291 = vector.broadcast %add3A_290 : f32 to vector<16xf32>
      %add3A_292 = arith.addf %sub3A_289, %add3A_291 : vector<16xf32>
      %div3A_293 = arith.divf %sub3A_289, %add3A_292 : vector<16xf32>
      %mul3A_294 = arith.mulf %div3A_293, %div3A_293 : vector<16xf32>
      %mul3A_295 = arith.constant 2.000000e+00 : f32
      %mul3A_296 = vector.broadcast %mul3A_295 : f32 to vector<16xf32>
      %mul3A_297 = arith.mulf %mul3A_296, %div3A_293 : vector<16xf32>
      %mul3A_298 = arith.constant 0.142857149 : f32
      %mul3A_299 = vector.broadcast %mul3A_298 : f32 to vector<16xf32>
      %mul3A_300 = arith.mulf %mul3A_294, %mul3A_299 : vector<16xf32>
      %add3A_301 = arith.constant 2.000000e-01 : f32
      %add3A_302 = vector.broadcast %add3A_301 : f32 to vector<16xf32>
      %add3A_303 = arith.addf %add3A_302, %mul3A_300 : vector<16xf32>
      %mul3A_304 = arith.mulf %mul3A_294, %add3A_303 : vector<16xf32>
      %add3A_305 = arith.constant 0.333333343 : f32
      %add3A_306 = vector.broadcast %add3A_305 : f32 to vector<16xf32>
      %add3A_307 = arith.addf %add3A_306, %mul3A_304 : vector<16xf32>
      %mul3A_308 = arith.mulf %mul3A_294, %add3A_307 : vector<16xf32>
      %add3A_309 = arith.constant 1.000000e+00 : f32
      %add3A_310 = vector.broadcast %add3A_309 : f32 to vector<16xf32>
      %add3A_311 = arith.addf %add3A_310, %mul3A_308 : vector<16xf32>
      %mul3A_312 = arith.mulf %mul3A_297, %add3A_311 : vector<16xf32>
      %convert_element_type3A_313 = arith.sitofp %add3A_283 : vector<16xi32> to vector<16xf32>
      %mul3A_314 = arith.constant 0.693147182 : f32
      %mul3A_315 = vector.broadcast %mul3A_314 : f32 to vector<16xf32>
      %mul3A_316 = arith.mulf %convert_element_type3A_313, %mul3A_315 : vector<16xf32>
      %add3A_317 = arith.addf %mul3A_316, %mul3A_312 : vector<16xf32>
      %mul3A_318 = arith.mulf %get3A_197, %add3A_317 : vector<16xf32>
      %add3A_319 = arith.addf %add3A_195, %mul3A_318 : vector<16xf32>
      %get3A_320 = arith.constant 32 : index
      %get3A_321 = tpu.vector_load %arg6[%get3A_320] {strides = array<i32>} : memref<256xf32, #tpu.memory_space<vmem>>, vector<16xf32>,
      %convert_element_type3A_322 = arith.fptosi %get3A_321 : vector<16xf32> to vector<16xi32>
      %ge3A_323 = arith.constant 2 : i32
      %ge3A_324 = vector.broadcast %ge3A_323 : i32 to vector<16xi32>
      %ge3A_325 = arith.cmpi sge, %convert_element_type3A_322, %ge3A_324 : vector<16xi32>
      %select_n3A_326 = arith.select %ge3A_325, %broadcast_in_dim3A_7, %broadcast_in_dim3A_9 : vector<16xi1>, vector<16xi32>
      %add3A_327 = arith.addi %broadcast_in_dim3A_9, %select_n3A_326 : vector<16xi32>
      %ge3A_328 = arith.constant 4 : i32
      %ge3A_329 = vector.broadcast %ge3A_328 : i32 to vector<16xi32>
      %ge3A_330 = arith.cmpi sge, %convert_element_type3A_322, %ge3A_329 : vector<16xi32>
      %select_n3A_331 = arith.select %ge3A_330, %broadcast_in_dim3A_7, %broadcast_in_dim3A_9 : vector<16xi1>, vector<16xi32>
      %add3A_332 = arith.addi %add3A_327, %select_n3A_331 : vector<16xi32>
      %ge3A_333 = arith.constant 8 : i32
      %ge3A_334 = vector.broadcast %ge3A_333 : i32 to vector<16xi32>
      %ge3A_335 = arith.cmpi sge, %convert_element_type3A_322, %ge3A_334 : vector<16xi32>
      %select_n3A_336 = arith.select %ge3A_335, %broadcast_in_dim3A_7, %broadcast_in_dim3A_9 : vector<16xi1>, vector<16xi32>
      %add3A_337 = arith.addi %add3A_332, %select_n3A_336 : vector<16xi32>
      %ge3A_338 = arith.constant 16 : i32
      %ge3A_339 = vector.broadcast %ge3A_338 : i32 to vector<16xi32>
      %ge3A_340 = arith.cmpi sge, %convert_element_type3A_322, %ge3A_339 : vector<16xi32>
      %select_n3A_341 = arith.select %ge3A_340, %broadcast_in_dim3A_7, %broadcast_in_dim3A_9 : vector<16xi1>, vector<16xi32>
      %add3A_342 = arith.addi %add3A_337, %select_n3A_341 : vector<16xi32>
      %ge3A_343 = arith.constant 32 : i32
      %ge3A_344 = vector.broadcast %ge3A_343 : i32 to vector<16xi32>
      %ge3A_345 = arith.cmpi sge, %convert_element_type3A_322, %ge3A_344 : vector<16xi32>
      %select_n3A_346 = arith.select %ge3A_345, %broadcast_in_dim3A_7, %broadcast_in_dim3A_9 : vector<16xi1>, vector<16xi32>
      %add3A_347 = arith.addi %add3A_342, %select_n3A_346 : vector<16xi32>
      %ge3A_348 = arith.constant 64 : i32
      %ge3A_349 = vector.broadcast %ge3A_348 : i32 to vector<16xi32>
      %ge3A_350 = arith.cmpi sge, %convert_element_type3A_322, %ge3A_349 : vector<16xi32>
      %select_n3A_351 = arith.select %ge3A_350, %broadcast_in_dim3A_7, %broadcast_in_dim3A_9 : vector<16xi1>, vector<16xi32>
      %add3A_352 = arith.addi %add3A_347, %select_n3A_351 : vector<16xi32>
      %ge3A_353 = arith.constant 128 : i32
      %ge3A_354 = vector.broadcast %ge3A_353 : i32 to vector<16xi32>
      %ge3A_355 = arith.cmpi sge, %convert_element_type3A_322, %ge3A_354 : vector<16xi32>
      %select_n3A_356 = arith.select %ge3A_355, %broadcast_in_dim3A_7, %broadcast_in_dim3A_9 : vector<16xi1>, vector<16xi32>
      %add3A_357 = arith.addi %add3A_352, %select_n3A_356 : vector<16xi32>
      %ge3A_358 = arith.constant 256 : i32
      %ge3A_359 = vector.broadcast %ge3A_358 : i32 to vector<16xi32>
      %ge3A_360 = arith.cmpi sge, %convert_element_type3A_322, %ge3A_359 : vector<16xi32>
      %select_n3A_361 = arith.select %ge3A_360, %broadcast_in_dim3A_7, %broadcast_in_dim3A_9 : vector<16xi1>, vector<16xi32>
      %add3A_362 = arith.addi %add3A_357, %select_n3A_361 : vector<16xi32>
      %ge3A_363 = arith.constant 512 : i32
      %ge3A_364 = vector.broadcast %ge3A_363 : i32 to vector<16xi32>
      %ge3A_365 = arith.cmpi sge, %convert_element_type3A_322, %ge3A_364 : vector<16xi32>
      %select_n3A_366 = arith.select %ge3A_365, %broadcast_in_dim3A_7, %broadcast_in_dim3A_9 : vector<16xi1>, vector<16xi32>
      %add3A_367 = arith.addi %add3A_362, %select_n3A_366 : vector<16xi32>
      %ge3A_368 = arith.constant 1024 : i32
      %ge3A_369 = vector.broadcast %ge3A_368 : i32 to vector<16xi32>
      %ge3A_370 = arith.cmpi sge, %convert_element_type3A_322, %ge3A_369 : vector<16xi32>
      %select_n3A_371 = arith.select %ge3A_370, %broadcast_in_dim3A_7, %broadcast_in_dim3A_9 : vector<16xi1>, vector<16xi32>
      %add3A_372 = arith.addi %add3A_367, %select_n3A_371 : vector<16xi32>
      %ge3A_373 = arith.constant 2048 : i32
      %ge3A_374 = vector.broadcast %ge3A_373 : i32 to vector<16xi32>
      %ge3A_375 = arith.cmpi sge, %convert_element_type3A_322, %ge3A_374 : vector<16xi32>
      %select_n3A_376 = arith.select %ge3A_375, %broadcast_in_dim3A_7, %broadcast_in_dim3A_9 : vector<16xi1>, vector<16xi32>
      %add3A_377 = arith.addi %add3A_372, %select_n3A_376 : vector<16xi32>
      %ge3A_378 = arith.constant 4096 : i32
      %ge3A_379 = vector.broadcast %ge3A_378 : i32 to vector<16xi32>
      %ge3A_380 = arith.cmpi sge, %convert_element_type3A_322, %ge3A_379 : vector<16xi32>
      %select_n3A_381 = arith.select %ge3A_380, %broadcast_in_dim3A_7, %broadcast_in_dim3A_9 : vector<16xi1>, vector<16xi32>
      %add3A_382 = arith.addi %add3A_377, %select_n3A_381 : vector<16xi32>
      %ge3A_383 = arith.constant 8192 : i32
      %ge3A_384 = vector.broadcast %ge3A_383 : i32 to vector<16xi32>
      %ge3A_385 = arith.cmpi sge, %convert_element_type3A_322, %ge3A_384 : vector<16xi32>
      %select_n3A_386 = arith.select %ge3A_385, %broadcast_in_dim3A_7, %broadcast_in_dim3A_9 : vector<16xi1>, vector<16xi32>
      %add3A_387 = arith.addi %add3A_382, %select_n3A_386 : vector<16xi32>
      %ge3A_388 = arith.constant 16384 : i32
      %ge3A_389 = vector.broadcast %ge3A_388 : i32 to vector<16xi32>
      %ge3A_390 = arith.cmpi sge, %convert_element_type3A_322, %ge3A_389 : vector<16xi32>
      %select_n3A_391 = arith.select %ge3A_390, %broadcast_in_dim3A_7, %broadcast_in_dim3A_9 : vector<16xi1>, vector<16xi32>
      %add3A_392 = arith.addi %add3A_387, %select_n3A_391 : vector<16xi32>
      %ge3A_393 = arith.constant 32768 : i32
      %ge3A_394 = vector.broadcast %ge3A_393 : i32 to vector<16xi32>
      %ge3A_395 = arith.cmpi sge, %convert_element_type3A_322, %ge3A_394 : vector<16xi32>
      %select_n3A_396 = arith.select %ge3A_395, %broadcast_in_dim3A_7, %broadcast_in_dim3A_9 : vector<16xi1>, vector<16xi32>
      %add3A_397 = arith.addi %add3A_392, %select_n3A_396 : vector<16xi32>
      %ge3A_398 = arith.constant 65536 : i32
      %ge3A_399 = vector.broadcast %ge3A_398 : i32 to vector<16xi32>
      %ge3A_400 = arith.cmpi sge, %convert_element_type3A_322, %ge3A_399 : vector<16xi32>
      %select_n3A_401 = arith.select %ge3A_400, %broadcast_in_dim3A_7, %broadcast_in_dim3A_9 : vector<16xi1>, vector<16xi32>
      %add3A_402 = arith.addi %add3A_397, %select_n3A_401 : vector<16xi32>
      %ge3A_403 = arith.constant 131072 : i32
      %ge3A_404 = vector.broadcast %ge3A_403 : i32 to vector<16xi32>
      %ge3A_405 = arith.cmpi sge, %convert_element_type3A_322, %ge3A_404 : vector<16xi32>
      %select_n3A_406 = arith.select %ge3A_405, %broadcast_in_dim3A_7, %broadcast_in_dim3A_9 : vector<16xi1>, vector<16xi32>
      %add3A_407 = arith.addi %add3A_402, %select_n3A_406 : vector<16xi32>
      %shift_left3A_408 = arith.shli %broadcast_in_dim3A_7, %add3A_407 : vector<16xi32>
      %convert_element_type3A_409 = arith.sitofp %shift_left3A_408 : vector<16xi32> to vector<16xf32>
      %div3A_410 = arith.divf %get3A_321, %convert_element_type3A_409 : vector<16xf32>
      %sub3A_411 = arith.constant 1.000000e+00 : f32
      %sub3A_412 = vector.broadcast %sub3A_411 : f32 to vector<16xf32>
      %sub3A_413 = arith.subf %div3A_410, %sub3A_412 : vector<16xf32>
      %add3A_414 = arith.constant 2.000000e+00 : f32
      %add3A_415 = vector.broadcast %add3A_414 : f32 to vector<16xf32>
      %add3A_416 = arith.addf %sub3A_413, %add3A_415 : vector<16xf32>
      %div3A_417 = arith.divf %sub3A_413, %add3A_416 : vector<16xf32>
      %mul3A_418 = arith.mulf %div3A_417, %div3A_417 : vector<16xf32>
      %mul3A_419 = arith.constant 2.000000e+00 : f32
      %mul3A_420 = vector.broadcast %mul3A_419 : f32 to vector<16xf32>
      %mul3A_421 = arith.mulf %mul3A_420, %div3A_417 : vector<16xf32>
      %mul3A_422 = arith.constant 0.142857149 : f32
      %mul3A_423 = vector.broadcast %mul3A_422 : f32 to vector<16xf32>
      %mul3A_424 = arith.mulf %mul3A_418, %mul3A_423 : vector<16xf32>
      %add3A_425 = arith.constant 2.000000e-01 : f32
      %add3A_426 = vector.broadcast %add3A_425 : f32 to vector<16xf32>
      %add3A_427 = arith.addf %add3A_426, %mul3A_424 : vector<16xf32>
      %mul3A_428 = arith.mulf %mul3A_418, %add3A_427 : vector<16xf32>
      %add3A_429 = arith.constant 0.333333343 : f32
      %add3A_430 = vector.broadcast %add3A_429 : f32 to vector<16xf32>
      %add3A_431 = arith.addf %add3A_430, %mul3A_428 : vector<16xf32>
      %mul3A_432 = arith.mulf %mul3A_418, %add3A_431 : vector<16xf32>
      %add3A_433 = arith.constant 1.000000e+00 : f32
      %add3A_434 = vector.broadcast %add3A_433 : f32 to vector<16xf32>
      %add3A_435 = arith.addf %add3A_434, %mul3A_432 : vector<16xf32>
      %mul3A_436 = arith.mulf %mul3A_421, %add3A_435 : vector<16xf32>
      %convert_element_type3A_437 = arith.sitofp %add3A_407 : vector<16xi32> to vector<16xf32>
      %mul3A_438 = arith.constant 0.693147182 : f32
      %mul3A_439 = vector.broadcast %mul3A_438 : f32 to vector<16xf32>
      %mul3A_440 = arith.mulf %convert_element_type3A_437, %mul3A_439 : vector<16xf32>
      %add3A_441 = arith.addf %mul3A_440, %mul3A_436 : vector<16xf32>
      %mul3A_442 = arith.mulf %get3A_321, %add3A_441 : vector<16xf32>
      %add3A_443 = arith.addf %add3A_319, %mul3A_442 : vector<16xf32>
      %get3A_444 = arith.constant 48 : index
      %get3A_445 = tpu.vector_load %arg6[%get3A_444] {strides = array<i32>} : memref<256xf32, #tpu.memory_space<vmem>>, vector<16xf32>,
      %convert_element_type3A_446 = arith.fptosi %get3A_445 : vector<16xf32> to vector<16xi32>
      %ge3A_447 = arith.constant 2 : i32
      %ge3A_448 = vector.broadcast %ge3A_447 : i32 to vector<16xi32>
      %ge3A_449 = arith.cmpi sge, %convert_element_type3A_446, %ge3A_448 : vector<16xi32>
      %select_n3A_450 = arith.select %ge3A_449, %broadcast_in_dim3A_7, %broadcast_in_dim3A_9 : vector<16xi1>, vector<16xi32>
      %add3A_451 = arith.addi %broadcast_in_dim3A_9, %select_n3A_450 : vector<16xi32>
      %ge3A_452 = arith.constant 4 : i32
      %ge3A_453 = vector.broadcast %ge3A_452 : i32 to vector<16xi32>
      %ge3A_454 = arith.cmpi sge, %convert_element_type3A_446, %ge3A_453 : vector<16xi32>
      %select_n3A_455 = arith.select %ge3A_454, %broadcast_in_dim3A_7, %broadcast_in_dim3A_9 : vector<16xi1>, vector<16xi32>
      %add3A_456 = arith.addi %add3A_451, %select_n3A_455 : vector<16xi32>
      %ge3A_457 = arith.constant 8 : i32
      %ge3A_458 = vector.broadcast %ge3A_457 : i32 to vector<16xi32>
      %ge3A_459 = arith.cmpi sge, %convert_element_type3A_446, %ge3A_458 : vector<16xi32>
      %select_n3A_460 = arith.select %ge3A_459, %broadcast_in_dim3A_7, %broadcast_in_dim3A_9 : vector<16xi1>, vector<16xi32>
      %add3A_461 = arith.addi %add3A_456, %select_n3A_460 : vector<16xi32>
      %ge3A_462 = arith.constant 16 : i32
      %ge3A_463 = vector.broadcast %ge3A_462 : i32 to vector<16xi32>
      %ge3A_464 = arith.cmpi sge, %convert_element_type3A_446, %ge3A_463 : vector<16xi32>
      %select_n3A_465 = arith.select %ge3A_464, %broadcast_in_dim3A_7, %broadcast_in_dim3A_9 : vector<16xi1>, vector<16xi32>
      %add3A_466 = arith.addi %add3A_461, %select_n3A_465 : vector<16xi32>
      %ge3A_467 = arith.constant 32 : i32
      %ge3A_468 = vector.broadcast %ge3A_467 : i32 to vector<16xi32>
      %ge3A_469 = arith.cmpi sge, %convert_element_type3A_446, %ge3A_468 : vector<16xi32>
      %select_n3A_470 = arith.select %ge3A_469, %broadcast_in_dim3A_7, %broadcast_in_dim3A_9 : vector<16xi1>, vector<16xi32>
      %add3A_471 = arith.addi %add3A_466, %select_n3A_470 : vector<16xi32>
      %ge3A_472 = arith.constant 64 : i32
      %ge3A_473 = vector.broadcast %ge3A_472 : i32 to vector<16xi32>
      %ge3A_474 = arith.cmpi sge, %convert_element_type3A_446, %ge3A_473 : vector<16xi32>
      %select_n3A_475 = arith.select %ge3A_474, %broadcast_in_dim3A_7, %broadcast_in_dim3A_9 : vector<16xi1>, vector<16xi32>
      %add3A_476 = arith.addi %add3A_471, %select_n3A_475 : vector<16xi32>
      %ge3A_477 = arith.constant 128 : i32
      %ge3A_478 = vector.broadcast %ge3A_477 : i32 to vector<16xi32>
      %ge3A_479 = arith.cmpi sge, %convert_element_type3A_446, %ge3A_478 : vector<16xi32>
      %select_n3A_480 = arith.select %ge3A_479, %broadcast_in_dim3A_7, %broadcast_in_dim3A_9 : vector<16xi1>, vector<16xi32>
      %add3A_481 = arith.addi %add3A_476, %select_n3A_480 : vector<16xi32>
      %ge3A_482 = arith.constant 256 : i32
      %ge3A_483 = vector.broadcast %ge3A_482 : i32 to vector<16xi32>
      %ge3A_484 = arith.cmpi sge, %convert_element_type3A_446, %ge3A_483 : vector<16xi32>
      %select_n3A_485 = arith.select %ge3A_484, %broadcast_in_dim3A_7, %broadcast_in_dim3A_9 : vector<16xi1>, vector<16xi32>
      %add3A_486 = arith.addi %add3A_481, %select_n3A_485 : vector<16xi32>
      %ge3A_487 = arith.constant 512 : i32
      %ge3A_488 = vector.broadcast %ge3A_487 : i32 to vector<16xi32>
      %ge3A_489 = arith.cmpi sge, %convert_element_type3A_446, %ge3A_488 : vector<16xi32>
      %select_n3A_490 = arith.select %ge3A_489, %broadcast_in_dim3A_7, %broadcast_in_dim3A_9 : vector<16xi1>, vector<16xi32>
      %add3A_491 = arith.addi %add3A_486, %select_n3A_490 : vector<16xi32>
      %ge3A_492 = arith.constant 1024 : i32
      %ge3A_493 = vector.broadcast %ge3A_492 : i32 to vector<16xi32>
      %ge3A_494 = arith.cmpi sge, %convert_element_type3A_446, %ge3A_493 : vector<16xi32>
      %select_n3A_495 = arith.select %ge3A_494, %broadcast_in_dim3A_7, %broadcast_in_dim3A_9 : vector<16xi1>, vector<16xi32>
      %add3A_496 = arith.addi %add3A_491, %select_n3A_495 : vector<16xi32>
      %ge3A_497 = arith.constant 2048 : i32
      %ge3A_498 = vector.broadcast %ge3A_497 : i32 to vector<16xi32>
      %ge3A_499 = arith.cmpi sge, %convert_element_type3A_446, %ge3A_498 : vector<16xi32>
      %select_n3A_500 = arith.select %ge3A_499, %broadcast_in_dim3A_7, %broadcast_in_dim3A_9 : vector<16xi1>, vector<16xi32>
      %add3A_501 = arith.addi %add3A_496, %select_n3A_500 : vector<16xi32>
      %ge3A_502 = arith.constant 4096 : i32
      %ge3A_503 = vector.broadcast %ge3A_502 : i32 to vector<16xi32>
      %ge3A_504 = arith.cmpi sge, %convert_element_type3A_446, %ge3A_503 : vector<16xi32>
      %select_n3A_505 = arith.select %ge3A_504, %broadcast_in_dim3A_7, %broadcast_in_dim3A_9 : vector<16xi1>, vector<16xi32>
      %add3A_506 = arith.addi %add3A_501, %select_n3A_505 : vector<16xi32>
      %ge3A_507 = arith.constant 8192 : i32
      %ge3A_508 = vector.broadcast %ge3A_507 : i32 to vector<16xi32>
      %ge3A_509 = arith.cmpi sge, %convert_element_type3A_446, %ge3A_508 : vector<16xi32>
      %select_n3A_510 = arith.select %ge3A_509, %broadcast_in_dim3A_7, %broadcast_in_dim3A_9 : vector<16xi1>, vector<16xi32>
      %add3A_511 = arith.addi %add3A_506, %select_n3A_510 : vector<16xi32>
      %ge3A_512 = arith.constant 16384 : i32
      %ge3A_513 = vector.broadcast %ge3A_512 : i32 to vector<16xi32>
      %ge3A_514 = arith.cmpi sge, %convert_element_type3A_446, %ge3A_513 : vector<16xi32>
      %select_n3A_515 = arith.select %ge3A_514, %broadcast_in_dim3A_7, %broadcast_in_dim3A_9 : vector<16xi1>, vector<16xi32>
      %add3A_516 = arith.addi %add3A_511, %select_n3A_515 : vector<16xi32>
      %ge3A_517 = arith.constant 32768 : i32
      %ge3A_518 = vector.broadcast %ge3A_517 : i32 to vector<16xi32>
      %ge3A_519 = arith.cmpi sge, %convert_element_type3A_446, %ge3A_518 : vector<16xi32>
      %select_n3A_520 = arith.select %ge3A_519, %broadcast_in_dim3A_7, %broadcast_in_dim3A_9 : vector<16xi1>, vector<16xi32>
      %add3A_521 = arith.addi %add3A_516, %select_n3A_520 : vector<16xi32>
      %ge3A_522 = arith.constant 65536 : i32
      %ge3A_523 = vector.broadcast %ge3A_522 : i32 to vector<16xi32>
      %ge3A_524 = arith.cmpi sge, %convert_element_type3A_446, %ge3A_523 : vector<16xi32>
      %select_n3A_525 = arith.select %ge3A_524, %broadcast_in_dim3A_7, %broadcast_in_dim3A_9 : vector<16xi1>, vector<16xi32>
      %add3A_526 = arith.addi %add3A_521, %select_n3A_525 : vector<16xi32>
      %ge3A_527 = arith.constant 131072 : i32
      %ge3A_528 = vector.broadcast %ge3A_527 : i32 to vector<16xi32>
      %ge3A_529 = arith.cmpi sge, %convert_element_type3A_446, %ge3A_528 : vector<16xi32>
      %select_n3A_530 = arith.select %ge3A_529, %broadcast_in_dim3A_7, %broadcast_in_dim3A_9 : vector<16xi1>, vector<16xi32>
      %add3A_531 = arith.addi %add3A_526, %select_n3A_530 : vector<16xi32>
      %shift_left3A_532 = arith.shli %broadcast_in_dim3A_7, %add3A_531 : vector<16xi32>
      %convert_element_type3A_533 = arith.sitofp %shift_left3A_532 : vector<16xi32> to vector<16xf32>
      %div3A_534 = arith.divf %get3A_445, %convert_element_type3A_533 : vector<16xf32>
      %sub3A_535 = arith.constant 1.000000e+00 : f32
      %sub3A_536 = vector.broadcast %sub3A_535 : f32 to vector<16xf32>
      %sub3A_537 = arith.subf %div3A_534, %sub3A_536 : vector<16xf32>
      %add3A_538 = arith.constant 2.000000e+00 : f32
      %add3A_539 = vector.broadcast %add3A_538 : f32 to vector<16xf32>
      %add3A_540 = arith.addf %sub3A_537, %add3A_539 : vector<16xf32>
      %div3A_541 = arith.divf %sub3A_537, %add3A_540 : vector<16xf32>
      %mul3A_542 = arith.mulf %div3A_541, %div3A_541 : vector<16xf32>
      %mul3A_543 = arith.constant 2.000000e+00 : f32
      %mul3A_544 = vector.broadcast %mul3A_543 : f32 to vector<16xf32>
      %mul3A_545 = arith.mulf %mul3A_544, %div3A_541 : vector<16xf32>
      %mul3A_546 = arith.constant 0.142857149 : f32
      %mul3A_547 = vector.broadcast %mul3A_546 : f32 to vector<16xf32>
      %mul3A_548 = arith.mulf %mul3A_542, %mul3A_547 : vector<16xf32>
      %add3A_549 = arith.constant 2.000000e-01 : f32
      %add3A_550 = vector.broadcast %add3A_549 : f32 to vector<16xf32>
      %add3A_551 = arith.addf %add3A_550, %mul3A_548 : vector<16xf32>
      %mul3A_552 = arith.mulf %mul3A_542, %add3A_551 : vector<16xf32>
      %add3A_553 = arith.constant 0.333333343 : f32
      %add3A_554 = vector.broadcast %add3A_553 : f32 to vector<16xf32>
      %add3A_555 = arith.addf %add3A_554, %mul3A_552 : vector<16xf32>
      %mul3A_556 = arith.mulf %mul3A_542, %add3A_555 : vector<16xf32>
      %add3A_557 = arith.constant 1.000000e+00 : f32
      %add3A_558 = vector.broadcast %add3A_557 : f32 to vector<16xf32>
      %add3A_559 = arith.addf %add3A_558, %mul3A_556 : vector<16xf32>
      %mul3A_560 = arith.mulf %mul3A_545, %add3A_559 : vector<16xf32>
      %convert_element_type3A_561 = arith.sitofp %add3A_531 : vector<16xi32> to vector<16xf32>
      %mul3A_562 = arith.constant 0.693147182 : f32
      %mul3A_563 = vector.broadcast %mul3A_562 : f32 to vector<16xf32>
      %mul3A_564 = arith.mulf %convert_element_type3A_561, %mul3A_563 : vector<16xf32>
      %add3A_565 = arith.addf %mul3A_564, %mul3A_560 : vector<16xf32>
      %mul3A_566 = arith.mulf %get3A_445, %add3A_565 : vector<16xf32>
      %add3A_567 = arith.addf %add3A_443, %mul3A_566 : vector<16xf32>
      %get3A_568 = arith.constant 64 : index
      %get3A_569 = tpu.vector_load %arg6[%get3A_568] {strides = array<i32>} : memref<256xf32, #tpu.memory_space<vmem>>, vector<16xf32>,
      %convert_element_type3A_570 = arith.fptosi %get3A_569 : vector<16xf32> to vector<16xi32>
      %ge3A_571 = arith.constant 2 : i32
      %ge3A_572 = vector.broadcast %ge3A_571 : i32 to vector<16xi32>
      %ge3A_573 = arith.cmpi sge, %convert_element_type3A_570, %ge3A_572 : vector<16xi32>
      %select_n3A_574 = arith.select %ge3A_573, %broadcast_in_dim3A_7, %broadcast_in_dim3A_9 : vector<16xi1>, vector<16xi32>
      %add3A_575 = arith.addi %broadcast_in_dim3A_9, %select_n3A_574 : vector<16xi32>
      %ge3A_576 = arith.constant 4 : i32
      %ge3A_577 = vector.broadcast %ge3A_576 : i32 to vector<16xi32>
      %ge3A_578 = arith.cmpi sge, %convert_element_type3A_570, %ge3A_577 : vector<16xi32>
      %select_n3A_579 = arith.select %ge3A_578, %broadcast_in_dim3A_7, %broadcast_in_dim3A_9 : vector<16xi1>, vector<16xi32>
      %add3A_580 = arith.addi %add3A_575, %select_n3A_579 : vector<16xi32>
      %ge3A_581 = arith.constant 8 : i32
      %ge3A_582 = vector.broadcast %ge3A_581 : i32 to vector<16xi32>
      %ge3A_583 = arith.cmpi sge, %convert_element_type3A_570, %ge3A_582 : vector<16xi32>
      %select_n3A_584 = arith.select %ge3A_583, %broadcast_in_dim3A_7, %broadcast_in_dim3A_9 : vector<16xi1>, vector<16xi32>
      %add3A_585 = arith.addi %add3A_580, %select_n3A_584 : vector<16xi32>
      %ge3A_586 = arith.constant 16 : i32
      %ge3A_587 = vector.broadcast %ge3A_586 : i32 to vector<16xi32>
      %ge3A_588 = arith.cmpi sge, %convert_element_type3A_570, %ge3A_587 : vector<16xi32>
      %select_n3A_589 = arith.select %ge3A_588, %broadcast_in_dim3A_7, %broadcast_in_dim3A_9 : vector<16xi1>, vector<16xi32>
      %add3A_590 = arith.addi %add3A_585, %select_n3A_589 : vector<16xi32>
      %ge3A_591 = arith.constant 32 : i32
      %ge3A_592 = vector.broadcast %ge3A_591 : i32 to vector<16xi32>
      %ge3A_593 = arith.cmpi sge, %convert_element_type3A_570, %ge3A_592 : vector<16xi32>
      %select_n3A_594 = arith.select %ge3A_593, %broadcast_in_dim3A_7, %broadcast_in_dim3A_9 : vector<16xi1>, vector<16xi32>
      %add3A_595 = arith.addi %add3A_590, %select_n3A_594 : vector<16xi32>
      %ge3A_596 = arith.constant 64 : i32
      %ge3A_597 = vector.broadcast %ge3A_596 : i32 to vector<16xi32>
      %ge3A_598 = arith.cmpi sge, %convert_element_type3A_570, %ge3A_597 : vector<16xi32>
      %select_n3A_599 = arith.select %ge3A_598, %broadcast_in_dim3A_7, %broadcast_in_dim3A_9 : vector<16xi1>, vector<16xi32>
      %add3A_600 = arith.addi %add3A_595, %select_n3A_599 : vector<16xi32>
      %ge3A_601 = arith.constant 128 : i32
      %ge3A_602 = vector.broadcast %ge3A_601 : i32 to vector<16xi32>
      %ge3A_603 = arith.cmpi sge, %convert_element_type3A_570, %ge3A_602 : vector<16xi32>
      %select_n3A_604 = arith.select %ge3A_603, %broadcast_in_dim3A_7, %broadcast_in_dim3A_9 : vector<16xi1>, vector<16xi32>
      %add3A_605 = arith.addi %add3A_600, %select_n3A_604 : vector<16xi32>
      %ge3A_606 = arith.constant 256 : i32
      %ge3A_607 = vector.broadcast %ge3A_606 : i32 to vector<16xi32>
      %ge3A_608 = arith.cmpi sge, %convert_element_type3A_570, %ge3A_607 : vector<16xi32>
      %select_n3A_609 = arith.select %ge3A_608, %broadcast_in_dim3A_7, %broadcast_in_dim3A_9 : vector<16xi1>, vector<16xi32>
      %add3A_610 = arith.addi %add3A_605, %select_n3A_609 : vector<16xi32>
      %ge3A_611 = arith.constant 512 : i32
      %ge3A_612 = vector.broadcast %ge3A_611 : i32 to vector<16xi32>
      %ge3A_613 = arith.cmpi sge, %convert_element_type3A_570, %ge3A_612 : vector<16xi32>
      %select_n3A_614 = arith.select %ge3A_613, %broadcast_in_dim3A_7, %broadcast_in_dim3A_9 : vector<16xi1>, vector<16xi32>
      %add3A_615 = arith.addi %add3A_610, %select_n3A_614 : vector<16xi32>
      %ge3A_616 = arith.constant 1024 : i32
      %ge3A_617 = vector.broadcast %ge3A_616 : i32 to vector<16xi32>
      %ge3A_618 = arith.cmpi sge, %convert_element_type3A_570, %ge3A_617 : vector<16xi32>
      %select_n3A_619 = arith.select %ge3A_618, %broadcast_in_dim3A_7, %broadcast_in_dim3A_9 : vector<16xi1>, vector<16xi32>
      %add3A_620 = arith.addi %add3A_615, %select_n3A_619 : vector<16xi32>
      %ge3A_621 = arith.constant 2048 : i32
      %ge3A_622 = vector.broadcast %ge3A_621 : i32 to vector<16xi32>
      %ge3A_623 = arith.cmpi sge, %convert_element_type3A_570, %ge3A_622 : vector<16xi32>
      %select_n3A_624 = arith.select %ge3A_623, %broadcast_in_dim3A_7, %broadcast_in_dim3A_9 : vector<16xi1>, vector<16xi32>
      %add3A_625 = arith.addi %add3A_620, %select_n3A_624 : vector<16xi32>
      %ge3A_626 = arith.constant 4096 : i32
      %ge3A_627 = vector.broadcast %ge3A_626 : i32 to vector<16xi32>
      %ge3A_628 = arith.cmpi sge, %convert_element_type3A_570, %ge3A_627 : vector<16xi32>
      %select_n3A_629 = arith.select %ge3A_628, %broadcast_in_dim3A_7, %broadcast_in_dim3A_9 : vector<16xi1>, vector<16xi32>
      %add3A_630 = arith.addi %add3A_625, %select_n3A_629 : vector<16xi32>
      %ge3A_631 = arith.constant 8192 : i32
      %ge3A_632 = vector.broadcast %ge3A_631 : i32 to vector<16xi32>
      %ge3A_633 = arith.cmpi sge, %convert_element_type3A_570, %ge3A_632 : vector<16xi32>
      %select_n3A_634 = arith.select %ge3A_633, %broadcast_in_dim3A_7, %broadcast_in_dim3A_9 : vector<16xi1>, vector<16xi32>
      %add3A_635 = arith.addi %add3A_630, %select_n3A_634 : vector<16xi32>
      %ge3A_636 = arith.constant 16384 : i32
      %ge3A_637 = vector.broadcast %ge3A_636 : i32 to vector<16xi32>
      %ge3A_638 = arith.cmpi sge, %convert_element_type3A_570, %ge3A_637 : vector<16xi32>
      %select_n3A_639 = arith.select %ge3A_638, %broadcast_in_dim3A_7, %broadcast_in_dim3A_9 : vector<16xi1>, vector<16xi32>
      %add3A_640 = arith.addi %add3A_635, %select_n3A_639 : vector<16xi32>
      %ge3A_641 = arith.constant 32768 : i32
      %ge3A_642 = vector.broadcast %ge3A_641 : i32 to vector<16xi32>
      %ge3A_643 = arith.cmpi sge, %convert_element_type3A_570, %ge3A_642 : vector<16xi32>
      %select_n3A_644 = arith.select %ge3A_643, %broadcast_in_dim3A_7, %broadcast_in_dim3A_9 : vector<16xi1>, vector<16xi32>
      %add3A_645 = arith.addi %add3A_640, %select_n3A_644 : vector<16xi32>
      %ge3A_646 = arith.constant 65536 : i32
      %ge3A_647 = vector.broadcast %ge3A_646 : i32 to vector<16xi32>
      %ge3A_648 = arith.cmpi sge, %convert_element_type3A_570, %ge3A_647 : vector<16xi32>
      %select_n3A_649 = arith.select %ge3A_648, %broadcast_in_dim3A_7, %broadcast_in_dim3A_9 : vector<16xi1>, vector<16xi32>
      %add3A_650 = arith.addi %add3A_645, %select_n3A_649 : vector<16xi32>
      %ge3A_651 = arith.constant 131072 : i32
      %ge3A_652 = vector.broadcast %ge3A_651 : i32 to vector<16xi32>
      %ge3A_653 = arith.cmpi sge, %convert_element_type3A_570, %ge3A_652 : vector<16xi32>
      %select_n3A_654 = arith.select %ge3A_653, %broadcast_in_dim3A_7, %broadcast_in_dim3A_9 : vector<16xi1>, vector<16xi32>
      %add3A_655 = arith.addi %add3A_650, %select_n3A_654 : vector<16xi32>
      %shift_left3A_656 = arith.shli %broadcast_in_dim3A_7, %add3A_655 : vector<16xi32>
      %convert_element_type3A_657 = arith.sitofp %shift_left3A_656 : vector<16xi32> to vector<16xf32>
      %div3A_658 = arith.divf %get3A_569, %convert_element_type3A_657 : vector<16xf32>
      %sub3A_659 = arith.constant 1.000000e+00 : f32
      %sub3A_660 = vector.broadcast %sub3A_659 : f32 to vector<16xf32>
      %sub3A_661 = arith.subf %div3A_658, %sub3A_660 : vector<16xf32>
      %add3A_662 = arith.constant 2.000000e+00 : f32
      %add3A_663 = vector.broadcast %add3A_662 : f32 to vector<16xf32>
      %add3A_664 = arith.addf %sub3A_661, %add3A_663 : vector<16xf32>
      %div3A_665 = arith.divf %sub3A_661, %add3A_664 : vector<16xf32>
      %mul3A_666 = arith.mulf %div3A_665, %div3A_665 : vector<16xf32>
      %mul3A_667 = arith.constant 2.000000e+00 : f32
      %mul3A_668 = vector.broadcast %mul3A_667 : f32 to vector<16xf32>
      %mul3A_669 = arith.mulf %mul3A_668, %div3A_665 : vector<16xf32>
      %mul3A_670 = arith.constant 0.142857149 : f32
      %mul3A_671 = vector.broadcast %mul3A_670 : f32 to vector<16xf32>
      %mul3A_672 = arith.mulf %mul3A_666, %mul3A_671 : vector<16xf32>
      %add3A_673 = arith.constant 2.000000e-01 : f32
      %add3A_674 = vector.broadcast %add3A_673 : f32 to vector<16xf32>
      %add3A_675 = arith.addf %add3A_674, %mul3A_672 : vector<16xf32>
      %mul3A_676 = arith.mulf %mul3A_666, %add3A_675 : vector<16xf32>
      %add3A_677 = arith.constant 0.333333343 : f32
      %add3A_678 = vector.broadcast %add3A_677 : f32 to vector<16xf32>
      %add3A_679 = arith.addf %add3A_678, %mul3A_676 : vector<16xf32>
      %mul3A_680 = arith.mulf %mul3A_666, %add3A_679 : vector<16xf32>
      %add3A_681 = arith.constant 1.000000e+00 : f32
      %add3A_682 = vector.broadcast %add3A_681 : f32 to vector<16xf32>
      %add3A_683 = arith.addf %add3A_682, %mul3A_680 : vector<16xf32>
      %mul3A_684 = arith.mulf %mul3A_669, %add3A_683 : vector<16xf32>
      %convert_element_type3A_685 = arith.sitofp %add3A_655 : vector<16xi32> to vector<16xf32>
      %mul3A_686 = arith.constant 0.693147182 : f32
      %mul3A_687 = vector.broadcast %mul3A_686 : f32 to vector<16xf32>
      %mul3A_688 = arith.mulf %convert_element_type3A_685, %mul3A_687 : vector<16xf32>
      %add3A_689 = arith.addf %mul3A_688, %mul3A_684 : vector<16xf32>
      %mul3A_690 = arith.mulf %get3A_569, %add3A_689 : vector<16xf32>
      %add3A_691 = arith.addf %add3A_567, %mul3A_690 : vector<16xf32>
      %get3A_692 = arith.constant 80 : index
      %get3A_693 = tpu.vector_load %arg6[%get3A_692] {strides = array<i32>} : memref<256xf32, #tpu.memory_space<vmem>>, vector<16xf32>,
      %convert_element_type3A_694 = arith.fptosi %get3A_693 : vector<16xf32> to vector<16xi32>
      %ge3A_695 = arith.constant 2 : i32
      %ge3A_696 = vector.broadcast %ge3A_695 : i32 to vector<16xi32>
      %ge3A_697 = arith.cmpi sge, %convert_element_type3A_694, %ge3A_696 : vector<16xi32>
      %select_n3A_698 = arith.select %ge3A_697, %broadcast_in_dim3A_7, %broadcast_in_dim3A_9 : vector<16xi1>, vector<16xi32>
      %add3A_699 = arith.addi %broadcast_in_dim3A_9, %select_n3A_698 : vector<16xi32>
      %ge3A_700 = arith.constant 4 : i32
      %ge3A_701 = vector.broadcast %ge3A_700 : i32 to vector<16xi32>
      %ge3A_702 = arith.cmpi sge, %convert_element_type3A_694, %ge3A_701 : vector<16xi32>
      %select_n3A_703 = arith.select %ge3A_702, %broadcast_in_dim3A_7, %broadcast_in_dim3A_9 : vector<16xi1>, vector<16xi32>
      %add3A_704 = arith.addi %add3A_699, %select_n3A_703 : vector<16xi32>
      %ge3A_705 = arith.constant 8 : i32
      %ge3A_706 = vector.broadcast %ge3A_705 : i32 to vector<16xi32>
      %ge3A_707 = arith.cmpi sge, %convert_element_type3A_694, %ge3A_706 : vector<16xi32>
      %select_n3A_708 = arith.select %ge3A_707, %broadcast_in_dim3A_7, %broadcast_in_dim3A_9 : vector<16xi1>, vector<16xi32>
      %add3A_709 = arith.addi %add3A_704, %select_n3A_708 : vector<16xi32>
      %ge3A_710 = arith.constant 16 : i32
      %ge3A_711 = vector.broadcast %ge3A_710 : i32 to vector<16xi32>
      %ge3A_712 = arith.cmpi sge, %convert_element_type3A_694, %ge3A_711 : vector<16xi32>
      %select_n3A_713 = arith.select %ge3A_712, %broadcast_in_dim3A_7, %broadcast_in_dim3A_9 : vector<16xi1>, vector<16xi32>
      %add3A_714 = arith.addi %add3A_709, %select_n3A_713 : vector<16xi32>
      %ge3A_715 = arith.constant 32 : i32
      %ge3A_716 = vector.broadcast %ge3A_715 : i32 to vector<16xi32>
      %ge3A_717 = arith.cmpi sge, %convert_element_type3A_694, %ge3A_716 : vector<16xi32>
      %select_n3A_718 = arith.select %ge3A_717, %broadcast_in_dim3A_7, %broadcast_in_dim3A_9 : vector<16xi1>, vector<16xi32>
      %add3A_719 = arith.addi %add3A_714, %select_n3A_718 : vector<16xi32>
      %ge3A_720 = arith.constant 64 : i32
      %ge3A_721 = vector.broadcast %ge3A_720 : i32 to vector<16xi32>
      %ge3A_722 = arith.cmpi sge, %convert_element_type3A_694, %ge3A_721 : vector<16xi32>
      %select_n3A_723 = arith.select %ge3A_722, %broadcast_in_dim3A_7, %broadcast_in_dim3A_9 : vector<16xi1>, vector<16xi32>
      %add3A_724 = arith.addi %add3A_719, %select_n3A_723 : vector<16xi32>
      %ge3A_725 = arith.constant 128 : i32
      %ge3A_726 = vector.broadcast %ge3A_725 : i32 to vector<16xi32>
      %ge3A_727 = arith.cmpi sge, %convert_element_type3A_694, %ge3A_726 : vector<16xi32>
      %select_n3A_728 = arith.select %ge3A_727, %broadcast_in_dim3A_7, %broadcast_in_dim3A_9 : vector<16xi1>, vector<16xi32>
      %add3A_729 = arith.addi %add3A_724, %select_n3A_728 : vector<16xi32>
      %ge3A_730 = arith.constant 256 : i32
      %ge3A_731 = vector.broadcast %ge3A_730 : i32 to vector<16xi32>
      %ge3A_732 = arith.cmpi sge, %convert_element_type3A_694, %ge3A_731 : vector<16xi32>
      %select_n3A_733 = arith.select %ge3A_732, %broadcast_in_dim3A_7, %broadcast_in_dim3A_9 : vector<16xi1>, vector<16xi32>
      %add3A_734 = arith.addi %add3A_729, %select_n3A_733 : vector<16xi32>
      %ge3A_735 = arith.constant 512 : i32
      %ge3A_736 = vector.broadcast %ge3A_735 : i32 to vector<16xi32>
      %ge3A_737 = arith.cmpi sge, %convert_element_type3A_694, %ge3A_736 : vector<16xi32>
      %select_n3A_738 = arith.select %ge3A_737, %broadcast_in_dim3A_7, %broadcast_in_dim3A_9 : vector<16xi1>, vector<16xi32>
      %add3A_739 = arith.addi %add3A_734, %select_n3A_738 : vector<16xi32>
      %ge3A_740 = arith.constant 1024 : i32
      %ge3A_741 = vector.broadcast %ge3A_740 : i32 to vector<16xi32>
      %ge3A_742 = arith.cmpi sge, %convert_element_type3A_694, %ge3A_741 : vector<16xi32>
      %select_n3A_743 = arith.select %ge3A_742, %broadcast_in_dim3A_7, %broadcast_in_dim3A_9 : vector<16xi1>, vector<16xi32>
      %add3A_744 = arith.addi %add3A_739, %select_n3A_743 : vector<16xi32>
      %ge3A_745 = arith.constant 2048 : i32
      %ge3A_746 = vector.broadcast %ge3A_745 : i32 to vector<16xi32>
      %ge3A_747 = arith.cmpi sge, %convert_element_type3A_694, %ge3A_746 : vector<16xi32>
      %select_n3A_748 = arith.select %ge3A_747, %broadcast_in_dim3A_7, %broadcast_in_dim3A_9 : vector<16xi1>, vector<16xi32>
      %add3A_749 = arith.addi %add3A_744, %select_n3A_748 : vector<16xi32>
      %ge3A_750 = arith.constant 4096 : i32
      %ge3A_751 = vector.broadcast %ge3A_750 : i32 to vector<16xi32>
      %ge3A_752 = arith.cmpi sge, %convert_element_type3A_694, %ge3A_751 : vector<16xi32>
      %select_n3A_753 = arith.select %ge3A_752, %broadcast_in_dim3A_7, %broadcast_in_dim3A_9 : vector<16xi1>, vector<16xi32>
      %add3A_754 = arith.addi %add3A_749, %select_n3A_753 : vector<16xi32>
      %ge3A_755 = arith.constant 8192 : i32
      %ge3A_756 = vector.broadcast %ge3A_755 : i32 to vector<16xi32>
      %ge3A_757 = arith.cmpi sge, %convert_element_type3A_694, %ge3A_756 : vector<16xi32>
      %select_n3A_758 = arith.select %ge3A_757, %broadcast_in_dim3A_7, %broadcast_in_dim3A_9 : vector<16xi1>, vector<16xi32>
      %add3A_759 = arith.addi %add3A_754, %select_n3A_758 : vector<16xi32>
      %ge3A_760 = arith.constant 16384 : i32
      %ge3A_761 = vector.broadcast %ge3A_760 : i32 to vector<16xi32>
      %ge3A_762 = arith.cmpi sge, %convert_element_type3A_694, %ge3A_761 : vector<16xi32>
      %select_n3A_763 = arith.select %ge3A_762, %broadcast_in_dim3A_7, %broadcast_in_dim3A_9 : vector<16xi1>, vector<16xi32>
      %add3A_764 = arith.addi %add3A_759, %select_n3A_763 : vector<16xi32>
      %ge3A_765 = arith.constant 32768 : i32
      %ge3A_766 = vector.broadcast %ge3A_765 : i32 to vector<16xi32>
      %ge3A_767 = arith.cmpi sge, %convert_element_type3A_694, %ge3A_766 : vector<16xi32>
      %select_n3A_768 = arith.select %ge3A_767, %broadcast_in_dim3A_7, %broadcast_in_dim3A_9 : vector<16xi1>, vector<16xi32>
      %add3A_769 = arith.addi %add3A_764, %select_n3A_768 : vector<16xi32>
      %ge3A_770 = arith.constant 65536 : i32
      %ge3A_771 = vector.broadcast %ge3A_770 : i32 to vector<16xi32>
      %ge3A_772 = arith.cmpi sge, %convert_element_type3A_694, %ge3A_771 : vector<16xi32>
      %select_n3A_773 = arith.select %ge3A_772, %broadcast_in_dim3A_7, %broadcast_in_dim3A_9 : vector<16xi1>, vector<16xi32>
      %add3A_774 = arith.addi %add3A_769, %select_n3A_773 : vector<16xi32>
      %ge3A_775 = arith.constant 131072 : i32
      %ge3A_776 = vector.broadcast %ge3A_775 : i32 to vector<16xi32>
      %ge3A_777 = arith.cmpi sge, %convert_element_type3A_694, %ge3A_776 : vector<16xi32>
      %select_n3A_778 = arith.select %ge3A_777, %broadcast_in_dim3A_7, %broadcast_in_dim3A_9 : vector<16xi1>, vector<16xi32>
      %add3A_779 = arith.addi %add3A_774, %select_n3A_778 : vector<16xi32>
      %shift_left3A_780 = arith.shli %broadcast_in_dim3A_7, %add3A_779 : vector<16xi32>
      %convert_element_type3A_781 = arith.sitofp %shift_left3A_780 : vector<16xi32> to vector<16xf32>
      %div3A_782 = arith.divf %get3A_693, %convert_element_type3A_781 : vector<16xf32>
      %sub3A_783 = arith.constant 1.000000e+00 : f32
      %sub3A_784 = vector.broadcast %sub3A_783 : f32 to vector<16xf32>
      %sub3A_785 = arith.subf %div3A_782, %sub3A_784 : vector<16xf32>
      %add3A_786 = arith.constant 2.000000e+00 : f32
      %add3A_787 = vector.broadcast %add3A_786 : f32 to vector<16xf32>
      %add3A_788 = arith.addf %sub3A_785, %add3A_787 : vector<16xf32>
      %div3A_789 = arith.divf %sub3A_785, %add3A_788 : vector<16xf32>
      %mul3A_790 = arith.mulf %div3A_789, %div3A_789 : vector<16xf32>
      %mul3A_791 = arith.constant 2.000000e+00 : f32
      %mul3A_792 = vector.broadcast %mul3A_791 : f32 to vector<16xf32>
      %mul3A_793 = arith.mulf %mul3A_792, %div3A_789 : vector<16xf32>
      %mul3A_794 = arith.constant 0.142857149 : f32
      %mul3A_795 = vector.broadcast %mul3A_794 : f32 to vector<16xf32>
      %mul3A_796 = arith.mulf %mul3A_790, %mul3A_795 : vector<16xf32>
      %add3A_797 = arith.constant 2.000000e-01 : f32
      %add3A_798 = vector.broadcast %add3A_797 : f32 to vector<16xf32>
      %add3A_799 = arith.addf %add3A_798, %mul3A_796 : vector<16xf32>
      %mul3A_800 = arith.mulf %mul3A_790, %add3A_799 : vector<16xf32>
      %add3A_801 = arith.constant 0.333333343 : f32
      %add3A_802 = vector.broadcast %add3A_801 : f32 to vector<16xf32>
      %add3A_803 = arith.addf %add3A_802, %mul3A_800 : vector<16xf32>
      %mul3A_804 = arith.mulf %mul3A_790, %add3A_803 : vector<16xf32>
      %add3A_805 = arith.constant 1.000000e+00 : f32
      %add3A_806 = vector.broadcast %add3A_805 : f32 to vector<16xf32>
      %add3A_807 = arith.addf %add3A_806, %mul3A_804 : vector<16xf32>
      %mul3A_808 = arith.mulf %mul3A_793, %add3A_807 : vector<16xf32>
      %convert_element_type3A_809 = arith.sitofp %add3A_779 : vector<16xi32> to vector<16xf32>
      %mul3A_810 = arith.constant 0.693147182 : f32
      %mul3A_811 = vector.broadcast %mul3A_810 : f32 to vector<16xf32>
      %mul3A_812 = arith.mulf %convert_element_type3A_809, %mul3A_811 : vector<16xf32>
      %add3A_813 = arith.addf %mul3A_812, %mul3A_808 : vector<16xf32>
      %mul3A_814 = arith.mulf %get3A_693, %add3A_813 : vector<16xf32>
      %add3A_815 = arith.addf %add3A_691, %mul3A_814 : vector<16xf32>
      %get3A_816 = arith.constant 96 : index
      %get3A_817 = tpu.vector_load %arg6[%get3A_816] {strides = array<i32>} : memref<256xf32, #tpu.memory_space<vmem>>, vector<16xf32>,
      %convert_element_type3A_818 = arith.fptosi %get3A_817 : vector<16xf32> to vector<16xi32>
      %ge3A_819 = arith.constant 2 : i32
      %ge3A_820 = vector.broadcast %ge3A_819 : i32 to vector<16xi32>
      %ge3A_821 = arith.cmpi sge, %convert_element_type3A_818, %ge3A_820 : vector<16xi32>
      %select_n3A_822 = arith.select %ge3A_821, %broadcast_in_dim3A_7, %broadcast_in_dim3A_9 : vector<16xi1>, vector<16xi32>
      %add3A_823 = arith.addi %broadcast_in_dim3A_9, %select_n3A_822 : vector<16xi32>
      %ge3A_824 = arith.constant 4 : i32
      %ge3A_825 = vector.broadcast %ge3A_824 : i32 to vector<16xi32>
      %ge3A_826 = arith.cmpi sge, %convert_element_type3A_818, %ge3A_825 : vector<16xi32>
      %select_n3A_827 = arith.select %ge3A_826, %broadcast_in_dim3A_7, %broadcast_in_dim3A_9 : vector<16xi1>, vector<16xi32>
      %add3A_828 = arith.addi %add3A_823, %select_n3A_827 : vector<16xi32>
      %ge3A_829 = arith.constant 8 : i32
      %ge3A_830 = vector.broadcast %ge3A_829 : i32 to vector<16xi32>
      %ge3A_831 = arith.cmpi sge, %convert_element_type3A_818, %ge3A_830 : vector<16xi32>
      %select_n3A_832 = arith.select %ge3A_831, %broadcast_in_dim3A_7, %broadcast_in_dim3A_9 : vector<16xi1>, vector<16xi32>
      %add3A_833 = arith.addi %add3A_828, %select_n3A_832 : vector<16xi32>
      %ge3A_834 = arith.constant 16 : i32
      %ge3A_835 = vector.broadcast %ge3A_834 : i32 to vector<16xi32>
      %ge3A_836 = arith.cmpi sge, %convert_element_type3A_818, %ge3A_835 : vector<16xi32>
      %select_n3A_837 = arith.select %ge3A_836, %broadcast_in_dim3A_7, %broadcast_in_dim3A_9 : vector<16xi1>, vector<16xi32>
      %add3A_838 = arith.addi %add3A_833, %select_n3A_837 : vector<16xi32>
      %ge3A_839 = arith.constant 32 : i32
      %ge3A_840 = vector.broadcast %ge3A_839 : i32 to vector<16xi32>
      %ge3A_841 = arith.cmpi sge, %convert_element_type3A_818, %ge3A_840 : vector<16xi32>
      %select_n3A_842 = arith.select %ge3A_841, %broadcast_in_dim3A_7, %broadcast_in_dim3A_9 : vector<16xi1>, vector<16xi32>
      %add3A_843 = arith.addi %add3A_838, %select_n3A_842 : vector<16xi32>
      %ge3A_844 = arith.constant 64 : i32
      %ge3A_845 = vector.broadcast %ge3A_844 : i32 to vector<16xi32>
      %ge3A_846 = arith.cmpi sge, %convert_element_type3A_818, %ge3A_845 : vector<16xi32>
      %select_n3A_847 = arith.select %ge3A_846, %broadcast_in_dim3A_7, %broadcast_in_dim3A_9 : vector<16xi1>, vector<16xi32>
      %add3A_848 = arith.addi %add3A_843, %select_n3A_847 : vector<16xi32>
      %ge3A_849 = arith.constant 128 : i32
      %ge3A_850 = vector.broadcast %ge3A_849 : i32 to vector<16xi32>
      %ge3A_851 = arith.cmpi sge, %convert_element_type3A_818, %ge3A_850 : vector<16xi32>
      %select_n3A_852 = arith.select %ge3A_851, %broadcast_in_dim3A_7, %broadcast_in_dim3A_9 : vector<16xi1>, vector<16xi32>
      %add3A_853 = arith.addi %add3A_848, %select_n3A_852 : vector<16xi32>
      %ge3A_854 = arith.constant 256 : i32
      %ge3A_855 = vector.broadcast %ge3A_854 : i32 to vector<16xi32>
      %ge3A_856 = arith.cmpi sge, %convert_element_type3A_818, %ge3A_855 : vector<16xi32>
      %select_n3A_857 = arith.select %ge3A_856, %broadcast_in_dim3A_7, %broadcast_in_dim3A_9 : vector<16xi1>, vector<16xi32>
      %add3A_858 = arith.addi %add3A_853, %select_n3A_857 : vector<16xi32>
      %ge3A_859 = arith.constant 512 : i32
      %ge3A_860 = vector.broadcast %ge3A_859 : i32 to vector<16xi32>
      %ge3A_861 = arith.cmpi sge, %convert_element_type3A_818, %ge3A_860 : vector<16xi32>
      %select_n3A_862 = arith.select %ge3A_861, %broadcast_in_dim3A_7, %broadcast_in_dim3A_9 : vector<16xi1>, vector<16xi32>
      %add3A_863 = arith.addi %add3A_858, %select_n3A_862 : vector<16xi32>
      %ge3A_864 = arith.constant 1024 : i32
      %ge3A_865 = vector.broadcast %ge3A_864 : i32 to vector<16xi32>
      %ge3A_866 = arith.cmpi sge, %convert_element_type3A_818, %ge3A_865 : vector<16xi32>
      %select_n3A_867 = arith.select %ge3A_866, %broadcast_in_dim3A_7, %broadcast_in_dim3A_9 : vector<16xi1>, vector<16xi32>
      %add3A_868 = arith.addi %add3A_863, %select_n3A_867 : vector<16xi32>
      %ge3A_869 = arith.constant 2048 : i32
      %ge3A_870 = vector.broadcast %ge3A_869 : i32 to vector<16xi32>
      %ge3A_871 = arith.cmpi sge, %convert_element_type3A_818, %ge3A_870 : vector<16xi32>
      %select_n3A_872 = arith.select %ge3A_871, %broadcast_in_dim3A_7, %broadcast_in_dim3A_9 : vector<16xi1>, vector<16xi32>
      %add3A_873 = arith.addi %add3A_868, %select_n3A_872 : vector<16xi32>
      %ge3A_874 = arith.constant 4096 : i32
      %ge3A_875 = vector.broadcast %ge3A_874 : i32 to vector<16xi32>
      %ge3A_876 = arith.cmpi sge, %convert_element_type3A_818, %ge3A_875 : vector<16xi32>
      %select_n3A_877 = arith.select %ge3A_876, %broadcast_in_dim3A_7, %broadcast_in_dim3A_9 : vector<16xi1>, vector<16xi32>
      %add3A_878 = arith.addi %add3A_873, %select_n3A_877 : vector<16xi32>
      %ge3A_879 = arith.constant 8192 : i32
      %ge3A_880 = vector.broadcast %ge3A_879 : i32 to vector<16xi32>
      %ge3A_881 = arith.cmpi sge, %convert_element_type3A_818, %ge3A_880 : vector<16xi32>
      %select_n3A_882 = arith.select %ge3A_881, %broadcast_in_dim3A_7, %broadcast_in_dim3A_9 : vector<16xi1>, vector<16xi32>
      %add3A_883 = arith.addi %add3A_878, %select_n3A_882 : vector<16xi32>
      %ge3A_884 = arith.constant 16384 : i32
      %ge3A_885 = vector.broadcast %ge3A_884 : i32 to vector<16xi32>
      %ge3A_886 = arith.cmpi sge, %convert_element_type3A_818, %ge3A_885 : vector<16xi32>
      %select_n3A_887 = arith.select %ge3A_886, %broadcast_in_dim3A_7, %broadcast_in_dim3A_9 : vector<16xi1>, vector<16xi32>
      %add3A_888 = arith.addi %add3A_883, %select_n3A_887 : vector<16xi32>
      %ge3A_889 = arith.constant 32768 : i32
      %ge3A_890 = vector.broadcast %ge3A_889 : i32 to vector<16xi32>
      %ge3A_891 = arith.cmpi sge, %convert_element_type3A_818, %ge3A_890 : vector<16xi32>
      %select_n3A_892 = arith.select %ge3A_891, %broadcast_in_dim3A_7, %broadcast_in_dim3A_9 : vector<16xi1>, vector<16xi32>
      %add3A_893 = arith.addi %add3A_888, %select_n3A_892 : vector<16xi32>
      %ge3A_894 = arith.constant 65536 : i32
      %ge3A_895 = vector.broadcast %ge3A_894 : i32 to vector<16xi32>
      %ge3A_896 = arith.cmpi sge, %convert_element_type3A_818, %ge3A_895 : vector<16xi32>
      %select_n3A_897 = arith.select %ge3A_896, %broadcast_in_dim3A_7, %broadcast_in_dim3A_9 : vector<16xi1>, vector<16xi32>
      %add3A_898 = arith.addi %add3A_893, %select_n3A_897 : vector<16xi32>
      %ge3A_899 = arith.constant 131072 : i32
      %ge3A_900 = vector.broadcast %ge3A_899 : i32 to vector<16xi32>
      %ge3A_901 = arith.cmpi sge, %convert_element_type3A_818, %ge3A_900 : vector<16xi32>
      %select_n3A_902 = arith.select %ge3A_901, %broadcast_in_dim3A_7, %broadcast_in_dim3A_9 : vector<16xi1>, vector<16xi32>
      %add3A_903 = arith.addi %add3A_898, %select_n3A_902 : vector<16xi32>
      %shift_left3A_904 = arith.shli %broadcast_in_dim3A_7, %add3A_903 : vector<16xi32>
      %convert_element_type3A_905 = arith.sitofp %shift_left3A_904 : vector<16xi32> to vector<16xf32>
      %div3A_906 = arith.divf %get3A_817, %convert_element_type3A_905 : vector<16xf32>
      %sub3A_907 = arith.constant 1.000000e+00 : f32
      %sub3A_908 = vector.broadcast %sub3A_907 : f32 to vector<16xf32>
      %sub3A_909 = arith.subf %div3A_906, %sub3A_908 : vector<16xf32>
      %add3A_910 = arith.constant 2.000000e+00 : f32
      %add3A_911 = vector.broadcast %add3A_910 : f32 to vector<16xf32>
      %add3A_912 = arith.addf %sub3A_909, %add3A_911 : vector<16xf32>
      %div3A_913 = arith.divf %sub3A_909, %add3A_912 : vector<16xf32>
      %mul3A_914 = arith.mulf %div3A_913, %div3A_913 : vector<16xf32>
      %mul3A_915 = arith.constant 2.000000e+00 : f32
      %mul3A_916 = vector.broadcast %mul3A_915 : f32 to vector<16xf32>
      %mul3A_917 = arith.mulf %mul3A_916, %div3A_913 : vector<16xf32>
      %mul3A_918 = arith.constant 0.142857149 : f32
      %mul3A_919 = vector.broadcast %mul3A_918 : f32 to vector<16xf32>
      %mul3A_920 = arith.mulf %mul3A_914, %mul3A_919 : vector<16xf32>
      %add3A_921 = arith.constant 2.000000e-01 : f32
      %add3A_922 = vector.broadcast %add3A_921 : f32 to vector<16xf32>
      %add3A_923 = arith.addf %add3A_922, %mul3A_920 : vector<16xf32>
      %mul3A_924 = arith.mulf %mul3A_914, %add3A_923 : vector<16xf32>
      %add3A_925 = arith.constant 0.333333343 : f32
      %add3A_926 = vector.broadcast %add3A_925 : f32 to vector<16xf32>
      %add3A_927 = arith.addf %add3A_926, %mul3A_924 : vector<16xf32>
      %mul3A_928 = arith.mulf %mul3A_914, %add3A_927 : vector<16xf32>
      %add3A_929 = arith.constant 1.000000e+00 : f32
      %add3A_930 = vector.broadcast %add3A_929 : f32 to vector<16xf32>
      %add3A_931 = arith.addf %add3A_930, %mul3A_928 : vector<16xf32>
      %mul3A_932 = arith.mulf %mul3A_917, %add3A_931 : vector<16xf32>
      %convert_element_type3A_933 = arith.sitofp %add3A_903 : vector<16xi32> to vector<16xf32>
      %mul3A_934 = arith.constant 0.693147182 : f32
      %mul3A_935 = vector.broadcast %mul3A_934 : f32 to vector<16xf32>
      %mul3A_936 = arith.mulf %convert_element_type3A_933, %mul3A_935 : vector<16xf32>
      %add3A_937 = arith.addf %mul3A_936, %mul3A_932 : vector<16xf32>
      %mul3A_938 = arith.mulf %get3A_817, %add3A_937 : vector<16xf32>
      %add3A_939 = arith.addf %add3A_815, %mul3A_938 : vector<16xf32>
      %get3A_940 = arith.constant 112 : index
      %get3A_941 = tpu.vector_load %arg6[%get3A_940] {strides = array<i32>} : memref<256xf32, #tpu.memory_space<vmem>>, vector<16xf32>,
      %convert_element_type3A_942 = arith.fptosi %get3A_941 : vector<16xf32> to vector<16xi32>
      %ge3A_943 = arith.constant 2 : i32
      %ge3A_944 = vector.broadcast %ge3A_943 : i32 to vector<16xi32>
      %ge3A_945 = arith.cmpi sge, %convert_element_type3A_942, %ge3A_944 : vector<16xi32>
      %select_n3A_946 = arith.select %ge3A_945, %broadcast_in_dim3A_7, %broadcast_in_dim3A_9 : vector<16xi1>, vector<16xi32>
      %add3A_947 = arith.addi %broadcast_in_dim3A_9, %select_n3A_946 : vector<16xi32>
      %ge3A_948 = arith.constant 4 : i32
      %ge3A_949 = vector.broadcast %ge3A_948 : i32 to vector<16xi32>
      %ge3A_950 = arith.cmpi sge, %convert_element_type3A_942, %ge3A_949 : vector<16xi32>
      %select_n3A_951 = arith.select %ge3A_950, %broadcast_in_dim3A_7, %broadcast_in_dim3A_9 : vector<16xi1>, vector<16xi32>
      %add3A_952 = arith.addi %add3A_947, %select_n3A_951 : vector<16xi32>
      %ge3A_953 = arith.constant 8 : i32
      %ge3A_954 = vector.broadcast %ge3A_953 : i32 to vector<16xi32>
      %ge3A_955 = arith.cmpi sge, %convert_element_type3A_942, %ge3A_954 : vector<16xi32>
      %select_n3A_956 = arith.select %ge3A_955, %broadcast_in_dim3A_7, %broadcast_in_dim3A_9 : vector<16xi1>, vector<16xi32>
      %add3A_957 = arith.addi %add3A_952, %select_n3A_956 : vector<16xi32>
      %ge3A_958 = arith.constant 16 : i32
      %ge3A_959 = vector.broadcast %ge3A_958 : i32 to vector<16xi32>
      %ge3A_960 = arith.cmpi sge, %convert_element_type3A_942, %ge3A_959 : vector<16xi32>
      %select_n3A_961 = arith.select %ge3A_960, %broadcast_in_dim3A_7, %broadcast_in_dim3A_9 : vector<16xi1>, vector<16xi32>
      %add3A_962 = arith.addi %add3A_957, %select_n3A_961 : vector<16xi32>
      %ge3A_963 = arith.constant 32 : i32
      %ge3A_964 = vector.broadcast %ge3A_963 : i32 to vector<16xi32>
      %ge3A_965 = arith.cmpi sge, %convert_element_type3A_942, %ge3A_964 : vector<16xi32>
      %select_n3A_966 = arith.select %ge3A_965, %broadcast_in_dim3A_7, %broadcast_in_dim3A_9 : vector<16xi1>, vector<16xi32>
      %add3A_967 = arith.addi %add3A_962, %select_n3A_966 : vector<16xi32>
      %ge3A_968 = arith.constant 64 : i32
      %ge3A_969 = vector.broadcast %ge3A_968 : i32 to vector<16xi32>
      %ge3A_970 = arith.cmpi sge, %convert_element_type3A_942, %ge3A_969 : vector<16xi32>
      %select_n3A_971 = arith.select %ge3A_970, %broadcast_in_dim3A_7, %broadcast_in_dim3A_9 : vector<16xi1>, vector<16xi32>
      %add3A_972 = arith.addi %add3A_967, %select_n3A_971 : vector<16xi32>
      %ge3A_973 = arith.constant 128 : i32
      %ge3A_974 = vector.broadcast %ge3A_973 : i32 to vector<16xi32>
      %ge3A_975 = arith.cmpi sge, %convert_element_type3A_942, %ge3A_974 : vector<16xi32>
      %select_n3A_976 = arith.select %ge3A_975, %broadcast_in_dim3A_7, %broadcast_in_dim3A_9 : vector<16xi1>, vector<16xi32>
      %add3A_977 = arith.addi %add3A_972, %select_n3A_976 : vector<16xi32>
      %ge3A_978 = arith.constant 256 : i32
      %ge3A_979 = vector.broadcast %ge3A_978 : i32 to vector<16xi32>
      %ge3A_980 = arith.cmpi sge, %convert_element_type3A_942, %ge3A_979 : vector<16xi32>
      %select_n3A_981 = arith.select %ge3A_980, %broadcast_in_dim3A_7, %broadcast_in_dim3A_9 : vector<16xi1>, vector<16xi32>
      %add3A_982 = arith.addi %add3A_977, %select_n3A_981 : vector<16xi32>
      %ge3A_983 = arith.constant 512 : i32
      %ge3A_984 = vector.broadcast %ge3A_983 : i32 to vector<16xi32>
      %ge3A_985 = arith.cmpi sge, %convert_element_type3A_942, %ge3A_984 : vector<16xi32>
      %select_n3A_986 = arith.select %ge3A_985, %broadcast_in_dim3A_7, %broadcast_in_dim3A_9 : vector<16xi1>, vector<16xi32>
      %add3A_987 = arith.addi %add3A_982, %select_n3A_986 : vector<16xi32>
      %ge3A_988 = arith.constant 1024 : i32
      %ge3A_989 = vector.broadcast %ge3A_988 : i32 to vector<16xi32>
      %ge3A_990 = arith.cmpi sge, %convert_element_type3A_942, %ge3A_989 : vector<16xi32>
      %select_n3A_991 = arith.select %ge3A_990, %broadcast_in_dim3A_7, %broadcast_in_dim3A_9 : vector<16xi1>, vector<16xi32>
      %add3A_992 = arith.addi %add3A_987, %select_n3A_991 : vector<16xi32>
      %ge3A_993 = arith.constant 2048 : i32
      %ge3A_994 = vector.broadcast %ge3A_993 : i32 to vector<16xi32>
      %ge3A_995 = arith.cmpi sge, %convert_element_type3A_942, %ge3A_994 : vector<16xi32>
      %select_n3A_996 = arith.select %ge3A_995, %broadcast_in_dim3A_7, %broadcast_in_dim3A_9 : vector<16xi1>, vector<16xi32>
      %add3A_997 = arith.addi %add3A_992, %select_n3A_996 : vector<16xi32>
      %ge3A_998 = arith.constant 4096 : i32
      %ge3A_999 = vector.broadcast %ge3A_998 : i32 to vector<16xi32>
      %ge3A_1000 = arith.cmpi sge, %convert_element_type3A_942, %ge3A_999 : vector<16xi32>
      %select_n3A_1001 = arith.select %ge3A_1000, %broadcast_in_dim3A_7, %broadcast_in_dim3A_9 : vector<16xi1>, vector<16xi32>
      %add3A_1002 = arith.addi %add3A_997, %select_n3A_1001 : vector<16xi32>
      %ge3A_1003 = arith.constant 8192 : i32
      %ge3A_1004 = vector.broadcast %ge3A_1003 : i32 to vector<16xi32>
      %ge3A_1005 = arith.cmpi sge, %convert_element_type3A_942, %ge3A_1004 : vector<16xi32>
      %select_n3A_1006 = arith.select %ge3A_1005, %broadcast_in_dim3A_7, %broadcast_in_dim3A_9 : vector<16xi1>, vector<16xi32>
      %add3A_1007 = arith.addi %add3A_1002, %select_n3A_1006 : vector<16xi32>
      %ge3A_1008 = arith.constant 16384 : i32
      %ge3A_1009 = vector.broadcast %ge3A_1008 : i32 to vector<16xi32>
      %ge3A_1010 = arith.cmpi sge, %convert_element_type3A_942, %ge3A_1009 : vector<16xi32>
      %select_n3A_1011 = arith.select %ge3A_1010, %broadcast_in_dim3A_7, %broadcast_in_dim3A_9 : vector<16xi1>, vector<16xi32>
      %add3A_1012 = arith.addi %add3A_1007, %select_n3A_1011 : vector<16xi32>
      %ge3A_1013 = arith.constant 32768 : i32
      %ge3A_1014 = vector.broadcast %ge3A_1013 : i32 to vector<16xi32>
      %ge3A_1015 = arith.cmpi sge, %convert_element_type3A_942, %ge3A_1014 : vector<16xi32>
      %select_n3A_1016 = arith.select %ge3A_1015, %broadcast_in_dim3A_7, %broadcast_in_dim3A_9 : vector<16xi1>, vector<16xi32>
      %add3A_1017 = arith.addi %add3A_1012, %select_n3A_1016 : vector<16xi32>
      %ge3A_1018 = arith.constant 65536 : i32
      %ge3A_1019 = vector.broadcast %ge3A_1018 : i32 to vector<16xi32>
      %ge3A_1020 = arith.cmpi sge, %convert_element_type3A_942, %ge3A_1019 : vector<16xi32>
      %select_n3A_1021 = arith.select %ge3A_1020, %broadcast_in_dim3A_7, %broadcast_in_dim3A_9 : vector<16xi1>, vector<16xi32>
      %add3A_1022 = arith.addi %add3A_1017, %select_n3A_1021 : vector<16xi32>
      %ge3A_1023 = arith.constant 131072 : i32
      %ge3A_1024 = vector.broadcast %ge3A_1023 : i32 to vector<16xi32>
      %ge3A_1025 = arith.cmpi sge, %convert_element_type3A_942, %ge3A_1024 : vector<16xi32>
      %select_n3A_1026 = arith.select %ge3A_1025, %broadcast_in_dim3A_7, %broadcast_in_dim3A_9 : vector<16xi1>, vector<16xi32>
      %add3A_1027 = arith.addi %add3A_1022, %select_n3A_1026 : vector<16xi32>
      %shift_left3A_1028 = arith.shli %broadcast_in_dim3A_7, %add3A_1027 : vector<16xi32>
      %convert_element_type3A_1029 = arith.sitofp %shift_left3A_1028 : vector<16xi32> to vector<16xf32>
      %div3A_1030 = arith.divf %get3A_941, %convert_element_type3A_1029 : vector<16xf32>
      %sub3A_1031 = arith.constant 1.000000e+00 : f32
      %sub3A_1032 = vector.broadcast %sub3A_1031 : f32 to vector<16xf32>
      %sub3A_1033 = arith.subf %div3A_1030, %sub3A_1032 : vector<16xf32>
      %add3A_1034 = arith.constant 2.000000e+00 : f32
      %add3A_1035 = vector.broadcast %add3A_1034 : f32 to vector<16xf32>
      %add3A_1036 = arith.addf %sub3A_1033, %add3A_1035 : vector<16xf32>
      %div3A_1037 = arith.divf %sub3A_1033, %add3A_1036 : vector<16xf32>
      %mul3A_1038 = arith.mulf %div3A_1037, %div3A_1037 : vector<16xf32>
      %mul3A_1039 = arith.constant 2.000000e+00 : f32
      %mul3A_1040 = vector.broadcast %mul3A_1039 : f32 to vector<16xf32>
      %mul3A_1041 = arith.mulf %mul3A_1040, %div3A_1037 : vector<16xf32>
      %mul3A_1042 = arith.constant 0.142857149 : f32
      %mul3A_1043 = vector.broadcast %mul3A_1042 : f32 to vector<16xf32>
      %mul3A_1044 = arith.mulf %mul3A_1038, %mul3A_1043 : vector<16xf32>
      %add3A_1045 = arith.constant 2.000000e-01 : f32
      %add3A_1046 = vector.broadcast %add3A_1045 : f32 to vector<16xf32>
      %add3A_1047 = arith.addf %add3A_1046, %mul3A_1044 : vector<16xf32>
      %mul3A_1048 = arith.mulf %mul3A_1038, %add3A_1047 : vector<16xf32>
      %add3A_1049 = arith.constant 0.333333343 : f32
      %add3A_1050 = vector.broadcast %add3A_1049 : f32 to vector<16xf32>
      %add3A_1051 = arith.addf %add3A_1050, %mul3A_1048 : vector<16xf32>
      %mul3A_1052 = arith.mulf %mul3A_1038, %add3A_1051 : vector<16xf32>
      %add3A_1053 = arith.constant 1.000000e+00 : f32
      %add3A_1054 = vector.broadcast %add3A_1053 : f32 to vector<16xf32>
      %add3A_1055 = arith.addf %add3A_1054, %mul3A_1052 : vector<16xf32>
      %mul3A_1056 = arith.mulf %mul3A_1041, %add3A_1055 : vector<16xf32>
      %convert_element_type3A_1057 = arith.sitofp %add3A_1027 : vector<16xi32> to vector<16xf32>
      %mul3A_1058 = arith.constant 0.693147182 : f32
      %mul3A_1059 = vector.broadcast %mul3A_1058 : f32 to vector<16xf32>
      %mul3A_1060 = arith.mulf %convert_element_type3A_1057, %mul3A_1059 : vector<16xf32>
      %add3A_1061 = arith.addf %mul3A_1060, %mul3A_1056 : vector<16xf32>
      %mul3A_1062 = arith.mulf %get3A_941, %add3A_1061 : vector<16xf32>
      %add3A_1063 = arith.addf %add3A_939, %mul3A_1062 : vector<16xf32>
      %get3A_1064 = arith.constant 128 : index
      %get3A_1065 = tpu.vector_load %arg6[%get3A_1064] {strides = array<i32>} : memref<256xf32, #tpu.memory_space<vmem>>, vector<16xf32>,
      %convert_element_type3A_1066 = arith.fptosi %get3A_1065 : vector<16xf32> to vector<16xi32>
      %ge3A_1067 = arith.constant 2 : i32
      %ge3A_1068 = vector.broadcast %ge3A_1067 : i32 to vector<16xi32>
      %ge3A_1069 = arith.cmpi sge, %convert_element_type3A_1066, %ge3A_1068 : vector<16xi32>
      %select_n3A_1070 = arith.select %ge3A_1069, %broadcast_in_dim3A_7, %broadcast_in_dim3A_9 : vector<16xi1>, vector<16xi32>
      %add3A_1071 = arith.addi %broadcast_in_dim3A_9, %select_n3A_1070 : vector<16xi32>
      %ge3A_1072 = arith.constant 4 : i32
      %ge3A_1073 = vector.broadcast %ge3A_1072 : i32 to vector<16xi32>
      %ge3A_1074 = arith.cmpi sge, %convert_element_type3A_1066, %ge3A_1073 : vector<16xi32>
      %select_n3A_1075 = arith.select %ge3A_1074, %broadcast_in_dim3A_7, %broadcast_in_dim3A_9 : vector<16xi1>, vector<16xi32>
      %add3A_1076 = arith.addi %add3A_1071, %select_n3A_1075 : vector<16xi32>
      %ge3A_1077 = arith.constant 8 : i32
      %ge3A_1078 = vector.broadcast %ge3A_1077 : i32 to vector<16xi32>
      %ge3A_1079 = arith.cmpi sge, %convert_element_type3A_1066, %ge3A_1078 : vector<16xi32>
      %select_n3A_1080 = arith.select %ge3A_1079, %broadcast_in_dim3A_7, %broadcast_in_dim3A_9 : vector<16xi1>, vector<16xi32>
      %add3A_1081 = arith.addi %add3A_1076, %select_n3A_1080 : vector<16xi32>
      %ge3A_1082 = arith.constant 16 : i32
      %ge3A_1083 = vector.broadcast %ge3A_1082 : i32 to vector<16xi32>
      %ge3A_1084 = arith.cmpi sge, %convert_element_type3A_1066, %ge3A_1083 : vector<16xi32>
      %select_n3A_1085 = arith.select %ge3A_1084, %broadcast_in_dim3A_7, %broadcast_in_dim3A_9 : vector<16xi1>, vector<16xi32>
      %add3A_1086 = arith.addi %add3A_1081, %select_n3A_1085 : vector<16xi32>
      %ge3A_1087 = arith.constant 32 : i32
      %ge3A_1088 = vector.broadcast %ge3A_1087 : i32 to vector<16xi32>
      %ge3A_1089 = arith.cmpi sge, %convert_element_type3A_1066, %ge3A_1088 : vector<16xi32>
      %select_n3A_1090 = arith.select %ge3A_1089, %broadcast_in_dim3A_7, %broadcast_in_dim3A_9 : vector<16xi1>, vector<16xi32>
      %add3A_1091 = arith.addi %add3A_1086, %select_n3A_1090 : vector<16xi32>
      %ge3A_1092 = arith.constant 64 : i32
      %ge3A_1093 = vector.broadcast %ge3A_1092 : i32 to vector<16xi32>
      %ge3A_1094 = arith.cmpi sge, %convert_element_type3A_1066, %ge3A_1093 : vector<16xi32>
      %select_n3A_1095 = arith.select %ge3A_1094, %broadcast_in_dim3A_7, %broadcast_in_dim3A_9 : vector<16xi1>, vector<16xi32>
      %add3A_1096 = arith.addi %add3A_1091, %select_n3A_1095 : vector<16xi32>
      %ge3A_1097 = arith.constant 128 : i32
      %ge3A_1098 = vector.broadcast %ge3A_1097 : i32 to vector<16xi32>
      %ge3A_1099 = arith.cmpi sge, %convert_element_type3A_1066, %ge3A_1098 : vector<16xi32>
      %select_n3A_1100 = arith.select %ge3A_1099, %broadcast_in_dim3A_7, %broadcast_in_dim3A_9 : vector<16xi1>, vector<16xi32>
      %add3A_1101 = arith.addi %add3A_1096, %select_n3A_1100 : vector<16xi32>
      %ge3A_1102 = arith.constant 256 : i32
      %ge3A_1103 = vector.broadcast %ge3A_1102 : i32 to vector<16xi32>
      %ge3A_1104 = arith.cmpi sge, %convert_element_type3A_1066, %ge3A_1103 : vector<16xi32>
      %select_n3A_1105 = arith.select %ge3A_1104, %broadcast_in_dim3A_7, %broadcast_in_dim3A_9 : vector<16xi1>, vector<16xi32>
      %add3A_1106 = arith.addi %add3A_1101, %select_n3A_1105 : vector<16xi32>
      %ge3A_1107 = arith.constant 512 : i32
      %ge3A_1108 = vector.broadcast %ge3A_1107 : i32 to vector<16xi32>
      %ge3A_1109 = arith.cmpi sge, %convert_element_type3A_1066, %ge3A_1108 : vector<16xi32>
      %select_n3A_1110 = arith.select %ge3A_1109, %broadcast_in_dim3A_7, %broadcast_in_dim3A_9 : vector<16xi1>, vector<16xi32>
      %add3A_1111 = arith.addi %add3A_1106, %select_n3A_1110 : vector<16xi32>
      %ge3A_1112 = arith.constant 1024 : i32
      %ge3A_1113 = vector.broadcast %ge3A_1112 : i32 to vector<16xi32>
      %ge3A_1114 = arith.cmpi sge, %convert_element_type3A_1066, %ge3A_1113 : vector<16xi32>
      %select_n3A_1115 = arith.select %ge3A_1114, %broadcast_in_dim3A_7, %broadcast_in_dim3A_9 : vector<16xi1>, vector<16xi32>
      %add3A_1116 = arith.addi %add3A_1111, %select_n3A_1115 : vector<16xi32>
      %ge3A_1117 = arith.constant 2048 : i32
      %ge3A_1118 = vector.broadcast %ge3A_1117 : i32 to vector<16xi32>
      %ge3A_1119 = arith.cmpi sge, %convert_element_type3A_1066, %ge3A_1118 : vector<16xi32>
      %select_n3A_1120 = arith.select %ge3A_1119, %broadcast_in_dim3A_7, %broadcast_in_dim3A_9 : vector<16xi1>, vector<16xi32>
      %add3A_1121 = arith.addi %add3A_1116, %select_n3A_1120 : vector<16xi32>
      %ge3A_1122 = arith.constant 4096 : i32
      %ge3A_1123 = vector.broadcast %ge3A_1122 : i32 to vector<16xi32>
      %ge3A_1124 = arith.cmpi sge, %convert_element_type3A_1066, %ge3A_1123 : vector<16xi32>
      %select_n3A_1125 = arith.select %ge3A_1124, %broadcast_in_dim3A_7, %broadcast_in_dim3A_9 : vector<16xi1>, vector<16xi32>
      %add3A_1126 = arith.addi %add3A_1121, %select_n3A_1125 : vector<16xi32>
      %ge3A_1127 = arith.constant 8192 : i32
      %ge3A_1128 = vector.broadcast %ge3A_1127 : i32 to vector<16xi32>
      %ge3A_1129 = arith.cmpi sge, %convert_element_type3A_1066, %ge3A_1128 : vector<16xi32>
      %select_n3A_1130 = arith.select %ge3A_1129, %broadcast_in_dim3A_7, %broadcast_in_dim3A_9 : vector<16xi1>, vector<16xi32>
      %add3A_1131 = arith.addi %add3A_1126, %select_n3A_1130 : vector<16xi32>
      %ge3A_1132 = arith.constant 16384 : i32
      %ge3A_1133 = vector.broadcast %ge3A_1132 : i32 to vector<16xi32>
      %ge3A_1134 = arith.cmpi sge, %convert_element_type3A_1066, %ge3A_1133 : vector<16xi32>
      %select_n3A_1135 = arith.select %ge3A_1134, %broadcast_in_dim3A_7, %broadcast_in_dim3A_9 : vector<16xi1>, vector<16xi32>
      %add3A_1136 = arith.addi %add3A_1131, %select_n3A_1135 : vector<16xi32>
      %ge3A_1137 = arith.constant 32768 : i32
      %ge3A_1138 = vector.broadcast %ge3A_1137 : i32 to vector<16xi32>
      %ge3A_1139 = arith.cmpi sge, %convert_element_type3A_1066, %ge3A_1138 : vector<16xi32>
      %select_n3A_1140 = arith.select %ge3A_1139, %broadcast_in_dim3A_7, %broadcast_in_dim3A_9 : vector<16xi1>, vector<16xi32>
      %add3A_1141 = arith.addi %add3A_1136, %select_n3A_1140 : vector<16xi32>
      %ge3A_1142 = arith.constant 65536 : i32
      %ge3A_1143 = vector.broadcast %ge3A_1142 : i32 to vector<16xi32>
      %ge3A_1144 = arith.cmpi sge, %convert_element_type3A_1066, %ge3A_1143 : vector<16xi32>
      %select_n3A_1145 = arith.select %ge3A_1144, %broadcast_in_dim3A_7, %broadcast_in_dim3A_9 : vector<16xi1>, vector<16xi32>
      %add3A_1146 = arith.addi %add3A_1141, %select_n3A_1145 : vector<16xi32>
      %ge3A_1147 = arith.constant 131072 : i32
      %ge3A_1148 = vector.broadcast %ge3A_1147 : i32 to vector<16xi32>
      %ge3A_1149 = arith.cmpi sge, %convert_element_type3A_1066, %ge3A_1148 : vector<16xi32>
      %select_n3A_1150 = arith.select %ge3A_1149, %broadcast_in_dim3A_7, %broadcast_in_dim3A_9 : vector<16xi1>, vector<16xi32>
      %add3A_1151 = arith.addi %add3A_1146, %select_n3A_1150 : vector<16xi32>
      %shift_left3A_1152 = arith.shli %broadcast_in_dim3A_7, %add3A_1151 : vector<16xi32>
      %convert_element_type3A_1153 = arith.sitofp %shift_left3A_1152 : vector<16xi32> to vector<16xf32>
      %div3A_1154 = arith.divf %get3A_1065, %convert_element_type3A_1153 : vector<16xf32>
      %sub3A_1155 = arith.constant 1.000000e+00 : f32
      %sub3A_1156 = vector.broadcast %sub3A_1155 : f32 to vector<16xf32>
      %sub3A_1157 = arith.subf %div3A_1154, %sub3A_1156 : vector<16xf32>
      %add3A_1158 = arith.constant 2.000000e+00 : f32
      %add3A_1159 = vector.broadcast %add3A_1158 : f32 to vector<16xf32>
      %add3A_1160 = arith.addf %sub3A_1157, %add3A_1159 : vector<16xf32>
      %div3A_1161 = arith.divf %sub3A_1157, %add3A_1160 : vector<16xf32>
      %mul3A_1162 = arith.mulf %div3A_1161, %div3A_1161 : vector<16xf32>
      %mul3A_1163 = arith.constant 2.000000e+00 : f32
      %mul3A_1164 = vector.broadcast %mul3A_1163 : f32 to vector<16xf32>
      %mul3A_1165 = arith.mulf %mul3A_1164, %div3A_1161 : vector<16xf32>
      %mul3A_1166 = arith.constant 0.142857149 : f32
      %mul3A_1167 = vector.broadcast %mul3A_1166 : f32 to vector<16xf32>
      %mul3A_1168 = arith.mulf %mul3A_1162, %mul3A_1167 : vector<16xf32>
      %add3A_1169 = arith.constant 2.000000e-01 : f32
      %add3A_1170 = vector.broadcast %add3A_1169 : f32 to vector<16xf32>
      %add3A_1171 = arith.addf %add3A_1170, %mul3A_1168 : vector<16xf32>
      %mul3A_1172 = arith.mulf %mul3A_1162, %add3A_1171 : vector<16xf32>
      %add3A_1173 = arith.constant 0.333333343 : f32
      %add3A_1174 = vector.broadcast %add3A_1173 : f32 to vector<16xf32>
      %add3A_1175 = arith.addf %add3A_1174, %mul3A_1172 : vector<16xf32>
      %mul3A_1176 = arith.mulf %mul3A_1162, %add3A_1175 : vector<16xf32>
      %add3A_1177 = arith.constant 1.000000e+00 : f32
      %add3A_1178 = vector.broadcast %add3A_1177 : f32 to vector<16xf32>
      %add3A_1179 = arith.addf %add3A_1178, %mul3A_1176 : vector<16xf32>
      %mul3A_1180 = arith.mulf %mul3A_1165, %add3A_1179 : vector<16xf32>
      %convert_element_type3A_1181 = arith.sitofp %add3A_1151 : vector<16xi32> to vector<16xf32>
      %mul3A_1182 = arith.constant 0.693147182 : f32
      %mul3A_1183 = vector.broadcast %mul3A_1182 : f32 to vector<16xf32>
      %mul3A_1184 = arith.mulf %convert_element_type3A_1181, %mul3A_1183 : vector<16xf32>
      %add3A_1185 = arith.addf %mul3A_1184, %mul3A_1180 : vector<16xf32>
      %mul3A_1186 = arith.mulf %get3A_1065, %add3A_1185 : vector<16xf32>
      %add3A_1187 = arith.addf %add3A_1063, %mul3A_1186 : vector<16xf32>
      %get3A_1188 = arith.constant 144 : index
      %get3A_1189 = tpu.vector_load %arg6[%get3A_1188] {strides = array<i32>} : memref<256xf32, #tpu.memory_space<vmem>>, vector<16xf32>,
      %convert_element_type3A_1190 = arith.fptosi %get3A_1189 : vector<16xf32> to vector<16xi32>
      %ge3A_1191 = arith.constant 2 : i32
      %ge3A_1192 = vector.broadcast %ge3A_1191 : i32 to vector<16xi32>
      %ge3A_1193 = arith.cmpi sge, %convert_element_type3A_1190, %ge3A_1192 : vector<16xi32>
      %select_n3A_1194 = arith.select %ge3A_1193, %broadcast_in_dim3A_7, %broadcast_in_dim3A_9 : vector<16xi1>, vector<16xi32>
      %add3A_1195 = arith.addi %broadcast_in_dim3A_9, %select_n3A_1194 : vector<16xi32>
      %ge3A_1196 = arith.constant 4 : i32
      %ge3A_1197 = vector.broadcast %ge3A_1196 : i32 to vector<16xi32>
      %ge3A_1198 = arith.cmpi sge, %convert_element_type3A_1190, %ge3A_1197 : vector<16xi32>
      %select_n3A_1199 = arith.select %ge3A_1198, %broadcast_in_dim3A_7, %broadcast_in_dim3A_9 : vector<16xi1>, vector<16xi32>
      %add3A_1200 = arith.addi %add3A_1195, %select_n3A_1199 : vector<16xi32>
      %ge3A_1201 = arith.constant 8 : i32
      %ge3A_1202 = vector.broadcast %ge3A_1201 : i32 to vector<16xi32>
      %ge3A_1203 = arith.cmpi sge, %convert_element_type3A_1190, %ge3A_1202 : vector<16xi32>
      %select_n3A_1204 = arith.select %ge3A_1203, %broadcast_in_dim3A_7, %broadcast_in_dim3A_9 : vector<16xi1>, vector<16xi32>
      %add3A_1205 = arith.addi %add3A_1200, %select_n3A_1204 : vector<16xi32>
      %ge3A_1206 = arith.constant 16 : i32
      %ge3A_1207 = vector.broadcast %ge3A_1206 : i32 to vector<16xi32>
      %ge3A_1208 = arith.cmpi sge, %convert_element_type3A_1190, %ge3A_1207 : vector<16xi32>
      %select_n3A_1209 = arith.select %ge3A_1208, %broadcast_in_dim3A_7, %broadcast_in_dim3A_9 : vector<16xi1>, vector<16xi32>
      %add3A_1210 = arith.addi %add3A_1205, %select_n3A_1209 : vector<16xi32>
      %ge3A_1211 = arith.constant 32 : i32
      %ge3A_1212 = vector.broadcast %ge3A_1211 : i32 to vector<16xi32>
      %ge3A_1213 = arith.cmpi sge, %convert_element_type3A_1190, %ge3A_1212 : vector<16xi32>
      %select_n3A_1214 = arith.select %ge3A_1213, %broadcast_in_dim3A_7, %broadcast_in_dim3A_9 : vector<16xi1>, vector<16xi32>
      %add3A_1215 = arith.addi %add3A_1210, %select_n3A_1214 : vector<16xi32>
      %ge3A_1216 = arith.constant 64 : i32
      %ge3A_1217 = vector.broadcast %ge3A_1216 : i32 to vector<16xi32>
      %ge3A_1218 = arith.cmpi sge, %convert_element_type3A_1190, %ge3A_1217 : vector<16xi32>
      %select_n3A_1219 = arith.select %ge3A_1218, %broadcast_in_dim3A_7, %broadcast_in_dim3A_9 : vector<16xi1>, vector<16xi32>
      %add3A_1220 = arith.addi %add3A_1215, %select_n3A_1219 : vector<16xi32>
      %ge3A_1221 = arith.constant 128 : i32
      %ge3A_1222 = vector.broadcast %ge3A_1221 : i32 to vector<16xi32>
      %ge3A_1223 = arith.cmpi sge, %convert_element_type3A_1190, %ge3A_1222 : vector<16xi32>
      %select_n3A_1224 = arith.select %ge3A_1223, %broadcast_in_dim3A_7, %broadcast_in_dim3A_9 : vector<16xi1>, vector<16xi32>
      %add3A_1225 = arith.addi %add3A_1220, %select_n3A_1224 : vector<16xi32>
      %ge3A_1226 = arith.constant 256 : i32
      %ge3A_1227 = vector.broadcast %ge3A_1226 : i32 to vector<16xi32>
      %ge3A_1228 = arith.cmpi sge, %convert_element_type3A_1190, %ge3A_1227 : vector<16xi32>
      %select_n3A_1229 = arith.select %ge3A_1228, %broadcast_in_dim3A_7, %broadcast_in_dim3A_9 : vector<16xi1>, vector<16xi32>
      %add3A_1230 = arith.addi %add3A_1225, %select_n3A_1229 : vector<16xi32>
      %ge3A_1231 = arith.constant 512 : i32
      %ge3A_1232 = vector.broadcast %ge3A_1231 : i32 to vector<16xi32>
      %ge3A_1233 = arith.cmpi sge, %convert_element_type3A_1190, %ge3A_1232 : vector<16xi32>
      %select_n3A_1234 = arith.select %ge3A_1233, %broadcast_in_dim3A_7, %broadcast_in_dim3A_9 : vector<16xi1>, vector<16xi32>
      %add3A_1235 = arith.addi %add3A_1230, %select_n3A_1234 : vector<16xi32>
      %ge3A_1236 = arith.constant 1024 : i32
      %ge3A_1237 = vector.broadcast %ge3A_1236 : i32 to vector<16xi32>
      %ge3A_1238 = arith.cmpi sge, %convert_element_type3A_1190, %ge3A_1237 : vector<16xi32>
      %select_n3A_1239 = arith.select %ge3A_1238, %broadcast_in_dim3A_7, %broadcast_in_dim3A_9 : vector<16xi1>, vector<16xi32>
      %add3A_1240 = arith.addi %add3A_1235, %select_n3A_1239 : vector<16xi32>
      %ge3A_1241 = arith.constant 2048 : i32
      %ge3A_1242 = vector.broadcast %ge3A_1241 : i32 to vector<16xi32>
      %ge3A_1243 = arith.cmpi sge, %convert_element_type3A_1190, %ge3A_1242 : vector<16xi32>
      %select_n3A_1244 = arith.select %ge3A_1243, %broadcast_in_dim3A_7, %broadcast_in_dim3A_9 : vector<16xi1>, vector<16xi32>
      %add3A_1245 = arith.addi %add3A_1240, %select_n3A_1244 : vector<16xi32>
      %ge3A_1246 = arith.constant 4096 : i32
      %ge3A_1247 = vector.broadcast %ge3A_1246 : i32 to vector<16xi32>
      %ge3A_1248 = arith.cmpi sge, %convert_element_type3A_1190, %ge3A_1247 : vector<16xi32>
      %select_n3A_1249 = arith.select %ge3A_1248, %broadcast_in_dim3A_7, %broadcast_in_dim3A_9 : vector<16xi1>, vector<16xi32>
      %add3A_1250 = arith.addi %add3A_1245, %select_n3A_1249 : vector<16xi32>
      %ge3A_1251 = arith.constant 8192 : i32
      %ge3A_1252 = vector.broadcast %ge3A_1251 : i32 to vector<16xi32>
      %ge3A_1253 = arith.cmpi sge, %convert_element_type3A_1190, %ge3A_1252 : vector<16xi32>
      %select_n3A_1254 = arith.select %ge3A_1253, %broadcast_in_dim3A_7, %broadcast_in_dim3A_9 : vector<16xi1>, vector<16xi32>
      %add3A_1255 = arith.addi %add3A_1250, %select_n3A_1254 : vector<16xi32>
      %ge3A_1256 = arith.constant 16384 : i32
      %ge3A_1257 = vector.broadcast %ge3A_1256 : i32 to vector<16xi32>
      %ge3A_1258 = arith.cmpi sge, %convert_element_type3A_1190, %ge3A_1257 : vector<16xi32>
      %select_n3A_1259 = arith.select %ge3A_1258, %broadcast_in_dim3A_7, %broadcast_in_dim3A_9 : vector<16xi1>, vector<16xi32>
      %add3A_1260 = arith.addi %add3A_1255, %select_n3A_1259 : vector<16xi32>
      %ge3A_1261 = arith.constant 32768 : i32
      %ge3A_1262 = vector.broadcast %ge3A_1261 : i32 to vector<16xi32>
      %ge3A_1263 = arith.cmpi sge, %convert_element_type3A_1190, %ge3A_1262 : vector<16xi32>
      %select_n3A_1264 = arith.select %ge3A_1263, %broadcast_in_dim3A_7, %broadcast_in_dim3A_9 : vector<16xi1>, vector<16xi32>
      %add3A_1265 = arith.addi %add3A_1260, %select_n3A_1264 : vector<16xi32>
      %ge3A_1266 = arith.constant 65536 : i32
      %ge3A_1267 = vector.broadcast %ge3A_1266 : i32 to vector<16xi32>
      %ge3A_1268 = arith.cmpi sge, %convert_element_type3A_1190, %ge3A_1267 : vector<16xi32>
      %select_n3A_1269 = arith.select %ge3A_1268, %broadcast_in_dim3A_7, %broadcast_in_dim3A_9 : vector<16xi1>, vector<16xi32>
      %add3A_1270 = arith.addi %add3A_1265, %select_n3A_1269 : vector<16xi32>
      %ge3A_1271 = arith.constant 131072 : i32
      %ge3A_1272 = vector.broadcast %ge3A_1271 : i32 to vector<16xi32>
      %ge3A_1273 = arith.cmpi sge, %convert_element_type3A_1190, %ge3A_1272 : vector<16xi32>
      %select_n3A_1274 = arith.select %ge3A_1273, %broadcast_in_dim3A_7, %broadcast_in_dim3A_9 : vector<16xi1>, vector<16xi32>
      %add3A_1275 = arith.addi %add3A_1270, %select_n3A_1274 : vector<16xi32>
      %shift_left3A_1276 = arith.shli %broadcast_in_dim3A_7, %add3A_1275 : vector<16xi32>
      %convert_element_type3A_1277 = arith.sitofp %shift_left3A_1276 : vector<16xi32> to vector<16xf32>
      %div3A_1278 = arith.divf %get3A_1189, %convert_element_type3A_1277 : vector<16xf32>
      %sub3A_1279 = arith.constant 1.000000e+00 : f32
      %sub3A_1280 = vector.broadcast %sub3A_1279 : f32 to vector<16xf32>
      %sub3A_1281 = arith.subf %div3A_1278, %sub3A_1280 : vector<16xf32>
      %add3A_1282 = arith.constant 2.000000e+00 : f32
      %add3A_1283 = vector.broadcast %add3A_1282 : f32 to vector<16xf32>
      %add3A_1284 = arith.addf %sub3A_1281, %add3A_1283 : vector<16xf32>
      %div3A_1285 = arith.divf %sub3A_1281, %add3A_1284 : vector<16xf32>
      %mul3A_1286 = arith.mulf %div3A_1285, %div3A_1285 : vector<16xf32>
      %mul3A_1287 = arith.constant 2.000000e+00 : f32
      %mul3A_1288 = vector.broadcast %mul3A_1287 : f32 to vector<16xf32>
      %mul3A_1289 = arith.mulf %mul3A_1288, %div3A_1285 : vector<16xf32>
      %mul3A_1290 = arith.constant 0.142857149 : f32
      %mul3A_1291 = vector.broadcast %mul3A_1290 : f32 to vector<16xf32>
      %mul3A_1292 = arith.mulf %mul3A_1286, %mul3A_1291 : vector<16xf32>
      %add3A_1293 = arith.constant 2.000000e-01 : f32
      %add3A_1294 = vector.broadcast %add3A_1293 : f32 to vector<16xf32>
      %add3A_1295 = arith.addf %add3A_1294, %mul3A_1292 : vector<16xf32>
      %mul3A_1296 = arith.mulf %mul3A_1286, %add3A_1295 : vector<16xf32>
      %add3A_1297 = arith.constant 0.333333343 : f32
      %add3A_1298 = vector.broadcast %add3A_1297 : f32 to vector<16xf32>
      %add3A_1299 = arith.addf %add3A_1298, %mul3A_1296 : vector<16xf32>
      %mul3A_1300 = arith.mulf %mul3A_1286, %add3A_1299 : vector<16xf32>
      %add3A_1301 = arith.constant 1.000000e+00 : f32
      %add3A_1302 = vector.broadcast %add3A_1301 : f32 to vector<16xf32>
      %add3A_1303 = arith.addf %add3A_1302, %mul3A_1300 : vector<16xf32>
      %mul3A_1304 = arith.mulf %mul3A_1289, %add3A_1303 : vector<16xf32>
      %convert_element_type3A_1305 = arith.sitofp %add3A_1275 : vector<16xi32> to vector<16xf32>
      %mul3A_1306 = arith.constant 0.693147182 : f32
      %mul3A_1307 = vector.broadcast %mul3A_1306 : f32 to vector<16xf32>
      %mul3A_1308 = arith.mulf %convert_element_type3A_1305, %mul3A_1307 : vector<16xf32>
      %add3A_1309 = arith.addf %mul3A_1308, %mul3A_1304 : vector<16xf32>
      %mul3A_1310 = arith.mulf %get3A_1189, %add3A_1309 : vector<16xf32>
      %add3A_1311 = arith.addf %add3A_1187, %mul3A_1310 : vector<16xf32>
      %get3A_1312 = arith.constant 160 : index
      %get3A_1313 = tpu.vector_load %arg6[%get3A_1312] {strides = array<i32>} : memref<256xf32, #tpu.memory_space<vmem>>, vector<16xf32>,
      %convert_element_type3A_1314 = arith.fptosi %get3A_1313 : vector<16xf32> to vector<16xi32>
      %ge3A_1315 = arith.constant 2 : i32
      %ge3A_1316 = vector.broadcast %ge3A_1315 : i32 to vector<16xi32>
      %ge3A_1317 = arith.cmpi sge, %convert_element_type3A_1314, %ge3A_1316 : vector<16xi32>
      %select_n3A_1318 = arith.select %ge3A_1317, %broadcast_in_dim3A_7, %broadcast_in_dim3A_9 : vector<16xi1>, vector<16xi32>
      %add3A_1319 = arith.addi %broadcast_in_dim3A_9, %select_n3A_1318 : vector<16xi32>
      %ge3A_1320 = arith.constant 4 : i32
      %ge3A_1321 = vector.broadcast %ge3A_1320 : i32 to vector<16xi32>
      %ge3A_1322 = arith.cmpi sge, %convert_element_type3A_1314, %ge3A_1321 : vector<16xi32>
      %select_n3A_1323 = arith.select %ge3A_1322, %broadcast_in_dim3A_7, %broadcast_in_dim3A_9 : vector<16xi1>, vector<16xi32>
      %add3A_1324 = arith.addi %add3A_1319, %select_n3A_1323 : vector<16xi32>
      %ge3A_1325 = arith.constant 8 : i32
      %ge3A_1326 = vector.broadcast %ge3A_1325 : i32 to vector<16xi32>
      %ge3A_1327 = arith.cmpi sge, %convert_element_type3A_1314, %ge3A_1326 : vector<16xi32>
      %select_n3A_1328 = arith.select %ge3A_1327, %broadcast_in_dim3A_7, %broadcast_in_dim3A_9 : vector<16xi1>, vector<16xi32>
      %add3A_1329 = arith.addi %add3A_1324, %select_n3A_1328 : vector<16xi32>
      %ge3A_1330 = arith.constant 16 : i32
      %ge3A_1331 = vector.broadcast %ge3A_1330 : i32 to vector<16xi32>
      %ge3A_1332 = arith.cmpi sge, %convert_element_type3A_1314, %ge3A_1331 : vector<16xi32>
      %select_n3A_1333 = arith.select %ge3A_1332, %broadcast_in_dim3A_7, %broadcast_in_dim3A_9 : vector<16xi1>, vector<16xi32>
      %add3A_1334 = arith.addi %add3A_1329, %select_n3A_1333 : vector<16xi32>
      %ge3A_1335 = arith.constant 32 : i32
      %ge3A_1336 = vector.broadcast %ge3A_1335 : i32 to vector<16xi32>
      %ge3A_1337 = arith.cmpi sge, %convert_element_type3A_1314, %ge3A_1336 : vector<16xi32>
      %select_n3A_1338 = arith.select %ge3A_1337, %broadcast_in_dim3A_7, %broadcast_in_dim3A_9 : vector<16xi1>, vector<16xi32>
      %add3A_1339 = arith.addi %add3A_1334, %select_n3A_1338 : vector<16xi32>
      %ge3A_1340 = arith.constant 64 : i32
      %ge3A_1341 = vector.broadcast %ge3A_1340 : i32 to vector<16xi32>
      %ge3A_1342 = arith.cmpi sge, %convert_element_type3A_1314, %ge3A_1341 : vector<16xi32>
      %select_n3A_1343 = arith.select %ge3A_1342, %broadcast_in_dim3A_7, %broadcast_in_dim3A_9 : vector<16xi1>, vector<16xi32>
      %add3A_1344 = arith.addi %add3A_1339, %select_n3A_1343 : vector<16xi32>
      %ge3A_1345 = arith.constant 128 : i32
      %ge3A_1346 = vector.broadcast %ge3A_1345 : i32 to vector<16xi32>
      %ge3A_1347 = arith.cmpi sge, %convert_element_type3A_1314, %ge3A_1346 : vector<16xi32>
      %select_n3A_1348 = arith.select %ge3A_1347, %broadcast_in_dim3A_7, %broadcast_in_dim3A_9 : vector<16xi1>, vector<16xi32>
      %add3A_1349 = arith.addi %add3A_1344, %select_n3A_1348 : vector<16xi32>
      %ge3A_1350 = arith.constant 256 : i32
      %ge3A_1351 = vector.broadcast %ge3A_1350 : i32 to vector<16xi32>
      %ge3A_1352 = arith.cmpi sge, %convert_element_type3A_1314, %ge3A_1351 : vector<16xi32>
      %select_n3A_1353 = arith.select %ge3A_1352, %broadcast_in_dim3A_7, %broadcast_in_dim3A_9 : vector<16xi1>, vector<16xi32>
      %add3A_1354 = arith.addi %add3A_1349, %select_n3A_1353 : vector<16xi32>
      %ge3A_1355 = arith.constant 512 : i32
      %ge3A_1356 = vector.broadcast %ge3A_1355 : i32 to vector<16xi32>
      %ge3A_1357 = arith.cmpi sge, %convert_element_type3A_1314, %ge3A_1356 : vector<16xi32>
      %select_n3A_1358 = arith.select %ge3A_1357, %broadcast_in_dim3A_7, %broadcast_in_dim3A_9 : vector<16xi1>, vector<16xi32>
      %add3A_1359 = arith.addi %add3A_1354, %select_n3A_1358 : vector<16xi32>
      %ge3A_1360 = arith.constant 1024 : i32
      %ge3A_1361 = vector.broadcast %ge3A_1360 : i32 to vector<16xi32>
      %ge3A_1362 = arith.cmpi sge, %convert_element_type3A_1314, %ge3A_1361 : vector<16xi32>
      %select_n3A_1363 = arith.select %ge3A_1362, %broadcast_in_dim3A_7, %broadcast_in_dim3A_9 : vector<16xi1>, vector<16xi32>
      %add3A_1364 = arith.addi %add3A_1359, %select_n3A_1363 : vector<16xi32>
      %ge3A_1365 = arith.constant 2048 : i32
      %ge3A_1366 = vector.broadcast %ge3A_1365 : i32 to vector<16xi32>
      %ge3A_1367 = arith.cmpi sge, %convert_element_type3A_1314, %ge3A_1366 : vector<16xi32>
      %select_n3A_1368 = arith.select %ge3A_1367, %broadcast_in_dim3A_7, %broadcast_in_dim3A_9 : vector<16xi1>, vector<16xi32>
      %add3A_1369 = arith.addi %add3A_1364, %select_n3A_1368 : vector<16xi32>
      %ge3A_1370 = arith.constant 4096 : i32
      %ge3A_1371 = vector.broadcast %ge3A_1370 : i32 to vector<16xi32>
      %ge3A_1372 = arith.cmpi sge, %convert_element_type3A_1314, %ge3A_1371 : vector<16xi32>
      %select_n3A_1373 = arith.select %ge3A_1372, %broadcast_in_dim3A_7, %broadcast_in_dim3A_9 : vector<16xi1>, vector<16xi32>
      %add3A_1374 = arith.addi %add3A_1369, %select_n3A_1373 : vector<16xi32>
      %ge3A_1375 = arith.constant 8192 : i32
      %ge3A_1376 = vector.broadcast %ge3A_1375 : i32 to vector<16xi32>
      %ge3A_1377 = arith.cmpi sge, %convert_element_type3A_1314, %ge3A_1376 : vector<16xi32>
      %select_n3A_1378 = arith.select %ge3A_1377, %broadcast_in_dim3A_7, %broadcast_in_dim3A_9 : vector<16xi1>, vector<16xi32>
      %add3A_1379 = arith.addi %add3A_1374, %select_n3A_1378 : vector<16xi32>
      %ge3A_1380 = arith.constant 16384 : i32
      %ge3A_1381 = vector.broadcast %ge3A_1380 : i32 to vector<16xi32>
      %ge3A_1382 = arith.cmpi sge, %convert_element_type3A_1314, %ge3A_1381 : vector<16xi32>
      %select_n3A_1383 = arith.select %ge3A_1382, %broadcast_in_dim3A_7, %broadcast_in_dim3A_9 : vector<16xi1>, vector<16xi32>
      %add3A_1384 = arith.addi %add3A_1379, %select_n3A_1383 : vector<16xi32>
      %ge3A_1385 = arith.constant 32768 : i32
      %ge3A_1386 = vector.broadcast %ge3A_1385 : i32 to vector<16xi32>
      %ge3A_1387 = arith.cmpi sge, %convert_element_type3A_1314, %ge3A_1386 : vector<16xi32>
      %select_n3A_1388 = arith.select %ge3A_1387, %broadcast_in_dim3A_7, %broadcast_in_dim3A_9 : vector<16xi1>, vector<16xi32>
      %add3A_1389 = arith.addi %add3A_1384, %select_n3A_1388 : vector<16xi32>
      %ge3A_1390 = arith.constant 65536 : i32
      %ge3A_1391 = vector.broadcast %ge3A_1390 : i32 to vector<16xi32>
      %ge3A_1392 = arith.cmpi sge, %convert_element_type3A_1314, %ge3A_1391 : vector<16xi32>
      %select_n3A_1393 = arith.select %ge3A_1392, %broadcast_in_dim3A_7, %broadcast_in_dim3A_9 : vector<16xi1>, vector<16xi32>
      %add3A_1394 = arith.addi %add3A_1389, %select_n3A_1393 : vector<16xi32>
      %ge3A_1395 = arith.constant 131072 : i32
      %ge3A_1396 = vector.broadcast %ge3A_1395 : i32 to vector<16xi32>
      %ge3A_1397 = arith.cmpi sge, %convert_element_type3A_1314, %ge3A_1396 : vector<16xi32>
      %select_n3A_1398 = arith.select %ge3A_1397, %broadcast_in_dim3A_7, %broadcast_in_dim3A_9 : vector<16xi1>, vector<16xi32>
      %add3A_1399 = arith.addi %add3A_1394, %select_n3A_1398 : vector<16xi32>
      %shift_left3A_1400 = arith.shli %broadcast_in_dim3A_7, %add3A_1399 : vector<16xi32>
      %convert_element_type3A_1401 = arith.sitofp %shift_left3A_1400 : vector<16xi32> to vector<16xf32>
      %div3A_1402 = arith.divf %get3A_1313, %convert_element_type3A_1401 : vector<16xf32>
      %sub3A_1403 = arith.constant 1.000000e+00 : f32
      %sub3A_1404 = vector.broadcast %sub3A_1403 : f32 to vector<16xf32>
      %sub3A_1405 = arith.subf %div3A_1402, %sub3A_1404 : vector<16xf32>
      %add3A_1406 = arith.constant 2.000000e+00 : f32
      %add3A_1407 = vector.broadcast %add3A_1406 : f32 to vector<16xf32>
      %add3A_1408 = arith.addf %sub3A_1405, %add3A_1407 : vector<16xf32>
      %div3A_1409 = arith.divf %sub3A_1405, %add3A_1408 : vector<16xf32>
      %mul3A_1410 = arith.mulf %div3A_1409, %div3A_1409 : vector<16xf32>
      %mul3A_1411 = arith.constant 2.000000e+00 : f32
      %mul3A_1412 = vector.broadcast %mul3A_1411 : f32 to vector<16xf32>
      %mul3A_1413 = arith.mulf %mul3A_1412, %div3A_1409 : vector<16xf32>
      %mul3A_1414 = arith.constant 0.142857149 : f32
      %mul3A_1415 = vector.broadcast %mul3A_1414 : f32 to vector<16xf32>
      %mul3A_1416 = arith.mulf %mul3A_1410, %mul3A_1415 : vector<16xf32>
      %add3A_1417 = arith.constant 2.000000e-01 : f32
      %add3A_1418 = vector.broadcast %add3A_1417 : f32 to vector<16xf32>
      %add3A_1419 = arith.addf %add3A_1418, %mul3A_1416 : vector<16xf32>
      %mul3A_1420 = arith.mulf %mul3A_1410, %add3A_1419 : vector<16xf32>
      %add3A_1421 = arith.constant 0.333333343 : f32
      %add3A_1422 = vector.broadcast %add3A_1421 : f32 to vector<16xf32>
      %add3A_1423 = arith.addf %add3A_1422, %mul3A_1420 : vector<16xf32>
      %mul3A_1424 = arith.mulf %mul3A_1410, %add3A_1423 : vector<16xf32>
      %add3A_1425 = arith.constant 1.000000e+00 : f32
      %add3A_1426 = vector.broadcast %add3A_1425 : f32 to vector<16xf32>
      %add3A_1427 = arith.addf %add3A_1426, %mul3A_1424 : vector<16xf32>
      %mul3A_1428 = arith.mulf %mul3A_1413, %add3A_1427 : vector<16xf32>
      %convert_element_type3A_1429 = arith.sitofp %add3A_1399 : vector<16xi32> to vector<16xf32>
      %mul3A_1430 = arith.constant 0.693147182 : f32
      %mul3A_1431 = vector.broadcast %mul3A_1430 : f32 to vector<16xf32>
      %mul3A_1432 = arith.mulf %convert_element_type3A_1429, %mul3A_1431 : vector<16xf32>
      %add3A_1433 = arith.addf %mul3A_1432, %mul3A_1428 : vector<16xf32>
      %mul3A_1434 = arith.mulf %get3A_1313, %add3A_1433 : vector<16xf32>
      %add3A_1435 = arith.addf %add3A_1311, %mul3A_1434 : vector<16xf32>
      %get3A_1436 = arith.constant 176 : index
      %get3A_1437 = tpu.vector_load %arg6[%get3A_1436] {strides = array<i32>} : memref<256xf32, #tpu.memory_space<vmem>>, vector<16xf32>,
      %convert_element_type3A_1438 = arith.fptosi %get3A_1437 : vector<16xf32> to vector<16xi32>
      %ge3A_1439 = arith.constant 2 : i32
      %ge3A_1440 = vector.broadcast %ge3A_1439 : i32 to vector<16xi32>
      %ge3A_1441 = arith.cmpi sge, %convert_element_type3A_1438, %ge3A_1440 : vector<16xi32>
      %select_n3A_1442 = arith.select %ge3A_1441, %broadcast_in_dim3A_7, %broadcast_in_dim3A_9 : vector<16xi1>, vector<16xi32>
      %add3A_1443 = arith.addi %broadcast_in_dim3A_9, %select_n3A_1442 : vector<16xi32>
      %ge3A_1444 = arith.constant 4 : i32
      %ge3A_1445 = vector.broadcast %ge3A_1444 : i32 to vector<16xi32>
      %ge3A_1446 = arith.cmpi sge, %convert_element_type3A_1438, %ge3A_1445 : vector<16xi32>
      %select_n3A_1447 = arith.select %ge3A_1446, %broadcast_in_dim3A_7, %broadcast_in_dim3A_9 : vector<16xi1>, vector<16xi32>
      %add3A_1448 = arith.addi %add3A_1443, %select_n3A_1447 : vector<16xi32>
      %ge3A_1449 = arith.constant 8 : i32
      %ge3A_1450 = vector.broadcast %ge3A_1449 : i32 to vector<16xi32>
      %ge3A_1451 = arith.cmpi sge, %convert_element_type3A_1438, %ge3A_1450 : vector<16xi32>
      %select_n3A_1452 = arith.select %ge3A_1451, %broadcast_in_dim3A_7, %broadcast_in_dim3A_9 : vector<16xi1>, vector<16xi32>
      %add3A_1453 = arith.addi %add3A_1448, %select_n3A_1452 : vector<16xi32>
      %ge3A_1454 = arith.constant 16 : i32
      %ge3A_1455 = vector.broadcast %ge3A_1454 : i32 to vector<16xi32>
      %ge3A_1456 = arith.cmpi sge, %convert_element_type3A_1438, %ge3A_1455 : vector<16xi32>
      %select_n3A_1457 = arith.select %ge3A_1456, %broadcast_in_dim3A_7, %broadcast_in_dim3A_9 : vector<16xi1>, vector<16xi32>
      %add3A_1458 = arith.addi %add3A_1453, %select_n3A_1457 : vector<16xi32>
      %ge3A_1459 = arith.constant 32 : i32
      %ge3A_1460 = vector.broadcast %ge3A_1459 : i32 to vector<16xi32>
      %ge3A_1461 = arith.cmpi sge, %convert_element_type3A_1438, %ge3A_1460 : vector<16xi32>
      %select_n3A_1462 = arith.select %ge3A_1461, %broadcast_in_dim3A_7, %broadcast_in_dim3A_9 : vector<16xi1>, vector<16xi32>
      %add3A_1463 = arith.addi %add3A_1458, %select_n3A_1462 : vector<16xi32>
      %ge3A_1464 = arith.constant 64 : i32
      %ge3A_1465 = vector.broadcast %ge3A_1464 : i32 to vector<16xi32>
      %ge3A_1466 = arith.cmpi sge, %convert_element_type3A_1438, %ge3A_1465 : vector<16xi32>
      %select_n3A_1467 = arith.select %ge3A_1466, %broadcast_in_dim3A_7, %broadcast_in_dim3A_9 : vector<16xi1>, vector<16xi32>
      %add3A_1468 = arith.addi %add3A_1463, %select_n3A_1467 : vector<16xi32>
      %ge3A_1469 = arith.constant 128 : i32
      %ge3A_1470 = vector.broadcast %ge3A_1469 : i32 to vector<16xi32>
      %ge3A_1471 = arith.cmpi sge, %convert_element_type3A_1438, %ge3A_1470 : vector<16xi32>
      %select_n3A_1472 = arith.select %ge3A_1471, %broadcast_in_dim3A_7, %broadcast_in_dim3A_9 : vector<16xi1>, vector<16xi32>
      %add3A_1473 = arith.addi %add3A_1468, %select_n3A_1472 : vector<16xi32>
      %ge3A_1474 = arith.constant 256 : i32
      %ge3A_1475 = vector.broadcast %ge3A_1474 : i32 to vector<16xi32>
      %ge3A_1476 = arith.cmpi sge, %convert_element_type3A_1438, %ge3A_1475 : vector<16xi32>
      %select_n3A_1477 = arith.select %ge3A_1476, %broadcast_in_dim3A_7, %broadcast_in_dim3A_9 : vector<16xi1>, vector<16xi32>
      %add3A_1478 = arith.addi %add3A_1473, %select_n3A_1477 : vector<16xi32>
      %ge3A_1479 = arith.constant 512 : i32
      %ge3A_1480 = vector.broadcast %ge3A_1479 : i32 to vector<16xi32>
      %ge3A_1481 = arith.cmpi sge, %convert_element_type3A_1438, %ge3A_1480 : vector<16xi32>
      %select_n3A_1482 = arith.select %ge3A_1481, %broadcast_in_dim3A_7, %broadcast_in_dim3A_9 : vector<16xi1>, vector<16xi32>
      %add3A_1483 = arith.addi %add3A_1478, %select_n3A_1482 : vector<16xi32>
      %ge3A_1484 = arith.constant 1024 : i32
      %ge3A_1485 = vector.broadcast %ge3A_1484 : i32 to vector<16xi32>
      %ge3A_1486 = arith.cmpi sge, %convert_element_type3A_1438, %ge3A_1485 : vector<16xi32>
      %select_n3A_1487 = arith.select %ge3A_1486, %broadcast_in_dim3A_7, %broadcast_in_dim3A_9 : vector<16xi1>, vector<16xi32>
      %add3A_1488 = arith.addi %add3A_1483, %select_n3A_1487 : vector<16xi32>
      %ge3A_1489 = arith.constant 2048 : i32
      %ge3A_1490 = vector.broadcast %ge3A_1489 : i32 to vector<16xi32>
      %ge3A_1491 = arith.cmpi sge, %convert_element_type3A_1438, %ge3A_1490 : vector<16xi32>
      %select_n3A_1492 = arith.select %ge3A_1491, %broadcast_in_dim3A_7, %broadcast_in_dim3A_9 : vector<16xi1>, vector<16xi32>
      %add3A_1493 = arith.addi %add3A_1488, %select_n3A_1492 : vector<16xi32>
      %ge3A_1494 = arith.constant 4096 : i32
      %ge3A_1495 = vector.broadcast %ge3A_1494 : i32 to vector<16xi32>
      %ge3A_1496 = arith.cmpi sge, %convert_element_type3A_1438, %ge3A_1495 : vector<16xi32>
      %select_n3A_1497 = arith.select %ge3A_1496, %broadcast_in_dim3A_7, %broadcast_in_dim3A_9 : vector<16xi1>, vector<16xi32>
      %add3A_1498 = arith.addi %add3A_1493, %select_n3A_1497 : vector<16xi32>
      %ge3A_1499 = arith.constant 8192 : i32
      %ge3A_1500 = vector.broadcast %ge3A_1499 : i32 to vector<16xi32>
      %ge3A_1501 = arith.cmpi sge, %convert_element_type3A_1438, %ge3A_1500 : vector<16xi32>
      %select_n3A_1502 = arith.select %ge3A_1501, %broadcast_in_dim3A_7, %broadcast_in_dim3A_9 : vector<16xi1>, vector<16xi32>
      %add3A_1503 = arith.addi %add3A_1498, %select_n3A_1502 : vector<16xi32>
      %ge3A_1504 = arith.constant 16384 : i32
      %ge3A_1505 = vector.broadcast %ge3A_1504 : i32 to vector<16xi32>
      %ge3A_1506 = arith.cmpi sge, %convert_element_type3A_1438, %ge3A_1505 : vector<16xi32>
      %select_n3A_1507 = arith.select %ge3A_1506, %broadcast_in_dim3A_7, %broadcast_in_dim3A_9 : vector<16xi1>, vector<16xi32>
      %add3A_1508 = arith.addi %add3A_1503, %select_n3A_1507 : vector<16xi32>
      %ge3A_1509 = arith.constant 32768 : i32
      %ge3A_1510 = vector.broadcast %ge3A_1509 : i32 to vector<16xi32>
      %ge3A_1511 = arith.cmpi sge, %convert_element_type3A_1438, %ge3A_1510 : vector<16xi32>
      %select_n3A_1512 = arith.select %ge3A_1511, %broadcast_in_dim3A_7, %broadcast_in_dim3A_9 : vector<16xi1>, vector<16xi32>
      %add3A_1513 = arith.addi %add3A_1508, %select_n3A_1512 : vector<16xi32>
      %ge3A_1514 = arith.constant 65536 : i32
      %ge3A_1515 = vector.broadcast %ge3A_1514 : i32 to vector<16xi32>
      %ge3A_1516 = arith.cmpi sge, %convert_element_type3A_1438, %ge3A_1515 : vector<16xi32>
      %select_n3A_1517 = arith.select %ge3A_1516, %broadcast_in_dim3A_7, %broadcast_in_dim3A_9 : vector<16xi1>, vector<16xi32>
      %add3A_1518 = arith.addi %add3A_1513, %select_n3A_1517 : vector<16xi32>
      %ge3A_1519 = arith.constant 131072 : i32
      %ge3A_1520 = vector.broadcast %ge3A_1519 : i32 to vector<16xi32>
      %ge3A_1521 = arith.cmpi sge, %convert_element_type3A_1438, %ge3A_1520 : vector<16xi32>
      %select_n3A_1522 = arith.select %ge3A_1521, %broadcast_in_dim3A_7, %broadcast_in_dim3A_9 : vector<16xi1>, vector<16xi32>
      %add3A_1523 = arith.addi %add3A_1518, %select_n3A_1522 : vector<16xi32>
      %shift_left3A_1524 = arith.shli %broadcast_in_dim3A_7, %add3A_1523 : vector<16xi32>
      %convert_element_type3A_1525 = arith.sitofp %shift_left3A_1524 : vector<16xi32> to vector<16xf32>
      %div3A_1526 = arith.divf %get3A_1437, %convert_element_type3A_1525 : vector<16xf32>
      %sub3A_1527 = arith.constant 1.000000e+00 : f32
      %sub3A_1528 = vector.broadcast %sub3A_1527 : f32 to vector<16xf32>
      %sub3A_1529 = arith.subf %div3A_1526, %sub3A_1528 : vector<16xf32>
      %add3A_1530 = arith.constant 2.000000e+00 : f32
      %add3A_1531 = vector.broadcast %add3A_1530 : f32 to vector<16xf32>
      %add3A_1532 = arith.addf %sub3A_1529, %add3A_1531 : vector<16xf32>
      %div3A_1533 = arith.divf %sub3A_1529, %add3A_1532 : vector<16xf32>
      %mul3A_1534 = arith.mulf %div3A_1533, %div3A_1533 : vector<16xf32>
      %mul3A_1535 = arith.constant 2.000000e+00 : f32
      %mul3A_1536 = vector.broadcast %mul3A_1535 : f32 to vector<16xf32>
      %mul3A_1537 = arith.mulf %mul3A_1536, %div3A_1533 : vector<16xf32>
      %mul3A_1538 = arith.constant 0.142857149 : f32
      %mul3A_1539 = vector.broadcast %mul3A_1538 : f32 to vector<16xf32>
      %mul3A_1540 = arith.mulf %mul3A_1534, %mul3A_1539 : vector<16xf32>
      %add3A_1541 = arith.constant 2.000000e-01 : f32
      %add3A_1542 = vector.broadcast %add3A_1541 : f32 to vector<16xf32>
      %add3A_1543 = arith.addf %add3A_1542, %mul3A_1540 : vector<16xf32>
      %mul3A_1544 = arith.mulf %mul3A_1534, %add3A_1543 : vector<16xf32>
      %add3A_1545 = arith.constant 0.333333343 : f32
      %add3A_1546 = vector.broadcast %add3A_1545 : f32 to vector<16xf32>
      %add3A_1547 = arith.addf %add3A_1546, %mul3A_1544 : vector<16xf32>
      %mul3A_1548 = arith.mulf %mul3A_1534, %add3A_1547 : vector<16xf32>
      %add3A_1549 = arith.constant 1.000000e+00 : f32
      %add3A_1550 = vector.broadcast %add3A_1549 : f32 to vector<16xf32>
      %add3A_1551 = arith.addf %add3A_1550, %mul3A_1548 : vector<16xf32>
      %mul3A_1552 = arith.mulf %mul3A_1537, %add3A_1551 : vector<16xf32>
      %convert_element_type3A_1553 = arith.sitofp %add3A_1523 : vector<16xi32> to vector<16xf32>
      %mul3A_1554 = arith.constant 0.693147182 : f32
      %mul3A_1555 = vector.broadcast %mul3A_1554 : f32 to vector<16xf32>
      %mul3A_1556 = arith.mulf %convert_element_type3A_1553, %mul3A_1555 : vector<16xf32>
      %add3A_1557 = arith.addf %mul3A_1556, %mul3A_1552 : vector<16xf32>
      %mul3A_1558 = arith.mulf %get3A_1437, %add3A_1557 : vector<16xf32>
      %add3A_1559 = arith.addf %add3A_1435, %mul3A_1558 : vector<16xf32>
      %get3A_1560 = arith.constant 192 : index
      %get3A_1561 = tpu.vector_load %arg6[%get3A_1560] {strides = array<i32>} : memref<256xf32, #tpu.memory_space<vmem>>, vector<16xf32>,
      %convert_element_type3A_1562 = arith.fptosi %get3A_1561 : vector<16xf32> to vector<16xi32>
      %ge3A_1563 = arith.constant 2 : i32
      %ge3A_1564 = vector.broadcast %ge3A_1563 : i32 to vector<16xi32>
      %ge3A_1565 = arith.cmpi sge, %convert_element_type3A_1562, %ge3A_1564 : vector<16xi32>
      %select_n3A_1566 = arith.select %ge3A_1565, %broadcast_in_dim3A_7, %broadcast_in_dim3A_9 : vector<16xi1>, vector<16xi32>
      %add3A_1567 = arith.addi %broadcast_in_dim3A_9, %select_n3A_1566 : vector<16xi32>
      %ge3A_1568 = arith.constant 4 : i32
      %ge3A_1569 = vector.broadcast %ge3A_1568 : i32 to vector<16xi32>
      %ge3A_1570 = arith.cmpi sge, %convert_element_type3A_1562, %ge3A_1569 : vector<16xi32>
      %select_n3A_1571 = arith.select %ge3A_1570, %broadcast_in_dim3A_7, %broadcast_in_dim3A_9 : vector<16xi1>, vector<16xi32>
      %add3A_1572 = arith.addi %add3A_1567, %select_n3A_1571 : vector<16xi32>
      %ge3A_1573 = arith.constant 8 : i32
      %ge3A_1574 = vector.broadcast %ge3A_1573 : i32 to vector<16xi32>
      %ge3A_1575 = arith.cmpi sge, %convert_element_type3A_1562, %ge3A_1574 : vector<16xi32>
      %select_n3A_1576 = arith.select %ge3A_1575, %broadcast_in_dim3A_7, %broadcast_in_dim3A_9 : vector<16xi1>, vector<16xi32>
      %add3A_1577 = arith.addi %add3A_1572, %select_n3A_1576 : vector<16xi32>
      %ge3A_1578 = arith.constant 16 : i32
      %ge3A_1579 = vector.broadcast %ge3A_1578 : i32 to vector<16xi32>
      %ge3A_1580 = arith.cmpi sge, %convert_element_type3A_1562, %ge3A_1579 : vector<16xi32>
      %select_n3A_1581 = arith.select %ge3A_1580, %broadcast_in_dim3A_7, %broadcast_in_dim3A_9 : vector<16xi1>, vector<16xi32>
      %add3A_1582 = arith.addi %add3A_1577, %select_n3A_1581 : vector<16xi32>
      %ge3A_1583 = arith.constant 32 : i32
      %ge3A_1584 = vector.broadcast %ge3A_1583 : i32 to vector<16xi32>
      %ge3A_1585 = arith.cmpi sge, %convert_element_type3A_1562, %ge3A_1584 : vector<16xi32>
      %select_n3A_1586 = arith.select %ge3A_1585, %broadcast_in_dim3A_7, %broadcast_in_dim3A_9 : vector<16xi1>, vector<16xi32>
      %add3A_1587 = arith.addi %add3A_1582, %select_n3A_1586 : vector<16xi32>
      %ge3A_1588 = arith.constant 64 : i32
      %ge3A_1589 = vector.broadcast %ge3A_1588 : i32 to vector<16xi32>
      %ge3A_1590 = arith.cmpi sge, %convert_element_type3A_1562, %ge3A_1589 : vector<16xi32>
      %select_n3A_1591 = arith.select %ge3A_1590, %broadcast_in_dim3A_7, %broadcast_in_dim3A_9 : vector<16xi1>, vector<16xi32>
      %add3A_1592 = arith.addi %add3A_1587, %select_n3A_1591 : vector<16xi32>
      %ge3A_1593 = arith.constant 128 : i32
      %ge3A_1594 = vector.broadcast %ge3A_1593 : i32 to vector<16xi32>
      %ge3A_1595 = arith.cmpi sge, %convert_element_type3A_1562, %ge3A_1594 : vector<16xi32>
      %select_n3A_1596 = arith.select %ge3A_1595, %broadcast_in_dim3A_7, %broadcast_in_dim3A_9 : vector<16xi1>, vector<16xi32>
      %add3A_1597 = arith.addi %add3A_1592, %select_n3A_1596 : vector<16xi32>
      %ge3A_1598 = arith.constant 256 : i32
      %ge3A_1599 = vector.broadcast %ge3A_1598 : i32 to vector<16xi32>
      %ge3A_1600 = arith.cmpi sge, %convert_element_type3A_1562, %ge3A_1599 : vector<16xi32>
      %select_n3A_1601 = arith.select %ge3A_1600, %broadcast_in_dim3A_7, %broadcast_in_dim3A_9 : vector<16xi1>, vector<16xi32>
      %add3A_1602 = arith.addi %add3A_1597, %select_n3A_1601 : vector<16xi32>
      %ge3A_1603 = arith.constant 512 : i32
      %ge3A_1604 = vector.broadcast %ge3A_1603 : i32 to vector<16xi32>
      %ge3A_1605 = arith.cmpi sge, %convert_element_type3A_1562, %ge3A_1604 : vector<16xi32>
      %select_n3A_1606 = arith.select %ge3A_1605, %broadcast_in_dim3A_7, %broadcast_in_dim3A_9 : vector<16xi1>, vector<16xi32>
      %add3A_1607 = arith.addi %add3A_1602, %select_n3A_1606 : vector<16xi32>
      %ge3A_1608 = arith.constant 1024 : i32
      %ge3A_1609 = vector.broadcast %ge3A_1608 : i32 to vector<16xi32>
      %ge3A_1610 = arith.cmpi sge, %convert_element_type3A_1562, %ge3A_1609 : vector<16xi32>
      %select_n3A_1611 = arith.select %ge3A_1610, %broadcast_in_dim3A_7, %broadcast_in_dim3A_9 : vector<16xi1>, vector<16xi32>
      %add3A_1612 = arith.addi %add3A_1607, %select_n3A_1611 : vector<16xi32>
      %ge3A_1613 = arith.constant 2048 : i32
      %ge3A_1614 = vector.broadcast %ge3A_1613 : i32 to vector<16xi32>
      %ge3A_1615 = arith.cmpi sge, %convert_element_type3A_1562, %ge3A_1614 : vector<16xi32>
      %select_n3A_1616 = arith.select %ge3A_1615, %broadcast_in_dim3A_7, %broadcast_in_dim3A_9 : vector<16xi1>, vector<16xi32>
      %add3A_1617 = arith.addi %add3A_1612, %select_n3A_1616 : vector<16xi32>
      %ge3A_1618 = arith.constant 4096 : i32
      %ge3A_1619 = vector.broadcast %ge3A_1618 : i32 to vector<16xi32>
      %ge3A_1620 = arith.cmpi sge, %convert_element_type3A_1562, %ge3A_1619 : vector<16xi32>
      %select_n3A_1621 = arith.select %ge3A_1620, %broadcast_in_dim3A_7, %broadcast_in_dim3A_9 : vector<16xi1>, vector<16xi32>
      %add3A_1622 = arith.addi %add3A_1617, %select_n3A_1621 : vector<16xi32>
      %ge3A_1623 = arith.constant 8192 : i32
      %ge3A_1624 = vector.broadcast %ge3A_1623 : i32 to vector<16xi32>
      %ge3A_1625 = arith.cmpi sge, %convert_element_type3A_1562, %ge3A_1624 : vector<16xi32>
      %select_n3A_1626 = arith.select %ge3A_1625, %broadcast_in_dim3A_7, %broadcast_in_dim3A_9 : vector<16xi1>, vector<16xi32>
      %add3A_1627 = arith.addi %add3A_1622, %select_n3A_1626 : vector<16xi32>
      %ge3A_1628 = arith.constant 16384 : i32
      %ge3A_1629 = vector.broadcast %ge3A_1628 : i32 to vector<16xi32>
      %ge3A_1630 = arith.cmpi sge, %convert_element_type3A_1562, %ge3A_1629 : vector<16xi32>
      %select_n3A_1631 = arith.select %ge3A_1630, %broadcast_in_dim3A_7, %broadcast_in_dim3A_9 : vector<16xi1>, vector<16xi32>
      %add3A_1632 = arith.addi %add3A_1627, %select_n3A_1631 : vector<16xi32>
      %ge3A_1633 = arith.constant 32768 : i32
      %ge3A_1634 = vector.broadcast %ge3A_1633 : i32 to vector<16xi32>
      %ge3A_1635 = arith.cmpi sge, %convert_element_type3A_1562, %ge3A_1634 : vector<16xi32>
      %select_n3A_1636 = arith.select %ge3A_1635, %broadcast_in_dim3A_7, %broadcast_in_dim3A_9 : vector<16xi1>, vector<16xi32>
      %add3A_1637 = arith.addi %add3A_1632, %select_n3A_1636 : vector<16xi32>
      %ge3A_1638 = arith.constant 65536 : i32
      %ge3A_1639 = vector.broadcast %ge3A_1638 : i32 to vector<16xi32>
      %ge3A_1640 = arith.cmpi sge, %convert_element_type3A_1562, %ge3A_1639 : vector<16xi32>
      %select_n3A_1641 = arith.select %ge3A_1640, %broadcast_in_dim3A_7, %broadcast_in_dim3A_9 : vector<16xi1>, vector<16xi32>
      %add3A_1642 = arith.addi %add3A_1637, %select_n3A_1641 : vector<16xi32>
      %ge3A_1643 = arith.constant 131072 : i32
      %ge3A_1644 = vector.broadcast %ge3A_1643 : i32 to vector<16xi32>
      %ge3A_1645 = arith.cmpi sge, %convert_element_type3A_1562, %ge3A_1644 : vector<16xi32>
      %select_n3A_1646 = arith.select %ge3A_1645, %broadcast_in_dim3A_7, %broadcast_in_dim3A_9 : vector<16xi1>, vector<16xi32>
      %add3A_1647 = arith.addi %add3A_1642, %select_n3A_1646 : vector<16xi32>
      %shift_left3A_1648 = arith.shli %broadcast_in_dim3A_7, %add3A_1647 : vector<16xi32>
      %convert_element_type3A_1649 = arith.sitofp %shift_left3A_1648 : vector<16xi32> to vector<16xf32>
      %div3A_1650 = arith.divf %get3A_1561, %convert_element_type3A_1649 : vector<16xf32>
      %sub3A_1651 = arith.constant 1.000000e+00 : f32
      %sub3A_1652 = vector.broadcast %sub3A_1651 : f32 to vector<16xf32>
      %sub3A_1653 = arith.subf %div3A_1650, %sub3A_1652 : vector<16xf32>
      %add3A_1654 = arith.constant 2.000000e+00 : f32
      %add3A_1655 = vector.broadcast %add3A_1654 : f32 to vector<16xf32>
      %add3A_1656 = arith.addf %sub3A_1653, %add3A_1655 : vector<16xf32>
      %div3A_1657 = arith.divf %sub3A_1653, %add3A_1656 : vector<16xf32>
      %mul3A_1658 = arith.mulf %div3A_1657, %div3A_1657 : vector<16xf32>
      %mul3A_1659 = arith.constant 2.000000e+00 : f32
      %mul3A_1660 = vector.broadcast %mul3A_1659 : f32 to vector<16xf32>
      %mul3A_1661 = arith.mulf %mul3A_1660, %div3A_1657 : vector<16xf32>
      %mul3A_1662 = arith.constant 0.142857149 : f32
      %mul3A_1663 = vector.broadcast %mul3A_1662 : f32 to vector<16xf32>
      %mul3A_1664 = arith.mulf %mul3A_1658, %mul3A_1663 : vector<16xf32>
      %add3A_1665 = arith.constant 2.000000e-01 : f32
      %add3A_1666 = vector.broadcast %add3A_1665 : f32 to vector<16xf32>
      %add3A_1667 = arith.addf %add3A_1666, %mul3A_1664 : vector<16xf32>
      %mul3A_1668 = arith.mulf %mul3A_1658, %add3A_1667 : vector<16xf32>
      %add3A_1669 = arith.constant 0.333333343 : f32
      %add3A_1670 = vector.broadcast %add3A_1669 : f32 to vector<16xf32>
      %add3A_1671 = arith.addf %add3A_1670, %mul3A_1668 : vector<16xf32>
      %mul3A_1672 = arith.mulf %mul3A_1658, %add3A_1671 : vector<16xf32>
      %add3A_1673 = arith.constant 1.000000e+00 : f32
      %add3A_1674 = vector.broadcast %add3A_1673 : f32 to vector<16xf32>
      %add3A_1675 = arith.addf %add3A_1674, %mul3A_1672 : vector<16xf32>
      %mul3A_1676 = arith.mulf %mul3A_1661, %add3A_1675 : vector<16xf32>
      %convert_element_type3A_1677 = arith.sitofp %add3A_1647 : vector<16xi32> to vector<16xf32>
      %mul3A_1678 = arith.constant 0.693147182 : f32
      %mul3A_1679 = vector.broadcast %mul3A_1678 : f32 to vector<16xf32>
      %mul3A_1680 = arith.mulf %convert_element_type3A_1677, %mul3A_1679 : vector<16xf32>
      %add3A_1681 = arith.addf %mul3A_1680, %mul3A_1676 : vector<16xf32>
      %mul3A_1682 = arith.mulf %get3A_1561, %add3A_1681 : vector<16xf32>
      %add3A_1683 = arith.addf %add3A_1559, %mul3A_1682 : vector<16xf32>
      %get3A_1684 = arith.constant 208 : index
      %get3A_1685 = tpu.vector_load %arg6[%get3A_1684] {strides = array<i32>} : memref<256xf32, #tpu.memory_space<vmem>>, vector<16xf32>,
      %convert_element_type3A_1686 = arith.fptosi %get3A_1685 : vector<16xf32> to vector<16xi32>
      %ge3A_1687 = arith.constant 2 : i32
      %ge3A_1688 = vector.broadcast %ge3A_1687 : i32 to vector<16xi32>
      %ge3A_1689 = arith.cmpi sge, %convert_element_type3A_1686, %ge3A_1688 : vector<16xi32>
      %select_n3A_1690 = arith.select %ge3A_1689, %broadcast_in_dim3A_7, %broadcast_in_dim3A_9 : vector<16xi1>, vector<16xi32>
      %add3A_1691 = arith.addi %broadcast_in_dim3A_9, %select_n3A_1690 : vector<16xi32>
      %ge3A_1692 = arith.constant 4 : i32
      %ge3A_1693 = vector.broadcast %ge3A_1692 : i32 to vector<16xi32>
      %ge3A_1694 = arith.cmpi sge, %convert_element_type3A_1686, %ge3A_1693 : vector<16xi32>
      %select_n3A_1695 = arith.select %ge3A_1694, %broadcast_in_dim3A_7, %broadcast_in_dim3A_9 : vector<16xi1>, vector<16xi32>
      %add3A_1696 = arith.addi %add3A_1691, %select_n3A_1695 : vector<16xi32>
      %ge3A_1697 = arith.constant 8 : i32
      %ge3A_1698 = vector.broadcast %ge3A_1697 : i32 to vector<16xi32>
      %ge3A_1699 = arith.cmpi sge, %convert_element_type3A_1686, %ge3A_1698 : vector<16xi32>
      %select_n3A_1700 = arith.select %ge3A_1699, %broadcast_in_dim3A_7, %broadcast_in_dim3A_9 : vector<16xi1>, vector<16xi32>
      %add3A_1701 = arith.addi %add3A_1696, %select_n3A_1700 : vector<16xi32>
      %ge3A_1702 = arith.constant 16 : i32
      %ge3A_1703 = vector.broadcast %ge3A_1702 : i32 to vector<16xi32>
      %ge3A_1704 = arith.cmpi sge, %convert_element_type3A_1686, %ge3A_1703 : vector<16xi32>
      %select_n3A_1705 = arith.select %ge3A_1704, %broadcast_in_dim3A_7, %broadcast_in_dim3A_9 : vector<16xi1>, vector<16xi32>
      %add3A_1706 = arith.addi %add3A_1701, %select_n3A_1705 : vector<16xi32>
      %ge3A_1707 = arith.constant 32 : i32
      %ge3A_1708 = vector.broadcast %ge3A_1707 : i32 to vector<16xi32>
      %ge3A_1709 = arith.cmpi sge, %convert_element_type3A_1686, %ge3A_1708 : vector<16xi32>
      %select_n3A_1710 = arith.select %ge3A_1709, %broadcast_in_dim3A_7, %broadcast_in_dim3A_9 : vector<16xi1>, vector<16xi32>
      %add3A_1711 = arith.addi %add3A_1706, %select_n3A_1710 : vector<16xi32>
      %ge3A_1712 = arith.constant 64 : i32
      %ge3A_1713 = vector.broadcast %ge3A_1712 : i32 to vector<16xi32>
      %ge3A_1714 = arith.cmpi sge, %convert_element_type3A_1686, %ge3A_1713 : vector<16xi32>
      %select_n3A_1715 = arith.select %ge3A_1714, %broadcast_in_dim3A_7, %broadcast_in_dim3A_9 : vector<16xi1>, vector<16xi32>
      %add3A_1716 = arith.addi %add3A_1711, %select_n3A_1715 : vector<16xi32>
      %ge3A_1717 = arith.constant 128 : i32
      %ge3A_1718 = vector.broadcast %ge3A_1717 : i32 to vector<16xi32>
      %ge3A_1719 = arith.cmpi sge, %convert_element_type3A_1686, %ge3A_1718 : vector<16xi32>
      %select_n3A_1720 = arith.select %ge3A_1719, %broadcast_in_dim3A_7, %broadcast_in_dim3A_9 : vector<16xi1>, vector<16xi32>
      %add3A_1721 = arith.addi %add3A_1716, %select_n3A_1720 : vector<16xi32>
      %ge3A_1722 = arith.constant 256 : i32
      %ge3A_1723 = vector.broadcast %ge3A_1722 : i32 to vector<16xi32>
      %ge3A_1724 = arith.cmpi sge, %convert_element_type3A_1686, %ge3A_1723 : vector<16xi32>
      %select_n3A_1725 = arith.select %ge3A_1724, %broadcast_in_dim3A_7, %broadcast_in_dim3A_9 : vector<16xi1>, vector<16xi32>
      %add3A_1726 = arith.addi %add3A_1721, %select_n3A_1725 : vector<16xi32>
      %ge3A_1727 = arith.constant 512 : i32
      %ge3A_1728 = vector.broadcast %ge3A_1727 : i32 to vector<16xi32>
      %ge3A_1729 = arith.cmpi sge, %convert_element_type3A_1686, %ge3A_1728 : vector<16xi32>
      %select_n3A_1730 = arith.select %ge3A_1729, %broadcast_in_dim3A_7, %broadcast_in_dim3A_9 : vector<16xi1>, vector<16xi32>
      %add3A_1731 = arith.addi %add3A_1726, %select_n3A_1730 : vector<16xi32>
      %ge3A_1732 = arith.constant 1024 : i32
      %ge3A_1733 = vector.broadcast %ge3A_1732 : i32 to vector<16xi32>
      %ge3A_1734 = arith.cmpi sge, %convert_element_type3A_1686, %ge3A_1733 : vector<16xi32>
      %select_n3A_1735 = arith.select %ge3A_1734, %broadcast_in_dim3A_7, %broadcast_in_dim3A_9 : vector<16xi1>, vector<16xi32>
      %add3A_1736 = arith.addi %add3A_1731, %select_n3A_1735 : vector<16xi32>
      %ge3A_1737 = arith.constant 2048 : i32
      %ge3A_1738 = vector.broadcast %ge3A_1737 : i32 to vector<16xi32>
      %ge3A_1739 = arith.cmpi sge, %convert_element_type3A_1686, %ge3A_1738 : vector<16xi32>
      %select_n3A_1740 = arith.select %ge3A_1739, %broadcast_in_dim3A_7, %broadcast_in_dim3A_9 : vector<16xi1>, vector<16xi32>
      %add3A_1741 = arith.addi %add3A_1736, %select_n3A_1740 : vector<16xi32>
      %ge3A_1742 = arith.constant 4096 : i32
      %ge3A_1743 = vector.broadcast %ge3A_1742 : i32 to vector<16xi32>
      %ge3A_1744 = arith.cmpi sge, %convert_element_type3A_1686, %ge3A_1743 : vector<16xi32>
      %select_n3A_1745 = arith.select %ge3A_1744, %broadcast_in_dim3A_7, %broadcast_in_dim3A_9 : vector<16xi1>, vector<16xi32>
      %add3A_1746 = arith.addi %add3A_1741, %select_n3A_1745 : vector<16xi32>
      %ge3A_1747 = arith.constant 8192 : i32
      %ge3A_1748 = vector.broadcast %ge3A_1747 : i32 to vector<16xi32>
      %ge3A_1749 = arith.cmpi sge, %convert_element_type3A_1686, %ge3A_1748 : vector<16xi32>
      %select_n3A_1750 = arith.select %ge3A_1749, %broadcast_in_dim3A_7, %broadcast_in_dim3A_9 : vector<16xi1>, vector<16xi32>
      %add3A_1751 = arith.addi %add3A_1746, %select_n3A_1750 : vector<16xi32>
      %ge3A_1752 = arith.constant 16384 : i32
      %ge3A_1753 = vector.broadcast %ge3A_1752 : i32 to vector<16xi32>
      %ge3A_1754 = arith.cmpi sge, %convert_element_type3A_1686, %ge3A_1753 : vector<16xi32>
      %select_n3A_1755 = arith.select %ge3A_1754, %broadcast_in_dim3A_7, %broadcast_in_dim3A_9 : vector<16xi1>, vector<16xi32>
      %add3A_1756 = arith.addi %add3A_1751, %select_n3A_1755 : vector<16xi32>
      %ge3A_1757 = arith.constant 32768 : i32
      %ge3A_1758 = vector.broadcast %ge3A_1757 : i32 to vector<16xi32>
      %ge3A_1759 = arith.cmpi sge, %convert_element_type3A_1686, %ge3A_1758 : vector<16xi32>
      %select_n3A_1760 = arith.select %ge3A_1759, %broadcast_in_dim3A_7, %broadcast_in_dim3A_9 : vector<16xi1>, vector<16xi32>
      %add3A_1761 = arith.addi %add3A_1756, %select_n3A_1760 : vector<16xi32>
      %ge3A_1762 = arith.constant 65536 : i32
      %ge3A_1763 = vector.broadcast %ge3A_1762 : i32 to vector<16xi32>
      %ge3A_1764 = arith.cmpi sge, %convert_element_type3A_1686, %ge3A_1763 : vector<16xi32>
      %select_n3A_1765 = arith.select %ge3A_1764, %broadcast_in_dim3A_7, %broadcast_in_dim3A_9 : vector<16xi1>, vector<16xi32>
      %add3A_1766 = arith.addi %add3A_1761, %select_n3A_1765 : vector<16xi32>
      %ge3A_1767 = arith.constant 131072 : i32
      %ge3A_1768 = vector.broadcast %ge3A_1767 : i32 to vector<16xi32>
      %ge3A_1769 = arith.cmpi sge, %convert_element_type3A_1686, %ge3A_1768 : vector<16xi32>
      %select_n3A_1770 = arith.select %ge3A_1769, %broadcast_in_dim3A_7, %broadcast_in_dim3A_9 : vector<16xi1>, vector<16xi32>
      %add3A_1771 = arith.addi %add3A_1766, %select_n3A_1770 : vector<16xi32>
      %shift_left3A_1772 = arith.shli %broadcast_in_dim3A_7, %add3A_1771 : vector<16xi32>
      %convert_element_type3A_1773 = arith.sitofp %shift_left3A_1772 : vector<16xi32> to vector<16xf32>
      %div3A_1774 = arith.divf %get3A_1685, %convert_element_type3A_1773 : vector<16xf32>
      %sub3A_1775 = arith.constant 1.000000e+00 : f32
      %sub3A_1776 = vector.broadcast %sub3A_1775 : f32 to vector<16xf32>
      %sub3A_1777 = arith.subf %div3A_1774, %sub3A_1776 : vector<16xf32>
      %add3A_1778 = arith.constant 2.000000e+00 : f32
      %add3A_1779 = vector.broadcast %add3A_1778 : f32 to vector<16xf32>
      %add3A_1780 = arith.addf %sub3A_1777, %add3A_1779 : vector<16xf32>
      %div3A_1781 = arith.divf %sub3A_1777, %add3A_1780 : vector<16xf32>
      %mul3A_1782 = arith.mulf %div3A_1781, %div3A_1781 : vector<16xf32>
      %mul3A_1783 = arith.constant 2.000000e+00 : f32
      %mul3A_1784 = vector.broadcast %mul3A_1783 : f32 to vector<16xf32>
      %mul3A_1785 = arith.mulf %mul3A_1784, %div3A_1781 : vector<16xf32>
      %mul3A_1786 = arith.constant 0.142857149 : f32
      %mul3A_1787 = vector.broadcast %mul3A_1786 : f32 to vector<16xf32>
      %mul3A_1788 = arith.mulf %mul3A_1782, %mul3A_1787 : vector<16xf32>
      %add3A_1789 = arith.constant 2.000000e-01 : f32
      %add3A_1790 = vector.broadcast %add3A_1789 : f32 to vector<16xf32>
      %add3A_1791 = arith.addf %add3A_1790, %mul3A_1788 : vector<16xf32>
      %mul3A_1792 = arith.mulf %mul3A_1782, %add3A_1791 : vector<16xf32>
      %add3A_1793 = arith.constant 0.333333343 : f32
      %add3A_1794 = vector.broadcast %add3A_1793 : f32 to vector<16xf32>
      %add3A_1795 = arith.addf %add3A_1794, %mul3A_1792 : vector<16xf32>
      %mul3A_1796 = arith.mulf %mul3A_1782, %add3A_1795 : vector<16xf32>
      %add3A_1797 = arith.constant 1.000000e+00 : f32
      %add3A_1798 = vector.broadcast %add3A_1797 : f32 to vector<16xf32>
      %add3A_1799 = arith.addf %add3A_1798, %mul3A_1796 : vector<16xf32>
      %mul3A_1800 = arith.mulf %mul3A_1785, %add3A_1799 : vector<16xf32>
      %convert_element_type3A_1801 = arith.sitofp %add3A_1771 : vector<16xi32> to vector<16xf32>
      %mul3A_1802 = arith.constant 0.693147182 : f32
      %mul3A_1803 = vector.broadcast %mul3A_1802 : f32 to vector<16xf32>
      %mul3A_1804 = arith.mulf %convert_element_type3A_1801, %mul3A_1803 : vector<16xf32>
      %add3A_1805 = arith.addf %mul3A_1804, %mul3A_1800 : vector<16xf32>
      %mul3A_1806 = arith.mulf %get3A_1685, %add3A_1805 : vector<16xf32>
      %add3A_1807 = arith.addf %add3A_1683, %mul3A_1806 : vector<16xf32>
      %get3A_1808 = arith.constant 224 : index
      %get3A_1809 = tpu.vector_load %arg6[%get3A_1808] {strides = array<i32>} : memref<256xf32, #tpu.memory_space<vmem>>, vector<16xf32>,
      %convert_element_type3A_1810 = arith.fptosi %get3A_1809 : vector<16xf32> to vector<16xi32>
      %ge3A_1811 = arith.constant 2 : i32
      %ge3A_1812 = vector.broadcast %ge3A_1811 : i32 to vector<16xi32>
      %ge3A_1813 = arith.cmpi sge, %convert_element_type3A_1810, %ge3A_1812 : vector<16xi32>
      %select_n3A_1814 = arith.select %ge3A_1813, %broadcast_in_dim3A_7, %broadcast_in_dim3A_9 : vector<16xi1>, vector<16xi32>
      %add3A_1815 = arith.addi %broadcast_in_dim3A_9, %select_n3A_1814 : vector<16xi32>
      %ge3A_1816 = arith.constant 4 : i32
      %ge3A_1817 = vector.broadcast %ge3A_1816 : i32 to vector<16xi32>
      %ge3A_1818 = arith.cmpi sge, %convert_element_type3A_1810, %ge3A_1817 : vector<16xi32>
      %select_n3A_1819 = arith.select %ge3A_1818, %broadcast_in_dim3A_7, %broadcast_in_dim3A_9 : vector<16xi1>, vector<16xi32>
      %add3A_1820 = arith.addi %add3A_1815, %select_n3A_1819 : vector<16xi32>
      %ge3A_1821 = arith.constant 8 : i32
      %ge3A_1822 = vector.broadcast %ge3A_1821 : i32 to vector<16xi32>
      %ge3A_1823 = arith.cmpi sge, %convert_element_type3A_1810, %ge3A_1822 : vector<16xi32>
      %select_n3A_1824 = arith.select %ge3A_1823, %broadcast_in_dim3A_7, %broadcast_in_dim3A_9 : vector<16xi1>, vector<16xi32>
      %add3A_1825 = arith.addi %add3A_1820, %select_n3A_1824 : vector<16xi32>
      %ge3A_1826 = arith.constant 16 : i32
      %ge3A_1827 = vector.broadcast %ge3A_1826 : i32 to vector<16xi32>
      %ge3A_1828 = arith.cmpi sge, %convert_element_type3A_1810, %ge3A_1827 : vector<16xi32>
      %select_n3A_1829 = arith.select %ge3A_1828, %broadcast_in_dim3A_7, %broadcast_in_dim3A_9 : vector<16xi1>, vector<16xi32>
      %add3A_1830 = arith.addi %add3A_1825, %select_n3A_1829 : vector<16xi32>
      %ge3A_1831 = arith.constant 32 : i32
      %ge3A_1832 = vector.broadcast %ge3A_1831 : i32 to vector<16xi32>
      %ge3A_1833 = arith.cmpi sge, %convert_element_type3A_1810, %ge3A_1832 : vector<16xi32>
      %select_n3A_1834 = arith.select %ge3A_1833, %broadcast_in_dim3A_7, %broadcast_in_dim3A_9 : vector<16xi1>, vector<16xi32>
      %add3A_1835 = arith.addi %add3A_1830, %select_n3A_1834 : vector<16xi32>
      %ge3A_1836 = arith.constant 64 : i32
      %ge3A_1837 = vector.broadcast %ge3A_1836 : i32 to vector<16xi32>
      %ge3A_1838 = arith.cmpi sge, %convert_element_type3A_1810, %ge3A_1837 : vector<16xi32>
      %select_n3A_1839 = arith.select %ge3A_1838, %broadcast_in_dim3A_7, %broadcast_in_dim3A_9 : vector<16xi1>, vector<16xi32>
      %add3A_1840 = arith.addi %add3A_1835, %select_n3A_1839 : vector<16xi32>
      %ge3A_1841 = arith.constant 128 : i32
      %ge3A_1842 = vector.broadcast %ge3A_1841 : i32 to vector<16xi32>
      %ge3A_1843 = arith.cmpi sge, %convert_element_type3A_1810, %ge3A_1842 : vector<16xi32>
      %select_n3A_1844 = arith.select %ge3A_1843, %broadcast_in_dim3A_7, %broadcast_in_dim3A_9 : vector<16xi1>, vector<16xi32>
      %add3A_1845 = arith.addi %add3A_1840, %select_n3A_1844 : vector<16xi32>
      %ge3A_1846 = arith.constant 256 : i32
      %ge3A_1847 = vector.broadcast %ge3A_1846 : i32 to vector<16xi32>
      %ge3A_1848 = arith.cmpi sge, %convert_element_type3A_1810, %ge3A_1847 : vector<16xi32>
      %select_n3A_1849 = arith.select %ge3A_1848, %broadcast_in_dim3A_7, %broadcast_in_dim3A_9 : vector<16xi1>, vector<16xi32>
      %add3A_1850 = arith.addi %add3A_1845, %select_n3A_1849 : vector<16xi32>
      %ge3A_1851 = arith.constant 512 : i32
      %ge3A_1852 = vector.broadcast %ge3A_1851 : i32 to vector<16xi32>
      %ge3A_1853 = arith.cmpi sge, %convert_element_type3A_1810, %ge3A_1852 : vector<16xi32>
      %select_n3A_1854 = arith.select %ge3A_1853, %broadcast_in_dim3A_7, %broadcast_in_dim3A_9 : vector<16xi1>, vector<16xi32>
      %add3A_1855 = arith.addi %add3A_1850, %select_n3A_1854 : vector<16xi32>
      %ge3A_1856 = arith.constant 1024 : i32
      %ge3A_1857 = vector.broadcast %ge3A_1856 : i32 to vector<16xi32>
      %ge3A_1858 = arith.cmpi sge, %convert_element_type3A_1810, %ge3A_1857 : vector<16xi32>
      %select_n3A_1859 = arith.select %ge3A_1858, %broadcast_in_dim3A_7, %broadcast_in_dim3A_9 : vector<16xi1>, vector<16xi32>
      %add3A_1860 = arith.addi %add3A_1855, %select_n3A_1859 : vector<16xi32>
      %ge3A_1861 = arith.constant 2048 : i32
      %ge3A_1862 = vector.broadcast %ge3A_1861 : i32 to vector<16xi32>
      %ge3A_1863 = arith.cmpi sge, %convert_element_type3A_1810, %ge3A_1862 : vector<16xi32>
      %select_n3A_1864 = arith.select %ge3A_1863, %broadcast_in_dim3A_7, %broadcast_in_dim3A_9 : vector<16xi1>, vector<16xi32>
      %add3A_1865 = arith.addi %add3A_1860, %select_n3A_1864 : vector<16xi32>
      %ge3A_1866 = arith.constant 4096 : i32
      %ge3A_1867 = vector.broadcast %ge3A_1866 : i32 to vector<16xi32>
      %ge3A_1868 = arith.cmpi sge, %convert_element_type3A_1810, %ge3A_1867 : vector<16xi32>
      %select_n3A_1869 = arith.select %ge3A_1868, %broadcast_in_dim3A_7, %broadcast_in_dim3A_9 : vector<16xi1>, vector<16xi32>
      %add3A_1870 = arith.addi %add3A_1865, %select_n3A_1869 : vector<16xi32>
      %ge3A_1871 = arith.constant 8192 : i32
      %ge3A_1872 = vector.broadcast %ge3A_1871 : i32 to vector<16xi32>
      %ge3A_1873 = arith.cmpi sge, %convert_element_type3A_1810, %ge3A_1872 : vector<16xi32>
      %select_n3A_1874 = arith.select %ge3A_1873, %broadcast_in_dim3A_7, %broadcast_in_dim3A_9 : vector<16xi1>, vector<16xi32>
      %add3A_1875 = arith.addi %add3A_1870, %select_n3A_1874 : vector<16xi32>
      %ge3A_1876 = arith.constant 16384 : i32
      %ge3A_1877 = vector.broadcast %ge3A_1876 : i32 to vector<16xi32>
      %ge3A_1878 = arith.cmpi sge, %convert_element_type3A_1810, %ge3A_1877 : vector<16xi32>
      %select_n3A_1879 = arith.select %ge3A_1878, %broadcast_in_dim3A_7, %broadcast_in_dim3A_9 : vector<16xi1>, vector<16xi32>
      %add3A_1880 = arith.addi %add3A_1875, %select_n3A_1879 : vector<16xi32>
      %ge3A_1881 = arith.constant 32768 : i32
      %ge3A_1882 = vector.broadcast %ge3A_1881 : i32 to vector<16xi32>
      %ge3A_1883 = arith.cmpi sge, %convert_element_type3A_1810, %ge3A_1882 : vector<16xi32>
      %select_n3A_1884 = arith.select %ge3A_1883, %broadcast_in_dim3A_7, %broadcast_in_dim3A_9 : vector<16xi1>, vector<16xi32>
      %add3A_1885 = arith.addi %add3A_1880, %select_n3A_1884 : vector<16xi32>
      %ge3A_1886 = arith.constant 65536 : i32
      %ge3A_1887 = vector.broadcast %ge3A_1886 : i32 to vector<16xi32>
      %ge3A_1888 = arith.cmpi sge, %convert_element_type3A_1810, %ge3A_1887 : vector<16xi32>
      %select_n3A_1889 = arith.select %ge3A_1888, %broadcast_in_dim3A_7, %broadcast_in_dim3A_9 : vector<16xi1>, vector<16xi32>
      %add3A_1890 = arith.addi %add3A_1885, %select_n3A_1889 : vector<16xi32>
      %ge3A_1891 = arith.constant 131072 : i32
      %ge3A_1892 = vector.broadcast %ge3A_1891 : i32 to vector<16xi32>
      %ge3A_1893 = arith.cmpi sge, %convert_element_type3A_1810, %ge3A_1892 : vector<16xi32>
      %select_n3A_1894 = arith.select %ge3A_1893, %broadcast_in_dim3A_7, %broadcast_in_dim3A_9 : vector<16xi1>, vector<16xi32>
      %add3A_1895 = arith.addi %add3A_1890, %select_n3A_1894 : vector<16xi32>
      %shift_left3A_1896 = arith.shli %broadcast_in_dim3A_7, %add3A_1895 : vector<16xi32>
      %convert_element_type3A_1897 = arith.sitofp %shift_left3A_1896 : vector<16xi32> to vector<16xf32>
      %div3A_1898 = arith.divf %get3A_1809, %convert_element_type3A_1897 : vector<16xf32>
      %sub3A_1899 = arith.constant 1.000000e+00 : f32
      %sub3A_1900 = vector.broadcast %sub3A_1899 : f32 to vector<16xf32>
      %sub3A_1901 = arith.subf %div3A_1898, %sub3A_1900 : vector<16xf32>
      %add3A_1902 = arith.constant 2.000000e+00 : f32
      %add3A_1903 = vector.broadcast %add3A_1902 : f32 to vector<16xf32>
      %add3A_1904 = arith.addf %sub3A_1901, %add3A_1903 : vector<16xf32>
      %div3A_1905 = arith.divf %sub3A_1901, %add3A_1904 : vector<16xf32>
      %mul3A_1906 = arith.mulf %div3A_1905, %div3A_1905 : vector<16xf32>
      %mul3A_1907 = arith.constant 2.000000e+00 : f32
      %mul3A_1908 = vector.broadcast %mul3A_1907 : f32 to vector<16xf32>
      %mul3A_1909 = arith.mulf %mul3A_1908, %div3A_1905 : vector<16xf32>
      %mul3A_1910 = arith.constant 0.142857149 : f32
      %mul3A_1911 = vector.broadcast %mul3A_1910 : f32 to vector<16xf32>
      %mul3A_1912 = arith.mulf %mul3A_1906, %mul3A_1911 : vector<16xf32>
      %add3A_1913 = arith.constant 2.000000e-01 : f32
      %add3A_1914 = vector.broadcast %add3A_1913 : f32 to vector<16xf32>
      %add3A_1915 = arith.addf %add3A_1914, %mul3A_1912 : vector<16xf32>
      %mul3A_1916 = arith.mulf %mul3A_1906, %add3A_1915 : vector<16xf32>
      %add3A_1917 = arith.constant 0.333333343 : f32
      %add3A_1918 = vector.broadcast %add3A_1917 : f32 to vector<16xf32>
      %add3A_1919 = arith.addf %add3A_1918, %mul3A_1916 : vector<16xf32>
      %mul3A_1920 = arith.mulf %mul3A_1906, %add3A_1919 : vector<16xf32>
      %add3A_1921 = arith.constant 1.000000e+00 : f32
      %add3A_1922 = vector.broadcast %add3A_1921 : f32 to vector<16xf32>
      %add3A_1923 = arith.addf %add3A_1922, %mul3A_1920 : vector<16xf32>
      %mul3A_1924 = arith.mulf %mul3A_1909, %add3A_1923 : vector<16xf32>
      %convert_element_type3A_1925 = arith.sitofp %add3A_1895 : vector<16xi32> to vector<16xf32>
      %mul3A_1926 = arith.constant 0.693147182 : f32
      %mul3A_1927 = vector.broadcast %mul3A_1926 : f32 to vector<16xf32>
      %mul3A_1928 = arith.mulf %convert_element_type3A_1925, %mul3A_1927 : vector<16xf32>
      %add3A_1929 = arith.addf %mul3A_1928, %mul3A_1924 : vector<16xf32>
      %mul3A_1930 = arith.mulf %get3A_1809, %add3A_1929 : vector<16xf32>
      %add3A_1931 = arith.addf %add3A_1807, %mul3A_1930 : vector<16xf32>
      %get3A_1932 = arith.constant 240 : index
      %get3A_1933 = tpu.vector_load %arg6[%get3A_1932] {strides = array<i32>} : memref<256xf32, #tpu.memory_space<vmem>>, vector<16xf32>,
      %convert_element_type3A_1934 = arith.fptosi %get3A_1933 : vector<16xf32> to vector<16xi32>
      %ge3A_1935 = arith.constant 2 : i32
      %ge3A_1936 = vector.broadcast %ge3A_1935 : i32 to vector<16xi32>
      %ge3A_1937 = arith.cmpi sge, %convert_element_type3A_1934, %ge3A_1936 : vector<16xi32>
      %select_n3A_1938 = arith.select %ge3A_1937, %broadcast_in_dim3A_7, %broadcast_in_dim3A_9 : vector<16xi1>, vector<16xi32>
      %add3A_1939 = arith.addi %broadcast_in_dim3A_9, %select_n3A_1938 : vector<16xi32>
      %ge3A_1940 = arith.constant 4 : i32
      %ge3A_1941 = vector.broadcast %ge3A_1940 : i32 to vector<16xi32>
      %ge3A_1942 = arith.cmpi sge, %convert_element_type3A_1934, %ge3A_1941 : vector<16xi32>
      %select_n3A_1943 = arith.select %ge3A_1942, %broadcast_in_dim3A_7, %broadcast_in_dim3A_9 : vector<16xi1>, vector<16xi32>
      %add3A_1944 = arith.addi %add3A_1939, %select_n3A_1943 : vector<16xi32>
      %ge3A_1945 = arith.constant 8 : i32
      %ge3A_1946 = vector.broadcast %ge3A_1945 : i32 to vector<16xi32>
      %ge3A_1947 = arith.cmpi sge, %convert_element_type3A_1934, %ge3A_1946 : vector<16xi32>
      %select_n3A_1948 = arith.select %ge3A_1947, %broadcast_in_dim3A_7, %broadcast_in_dim3A_9 : vector<16xi1>, vector<16xi32>
      %add3A_1949 = arith.addi %add3A_1944, %select_n3A_1948 : vector<16xi32>
      %ge3A_1950 = arith.constant 16 : i32
      %ge3A_1951 = vector.broadcast %ge3A_1950 : i32 to vector<16xi32>
      %ge3A_1952 = arith.cmpi sge, %convert_element_type3A_1934, %ge3A_1951 : vector<16xi32>
      %select_n3A_1953 = arith.select %ge3A_1952, %broadcast_in_dim3A_7, %broadcast_in_dim3A_9 : vector<16xi1>, vector<16xi32>
      %add3A_1954 = arith.addi %add3A_1949, %select_n3A_1953 : vector<16xi32>
      %ge3A_1955 = arith.constant 32 : i32
      %ge3A_1956 = vector.broadcast %ge3A_1955 : i32 to vector<16xi32>
      %ge3A_1957 = arith.cmpi sge, %convert_element_type3A_1934, %ge3A_1956 : vector<16xi32>
      %select_n3A_1958 = arith.select %ge3A_1957, %broadcast_in_dim3A_7, %broadcast_in_dim3A_9 : vector<16xi1>, vector<16xi32>
      %add3A_1959 = arith.addi %add3A_1954, %select_n3A_1958 : vector<16xi32>
      %ge3A_1960 = arith.constant 64 : i32
      %ge3A_1961 = vector.broadcast %ge3A_1960 : i32 to vector<16xi32>
      %ge3A_1962 = arith.cmpi sge, %convert_element_type3A_1934, %ge3A_1961 : vector<16xi32>
      %select_n3A_1963 = arith.select %ge3A_1962, %broadcast_in_dim3A_7, %broadcast_in_dim3A_9 : vector<16xi1>, vector<16xi32>
      %add3A_1964 = arith.addi %add3A_1959, %select_n3A_1963 : vector<16xi32>
      %ge3A_1965 = arith.constant 128 : i32
      %ge3A_1966 = vector.broadcast %ge3A_1965 : i32 to vector<16xi32>
      %ge3A_1967 = arith.cmpi sge, %convert_element_type3A_1934, %ge3A_1966 : vector<16xi32>
      %select_n3A_1968 = arith.select %ge3A_1967, %broadcast_in_dim3A_7, %broadcast_in_dim3A_9 : vector<16xi1>, vector<16xi32>
      %add3A_1969 = arith.addi %add3A_1964, %select_n3A_1968 : vector<16xi32>
      %ge3A_1970 = arith.constant 256 : i32
      %ge3A_1971 = vector.broadcast %ge3A_1970 : i32 to vector<16xi32>
      %ge3A_1972 = arith.cmpi sge, %convert_element_type3A_1934, %ge3A_1971 : vector<16xi32>
      %select_n3A_1973 = arith.select %ge3A_1972, %broadcast_in_dim3A_7, %broadcast_in_dim3A_9 : vector<16xi1>, vector<16xi32>
      %add3A_1974 = arith.addi %add3A_1969, %select_n3A_1973 : vector<16xi32>
      %ge3A_1975 = arith.constant 512 : i32
      %ge3A_1976 = vector.broadcast %ge3A_1975 : i32 to vector<16xi32>
      %ge3A_1977 = arith.cmpi sge, %convert_element_type3A_1934, %ge3A_1976 : vector<16xi32>
      %select_n3A_1978 = arith.select %ge3A_1977, %broadcast_in_dim3A_7, %broadcast_in_dim3A_9 : vector<16xi1>, vector<16xi32>
      %add3A_1979 = arith.addi %add3A_1974, %select_n3A_1978 : vector<16xi32>
      %ge3A_1980 = arith.constant 1024 : i32
      %ge3A_1981 = vector.broadcast %ge3A_1980 : i32 to vector<16xi32>
      %ge3A_1982 = arith.cmpi sge, %convert_element_type3A_1934, %ge3A_1981 : vector<16xi32>
      %select_n3A_1983 = arith.select %ge3A_1982, %broadcast_in_dim3A_7, %broadcast_in_dim3A_9 : vector<16xi1>, vector<16xi32>
      %add3A_1984 = arith.addi %add3A_1979, %select_n3A_1983 : vector<16xi32>
      %ge3A_1985 = arith.constant 2048 : i32
      %ge3A_1986 = vector.broadcast %ge3A_1985 : i32 to vector<16xi32>
      %ge3A_1987 = arith.cmpi sge, %convert_element_type3A_1934, %ge3A_1986 : vector<16xi32>
      %select_n3A_1988 = arith.select %ge3A_1987, %broadcast_in_dim3A_7, %broadcast_in_dim3A_9 : vector<16xi1>, vector<16xi32>
      %add3A_1989 = arith.addi %add3A_1984, %select_n3A_1988 : vector<16xi32>
      %ge3A_1990 = arith.constant 4096 : i32
      %ge3A_1991 = vector.broadcast %ge3A_1990 : i32 to vector<16xi32>
      %ge3A_1992 = arith.cmpi sge, %convert_element_type3A_1934, %ge3A_1991 : vector<16xi32>
      %select_n3A_1993 = arith.select %ge3A_1992, %broadcast_in_dim3A_7, %broadcast_in_dim3A_9 : vector<16xi1>, vector<16xi32>
      %add3A_1994 = arith.addi %add3A_1989, %select_n3A_1993 : vector<16xi32>
      %ge3A_1995 = arith.constant 8192 : i32
      %ge3A_1996 = vector.broadcast %ge3A_1995 : i32 to vector<16xi32>
      %ge3A_1997 = arith.cmpi sge, %convert_element_type3A_1934, %ge3A_1996 : vector<16xi32>
      %select_n3A_1998 = arith.select %ge3A_1997, %broadcast_in_dim3A_7, %broadcast_in_dim3A_9 : vector<16xi1>, vector<16xi32>
      %add3A_1999 = arith.addi %add3A_1994, %select_n3A_1998 : vector<16xi32>
      %ge3A_2000 = arith.constant 16384 : i32
      %ge3A_2001 = vector.broadcast %ge3A_2000 : i32 to vector<16xi32>
      %ge3A_2002 = arith.cmpi sge, %convert_element_type3A_1934, %ge3A_2001 : vector<16xi32>
      %select_n3A_2003 = arith.select %ge3A_2002, %broadcast_in_dim3A_7, %broadcast_in_dim3A_9 : vector<16xi1>, vector<16xi32>
      %add3A_2004 = arith.addi %add3A_1999, %select_n3A_2003 : vector<16xi32>
      %ge3A_2005 = arith.constant 32768 : i32
      %ge3A_2006 = vector.broadcast %ge3A_2005 : i32 to vector<16xi32>
      %ge3A_2007 = arith.cmpi sge, %convert_element_type3A_1934, %ge3A_2006 : vector<16xi32>
      %select_n3A_2008 = arith.select %ge3A_2007, %broadcast_in_dim3A_7, %broadcast_in_dim3A_9 : vector<16xi1>, vector<16xi32>
      %add3A_2009 = arith.addi %add3A_2004, %select_n3A_2008 : vector<16xi32>
      %ge3A_2010 = arith.constant 65536 : i32
      %ge3A_2011 = vector.broadcast %ge3A_2010 : i32 to vector<16xi32>
      %ge3A_2012 = arith.cmpi sge, %convert_element_type3A_1934, %ge3A_2011 : vector<16xi32>
      %select_n3A_2013 = arith.select %ge3A_2012, %broadcast_in_dim3A_7, %broadcast_in_dim3A_9 : vector<16xi1>, vector<16xi32>
      %add3A_2014 = arith.addi %add3A_2009, %select_n3A_2013 : vector<16xi32>
      %ge3A_2015 = arith.constant 131072 : i32
      %ge3A_2016 = vector.broadcast %ge3A_2015 : i32 to vector<16xi32>
      %ge3A_2017 = arith.cmpi sge, %convert_element_type3A_1934, %ge3A_2016 : vector<16xi32>
      %select_n3A_2018 = arith.select %ge3A_2017, %broadcast_in_dim3A_7, %broadcast_in_dim3A_9 : vector<16xi1>, vector<16xi32>
      %add3A_2019 = arith.addi %add3A_2014, %select_n3A_2018 : vector<16xi32>
      %shift_left3A_2020 = arith.shli %broadcast_in_dim3A_7, %add3A_2019 : vector<16xi32>
      %convert_element_type3A_2021 = arith.sitofp %shift_left3A_2020 : vector<16xi32> to vector<16xf32>
      %div3A_2022 = arith.divf %get3A_1933, %convert_element_type3A_2021 : vector<16xf32>
      %sub3A_2023 = arith.constant 1.000000e+00 : f32
      %sub3A_2024 = vector.broadcast %sub3A_2023 : f32 to vector<16xf32>
      %sub3A_2025 = arith.subf %div3A_2022, %sub3A_2024 : vector<16xf32>
      %add3A_2026 = arith.constant 2.000000e+00 : f32
      %add3A_2027 = vector.broadcast %add3A_2026 : f32 to vector<16xf32>
      %add3A_2028 = arith.addf %sub3A_2025, %add3A_2027 : vector<16xf32>
      %div3A_2029 = arith.divf %sub3A_2025, %add3A_2028 : vector<16xf32>
      %mul3A_2030 = arith.mulf %div3A_2029, %div3A_2029 : vector<16xf32>
      %mul3A_2031 = arith.constant 2.000000e+00 : f32
      %mul3A_2032 = vector.broadcast %mul3A_2031 : f32 to vector<16xf32>
      %mul3A_2033 = arith.mulf %mul3A_2032, %div3A_2029 : vector<16xf32>
      %mul3A_2034 = arith.constant 0.142857149 : f32
      %mul3A_2035 = vector.broadcast %mul3A_2034 : f32 to vector<16xf32>
      %mul3A_2036 = arith.mulf %mul3A_2030, %mul3A_2035 : vector<16xf32>
      %add3A_2037 = arith.constant 2.000000e-01 : f32
      %add3A_2038 = vector.broadcast %add3A_2037 : f32 to vector<16xf32>
      %add3A_2039 = arith.addf %add3A_2038, %mul3A_2036 : vector<16xf32>
      %mul3A_2040 = arith.mulf %mul3A_2030, %add3A_2039 : vector<16xf32>
      %add3A_2041 = arith.constant 0.333333343 : f32
      %add3A_2042 = vector.broadcast %add3A_2041 : f32 to vector<16xf32>
      %add3A_2043 = arith.addf %add3A_2042, %mul3A_2040 : vector<16xf32>
      %mul3A_2044 = arith.mulf %mul3A_2030, %add3A_2043 : vector<16xf32>
      %add3A_2045 = arith.constant 1.000000e+00 : f32
      %add3A_2046 = vector.broadcast %add3A_2045 : f32 to vector<16xf32>
      %add3A_2047 = arith.addf %add3A_2046, %mul3A_2044 : vector<16xf32>
      %mul3A_2048 = arith.mulf %mul3A_2033, %add3A_2047 : vector<16xf32>
      %convert_element_type3A_2049 = arith.sitofp %add3A_2019 : vector<16xi32> to vector<16xf32>
      %mul3A_2050 = arith.constant 0.693147182 : f32
      %mul3A_2051 = vector.broadcast %mul3A_2050 : f32 to vector<16xf32>
      %mul3A_2052 = arith.mulf %convert_element_type3A_2049, %mul3A_2051 : vector<16xf32>
      %add3A_2053 = arith.addf %mul3A_2052, %mul3A_2048 : vector<16xf32>
      %mul3A_2054 = arith.mulf %get3A_1933, %add3A_2053 : vector<16xf32>
      %add3A_2055 = arith.addf %add3A_1931, %mul3A_2054 : vector<16xf32>
      %reduce_sum3A = arith.constant true
      %reduce_sum3A_2056 = vector.broadcast %reduce_sum3A : i1 to vector<16xi1>
      %reduce_sum3A_2057 = tpu.scan <sum>, %add3A_2055 masked %reduce_sum3A_2056 : vector<16xf32>, vector<16xi1> -> vector<16xf32>
      %reduce_sum3A_2058 = vector.extract %reduce_sum3A_2057[15] : f32 from vector<16xf32>
      %broadcast_in_dim3A_2059 = arith.constant 12.2095861 : f32
      %broadcast_in_dim3A_2060 = vector.broadcast %broadcast_in_dim3A_2059 : f32 to vector<16xf32>
      %mul3A_2061 = arith.constant 4.98246163E-6 : f32
      %mul3A_2062 = arith.mulf %reduce_sum3A_2058, %mul3A_2061 : f32
      %sub3A_2063 = vector.broadcast %mul3A_2062 : f32 to vector<16xf32>
      %sub3A_2064 = arith.subf %broadcast_in_dim3A_2060, %sub3A_2063 : vector<16xf32>
      %swap3A = arith.constant 0 : index
      %swap3A_2065 = tpu.vector_load %arg7[%swap3A] {strides = array<i32>} : memref<16xf32, #tpu.memory_space<vmem>>, vector<16xf32>,
      tpu.vector_store %arg7[%swap3A], %sub3A_2064 {strides = array<i32>} : memref<16xf32, #tpu.memory_space<vmem>>, vector<16xf32>,
      "tpu.region"() ({
        %run_scoped3A = tpu.sem_alloc : memref<!tpu.dma_semaphore, #tpu.memory_space<semaphore_mem>>
        %dma_start3A_2066 = arith.constant 0 : i32
        %dma_start3A_2067 = tpu.memref_slice %arg3[%add3A_43, %dma_start3A_2066] : memref<192x16xf32, #tpu.memory_space<hbm>> -> memref<1x16xf32, #tpu.memory_space<hbm>>
        %dma_start3A_2068 = tpu.memref_squeeze %dma_start3A_2067 : memref<1x16xf32, #tpu.memory_space<hbm>> -> memref<16xf32, #tpu.memory_space<hbm>>
        %dma_start3A_2069 = arith.constant 0 : i32
        %dma_start3A_2070 = tpu.memref_slice %arg3[%add3A_43, %dma_start3A_2069] : memref<192x16xf32, #tpu.memory_space<hbm>> -> memref<1x16xf32, #tpu.memory_space<hbm>>
        %dma_start3A_2071 = tpu.memref_squeeze %dma_start3A_2070 : memref<1x16xf32, #tpu.memory_space<hbm>> -> memref<16xf32, #tpu.memory_space<hbm>>
        tpu.enqueue_dma source(%arg7 : memref<16xf32, #tpu.memory_space<vmem>>) target(%dma_start3A_2071 : memref<16xf32, #tpu.memory_space<hbm>>) target_semaphore(%run_scoped3A : memref<!tpu.dma_semaphore, #tpu.memory_space<semaphore_mem>>)
        %dma_wait3A_2072 = arith.constant 0 : i32
        %dma_wait3A_2073 = tpu.memref_slice %arg3[%add3A_43, %dma_wait3A_2072] : memref<192x16xf32, #tpu.memory_space<hbm>> -> memref<1x16xf32, #tpu.memory_space<hbm>>
        %dma_wait3A_2074 = tpu.memref_squeeze %dma_wait3A_2073 : memref<1x16xf32, #tpu.memory_space<hbm>> -> memref<16xf32, #tpu.memory_space<hbm>>
        %dma_wait3A_2075 = arith.constant 0 : i32
        %dma_wait3A_2076 = tpu.memref_slice %arg3[%add3A_43, %dma_wait3A_2075] : memref<192x16xf32, #tpu.memory_space<hbm>> -> memref<1x16xf32, #tpu.memory_space<hbm>>
        %dma_wait3A_2077 = tpu.memref_squeeze %dma_wait3A_2076 : memref<1x16xf32, #tpu.memory_space<hbm>> -> memref<16xf32, #tpu.memory_space<hbm>>
        tpu.wait_dma2 semaphore(%run_scoped3A : memref<!tpu.dma_semaphore, #tpu.memory_space<semaphore_mem>>) src(%arg7 : memref<16xf32, #tpu.memory_space<vmem>>) dst(%dma_wait3A_2077 : memref<16xf32, #tpu.memory_space<hbm>>)
        tpu.yield
      }) : () -> ()
    }
    %scan3A_36 = arith.constant 6 : i32
    %dma_wait3A = arith.constant 0 : i32
    %dma_wait3A_37 = tpu.memref_slice %arg2[%mul3A_2, %dma_wait3A] : memref<192x50176xf32, #tpu.memory_space<hbm>> -> memref<1x50176xf32, #tpu.memory_space<hbm>>
    %dma_wait3A_38 = tpu.memref_squeeze %dma_wait3A_37 : memref<1x50176xf32, #tpu.memory_space<hbm>> -> memref<50176xf32, #tpu.memory_space<hbm>>
    %dma_wait3A_39 = arith.constant 0 : i32
    %dma_wait3A_40 = tpu.memref_slice %arg2[%mul3A_2, %dma_wait3A_39] : memref<192x50176xf32, #tpu.memory_space<hbm>> -> memref<1x50176xf32, #tpu.memory_space<hbm>>
    %dma_wait3A_41 = tpu.memref_squeeze %dma_wait3A_40 : memref<1x50176xf32, #tpu.memory_space<hbm>> -> memref<50176xf32, #tpu.memory_space<hbm>>
    tpu.wait_dma2 semaphore(%arg8 : memref<!tpu.dma_semaphore, #tpu.memory_space<semaphore_mem>>) src(%dma_wait3A_41 : memref<50176xf32, #tpu.memory_space<hbm>>) dst(%arg4 : memref<50176xf32, #tpu.memory_space<vmem>>)
    return
  }
}

</mosaic_0001>

<sc_bundles>
// kernel: kernel.3.cloned.1.call-start
scs
__scs_entry_jumppad:
0x0: {  	(pc) =	sbr.rel $0x88, $3  }
0x1: {  	(tag) =	ssettag $0x0;
	lr =	simm.s32 $0x1  }
0x2: {  	[smem:$0x3FA0] =	sst lr;
	_ =	strace $0xD0000000  }
0x3: {  	_ = 	snop  }
0x4: {  	_ = 	snop  }
0x5: {  	_ = 	snop  }
0x6: {  	_ = 	snop  }
0x7: {  	_ = 	snop  }
__scs_overlays_trampoline_lowered:
0x8: {  	[smem:$0x3FAF] =	sst s0  }
0x9: {  	[smem:$0x3FB0] =	sst s1  }
0xa: {  	[smem:$0x3FB1] =	sst s2  }
0xb: {  	[smem:$0x3FB2] =	sst s3  }
0xc: {  	[smem:$0x3FB3] =	sst s4  }
0xd: {  	[smem:$0x3FB4] =	sst s5  }
0xe: {  	[smem:$0x3FB5] =	sst s6  }
0xf: {  	[smem:$0x3FB6] =	sst s7  }
0x10: {  	[smem:$0x3FB7] =	sst s8  }
0x11: {  	[smem:$0x3FB8] =	sst s9;
	s0 =	simm.s32 @!p0 $0x0  }
0x12: {  	s1 =	sld [smem:$0x3F9E];
	s0 =	simm.s32 @p0 $0x1  }
0x13: {  	[smem:$0x3FB9] =	sst s0;
	s0 =	simm.s32 @!p1 $0x0  }
0x14: {  	s2 =	sld [smem:$0x3F9D];
	s0 =	simm.s32 @p1 $0x1  }
0x15: {  	[smem:$0x3FBA] =	sst s0;
	s0 =	simm.s32 @!p2 $0x0  }
0x16: {  	s3 =	sld [smem:$0x3FDB];
	s0 =	simm.s32 @p2 $0x1  }
0x17: {  	s4 =	simm.s32 $0x1BF5;
	[smem:$0x3FBC] =	sst s0  }
0x18: {  	s0 =	sld [smem:$0x3F9F];
	_ =	swait.ge [sflag:s4], $0x0  }
0x19: {  	s7 =	sld [smem:$0x3FA0]  }
0x1a: {  	s8 =	sadd.s32 $0xFFFFE003, lr  }
0x1b: {  	s9 =	sadd.s32 $0xFFFFFEF7, lr;
	s5 =	simm.s32 $0xFFFFFFFF;
	p2 =	slt.u32 s8, $0xFFFFF086  }
0x1c: {  	p1 =	slt.u32 s9, $0xF7A;
	s5 =	simm.s32 @!p2 $0x0  }
0x1d: {  	s5 =	simm.s32 @p1 $0x1;
	p0 =	seq.s32 s7, s2  }
0x1e: {  	s7 =	smul.u32 @!p0 $0xF7A, s2;
	p2 =	seq.s32 @!p0 s5, $0x0  }
0x1f: {  	s9 =	smul.u32 $0xF7A, s1;
	s8 =	simm.s32 @!p0 $0x1BF5;
	p2 =	por !p2, p0  }
0x20: {  	[sflag:s8] =	ssyncset.s32 @!p0 $0xFFFFF086;
	s6 =	sadd.s32 @!p0 s3, s7;
	s7 =	simm.s32 @!p0 $0x108  }
0x21: {  	s3 =	sadd.s32 s3, s9;
	s6 =	sadd.s32 @!p0 $0x88, s6;
	s7 =	simm.s32 @p2 $0x1082  }
0x22: {  	[simem:s7], [sflag:s8] =	dma.local @!p0 [hbm:s6], $0xF7A  }
0x23: {  	s9 =	sor.u32 $0xD0000000, s2;
	s6 =	simm.s32 $0x108;
	_ =	swait.ge @!p0 [sflag:s8], $0x0  }
0x24: {  	s3 =	sadd.s32 $0x88, s3;
	s6 =	simm.s32 @!p1 $0x1082;
	[sflag:s4] =	ssyncset.s32 $0xFFFFF086  }
0x25: {  	[simem:s6], [sflag:s4] =	dma.local [hbm:s3], $0xF7A  }
0x26: {  	[smem:$0x3FA0] =	sst s1;
	(tag) =	ssettag s2;
	_ =	strace s9  }
0x27: {  	s1 =	sld [smem:$0x3FB0]  }
0x28: {  	s2 =	sld [smem:$0x3FB1]  }
0x29: {  	s4 =	sld [smem:$0x3FB3]  }
0x2a: {  	p0 =	seq.s32 s5, $0x0;
	s5 =	sld [smem:$0x3FB4]  }
0x2b: {  	s6 =	sld [smem:$0x3FB5]  }
0x2c: {  	s7 =	sld [smem:$0x3FB6]  }
0x2d: {  	s3 =	simm.s32 $0x108;
	s8 =	sld [smem:$0x3FB7]  }
0x2e: {  	s3 =	simm.s32 @!p0 $0x1082;
	s9 =	sld [smem:$0x3FB8]  }
0x2f: {  	lr =	sadd.s32 s0, s3;
	s0 =	sld [smem:$0x3FAF]  }
0x30: {  	s3 =	sld [smem:$0x3FB2]  }
0x31: {  	[smem:$0x3FBB] =	sst s10  }
0x32: {  	s10 =	sld [smem:$0x3FB9];
	_ =	sdelay $0x3  }
0x33: {  	p0 =	seq.s32 s10, $0x1;
	s10 =	sld [smem:$0x3FBB];
	_ =	sdelay $0x3  }
0x34: {  	[smem:$0x3FBB] =	sst s10  }
0x35: {  	s10 =	sld [smem:$0x3FBA];
	_ =	sdelay $0x3  }
0x36: {  	p1 =	seq.s32 s10, $0x1;
	s10 =	sld [smem:$0x3FBB];
	_ =	sdelay $0x3  }
0x37: {  	[smem:$0x3FBB] =	sst s10  }
0x38: {  	s10 =	sld [smem:$0x3FBC]  }
0x39: {  	_ = 	snop;
	(pc) =	sbr.ind lr, $3  }
0x3a: {  	_ = 	snop  }
0x3b: {  	_ = 	snop  }
0x3c: {  	p2 =	seq.s32 s10, $0x1;
	s10 =	sld [smem:$0x3FBB]  }
0x3d: {  	_ =	shalt  }
0x3e: {  	_ =	shalt  }
0x3f: {  	_ =	shalt  }
0x40: {  	_ =	shalt  }
0x41: {  	_ =	shalt  }
0x42: {  	_ =	shalt  }
0x43: {  	_ =	shalt  }
0x44: {  	_ =	shalt  }
0x45: {  	_ =	shalt  }
0x46: {  	_ =	shalt  }
0x47: {  	_ =	shalt  }
0x48: {  	_ =	shalt  }
0x49: {  	_ =	shalt  }
0x4a: {  	_ =	shalt  }
0x4b: {  	_ =	shalt  }
0x4c: {  	_ =	shalt  }
0x4d: {  	_ =	shalt  }
0x4e: {  	_ =	shalt  }
0x4f: {  	_ =	shalt  }
0x50: {  	_ =	shalt  }
0x51: {  	_ =	shalt  }
0x52: {  	_ =	shalt  }
0x53: {  	_ =	shalt  }
0x54: {  	_ =	shalt  }
0x55: {  	_ =	shalt  }
0x56: {  	_ =	shalt  }
0x57: {  	_ =	shalt  }
0x58: {  	_ =	shalt  }
0x59: {  	_ =	shalt  }
0x5a: {  	_ =	shalt  }
0x5b: {  	_ =	shalt  }
0x5c: {  	_ =	shalt  }
0x5d: {  	_ =	shalt  }
0x5e: {  	_ =	shalt  }
0x5f: {  	_ =	shalt  }
0x60: {  	_ =	shalt  }
0x61: {  	_ =	shalt  }
0x62: {  	_ =	shalt  }
0x63: {  	_ =	shalt  }
0x64: {  	_ =	shalt  }
0x65: {  	_ =	shalt  }
0x66: {  	_ =	shalt  }
0x67: {  	_ =	shalt  }
0x68: {  	_ =	shalt  }
0x69: {  	_ =	shalt  }
0x6a: {  	_ =	shalt  }
0x6b: {  	_ =	shalt  }
0x6c: {  	_ =	shalt  }
0x6d: {  	_ =	shalt  }
0x6e: {  	_ =	shalt  }
0x6f: {  	_ =	shalt  }
0x70: {  	_ =	shalt  }
0x71: {  	_ =	shalt  }
0x72: {  	_ =	shalt  }
0x73: {  	_ =	shalt  }
0x74: {  	_ =	shalt  }
0x75: {  	_ =	shalt  }
0x76: {  	_ =	shalt  }
0x77: {  	_ =	shalt  }
0x78: {  	_ =	shalt  }
0x79: {  	_ =	shalt  }
0x7a: {  	_ =	shalt  }
0x7b: {  	_ =	shalt  }
0x7c: {  	_ =	shalt  }
0x7d: {  	_ =	shalt  }
0x7e: {  	_ =	shalt  }
0x7f: {  	_ =	shalt  }
0x80: {  	_ =	shalt  }
0x81: {  	_ =	shalt  }
0x82: {  	_ =	shalt  }
0x83: {  	_ =	shalt  }
0x84: {  	_ =	shalt  }
0x85: {  	_ =	shalt  }
0x86: {  	_ =	shalt  }
0x87: {  	_ =	shalt  }
.Lfunc_end0:
.L_simem_size_0:
called_computation_lowered:
.L_overlay_start_0:
0x88: {  	s2 =	sld [smem:$0x3FD9]  }
0x89: {  	s3 =	sld [smem:$0x3FFE];
	_ =	sdelay $0x1  }
0x8a: {  	s1 =	srdreg.scid  }
0x8b: {  	s0 =	sand.u32 $0x1, s1  }
0x8c: {  	s17 =	sshll.u32 s0, $0xA;
	s2 =	sadd.s32 s3, s2  }
0x8d: {  	s2 =	sadd.s32 s2, s17  }
0x8e: {  	[smem:$0x3FC7] =	sst s2  }
0x8f: {  	_ = 	snop  }
0x90: {  	s2 =	sld [smem:$0x3FD0];
	(tm) =	ssettm $0x1  }
0x91: {  	s18 =	sld [smem:$0x3FFB];
	_ =	sdelay $0x3  }
0x92: {  	_ =	strace s18  }
0x93: {  	s3 =	sld [smem:$0x3FFC];
	_ =	sdelay $0x3  }
0x94: {  	_ =	strace s3  }
0x95: {  	s3 =	sld [smem:$0x3FFD];
	_ =	sdelay $0x3  }
0x96: {  	_ =	strace s3  }
0x97: {  	_ =	strace $0x8FFFFFFF  }
0x98: {  	s19 =	sld [smem:$0x3FDB];
	_ =	sdelay $0x1  }
0x99: {  	s4 =	simm.s32 $_scs_section_size  }
0x9a: {  	s5 =	simm.s32 $_size__tile_overlayer_lowered;
	s6 =	simm.s32 $_tile_overlayer_lowered  }
0x9b: {  	s22 =	simm.s32 $0x1BFF;
	s21 =	sshll.u32 s6, $0x1;
	s3 =	sadd.s32 s4, s19  }
0x9c: {  	s7 =	simm.s32 $0x0;
	s20 =	sshll.u32 s5, $0x1;
	s5 =	sadd.s32 s21, s3  }
0x9d: {  	[timem:s7], [sflag:s22] =	dma.local [hbm:s5], s20  }
0x9e: {  	_ =	swait.ge [sflag:s22], s20  }
0x9f: {  	s4 =	ssub.s32 $0x0, s20;
	[sflag:s22] =	ssyncset.done $0x0  }
0xa0: {  	[sflag:s22] =	ssyncadd.s32 s4;
	_ =	sdelay $0x1  }
0xa1: {  	s23 =	simm.s32 $0x1B8B  }
0xa2: {  	_ =	swait.ge [sflag:s23], $0x1  }
0xa3: {  	[sflag:s23] =	ssyncset.done $0x0  }
0xa4: {  	s25 =	simm.s32 $0x1B8E;
	s24 =	sld [smem:$0x3FFE];
	[sflag:s23] =	ssyncadd.s32 $0xFFFFFFFF  }
0xa5: {  	s26 =	simm.s32 $execute0_lowered;
	[smem:$0x3FD2] =	sst s25  }
0xa6: {  	s5 =	sshll.u32 s26, $0x1;
	_ =	strace $0x80000046;
	[dreg:$0x1] =	wrdreg $0xFFFFFFFF  }
0xa7: {  	s28 =	simm.s32 $_size_execute0_lowered;
	s3 =	sadd.s32 s3, s5;
	[dreg:$0x0] =	wrdreg $0x0  }
0xa8: {  	s5 =	sshll.u32 s28, $0x1;
	[dreg:$0x2] =	wrdreg s3  }
0xa9: {  	[dreg:$0x3] =	wrdreg s5  }
0xaa: {  	[dreg:$0x4] =	wrdreg $0xC0  }
0xab: {  	_ =	task [dreg:s7], $0x5FFFF  }
0xac: {  	[dreg:$0x1] =	wrdreg $0xFFFFFFFF  }
0xad: {  	[dreg:$0x0] =	wrdreg $0x60  }
0xae: {  	[dreg:$0x2] =	wrdreg s2  }
0xaf: {  	[dreg:$0x3] =	wrdreg s24  }
0xb0: {  	[dreg:$0x4] =	wrdreg $0x9  }
0xb1: {  	_ =	task.clear_ibuf [dreg:s7], $0x5FFFF;
	_ =	strace $0x90000046  }
0xb2: {  	s29 =	simm.s32 $0x9;
	_ =	strace $0x80000048  }
0xb3: {  	_ =	swait.ge [sflag:s29], $0x1  }
0xb4: {  	[sflag:s29] =	ssyncadd.s32 $0xFFFFFFFF  }
0xb5: {  	_ =	strace $0x90000048  }
0xb6: {  	_ =	sfence  }
0xb7: {  	s30 =	sld [smem:$0x0];
	_ =	sdelay $0x2  }
0xb8: {  	s31 =	sshll.u32 s1, $0xD;
	s1 =	sshrl.u32 s1, $0x2  }
0xb9: {  	s3 =	sand.u32 $0x4000, s31;
	s1 =	sadd.s32 s1, s30  }
0xba: {  	s0 =	sor.u32 s3, s0;
	s1 =	sshll.u32 s1, $0x11  }
0xbb: {  	s0 =	sor.u32 s1, s0  }
0xbc: {  	s0 =	sadd.s32 $0x8F2B, s0  }
0xbd: {  	[sflag:s0] =	ssyncadd.remote.s32 $0x1  }
0xbe: {  	_ =	sfence.sel $0xFFFF  }
0xbf: {  	[dreg:$0x0] =	wrdreg $0xFFFFFFFF;
	(pc) =	sbr.abs _section_cstart, $3  }
0xc0: {  	[dreg:$0x1] =	wrdreg $0xFFFFFFFF  }
0xc1: {  	_ =	task.clear_ibuf [dreg:s7], $0x2FFFF;
	_ =	strace $0x9FFFFFFF  }
0xc2: {  	(tm) =	ssettm $0x7FFFFFFF  }
0xc3: {  	_ =	shalt  }
tec
execute0_lowered:
.L_overlay_start_1:
0x0: {  	(tag) =	ssettag $0x1  }
0x1: {  	v0 =	vimm.s32 $0xC32E  }
0x2: {  	vm6 =	vcmask $0x300;
	vm7 =	vcmask $0x704;
	vm5 =	vcmask $0xB08  }
0x3: {  	vm3 =	vcmask $0xF0C;
	vm2 =	vcmask $0x1310;
	vm1 =	vcmask $0x1714  }
0x4: {  	vm0 =	vcmask $0x1B18;
	v1 =	vimm.s32 $0xE2E1E0E3;
	v2 =	vimm.s32 $0xEE  }
0x5: {  	v3 =	vimm.s32 $0xE6E5E4E7;
	v4 =	vimm.s32 $0xEAE9E8EB;
	vm4 =	vcmask $0x1304  }
0x6: {  	vm11 =	vcmask $0x2314;
	vm12 =	vcmask $0x3324;
	vm13 =	vcmask $0x1F1C  }
0x7: {  	v5 =	vimm.s32 $0x1A1;
	v6 =	vimm.s32 $0x281;
	vm14 =	vcmask $0x2320  }
0x8: {  	vm15 =	vcmask $0x2724;
	v7 =	vimm.s32 $0x6543A987;
	v8 =	vimm.s32 $0x20100DF  }
0x9: {  	v13 =	vimm.s32 $0xE0D0C0B;
	v16 =	vimm.s32 $0x1C1B1A19;
	v17 =	vimm.s32 $0x11F1E1D  }
0xa: {  	v0 =	vsel vm6, $0xC3FF, v0;
	v1 =	vunpack.c.0.s8.s32 v1;
	v2 =	vsel vm6, $0x1BF, v2  }
0xb: {  	v3 =	vunpack.c.0.s8.s32 v3;
	v4 =	vunpack.c.0.s8.s32 v4;
	v5 =	vsel vm6, $0x1B1, v5  }
0xc: {  	v6 =	vsel vm6, $0x291, v6;
	v7 =	vunpack.c.l.s4.s8 v7;
	v8 =	vunpack.c.0.s8.s32 v8  }
0xd: {  	v0 =	vsel vm7, $0xC320, v0;
	v5 =	vsel vm7, $0x1B2, v5;
	v6 =	vsel vm7, $0x292, v6  }
0xe: {  	v0 =	vsel vm5, $0xC321, v0;
	v1 =	vand.u32 $0xFF, v1;
	v5 =	vsel vm5, $0x1B3, v5  }
0xf: {  	v6 =	vsel vm5, $0x293, v6;
	v7 =	vunpack.c.0.s8.s32 v7;
	v10 =	vand.u32 $0xFF, v8  }
0x10: {  	v0 =	vsel vm3, $0xC322, v0;
	v1 =	vsel vm4, v1, v2;
	v2 =	vand.u32 $0xFF, v3  }
0x11: {  	v3 =	vimm.s32 $0x2AE;
	v5 =	vsel vm3, $0x1B4, v5;
	v6 =	vsel vm3, $0x294, v6  }
0x12: {  	v0 =	vsel vm2, $0xC323, v0;
	v1 =	vsel vm11, v2, v1;
	v2 =	vand.u32 $0xFF, v4  }
0x13: {  	v3 =	vsel vm6, $0x37F, v3;
	v4 =	vimm.s32 $0xC3E1;
	v5 =	vsel vm2, $0x1B5, v5  }
0x14: {  	v6 =	vsel vm2, $0x295, v6;
	v0 =	vsel vm1, $0xC324, v0;
	v2 =	vsel vm12, v2, v1  }
0x15: {  	v1 =	vimm.s32 $0x1CE;
	v4 =	vsel vm6, $0xC3F1, v4;
	v3 =	vsel vm7, $0x2A0, v3  }
0x16: {  	v5 =	vsel vm1, $0x1B6, v5;
	v6 =	vsel vm1, $0x296, v6;
	v0 =	vsel vm0, $0xC325, v0  }
0x17: {  	v1 =	vsel vm6, $0x29F, v1;
	v4 =	vsel vm7, $0xC3F2, v4;
	v3 =	vsel vm5, $0x2A1, v3  }
0x18: {  	v5 =	vsel vm0, $0x1B7, v5;
	v6 =	vsel vm0, $0x297, v6;
	v0 =	vsel vm13, $0xC326, v0  }
0x19: {  	v1 =	vsel vm7, $0x1C0, v1;
	v4 =	vsel vm5, $0xC3F3, v4;
	v3 =	vsel vm3, $0x2A2, v3  }
0x1a: {  	v5 =	vsel vm13, $0x1B8, v5;
	v6 =	vsel vm13, $0x298, v6;
	v0 =	vsel vm14, $0xC327, v0  }
0x1b: {  	v1 =	vsel vm5, $0x1C1, v1;
	v4 =	vsel vm3, $0xC3F4, v4;
	v3 =	vsel vm2, $0x2A3, v3  }
0x1c: {  	v5 =	vsel vm14, $0x1B9, v5;
	v6 =	vsel vm14, $0x299, v6;
	v1 =	vsel vm3, $0x1C2, v1  }
0x1d: {  	v0 =	vsel vm15, $0xC328, v0;
	v4 =	vsel vm2, $0xC3F5, v4;
	v3 =	vsel vm1, $0x2A4, v3  }
0x1e: {  	vm3 =	vcmask $0x3330;
	v5 =	vsel vm15, $0x1BA, v5;
	v6 =	vsel vm15, $0x29A, v6  }
0x1f: {  	v1 =	vsel vm2, $0x1C3, v1;
	vm2 =	vcmask $0x2B28;
	v4 =	vsel vm1, $0xC3F6, v4  }
0x20: {  	v3 =	vsel vm0, $0x2A5, v3;
	v1 =	vsel vm1, $0x1C4, v1;
	v0 =	vsel vm2, $0xC329, v0  }
0x21: {  	v4 =	vsel vm0, $0xC3F7, v4;
	v3 =	vsel vm13, $0x2A6, v3;
	v5 =	vsel vm2, $0x1BB, v5  }
0x22: {  	v6 =	vsel vm2, $0x29B, v6;
	vm1 =	vcmask $0x3B38;
	v1 =	vsel vm0, $0x1C5, v1  }
0x23: {  	vm0 =	vcmask $0x2F2C;
	v4 =	vsel vm13, $0xC3F8, v4;
	v3 =	vsel vm14, $0x2A7, v3  }
0x24: {  	v1 =	vsel vm13, $0x1C6, v1;
	v0 =	vsel vm0, $0xC32A, v0;
	v4 =	vsel vm14, $0xC3F9, v4  }
0x25: {  	v3 =	vsel vm15, $0x2A8, v3;
	v5 =	vsel vm0, $0x1BC, v5;
	v6 =	vsel vm0, $0x29C, v6  }
0x26: {  	v1 =	vsel vm14, $0x1C7, v1;
	v4 =	vsel vm15, $0xC3FA, v4;
	v0 =	vsel vm3, $0xC32B, v0  }
0x27: {  	v3 =	vsel vm2, $0x2A9, v3;
	v5 =	vsel vm3, $0x1BD, v5;
	v6 =	vsel vm3, $0x29D, v6  }
0x28: {  	v1 =	vsel vm15, $0x1C8, v1;
	v4 =	vsel vm2, $0xC3FB, v4;
	v3 =	vsel vm0, $0x2AA, v3  }
0x29: {  	v1 =	vsel vm2, $0x1C9, v1;
	vm2 =	vcmask $0x3734;
	v4 =	vsel vm0, $0xC3FC, v4  }
0x2a: {  	v3 =	vsel vm3, $0x2AB, v3;
	v0 =	vsel vm2, $0xC32C, v0;
	v1 =	vsel vm0, $0x1CA, v1  }
0x2b: {  	v4 =	vsel vm3, $0xC3FD, v4;
	v2 =	vsel vm2, $0xEC, v2;
	v8 =	vsel vm2, $0x2AC, v3  }
0x2c: {  	v11 =	vsel vm2, $0x1BE, v5;
	v12 =	vsel vm2, $0x29E, v6;
	vm0 =	vcmask $0x2F10  }
0x2d: {  	v6 =	vimm.s32 $0xDCDBDAD9;
	v9 =	vsel vm3, $0x1CB, v1;
	v0 =	vsel vm1, $0xC32D, v0  }
0x2e: {  	v1 =	vand.u32 $0xF, v7;
	v7 =	vsel vm2, $0x1CC, v9;
	v9 =	vsel vm2, $0xC3FE, v4  }
0x2f: {  	[tilespmem:$0x1FFE0] =	vst v0;
	v0 =	vsel vm1, $0xED, v2;
	v4 =	vsel vm1, $0x2AD, v8;
	v8 =	vunpack.c.0.s8.s32 v6  }
0x30: {  	v6 =	vimm.s32 $0xC1DFDEDD;
	v10 =	vsel vm0, v1, v10;
	v3 =	vsel vm1, $0x1CD, v7  }
0x31: {  	v5 =	vsel vm1, $0xC3FF, v9;
	v7 =	vimm.s32 $0xD4D3D2D1;
	v9 =	vimm.s32 $0xD8D7D6D5  }
0x32: {  	v14 =	vunpack.c.0.s8.s32 v6;
	v6 =	vsel vm1, $0x1BF, v11;
	v15 =	vunpack.c.0.s8.s32 v7  }
0x33: {  	v9 =	vunpack.c.0.s8.s32 v9;
	v7 =	vsel vm1, $0x29F, v12;
	vm1 =	vcmask $0x1F10  }
0x34: {  	s1 =	srdreg.scid;
	s0 =	stileid.u32;
	v11 =	vsel vm1, v14, v8;
	v8 =	vimm.s32 $0x5C5B5A59;
	v14 =	vimm.s32 $0x54535251  }
0x35: {  	s2 =	rddreg [dreg:$0x0];
	s6 =	sand.u32 $0x1, s1;
	s30 =	sshll.u32 s0, $0x1;
	v12 =	vsel vm1, v9, v15;
	v8 =	vunpack.c.0.s8.s32 v8;
	v9 =	vimm.s32 $0x415F5E5D  }
0x36: {  	s4 =	rddreg [dreg:$0x1];
	s9 =	simm.s32 $0x80;
	s3 =	sor.u32 s6, s30;
	v14 =	vunpack.c.0.s8.s32 v14;
	v15 =	vimm.s32 $0x58575655;
	v9 =	vunpack.c.0.s8.s32 v9  }
0x37: {  	s10 =	simm.s32 $0x400;
	s11 =	simm.s32 $0x1;
	s1 =	smul.u32 $0x6, s3;
	v15 =	vunpack.c.0.s8.s32 v15;
	v12 =	vcombine.low v12, v11;
	v11 =	vimm.f32 $1.000000000e+00  }
0x38: {  	s12 =	simm.s32 $0xC400;
	s13 =	simm.s32 $0x18800;
	s14 =	simm.s32 $0x18900;
	v18 =	vsel vm1, v9, v8;
	v8 =	vunpack.c.0.s8.s32 v16;
	v9 =	vunpack.c.0.s8.s32 v17  }
0x39: {  	s15 =	simm.s32 $0x2;
	s7 =	smul.u32 $0x300, s3;
	s5 =	sshrl.u32 s1, $0x3;
	v14 =	vsel vm1, v15, v14;
	v15 =	vimm.s32 $0x14131211;
	v16 =	vimm.s32 $0x18171615  }
0x3a: {  	s16 =	simm.s32 $0x0;
	s6 =	ssub.s32 $0x2, s6;
	s8 =	smul.u32 $0x62000, s5;
	v12 =	vand.u32 $0xFF, v12;
	v15 =	vunpack.c.0.s8.s32 v15;
	v16 =	vunpack.c.0.s8.s32 v16  }
0x3b: {  	s3 =	rddreg [dreg:$0x2];
	s31 =	sshrl.u32 s6, $0x1;
	s7 =	sand.u32 $0x300, s7;
	v14 =	vcombine.low v14, v18;
	v17 =	vsel vm1, v9, v8;
	v8 =	vimm.f32 $0.0e+00  }
0x3c: {  	s5 =	simm.s32 $0x0;
	s7 =	sor.u32 s7, s8;
	s8 =	ssub.s32 s6, s31;
	v9 =	vunpack.c.0.s8.s32 v13;
	v13 =	vimm.s32 $0x201005F;
	v15 =	vsel vm1, v16, v15  }
0x3d: {  	[smem:$0x7FF] =	sst s5;
	s7 =	sshrl.u32 s7, $0x3;
	s8 =	smax.u32 s8, $0x1;
	[tilespmem:$0x1FFF0] =	vst v0;
	vm1 =	vcmask $0x3F30;
	v13 =	vunpack.c.0.s8.s32 v13;
	v16 =	vimm.s32 $0x1  }
0x3e: {  	s6 =	sadd.s32 s2, s7;
	s7 =	sadd.s32 $0x5, s1;
	_ =	strace $0x80000047;
	v10 =	vsel vm1, v9, v10;
	v15 =	vcombine.low v15, v17;
	v17 =	vimm.s32 $0x0  }
.LBB2_1:
0x3f: {  	[tilespmem:s5], [sflag:$0x1] =	stream.strided.gather [hbm4b:s6+s9], $0xC400, s10, s9, $0x38;
	[tilespmem:$0x18980] =	vst v63  }
0x40: {  	s17 =	simm.s32 $0x0  }
.LBB2_2:
0x41: {  	_ =	swait.ge [sflag:s11], $0xC400  }
0x42: {  	[sflag:s11] =	ssyncset.done $0x0  }
0x43: {  	s20 =	simm.s32 $0x0;
	[sflag:s11] =	ssyncadd.s32 $0xFFFF3C00  }
0x44: {  	v18 =	vld [tilespmem:s20+$0x70]  }
0x45: {  	v19 =	vld [tilespmem:s20+$0x0]  }
0x46: {  	v20 =	vld [tilespmem:s20+$0x10]  }
0x47: {  	v21 =	vld [tilespmem:s20+$0x20]  }
0x48: {  	v22 =	vld [tilespmem:s20+$0x30]  }
0x49: {  	v24 =	vld [tilespmem:s20+$0x40]  }
0x4a: {  	v25 =	vld [tilespmem:s20+$0x50]  }
0x4b: {  	v18 =	vmul.f32 $1.500000000e+01, v18;
	v19 =	vmul.f32 $1.500000000e+01, v19  }
0x4c: {  	v26 =	vmul.f32 $1.500000000e+01, v20;
	v21 =	vmul.f32 $1.500000000e+01, v21;
	v20 =	vld [tilespmem:s20+$0x60]  }
0x4d: {  	v23 =	vmul.f32 $1.500000000e+01, v22;
	v18 =	vtrunc.f32 v18  }
0x4e: {  	v22 =	vmul.f32 $1.500000000e+01, v24;
	v27 =	vcvt.f32.s32 v18  }
0x4f: {  	v24 =	vmul.f32 $1.500000000e+01, v25;
	v19 =	vtrunc.f32 v19  }
0x50: {  	s19 =	simm.s32 $0x80;
	s18 =	simm.s32 $0x400;
	v21 =	vtrunc.f32 v21;
	v18 =	vtrunc.f32 v26;
	[tilespmem:s20+$0xC470] =	vst v27  }
.LBB2_3:
0x51: {  	p0 =	sne.s32 s18, $0x30E00;
	v25 =	vld [tilespmem:s19+$0x70];
	v23 =	vtrunc.f32 v23;
	v20 =	vmul.f32 $1.500000000e+01, v20  }
0x52: {  	v22 =	vtrunc.f32 v22;
	v26 =	vld [tilespmem:s19+$0x0];
	v24 =	vtrunc.f32 v24  }
0x53: {  	v19 =	vcvt.f32.s32 v19;
	v27 =	vld [tilespmem:s19+$0x10];
	v20 =	vtrunc.f32 v20  }
0x54: {  	v18 =	vcvt.f32.s32 v18;
	v21 =	vcvt.f32.s32 v21;
	v28 =	vld [tilespmem:s19+$0x20]  }
0x55: {  	v23 =	vcvt.f32.s32 v23;
	v22 =	vcvt.f32.s32 v22;
	v29 =	vld [tilespmem:s19+$0x30];
	[tilespmem:s20+$0xC400] =	vst v19  }
0x56: {  	v24 =	vcvt.f32.s32 v24;
	v30 =	vld [tilespmem:s19+$0x40];
	v19 =	vmul.f32 $1.500000000e+01, v25;
	[tilespmem:s20+$0xC410] =	vst v18  }
0x57: {  	v25 =	vld [tilespmem:s19+$0x50];
	v18 =	vmul.f32 $1.500000000e+01, v26;
	v26 =	vcvt.f32.s32 v20;
	[tilespmem:s20+$0xC420] =	vst v21  }
.Ltmp0:
0x58: {  	v20 =	vld [tilespmem:s19+$0x60];
	v21 =	vmul.f32 $1.500000000e+01, v27;
	v19 =	vtrunc.f32 v19;
	[tilespmem:s20+$0xC430] =	vst v23;
	(pc) =	sbr.rel @p0 .LBB2_3-.Ltmp0, $4  }
0x59: {  	v27 =	vmul.f32 $1.500000000e+01, v28;
	v28 =	vcvt.f32.s32 v19;
	[tilespmem:s20+$0xC440] =	vst v22  }
0x5a: {  	v19 =	vtrunc.f32 v18;
	v23 =	vmul.f32 $1.500000000e+01, v29;
	[tilespmem:s20+$0xC450] =	vst v24  }
0x5b: {  	v18 =	vtrunc.f32 v21;
	v22 =	vmul.f32 $1.500000000e+01, v30;
	[tilespmem:s19+$0xC470] =	vst v28  }
0x5c: {  	v21 =	vtrunc.f32 v27;
	v24 =	vmul.f32 $1.500000000e+01, v25;
	[tilespmem:s20+$0xC460] =	vst v26;
	s20 =	smov.u32 s19;
	s19 =	sshra.s32 s18, $0x2;
	s18 =	sadd.s32 $0x200, s18  }
0x5d: {  	v25 =	vld [tilespmem:s19+$0x70]  }
0x5e: {  	v26 =	vld [tilespmem:s19+$0x0];
	v23 =	vtrunc.f32 v23  }
0x5f: {  	v27 =	vld [tilespmem:s19+$0x10];
	v20 =	vmul.f32 $1.500000000e+01, v20;
	v19 =	vcvt.f32.s32 v19  }
0x60: {  	v28 =	vld [tilespmem:s19+$0x20];
	v22 =	vtrunc.f32 v22;
	v18 =	vcvt.f32.s32 v18  }
0x61: {  	v29 =	vld [tilespmem:s19+$0x30];
	v24 =	vtrunc.f32 v24;
	v49 =	vcvt.f32.s32 v23  }
0x62: {  	v22 =	vcvt.f32.s32 v22;
	v20 =	vtrunc.f32 v20;
	[tilespmem:s20+$0xC400] =	vst v19  }
0x63: {  	v19 =	vcvt.f32.s32 v21;
	v50 =	vld [tilespmem:s19+$0x40];
	[tilespmem:s20+$0xC410] =	vst v18;
	v18 =	vcvt.f32.s32 v24  }
0x64: {  	v20 =	vcvt.f32.s32 v20;
	v25 =	vmul.f32 $1.500000000e+01, v25  }
0x65: {  	v51 =	vld [tilespmem:s19+$0x50];
	[tilespmem:s20+$0xC420] =	vst v19;
	v26 =	vmul.f32 $1.500000000e+01, v26;
	v19 =	vmul.f32 $1.500000000e+01, v27  }
0x66: {  	v28 =	vmul.f32 $1.500000000e+01, v28;
	v55 =	vmul.f32 $1.500000000e+01, v29  }
0x67: {  	v52 =	vld [tilespmem:s19+$0x60];
	[tilespmem:s20+$0xC430] =	vst v49;
	v25 =	vtrunc.f32 v25;
	v54 =	vtrunc.f32 v26  }
0x68: {  	[tilespmem:s20+$0xC440] =	vst v22;
	v19 =	vtrunc.f32 v19;
	v53 =	vcvt.f32.s32 v25  }
0x69: {  	s18 =	sadd.s32 s1, s17;
	[tilespmem:s20+$0xC450] =	vst v18;
	v56 =	vtrunc.f32 v28;
	v59 =	vtrunc.f32 v55  }
0x6a: {  	s21 =	sadd.s32 $0x1, s18;
	v18 =	vmul.f32 $1.500000000e+01, v50;
	v58 =	vcvt.f32.s32 v54;
	[tilespmem:s19+$0xC470] =	vst v53  }
0x6b: {  	p0 =	slt.s32 s21, s7;
	v19 =	vcvt.f32.s32 v19;
	v23 =	vcvt.f32.s32 v56;
	[tilespmem:s20+$0xC460] =	vst v20;
	s20 =	smov.u32 s7  }
0x6c: {  	v57 =	vmul.f32 $1.500000000e+01, v51;
	v60 =	vmul.f32 $1.500000000e+01, v52;
	[tilespmem:s19+$0xC400] =	vst v58;
	s20 =	smov.u32 @p0 s21  }
0x6d: {  	v18 =	vtrunc.f32 v18;
	v20 =	vcvt.f32.s32 v59;
	[tilespmem:s19+$0xC410] =	vst v19;
	s21 =	sshrl.u32 s20, $0x3  }
0x6e: {  	v18 =	vcvt.f32.s32 v18;
	v19 =	vtrunc.f32 v57;
	[tilespmem:s19+$0xC420] =	vst v23;
	s20 =	sshll.u32 s20, $0x7;
	s21 =	smul.u32 $0x62000, s21  }
0x6f: {  	v61 =	vtrunc.f32 v60;
	v19 =	vcvt.f32.s32 v19;
	[tilespmem:s19+$0xC430] =	vst v20;
	s20 =	sand.u32 $0x380, s20  }
0x70: {  	v62 =	vcvt.f32.s32 v61;
	[tilespmem:s19+$0xC440] =	vst v18;
	s20 =	sor.u32 s20, s21  }
0x71: {  	[tilespmem:s19+$0xC450] =	vst v19;
	s20 =	sshrl.u32 s20, $0x3  }
0x72: {  	[tilespmem:s19+$0xC460] =	vst v62;
	s31 =	sadd.s32 s2, s20  }
0x73: {  	[tilespmem:s5], [sflag:$0x1] =	stream.strided.gather [hbm4b:s31+s9], $0xC400, s10, s9, $0x38;
	[tilespmem:$0x18980] =	vst v63  }
0x74: {  	[tilespmem:$0x18800] =	vst v8  }
0x75: {  	v0 =	vld [tilespmem:$0x1FFE0];
	[tilespmem:$0x18810] =	vst v8  }
0x76: {  	[tilespmem:$0x18820] =	vst v8;
	v18 =	vld [tilespmem:$0xC400]  }
0x77: {  	[tilespmem:$0x18830] =	vst v8;
	v19 =	vld [tilespmem:$0xC4E0]  }
0x78: {  	[tilespmem:$0x18840] =	vst v8;
	v20 =	vld [tilespmem:$0xC5C0]  }
0x79: {  	[tilespmem:$0x18850] =	vst v8;
	v63 =	vld [tilespmem:$0xC6A0]  }
0x7a: {  	[tilespmem:$0x18860] =	vst v8;
	v51 =	vld [tilespmem:$0x18720]  }
0x7b: {  	[tilespmem:$0x18870] =	vst v8;
	v55 =	vld [tilespmem:$0x18721]  }
0x7c: {  	[tilespmem:$0x18880] =	vst v8;
	v56 =	vld [tilespmem:$0xC401]  }
0x7d: {  	[tilespmem:$0x18890] =	vst v8;
	v30 =	vld [tilespmem:$0xC4E1]  }
0x7e: {  	[tilespmem:$0x188A0] =	vst v8;
	v31 =	vld [tilespmem:$0xC5C1]  }
0x7f: {  	[tilespmem:$0x188B0] =	vst v8;
	v32 =	vld [tilespmem:$0xC410]  }
0x80: {  	[tilespmem:$0x188C0] =	vst v8;
	v33 =	vld [tilespmem:$0xC4F0]  }
0x81: {  	[tilespmem:$0x188D0] =	vst v8;
	v34 =	vld [tilespmem:$0xC5D0]  }
0x82: {  	[tilespmem:$0x188E0] =	vst v8;
	v35 =	vld [tilespmem:$0xC6B0]  }
0x83: {  	[tilespmem:$0x188F0] =	vst v8;
	v36 =	vld [tilespmem:$0x18730]  }
0x84: {  	v23 =	vld.idx.msk [tilespmem:v0+s12+$0x0], $0xffff  }
0x85: {  	v0 =	vld [tilespmem:$0x1FFF0]  }
0x86: {  	v37 =	vld [tilespmem:$0x1872F]  }
0x87: {  	v38 =	vld [tilespmem:$0xC40F]  }
0x88: {  	v39 =	vld [tilespmem:$0xC4EF]  }
0x89: {  	v24 =	vld.idx.msk [tilespmem:v10+s12+$0x0], $0xffff  }
0x8a: {  	v41 =	vld [tilespmem:$0xC5CF]  }
0x8b: {  	v43 =	vld [tilespmem:$0xC6AF]  }
0x8c: {  	v44 =	vld [tilespmem:$0x18731]  }
0x8d: {  	v40 =	vshll.u32 v18, $0x4;
	v52 =	vld.idx.msk [tilespmem:v0+s12+$0x0], $0xffff  }
0x8e: {  	v45 =	vld [tilespmem:$0xC411];
	v42 =	vadd.s32 v40, v24  }
0x8f: {  	v46 =	vld [tilespmem:$0xC4F1];
	v28 =	vadd.s32 v40, v55  }
0x90: {  	v48 =	vld [tilespmem:$0xC5D1];
	v22 =	vadd.s32 v40, v51  }
0x91: {  	v53 =	vld.idx.msk [tilespmem:v3+s12+$0x0], $0xffff;
	v57 =	vshll.u32 v19, $0x4;
	v23 =	vadd.s32 v40, v23  }
0x92: {  	v54 =	vld.idx.msk [tilespmem:v4+s12+$0x0], $0xffff;
	v47 =	vadd.s32 v57, v52  }
0x93: {  	v29 =	vadd.s32 v57, v56;
	[tilespmem:v42+s13+$0x0] =	vst.idx.add.f32.msk $0xffff, v11  }
0x94: {  	v18 =	vadd.s32 v18, v57;
	[tilespmem:v28+s13+$0x0] =	vst.idx.add.f32.msk $0xffff, v11  }
0x95: {  	v58 =	vshll.u32 v20, $0x4;
	v24 =	vadd.s32 v57, v24;
	[tilespmem:v22+s13+$0x0] =	vst.idx.add.f32.msk $0xffff, v11  }
0x96: {  	v59 =	vadd.s32 v58, v53;
	[tilespmem:v23+s13+$0x0] =	vst.idx.add.f32.msk $0xffff, v11  }
0x97: {  	v60 =	vadd.s32 v58, v30;
	[tilespmem:v47+s13+$0x0] =	vst.idx.add.f32.msk $0xffff, v11  }
0x98: {  	v19 =	vadd.s32 v19, v58;
	[tilespmem:v29+s13+$0x0] =	vst.idx.add.f32.msk $0xffff, v11  }
0x99: {  	v21 =	vshll.u32 v63, $0x4;
	v25 =	vadd.s32 v58, v52;
	[tilespmem:v18+s13+$0x0] =	vst.idx.add.f32.msk $0xffff, v11  }
0x9a: {  	v18 =	vadd.s32 v21, v54;
	[tilespmem:v24+s13+$0x0] =	vst.idx.add.f32.msk $0xffff, v11  }
0x9b: {  	v61 =	vadd.s32 v21, v31;
	[tilespmem:v59+s13+$0x0] =	vst.idx.add.f32.msk $0xffff, v11  }
0x9c: {  	v20 =	vadd.s32 v20, v21;
	[tilespmem:v60+s13+$0x0] =	vst.idx.add.f32.msk $0xffff, v11  }
0x9d: {  	v21 =	vadd.s32 v21, v53;
	[tilespmem:v19+s13+$0x0] =	vst.idx.add.f32.msk $0xffff, v11  }
0x9e: {  	[tilespmem:v25+s13+$0x0] =	vst.idx.add.f32.msk $0xffff, v11  }
0x9f: {  	[tilespmem:v18+s13+$0x0] =	vst.idx.add.f32.msk $0xffff, v11  }
0xa0: {  	[tilespmem:v61+s13+$0x0] =	vst.idx.add.f32.msk $0xffff, v11  }
0xa1: {  	[tilespmem:v20+s13+$0x0] =	vst.idx.add.f32.msk $0xffff, v11  }
0xa2: {  	[tilespmem:v21+s13+$0x0] =	vst.idx.add.f32.msk $0xffff, v11  }
0xa3: {  	v18 =	vld [tilespmem:$0xC420]  }
0xa4: {  	v19 =	vld [tilespmem:$0xC500]  }
0xa5: {  	v20 =	vld [tilespmem:$0xC5E0]  }
0xa6: {  	v21 =	vld [tilespmem:$0xC6C0]  }
0xa7: {  	v22 =	vld [tilespmem:$0x18740]  }
0xa8: {  	v23 =	vld [tilespmem:$0x1873F]  }
0xa9: {  	v24 =	vld [tilespmem:$0xC41F]  }
0xaa: {  	v25 =	vld [tilespmem:$0xC4FF]  }
0xab: {  	v62 =	vshll.u32 v32, $0x4;
	v27 =	vld [tilespmem:$0xC5DF]  }
0xac: {  	v63 =	vadd.s32 v62, v38;
	v29 =	vld [tilespmem:$0xC6BF]  }
0xad: {  	v49 =	vadd.s32 v62, v44;
	v50 =	vld [tilespmem:$0x18741]  }
0xae: {  	v36 =	vadd.s32 v62, v36;
	v40 =	vld [tilespmem:$0xC421]  }
0xaf: {  	v26 =	vadd.s32 v62, v37;
	v51 =	vshll.u32 v33, $0x4;
	v42 =	vld [tilespmem:$0xC501]  }
0xb0: {  	v52 =	vadd.s32 v51, v39;
	v47 =	vld [tilespmem:$0xC5E1]  }
0xb1: {  	v45 =	vadd.s32 v51, v45;
	[tilespmem:v63+s13+$0x0] =	vst.idx.add.f32.msk $0xffff, v11  }
0xb2: {  	v53 =	vadd.s32 v32, v51;
	[tilespmem:v49+s13+$0x0] =	vst.idx.add.f32.msk $0xffff, v11  }
0xb3: {  	v55 =	vshll.u32 v34, $0x4;
	v54 =	vadd.s32 v51, v38;
	[tilespmem:v36+s13+$0x0] =	vst.idx.add.f32.msk $0xffff, v11  }
0xb4: {  	v56 =	vadd.s32 v55, v41;
	[tilespmem:v26+s13+$0x0] =	vst.idx.add.f32.msk $0xffff, v11  }
0xb5: {  	v57 =	vadd.s32 v55, v46;
	[tilespmem:v52+s13+$0x0] =	vst.idx.add.f32.msk $0xffff, v11  }
0xb6: {  	v33 =	vadd.s32 v33, v55;
	[tilespmem:v45+s13+$0x0] =	vst.idx.add.f32.msk $0xffff, v11  }
0xb7: {  	v35 =	vshll.u32 v35, $0x4;
	v32 =	vadd.s32 v55, v39;
	[tilespmem:v53+s13+$0x0] =	vst.idx.add.f32.msk $0xffff, v11  }
0xb8: {  	v58 =	vadd.s32 v35, v43;
	[tilespmem:v54+s13+$0x0] =	vst.idx.add.f32.msk $0xffff, v11  }
0xb9: {  	v59 =	vadd.s32 v35, v48;
	[tilespmem:v56+s13+$0x0] =	vst.idx.add.f32.msk $0xffff, v11  }
0xba: {  	v34 =	vadd.s32 v34, v35;
	[tilespmem:v57+s13+$0x0] =	vst.idx.add.f32.msk $0xffff, v11  }
0xbb: {  	v60 =	vadd.s32 v35, v41;
	[tilespmem:v33+s13+$0x0] =	vst.idx.add.f32.msk $0xffff, v11  }
0xbc: {  	[tilespmem:v32+s13+$0x0] =	vst.idx.add.f32.msk $0xffff, v11  }
0xbd: {  	[tilespmem:v58+s13+$0x0] =	vst.idx.add.f32.msk $0xffff, v11  }
0xbe: {  	[tilespmem:v59+s13+$0x0] =	vst.idx.add.f32.msk $0xffff, v11  }
0xbf: {  	[tilespmem:v34+s13+$0x0] =	vst.idx.add.f32.msk $0xffff, v11  }
0xc0: {  	[tilespmem:v60+s13+$0x0] =	vst.idx.add.f32.msk $0xffff, v11  }
0xc1: {  	v26 =	vld [tilespmem:$0xC430]  }
0xc2: {  	v28 =	vld [tilespmem:$0xC510]  }
0xc3: {  	v30 =	vld [tilespmem:$0xC5F0]  }
0xc4: {  	v32 =	vld [tilespmem:$0xC6D0]  }
0xc5: {  	v33 =	vld [tilespmem:$0x18750]  }
0xc6: {  	v34 =	vld [tilespmem:$0x1874F]  }
0xc7: {  	v35 =	vld [tilespmem:$0xC42F]  }
0xc8: {  	v36 =	vld [tilespmem:$0xC50F]  }
0xc9: {  	v61 =	vshll.u32 v18, $0x4;
	v38 =	vld [tilespmem:$0xC5EF]  }
0xca: {  	v62 =	vadd.s32 v61, v24;
	v41 =	vld [tilespmem:$0xC6CF]  }
0xcb: {  	v31 =	vadd.s32 v61, v50;
	v63 =	vld [tilespmem:$0x18751]  }
0xcc: {  	v22 =	vadd.s32 v61, v22;
	v44 =	vld [tilespmem:$0xC431]  }
0xcd: {  	v52 =	vshll.u32 v19, $0x4;
	v23 =	vadd.s32 v61, v23;
	v45 =	vld [tilespmem:$0xC511]  }
0xce: {  	v53 =	vadd.s32 v52, v25;
	v54 =	vld [tilespmem:$0xC5F1]  }
0xcf: {  	v40 =	vadd.s32 v52, v40;
	[tilespmem:v62+s13+$0x0] =	vst.idx.add.f32.msk $0xffff, v11  }
0xd0: {  	v18 =	vadd.s32 v18, v52;
	[tilespmem:v31+s13+$0x0] =	vst.idx.add.f32.msk $0xffff, v11  }
0xd1: {  	v55 =	vshll.u32 v20, $0x4;
	v24 =	vadd.s32 v52, v24;
	[tilespmem:v22+s13+$0x0] =	vst.idx.add.f32.msk $0xffff, v11  }
0xd2: {  	v56 =	vadd.s32 v55, v27;
	[tilespmem:v23+s13+$0x0] =	vst.idx.add.f32.msk $0xffff, v11  }
0xd3: {  	v57 =	vadd.s32 v55, v42;
	[tilespmem:v53+s13+$0x0] =	vst.idx.add.f32.msk $0xffff, v11  }
0xd4: {  	v19 =	vadd.s32 v19, v55;
	[tilespmem:v40+s13+$0x0] =	vst.idx.add.f32.msk $0xffff, v11  }
0xd5: {  	v21 =	vshll.u32 v21, $0x4;
	v25 =	vadd.s32 v55, v25;
	[tilespmem:v18+s13+$0x0] =	vst.idx.add.f32.msk $0xffff, v11  }
0xd6: {  	v18 =	vadd.s32 v21, v29;
	[tilespmem:v24+s13+$0x0] =	vst.idx.add.f32.msk $0xffff, v11  }
0xd7: {  	v58 =	vadd.s32 v21, v47;
	[tilespmem:v56+s13+$0x0] =	vst.idx.add.f32.msk $0xffff, v11  }
0xd8: {  	v20 =	vadd.s32 v20, v21;
	[tilespmem:v57+s13+$0x0] =	vst.idx.add.f32.msk $0xffff, v11  }
0xd9: {  	v21 =	vadd.s32 v21, v27;
	[tilespmem:v19+s13+$0x0] =	vst.idx.add.f32.msk $0xffff, v11  }
0xda: {  	[tilespmem:v25+s13+$0x0] =	vst.idx.add.f32.msk $0xffff, v11  }
0xdb: {  	[tilespmem:v18+s13+$0x0] =	vst.idx.add.f32.msk $0xffff, v11  }
0xdc: {  	[tilespmem:v58+s13+$0x0] =	vst.idx.add.f32.msk $0xffff, v11  }
0xdd: {  	[tilespmem:v20+s13+$0x0] =	vst.idx.add.f32.msk $0xffff, v11  }
0xde: {  	[tilespmem:v21+s13+$0x0] =	vst.idx.add.f32.msk $0xffff, v11  }
0xdf: {  	v18 =	vld [tilespmem:$0xC440]  }
0xe0: {  	v19 =	vld [tilespmem:$0xC520]  }
0xe1: {  	v20 =	vld [tilespmem:$0xC600]  }
0xe2: {  	v21 =	vld [tilespmem:$0xC6E0]  }
0xe3: {  	v22 =	vld [tilespmem:$0x18760]  }
0xe4: {  	v23 =	vld [tilespmem:$0x1875F]  }
0xe5: {  	v24 =	vld [tilespmem:$0xC43F]  }
0xe6: {  	v25 =	vld [tilespmem:$0xC51F]  }
0xe7: {  	v59 =	vshll.u32 v26, $0x4;
	v29 =	vld [tilespmem:$0xC5FF]  }
0xe8: {  	v60 =	vadd.s32 v59, v35;
	v37 =	vld [tilespmem:$0xC6DF]  }
0xe9: {  	v61 =	vadd.s32 v59, v63;
	v40 =	vld [tilespmem:$0x18761]  }
0xea: {  	v33 =	vadd.s32 v59, v33;
	v42 =	vld [tilespmem:$0xC441]  }
0xeb: {  	v62 =	vshll.u32 v28, $0x4;
	v27 =	vadd.s32 v59, v34;
	v43 =	vld [tilespmem:$0xC521]  }
0xec: {  	v63 =	vadd.s32 v62, v36;
	v47 =	vld [tilespmem:$0xC601]  }
0xed: {  	v44 =	vadd.s32 v62, v44;
	[tilespmem:v60+s13+$0x0] =	vst.idx.add.f32.msk $0xffff, v11  }
0xee: {  	v26 =	vadd.s32 v26, v62;
	[tilespmem:v61+s13+$0x0] =	vst.idx.add.f32.msk $0xffff, v11  }
0xef: {  	v50 =	vshll.u32 v30, $0x4;
	v49 =	vadd.s32 v62, v35;
	[tilespmem:v33+s13+$0x0] =	vst.idx.add.f32.msk $0xffff, v11  }
0xf0: {  	v51 =	vadd.s32 v50, v38;
	[tilespmem:v27+s13+$0x0] =	vst.idx.add.f32.msk $0xffff, v11  }
0xf1: {  	v52 =	vadd.s32 v50, v45;
	[tilespmem:v63+s13+$0x0] =	vst.idx.add.f32.msk $0xffff, v11  }
0xf2: {  	v28 =	vadd.s32 v28, v50;
	[tilespmem:v44+s13+$0x0] =	vst.idx.add.f32.msk $0xffff, v11  }
0xf3: {  	v32 =	vshll.u32 v32, $0x4;
	v34 =	vadd.s32 v50, v36;
	[tilespmem:v26+s13+$0x0] =	vst.idx.add.f32.msk $0xffff, v11  }
0xf4: {  	v53 =	vadd.s32 v32, v41;
	[tilespmem:v49+s13+$0x0] =	vst.idx.add.f32.msk $0xffff, v11  }
0xf5: {  	v54 =	vadd.s32 v32, v54;
	[tilespmem:v51+s13+$0x0] =	vst.idx.add.f32.msk $0xffff, v11  }
0xf6: {  	v30 =	vadd.s32 v30, v32;
	[tilespmem:v52+s13+$0x0] =	vst.idx.add.f32.msk $0xffff, v11  }
0xf7: {  	v55 =	vadd.s32 v32, v38;
	[tilespmem:v28+s13+$0x0] =	vst.idx.add.f32.msk $0xffff, v11  }
0xf8: {  	[tilespmem:v34+s13+$0x0] =	vst.idx.add.f32.msk $0xffff, v11  }
0xf9: {  	[tilespmem:v53+s13+$0x0] =	vst.idx.add.f32.msk $0xffff, v11  }
0xfa: {  	[tilespmem:v54+s13+$0x0] =	vst.idx.add.f32.msk $0xffff, v11  }
0xfb: {  	[tilespmem:v30+s13+$0x0] =	vst.idx.add.f32.msk $0xffff, v11  }
0xfc: {  	[tilespmem:v55+s13+$0x0] =	vst.idx.add.f32.msk $0xffff, v11  }
0xfd: {  	v26 =	vld [tilespmem:$0xC450]  }
0xfe: {  	v27 =	vld [tilespmem:$0xC530]  }
0xff: {  	v28 =	vld [tilespmem:$0xC610]  }
0x100: {  	v30 =	vld [tilespmem:$0xC6F0]  }
0x101: {  	v31 =	vld [tilespmem:$0x18770]  }
0x102: {  	v56 =	vld [tilespmem:$0x1876F]  }
0x103: {  	v33 =	vld [tilespmem:$0xC44F]  }
0x104: {  	v34 =	vld [tilespmem:$0xC52F]  }
0x105: {  	v57 =	vshll.u32 v18, $0x4;
	v36 =	vld [tilespmem:$0xC60F]  }
0x106: {  	v58 =	vadd.s32 v57, v24;
	v39 =	vld [tilespmem:$0xC6EF]  }
0x107: {  	v40 =	vadd.s32 v57, v40;
	v59 =	vld [tilespmem:$0x18771]  }
0x108: {  	v22 =	vadd.s32 v57, v22;
	v44 =	vld [tilespmem:$0xC451]  }
0x109: {  	v60 =	vshll.u32 v19, $0x4;
	v23 =	vadd.s32 v57, v23;
	v61 =	vld [tilespmem:$0xC531]  }
0x10a: {  	v62 =	vadd.s32 v60, v25;
	v63 =	vld [tilespmem:$0xC611]  }
0x10b: {  	v42 =	vadd.s32 v60, v42;
	[tilespmem:v58+s13+$0x0] =	vst.idx.add.f32.msk $0xffff, v11  }
0x10c: {  	v18 =	vadd.s32 v18, v60;
	[tilespmem:v40+s13+$0x0] =	vst.idx.add.f32.msk $0xffff, v11  }
0x10d: {  	v38 =	vshll.u32 v20, $0x4;
	v24 =	vadd.s32 v60, v24;
	[tilespmem:v22+s13+$0x0] =	vst.idx.add.f32.msk $0xffff, v11  }
0x10e: {  	v40 =	vadd.s32 v38, v29;
	[tilespmem:v23+s13+$0x0] =	vst.idx.add.f32.msk $0xffff, v11  }
0x10f: {  	v43 =	vadd.s32 v38, v43;
	[tilespmem:v62+s13+$0x0] =	vst.idx.add.f32.msk $0xffff, v11  }
0x110: {  	v19 =	vadd.s32 v19, v38;
	[tilespmem:v42+s13+$0x0] =	vst.idx.add.f32.msk $0xffff, v11  }
0x111: {  	v21 =	vshll.u32 v21, $0x4;
	v25 =	vadd.s32 v38, v25;
	[tilespmem:v18+s13+$0x0] =	vst.idx.add.f32.msk $0xffff, v11  }
0x112: {  	v18 =	vadd.s32 v21, v37;
	[tilespmem:v24+s13+$0x0] =	vst.idx.add.f32.msk $0xffff, v11  }
0x113: {  	v46 =	vadd.s32 v21, v47;
	[tilespmem:v40+s13+$0x0] =	vst.idx.add.f32.msk $0xffff, v11  }
0x114: {  	v20 =	vadd.s32 v20, v21;
	[tilespmem:v43+s13+$0x0] =	vst.idx.add.f32.msk $0xffff, v11  }
0x115: {  	v21 =	vadd.s32 v21, v29;
	[tilespmem:v19+s13+$0x0] =	vst.idx.add.f32.msk $0xffff, v11  }
0x116: {  	[tilespmem:v25+s13+$0x0] =	vst.idx.add.f32.msk $0xffff, v11  }
0x117: {  	[tilespmem:v18+s13+$0x0] =	vst.idx.add.f32.msk $0xffff, v11  }
0x118: {  	[tilespmem:v46+s13+$0x0] =	vst.idx.add.f32.msk $0xffff, v11  }
0x119: {  	[tilespmem:v20+s13+$0x0] =	vst.idx.add.f32.msk $0xffff, v11  }
0x11a: {  	[tilespmem:v21+s13+$0x0] =	vst.idx.add.f32.msk $0xffff, v11  }
0x11b: {  	v18 =	vld [tilespmem:$0xC460]  }
0x11c: {  	v19 =	vld [tilespmem:$0xC540]  }
0x11d: {  	v20 =	vld [tilespmem:$0xC620]  }
0x11e: {  	v21 =	vld [tilespmem:$0xC700]  }
0x11f: {  	v22 =	vld [tilespmem:$0x18780]  }
0x120: {  	v23 =	vld [tilespmem:$0x1877F]  }
0x121: {  	v24 =	vld [tilespmem:$0xC45F]  }
0x122: {  	v25 =	vld [tilespmem:$0xC53F]  }
0x123: {  	v47 =	vshll.u32 v26, $0x4;
	v35 =	vld [tilespmem:$0xC61F]  }
0x124: {  	v49 =	vadd.s32 v47, v33;
	v38 =	vld [tilespmem:$0xC6FF]  }
0x125: {  	v50 =	vadd.s32 v47, v59;
	v51 =	vld [tilespmem:$0x18781]  }
0x126: {  	v31 =	vadd.s32 v47, v31;
	v42 =	vld [tilespmem:$0xC461]  }
0x127: {  	v52 =	vshll.u32 v27, $0x4;
	v29 =	vadd.s32 v47, v56;
	v43 =	vld [tilespmem:$0xC541]  }
0x128: {  	v53 =	vadd.s32 v52, v34;
	v47 =	vld [tilespmem:$0xC621]  }
0x129: {  	v44 =	vadd.s32 v52, v44;
	[tilespmem:v49+s13+$0x0] =	vst.idx.add.f32.msk $0xffff, v11  }
0x12a: {  	v26 =	vadd.s32 v26, v52;
	[tilespmem:v50+s13+$0x0] =	vst.idx.add.f32.msk $0xffff, v11  }
0x12b: {  	v54 =	vshll.u32 v28, $0x4;
	v32 =	vadd.s32 v52, v33;
	[tilespmem:v31+s13+$0x0] =	vst.idx.add.f32.msk $0xffff, v11  }
0x12c: {  	v55 =	vadd.s32 v54, v36;
	[tilespmem:v29+s13+$0x0] =	vst.idx.add.f32.msk $0xffff, v11  }
0x12d: {  	v56 =	vadd.s32 v54, v61;
	[tilespmem:v53+s13+$0x0] =	vst.idx.add.f32.msk $0xffff, v11  }
0x12e: {  	v27 =	vadd.s32 v27, v54;
	[tilespmem:v44+s13+$0x0] =	vst.idx.add.f32.msk $0xffff, v11  }
0x12f: {  	v30 =	vshll.u32 v30, $0x4;
	v33 =	vadd.s32 v54, v34;
	[tilespmem:v26+s13+$0x0] =	vst.idx.add.f32.msk $0xffff, v11  }
0x130: {  	v57 =	vadd.s32 v30, v39;
	[tilespmem:v32+s13+$0x0] =	vst.idx.add.f32.msk $0xffff, v11  }
0x131: {  	v58 =	vadd.s32 v30, v63;
	[tilespmem:v55+s13+$0x0] =	vst.idx.add.f32.msk $0xffff, v11  }
0x132: {  	v28 =	vadd.s32 v28, v30;
	[tilespmem:v56+s13+$0x0] =	vst.idx.add.f32.msk $0xffff, v11  }
0x133: {  	v59 =	vadd.s32 v30, v36;
	[tilespmem:v27+s13+$0x0] =	vst.idx.add.f32.msk $0xffff, v11  }
0x134: {  	[tilespmem:v33+s13+$0x0] =	vst.idx.add.f32.msk $0xffff, v11  }
0x135: {  	[tilespmem:v57+s13+$0x0] =	vst.idx.add.f32.msk $0xffff, v11  }
0x136: {  	[tilespmem:v58+s13+$0x0] =	vst.idx.add.f32.msk $0xffff, v11  }
0x137: {  	[tilespmem:v28+s13+$0x0] =	vst.idx.add.f32.msk $0xffff, v11  }
0x138: {  	[tilespmem:v59+s13+$0x0] =	vst.idx.add.f32.msk $0xffff, v11  }
0x139: {  	v26 =	vld [tilespmem:$0xC470]  }
0x13a: {  	v27 =	vld [tilespmem:$0xC550]  }
0x13b: {  	v28 =	vld [tilespmem:$0xC630]  }
0x13c: {  	v29 =	vld [tilespmem:$0xC710]  }
0x13d: {  	v30 =	vld [tilespmem:$0x18790]  }
0x13e: {  	v31 =	vld [tilespmem:$0x1878F]  }
0x13f: {  	v32 =	vld [tilespmem:$0xC46F]  }
0x140: {  	v33 =	vld [tilespmem:$0xC54F]  }
0x141: {  	v60 =	vshll.u32 v18, $0x4;
	v36 =	vld [tilespmem:$0xC62F]  }
0x142: {  	v61 =	vadd.s32 v60, v24;
	v39 =	vld [tilespmem:$0xC70F]  }
0x143: {  	v62 =	vadd.s32 v60, v51;
	v63 =	vld [tilespmem:$0x18791]  }
0x144: {  	v22 =	vadd.s32 v60, v22;
	v44 =	vld [tilespmem:$0xC471]  }
0x145: {  	v52 =	vshll.u32 v19, $0x4;
	v23 =	vadd.s32 v60, v23;
	v53 =	vld [tilespmem:$0xC551]  }
0x146: {  	v54 =	vadd.s32 v52, v25;
	v55 =	vld [tilespmem:$0xC631]  }
0x147: {  	v42 =	vadd.s32 v52, v42;
	[tilespmem:v61+s13+$0x0] =	vst.idx.add.f32.msk $0xffff, v11  }
0x148: {  	v18 =	vadd.s32 v18, v52;
	[tilespmem:v62+s13+$0x0] =	vst.idx.add.f32.msk $0xffff, v11  }
0x149: {  	v24 =	vadd.s32 v52, v24;
	v56 =	vshll.u32 v20, $0x4;
	[tilespmem:v22+s13+$0x0] =	vst.idx.add.f32.msk $0xffff, v11  }
0x14a: {  	v57 =	vadd.s32 v56, v35;
	[tilespmem:v23+s13+$0x0] =	vst.idx.add.f32.msk $0xffff, v11  }
0x14b: {  	v58 =	vadd.s32 v56, v43;
	[tilespmem:v54+s13+$0x0] =	vst.idx.add.f32.msk $0xffff, v11  }
0x14c: {  	v19 =	vadd.s32 v19, v56;
	[tilespmem:v42+s13+$0x0] =	vst.idx.add.f32.msk $0xffff, v11  }
0x14d: {  	v21 =	vshll.u32 v21, $0x4;
	v25 =	vadd.s32 v56, v25;
	[tilespmem:v18+s13+$0x0] =	vst.idx.add.f32.msk $0xffff, v11  }
0x14e: {  	v18 =	vadd.s32 v21, v38;
	[tilespmem:v24+s13+$0x0] =	vst.idx.add.f32.msk $0xffff, v11  }
0x14f: {  	v59 =	vadd.s32 v21, v47;
	[tilespmem:v57+s13+$0x0] =	vst.idx.add.f32.msk $0xffff, v11  }
0x150: {  	v20 =	vadd.s32 v20, v21;
	[tilespmem:v58+s13+$0x0] =	vst.idx.add.f32.msk $0xffff, v11  }
0x151: {  	v21 =	vadd.s32 v21, v35;
	[tilespmem:v19+s13+$0x0] =	vst.idx.add.f32.msk $0xffff, v11  }
0x152: {  	[tilespmem:v25+s13+$0x0] =	vst.idx.add.f32.msk $0xffff, v11  }
0x153: {  	[tilespmem:v18+s13+$0x0] =	vst.idx.add.f32.msk $0xffff, v11  }
0x154: {  	[tilespmem:v59+s13+$0x0] =	vst.idx.add.f32.msk $0xffff, v11  }
0x155: {  	[tilespmem:v20+s13+$0x0] =	vst.idx.add.f32.msk $0xffff, v11  }
0x156: {  	[tilespmem:v21+s13+$0x0] =	vst.idx.add.f32.msk $0xffff, v11  }
0x157: {  	v18 =	vld [tilespmem:$0xC480]  }
0x158: {  	v19 =	vld [tilespmem:$0xC560]  }
0x159: {  	v20 =	vld [tilespmem:$0xC640]  }
0x15a: {  	v21 =	vld [tilespmem:$0xC720]  }
0x15b: {  	v22 =	vld [tilespmem:$0x187A0]  }
0x15c: {  	v23 =	vld [tilespmem:$0x1879F]  }
0x15d: {  	v24 =	vld [tilespmem:$0xC47F]  }
0x15e: {  	v25 =	vld [tilespmem:$0xC55F]  }
0x15f: {  	v60 =	vshll.u32 v26, $0x4;
	v35 =	vld [tilespmem:$0xC63F]  }
0x160: {  	v61 =	vadd.s32 v60, v32;
	v38 =	vld [tilespmem:$0xC71F]  }
0x161: {  	v62 =	vadd.s32 v60, v63;
	v63 =	vld [tilespmem:$0x187A1]  }
0x162: {  	v30 =	vadd.s32 v60, v30;
	v42 =	vld [tilespmem:$0xC481]  }
0x163: {  	v49 =	vshll.u32 v27, $0x4;
	v31 =	vadd.s32 v60, v31;
	v43 =	vld [tilespmem:$0xC561]  }
0x164: {  	v50 =	vadd.s32 v49, v33;
	v47 =	vld [tilespmem:$0xC641]  }
0x165: {  	v44 =	vadd.s32 v49, v44;
	[tilespmem:v61+s13+$0x0] =	vst.idx.add.f32.msk $0xffff, v11  }
0x166: {  	v26 =	vadd.s32 v26, v49;
	[tilespmem:v62+s13+$0x0] =	vst.idx.add.f32.msk $0xffff, v11  }
0x167: {  	v51 =	vshll.u32 v28, $0x4;
	v32 =	vadd.s32 v49, v32;
	[tilespmem:v30+s13+$0x0] =	vst.idx.add.f32.msk $0xffff, v11  }
0x168: {  	v52 =	vadd.s32 v51, v36;
	[tilespmem:v31+s13+$0x0] =	vst.idx.add.f32.msk $0xffff, v11  }
0x169: {  	v53 =	vadd.s32 v51, v53;
	[tilespmem:v50+s13+$0x0] =	vst.idx.add.f32.msk $0xffff, v11  }
0x16a: {  	v27 =	vadd.s32 v27, v51;
	[tilespmem:v44+s13+$0x0] =	vst.idx.add.f32.msk $0xffff, v11  }
0x16b: {  	v29 =	vshll.u32 v29, $0x4;
	v33 =	vadd.s32 v51, v33;
	[tilespmem:v26+s13+$0x0] =	vst.idx.add.f32.msk $0xffff, v11  }
0x16c: {  	v54 =	vadd.s32 v29, v39;
	[tilespmem:v32+s13+$0x0] =	vst.idx.add.f32.msk $0xffff, v11  }
0x16d: {  	v55 =	vadd.s32 v29, v55;
	[tilespmem:v52+s13+$0x0] =	vst.idx.add.f32.msk $0xffff, v11  }
0x16e: {  	v28 =	vadd.s32 v28, v29;
	[tilespmem:v53+s13+$0x0] =	vst.idx.add.f32.msk $0xffff, v11  }
0x16f: {  	v29 =	vadd.s32 v29, v36;
	[tilespmem:v27+s13+$0x0] =	vst.idx.add.f32.msk $0xffff, v11  }
0x170: {  	[tilespmem:v33+s13+$0x0] =	vst.idx.add.f32.msk $0xffff, v11  }
0x171: {  	[tilespmem:v54+s13+$0x0] =	vst.idx.add.f32.msk $0xffff, v11  }
0x172: {  	[tilespmem:v55+s13+$0x0] =	vst.idx.add.f32.msk $0xffff, v11  }
0x173: {  	[tilespmem:v28+s13+$0x0] =	vst.idx.add.f32.msk $0xffff, v11  }
0x174: {  	[tilespmem:v29+s13+$0x0] =	vst.idx.add.f32.msk $0xffff, v11  }
0x175: {  	v26 =	vld [tilespmem:$0xC490]  }
0x176: {  	v27 =	vld [tilespmem:$0xC570]  }
0x177: {  	v28 =	vld [tilespmem:$0xC650]  }
0x178: {  	v29 =	vld [tilespmem:$0xC730]  }
0x179: {  	v30 =	vld [tilespmem:$0x187B0]  }
0x17a: {  	v31 =	vld [tilespmem:$0x187AF]  }
0x17b: {  	v32 =	vld [tilespmem:$0xC48F]  }
0x17c: {  	v33 =	vld [tilespmem:$0xC56F]  }
0x17d: {  	v56 =	vshll.u32 v18, $0x4;
	v36 =	vld [tilespmem:$0xC64F]  }
0x17e: {  	v57 =	vadd.s32 v56, v24;
	v39 =	vld [tilespmem:$0xC72F]  }
0x17f: {  	v58 =	vadd.s32 v56, v63;
	v59 =	vld [tilespmem:$0x187B1]  }
0x180: {  	v22 =	vadd.s32 v56, v22;
	v44 =	vld [tilespmem:$0xC491]  }
0x181: {  	v60 =	vshll.u32 v19, $0x4;
	v23 =	vadd.s32 v56, v23;
	v61 =	vld [tilespmem:$0xC571]  }
0x182: {  	v62 =	vadd.s32 v60, v25;
	v63 =	vld [tilespmem:$0xC651]  }
0x183: {  	v42 =	vadd.s32 v60, v42;
	[tilespmem:v57+s13+$0x0] =	vst.idx.add.f32.msk $0xffff, v11  }
0x184: {  	v18 =	vadd.s32 v18, v60;
	[tilespmem:v58+s13+$0x0] =	vst.idx.add.f32.msk $0xffff, v11  }
0x185: {  	v37 =	vshll.u32 v20, $0x4;
	v24 =	vadd.s32 v60, v24;
	[tilespmem:v22+s13+$0x0] =	vst.idx.add.f32.msk $0xffff, v11  }
0x186: {  	v40 =	vadd.s32 v37, v35;
	[tilespmem:v23+s13+$0x0] =	vst.idx.add.f32.msk $0xffff, v11  }
0x187: {  	v43 =	vadd.s32 v37, v43;
	[tilespmem:v62+s13+$0x0] =	vst.idx.add.f32.msk $0xffff, v11  }
0x188: {  	v19 =	vadd.s32 v19, v37;
	[tilespmem:v42+s13+$0x0] =	vst.idx.add.f32.msk $0xffff, v11  }
0x189: {  	v21 =	vshll.u32 v21, $0x4;
	v25 =	vadd.s32 v37, v25;
	[tilespmem:v18+s13+$0x0] =	vst.idx.add.f32.msk $0xffff, v11  }
0x18a: {  	v18 =	vadd.s32 v21, v38;
	[tilespmem:v24+s13+$0x0] =	vst.idx.add.f32.msk $0xffff, v11  }
0x18b: {  	v47 =	vadd.s32 v21, v47;
	[tilespmem:v40+s13+$0x0] =	vst.idx.add.f32.msk $0xffff, v11  }
0x18c: {  	v20 =	vadd.s32 v20, v21;
	[tilespmem:v43+s13+$0x0] =	vst.idx.add.f32.msk $0xffff, v11  }
0x18d: {  	v21 =	vadd.s32 v21, v35;
	[tilespmem:v19+s13+$0x0] =	vst.idx.add.f32.msk $0xffff, v11  }
0x18e: {  	[tilespmem:v25+s13+$0x0] =	vst.idx.add.f32.msk $0xffff, v11  }
0x18f: {  	[tilespmem:v18+s13+$0x0] =	vst.idx.add.f32.msk $0xffff, v11  }
0x190: {  	[tilespmem:v47+s13+$0x0] =	vst.idx.add.f32.msk $0xffff, v11  }
0x191: {  	[tilespmem:v20+s13+$0x0] =	vst.idx.add.f32.msk $0xffff, v11  }
0x192: {  	[tilespmem:v21+s13+$0x0] =	vst.idx.add.f32.msk $0xffff, v11  }
0x193: {  	v18 =	vld [tilespmem:$0xC4A0]  }
0x194: {  	v19 =	vld [tilespmem:$0xC580]  }
0x195: {  	v20 =	vld [tilespmem:$0xC660]  }
0x196: {  	v21 =	vld [tilespmem:$0xC740]  }
0x197: {  	v22 =	vld [tilespmem:$0x187C0]  }
0x198: {  	v23 =	vld [tilespmem:$0x187BF]  }
0x199: {  	v24 =	vld [tilespmem:$0xC49F]  }
0x19a: {  	v25 =	vld [tilespmem:$0xC57F]  }
0x19b: {  	v49 =	vshll.u32 v26, $0x4;
	v35 =	vld [tilespmem:$0xC65F]  }
0x19c: {  	v50 =	vadd.s32 v49, v32;
	v38 =	vld [tilespmem:$0xC73F]  }
0x19d: {  	v51 =	vadd.s32 v49, v59;
	v52 =	vld [tilespmem:$0x187C1]  }
0x19e: {  	v30 =	vadd.s32 v49, v30;
	v42 =	vld [tilespmem:$0xC4A1]  }
0x19f: {  	v53 =	vshll.u32 v27, $0x4;
	v31 =	vadd.s32 v49, v31;
	v43 =	vld [tilespmem:$0xC581]  }
0x1a0: {  	v54 =	vadd.s32 v53, v33;
	v47 =	vld [tilespmem:$0xC661]  }
0x1a1: {  	v44 =	vadd.s32 v53, v44;
	[tilespmem:v50+s13+$0x0] =	vst.idx.add.f32.msk $0xffff, v11  }
0x1a2: {  	v26 =	vadd.s32 v26, v53;
	[tilespmem:v51+s13+$0x0] =	vst.idx.add.f32.msk $0xffff, v11  }
0x1a3: {  	v55 =	vshll.u32 v28, $0x4;
	v32 =	vadd.s32 v53, v32;
	[tilespmem:v30+s13+$0x0] =	vst.idx.add.f32.msk $0xffff, v11  }
0x1a4: {  	v56 =	vadd.s32 v55, v36;
	[tilespmem:v31+s13+$0x0] =	vst.idx.add.f32.msk $0xffff, v11  }
0x1a5: {  	v57 =	vadd.s32 v55, v61;
	[tilespmem:v54+s13+$0x0] =	vst.idx.add.f32.msk $0xffff, v11  }
0x1a6: {  	v27 =	vadd.s32 v27, v55;
	[tilespmem:v44+s13+$0x0] =	vst.idx.add.f32.msk $0xffff, v11  }
0x1a7: {  	v29 =	vshll.u32 v29, $0x4;
	v33 =	vadd.s32 v55, v33;
	[tilespmem:v26+s13+$0x0] =	vst.idx.add.f32.msk $0xffff, v11  }
0x1a8: {  	v58 =	vadd.s32 v29, v39;
	[tilespmem:v32+s13+$0x0] =	vst.idx.add.f32.msk $0xffff, v11  }
0x1a9: {  	v59 =	vadd.s32 v29, v63;
	[tilespmem:v56+s13+$0x0] =	vst.idx.add.f32.msk $0xffff, v11  }
0x1aa: {  	v28 =	vadd.s32 v28, v29;
	[tilespmem:v57+s13+$0x0] =	vst.idx.add.f32.msk $0xffff, v11  }
0x1ab: {  	v29 =	vadd.s32 v29, v36;
	[tilespmem:v27+s13+$0x0] =	vst.idx.add.f32.msk $0xffff, v11  }
0x1ac: {  	[tilespmem:v33+s13+$0x0] =	vst.idx.add.f32.msk $0xffff, v11  }
0x1ad: {  	[tilespmem:v58+s13+$0x0] =	vst.idx.add.f32.msk $0xffff, v11  }
0x1ae: {  	[tilespmem:v59+s13+$0x0] =	vst.idx.add.f32.msk $0xffff, v11  }
0x1af: {  	[tilespmem:v28+s13+$0x0] =	vst.idx.add.f32.msk $0xffff, v11  }
0x1b0: {  	[tilespmem:v29+s13+$0x0] =	vst.idx.add.f32.msk $0xffff, v11  }
0x1b1: {  	v26 =	vld [tilespmem:$0xC4B0]  }
0x1b2: {  	v27 =	vld [tilespmem:$0xC590]  }
0x1b3: {  	v28 =	vld [tilespmem:$0xC670]  }
0x1b4: {  	v29 =	vld [tilespmem:$0xC750]  }
0x1b5: {  	v30 =	vld [tilespmem:$0x187D0]  }
0x1b6: {  	v31 =	vld [tilespmem:$0x187CF]  }
0x1b7: {  	v32 =	vld [tilespmem:$0xC4AF]  }
0x1b8: {  	v33 =	vld [tilespmem:$0xC58F]  }
0x1b9: {  	v60 =	vshll.u32 v18, $0x4;
	v36 =	vld [tilespmem:$0xC66F]  }
0x1ba: {  	v61 =	vadd.s32 v60, v24;
	v39 =	vld [tilespmem:$0xC74F]  }
0x1bb: {  	v62 =	vadd.s32 v60, v52;
	v63 =	vld [tilespmem:$0x187D1]  }
0x1bc: {  	v22 =	vadd.s32 v60, v22;
	v44 =	vld [tilespmem:$0xC4B1]  }
0x1bd: {  	v23 =	vadd.s32 v60, v23;
	v52 =	vshll.u32 v19, $0x4;
	v53 =	vld [tilespmem:$0xC591]  }
0x1be: {  	v54 =	vadd.s32 v52, v25;
	v55 =	vld [tilespmem:$0xC671]  }
0x1bf: {  	v42 =	vadd.s32 v52, v42;
	[tilespmem:v61+s13+$0x0] =	vst.idx.add.f32.msk $0xffff, v11  }
0x1c0: {  	v18 =	vadd.s32 v18, v52;
	[tilespmem:v62+s13+$0x0] =	vst.idx.add.f32.msk $0xffff, v11  }
0x1c1: {  	v24 =	vadd.s32 v52, v24;
	v56 =	vshll.u32 v20, $0x4;
	[tilespmem:v22+s13+$0x0] =	vst.idx.add.f32.msk $0xffff, v11  }
0x1c2: {  	v57 =	vadd.s32 v56, v35;
	[tilespmem:v23+s13+$0x0] =	vst.idx.add.f32.msk $0xffff, v11  }
0x1c3: {  	v58 =	vadd.s32 v56, v43;
	[tilespmem:v54+s13+$0x0] =	vst.idx.add.f32.msk $0xffff, v11  }
0x1c4: {  	v19 =	vadd.s32 v19, v56;
	[tilespmem:v42+s13+$0x0] =	vst.idx.add.f32.msk $0xffff, v11  }
0x1c5: {  	v21 =	vshll.u32 v21, $0x4;
	v25 =	vadd.s32 v56, v25;
	[tilespmem:v18+s13+$0x0] =	vst.idx.add.f32.msk $0xffff, v11  }
0x1c6: {  	v18 =	vadd.s32 v21, v38;
	[tilespmem:v24+s13+$0x0] =	vst.idx.add.f32.msk $0xffff, v11  }
0x1c7: {  	v59 =	vadd.s32 v21, v47;
	[tilespmem:v57+s13+$0x0] =	vst.idx.add.f32.msk $0xffff, v11  }
0x1c8: {  	v20 =	vadd.s32 v20, v21;
	[tilespmem:v58+s13+$0x0] =	vst.idx.add.f32.msk $0xffff, v11  }
0x1c9: {  	v21 =	vadd.s32 v21, v35;
	[tilespmem:v19+s13+$0x0] =	vst.idx.add.f32.msk $0xffff, v11  }
0x1ca: {  	[tilespmem:v25+s13+$0x0] =	vst.idx.add.f32.msk $0xffff, v11  }
0x1cb: {  	[tilespmem:v18+s13+$0x0] =	vst.idx.add.f32.msk $0xffff, v11  }
0x1cc: {  	[tilespmem:v59+s13+$0x0] =	vst.idx.add.f32.msk $0xffff, v11  }
0x1cd: {  	[tilespmem:v20+s13+$0x0] =	vst.idx.add.f32.msk $0xffff, v11  }
0x1ce: {  	[tilespmem:v21+s13+$0x0] =	vst.idx.add.f32.msk $0xffff, v11  }
0x1cf: {  	v18 =	vld [tilespmem:$0xC4C0]  }
0x1d0: {  	v19 =	vld [tilespmem:$0xC5A0]  }
0x1d1: {  	v20 =	vld [tilespmem:$0xC680]  }
0x1d2: {  	v21 =	vld [tilespmem:$0xC760]  }
0x1d3: {  	v22 =	vld [tilespmem:$0x187E0]  }
0x1d4: {  	v23 =	vld [tilespmem:$0x187DF]  }
0x1d5: {  	v24 =	vld [tilespmem:$0xC4BF]  }
0x1d6: {  	v25 =	vld [tilespmem:$0xC59F]  }
0x1d7: {  	v60 =	vshll.u32 v26, $0x4;
	v35 =	vld [tilespmem:$0xC67F]  }
0x1d8: {  	v61 =	vadd.s32 v60, v32;
	v38 =	vld [tilespmem:$0xC75F]  }
0x1d9: {  	v62 =	vadd.s32 v60, v63;
	v63 =	vld [tilespmem:$0x187E1]  }
0x1da: {  	v30 =	vadd.s32 v60, v30;
	v42 =	vld [tilespmem:$0xC4C1]  }
0x1db: {  	v49 =	vshll.u32 v27, $0x4;
	v31 =	vadd.s32 v60, v31;
	v43 =	vld [tilespmem:$0xC5A1]  }
0x1dc: {  	v50 =	vadd.s32 v49, v33;
	v47 =	vld [tilespmem:$0xC681]  }
0x1dd: {  	v44 =	vadd.s32 v49, v44;
	[tilespmem:v61+s13+$0x0] =	vst.idx.add.f32.msk $0xffff, v11  }
0x1de: {  	v26 =	vadd.s32 v26, v49;
	[tilespmem:v62+s13+$0x0] =	vst.idx.add.f32.msk $0xffff, v11  }
0x1df: {  	v51 =	vshll.u32 v28, $0x4;
	v32 =	vadd.s32 v49, v32;
	[tilespmem:v30+s13+$0x0] =	vst.idx.add.f32.msk $0xffff, v11  }
0x1e0: {  	v52 =	vadd.s32 v51, v36;
	[tilespmem:v31+s13+$0x0] =	vst.idx.add.f32.msk $0xffff, v11  }
0x1e1: {  	v53 =	vadd.s32 v51, v53;
	[tilespmem:v50+s13+$0x0] =	vst.idx.add.f32.msk $0xffff, v11  }
0x1e2: {  	v27 =	vadd.s32 v27, v51;
	[tilespmem:v44+s13+$0x0] =	vst.idx.add.f32.msk $0xffff, v11  }
0x1e3: {  	v29 =	vshll.u32 v29, $0x4;
	v33 =	vadd.s32 v51, v33;
	[tilespmem:v26+s13+$0x0] =	vst.idx.add.f32.msk $0xffff, v11  }
0x1e4: {  	v54 =	vadd.s32 v29, v39;
	[tilespmem:v32+s13+$0x0] =	vst.idx.add.f32.msk $0xffff, v11  }
0x1e5: {  	v55 =	vadd.s32 v29, v55;
	[tilespmem:v52+s13+$0x0] =	vst.idx.add.f32.msk $0xffff, v11  }
0x1e6: {  	v28 =	vadd.s32 v28, v29;
	[tilespmem:v53+s13+$0x0] =	vst.idx.add.f32.msk $0xffff, v11  }
0x1e7: {  	v29 =	vadd.s32 v29, v36;
	[tilespmem:v27+s13+$0x0] =	vst.idx.add.f32.msk $0xffff, v11  }
0x1e8: {  	[tilespmem:v33+s13+$0x0] =	vst.idx.add.f32.msk $0xffff, v11  }
0x1e9: {  	[tilespmem:v54+s13+$0x0] =	vst.idx.add.f32.msk $0xffff, v11  }
0x1ea: {  	[tilespmem:v55+s13+$0x0] =	vst.idx.add.f32.msk $0xffff, v11  }
0x1eb: {  	[tilespmem:v28+s13+$0x0] =	vst.idx.add.f32.msk $0xffff, v11  }
0x1ec: {  	[tilespmem:v29+s13+$0x0] =	vst.idx.add.f32.msk $0xffff, v11  }
0x1ed: {  	v26 =	vld [tilespmem:$0xC4D0]  }
0x1ee: {  	v27 =	vld [tilespmem:$0xC5B0]  }
0x1ef: {  	v28 =	vld [tilespmem:$0xC690]  }
0x1f0: {  	v29 =	vld [tilespmem:$0xC770]  }
0x1f1: {  	v30 =	vld [tilespmem:$0x187F0]  }
0x1f2: {  	v31 =	vld [tilespmem:$0x187EF]  }
0x1f3: {  	v32 =	vld [tilespmem:$0xC4CF]  }
0x1f4: {  	v33 =	vld [tilespmem:$0xC5AF]  }
0x1f5: {  	v56 =	vshll.u32 v18, $0x4;
	v36 =	vld [tilespmem:$0xC68F]  }
0x1f6: {  	v57 =	vadd.s32 v56, v24;
	v39 =	vld [tilespmem:$0xC76F]  }
0x1f7: {  	v58 =	vadd.s32 v56, v63;
	v59 =	vld.idx.msk [tilespmem:v5+s12+$0x0], $0xffff  }
0x1f8: {  	v22 =	vadd.s32 v56, v22;
	v44 =	vld.idx.msk [tilespmem:v12+s12+$0x0], $0xffff  }
0x1f9: {  	v60 =	vshll.u32 v19, $0x4;
	v23 =	vadd.s32 v56, v23;
	v61 =	vld.idx.msk [tilespmem:v6+s12+$0x0], $0xffff  }
0x1fa: {  	v62 =	vadd.s32 v60, v25;
	v48 =	vld.idx.msk [tilespmem:v7+s12+$0x0], $0xffff  }
0x1fb: {  	v63 =	vadd.s32 v60, v42;
	[tilespmem:v57+s13+$0x0] =	vst.idx.add.f32.msk $0xffff, v11  }
0x1fc: {  	v18 =	vadd.s32 v18, v60;
	[tilespmem:v58+s13+$0x0] =	vst.idx.add.f32.msk $0xffff, v11  }
0x1fd: {  	v24 =	vadd.s32 v60, v24;
	v42 =	vshll.u32 v20, $0x4;
	[tilespmem:v22+s13+$0x0] =	vst.idx.add.f32.msk $0xffff, v11  }
0x1fe: {  	v49 =	vadd.s32 v42, v35;
	[tilespmem:v23+s13+$0x0] =	vst.idx.add.f32.msk $0xffff, v11  }
0x1ff: {  	v50 =	vadd.s32 v42, v43;
	[tilespmem:v62+s13+$0x0] =	vst.idx.add.f32.msk $0xffff, v11  }
0x200: {  	v19 =	vadd.s32 v19, v42;
	[tilespmem:v63+s13+$0x0] =	vst.idx.add.f32.msk $0xffff, v11  }
0x201: {  	v21 =	vshll.u32 v21, $0x4;
	v25 =	vadd.s32 v42, v25;
	[tilespmem:v18+s13+$0x0] =	vst.idx.add.f32.msk $0xffff, v11  }
0x202: {  	v18 =	vadd.s32 v21, v38;
	[tilespmem:v24+s13+$0x0] =	vst.idx.add.f32.msk $0xffff, v11  }
0x203: {  	v51 =	vadd.s32 v21, v47;
	[tilespmem:v49+s13+$0x0] =	vst.idx.add.f32.msk $0xffff, v11  }
0x204: {  	v20 =	vadd.s32 v20, v21;
	[tilespmem:v50+s13+$0x0] =	vst.idx.add.f32.msk $0xffff, v11  }
0x205: {  	v21 =	vadd.s32 v21, v35;
	[tilespmem:v19+s13+$0x0] =	vst.idx.add.f32.msk $0xffff, v11;
	v19 =	vshll.u32 v26, $0x4  }
0x206: {  	[tilespmem:v25+s13+$0x0] =	vst.idx.add.f32.msk $0xffff, v11;
	v52 =	vadd.s32 v19, v32  }
0x207: {  	[tilespmem:v18+s13+$0x0] =	vst.idx.add.f32.msk $0xffff, v11;
	v18 =	vadd.s32 v19, v59  }
0x208: {  	v53 =	vadd.s32 v19, v30;
	[tilespmem:v51+s13+$0x0] =	vst.idx.add.f32.msk $0xffff, v11  }
0x209: {  	v54 =	vshll.u32 v27, $0x4;
	v19 =	vadd.s32 v19, v31;
	[tilespmem:v20+s13+$0x0] =	vst.idx.add.f32.msk $0xffff, v11  }
0x20a: {  	v55 =	vadd.s32 v54, v33;
	[tilespmem:v21+s13+$0x0] =	vst.idx.add.f32.msk $0xffff, v11  }
0x20b: {  	v56 =	vadd.s32 v54, v44;
	[tilespmem:v52+s13+$0x0] =	vst.idx.add.f32.msk $0xffff, v11  }
0x20c: {  	v57 =	vadd.s32 v26, v54;
	[tilespmem:v18+s13+$0x0] =	vst.idx.add.f32.msk $0xffff, v11  }
0x20d: {  	v58 =	vshll.u32 v28, $0x4;
	v18 =	vadd.s32 v54, v32;
	[tilespmem:v53+s13+$0x0] =	vst.idx.add.f32.msk $0xffff, v11  }
0x20e: {  	v59 =	vadd.s32 v58, v36;
	[tilespmem:v19+s13+$0x0] =	vst.idx.add.f32.msk $0xffff, v11  }
0x20f: {  	v19 =	vadd.s32 v58, v61;
	[tilespmem:v55+s13+$0x0] =	vst.idx.add.f32.msk $0xffff, v11  }
0x210: {  	v60 =	vadd.s32 v27, v58;
	[tilespmem:v56+s13+$0x0] =	vst.idx.add.f32.msk $0xffff, v11  }
0x211: {  	v20 =	vadd.s32 v58, v33;
	v61 =	vshll.u32 v29, $0x4;
	[tilespmem:v57+s13+$0x0] =	vst.idx.add.f32.msk $0xffff, v11  }
0x212: {  	v62 =	vadd.s32 v61, v39;
	[tilespmem:v18+s13+$0x0] =	vst.idx.add.f32.msk $0xffff, v11  }
0x213: {  	v18 =	vadd.s32 v61, v48;
	[tilespmem:v59+s13+$0x0] =	vst.idx.add.f32.msk $0xffff, v11  }
0x214: {  	v63 =	vadd.s32 v28, v61;
	[tilespmem:v19+s13+$0x0] =	vst.idx.add.f32.msk $0xffff, v11  }
0x215: {  	v19 =	vadd.s32 v61, v36;
	[tilespmem:v60+s13+$0x0] =	vst.idx.add.f32.msk $0xffff, v11  }
0x216: {  	[tilespmem:v20+s13+$0x0] =	vst.idx.add.f32.msk $0xffff, v11  }
0x217: {  	[tilespmem:v62+s13+$0x0] =	vst.idx.add.f32.msk $0xffff, v11  }
0x218: {  	[tilespmem:v18+s13+$0x0] =	vst.idx.add.f32.msk $0xffff, v11  }
0x219: {  	[tilespmem:v63+s13+$0x0] =	vst.idx.add.f32.msk $0xffff, v11  }
0x21a: {  	s19 =	simm.s32 $0x620;
	s20 =	simm.s32 $0xC780;
	[tilespmem:v19+s13+$0x0] =	vst.idx.add.f32.msk $0xffff, v11  }
.LBB2_5:
0x21b: {  	v20 =	vld [tilespmem:s20+$0x0]  }
0x21c: {  	v22 =	vld [tilespmem:s20+$0xE0]  }
0x21d: {  	v24 =	vld [tilespmem:s20+$0x2A0]  }
0x21e: {  	v26 =	vld [tilespmem:s20+$0xFFFFFF20]  }
0x21f: {  	v29 =	vld [tilespmem:s20+$0x1]  }
0x220: {  	v30 =	vld [tilespmem:s20+$0xE1]  }
0x221: {  	v31 =	vld [tilespmem:s20+$0x1C1]  }
0x222: {  	v32 =	vld [tilespmem:s20+$0x10]  }
0x223: {  	v33 =	vld [tilespmem:s20+$0xF0]  }
0x224: {  	v34 =	vld [tilespmem:s20+$0x1D0]  }
0x225: {  	s22 =	sadd.s32 $0xFFFFFD60, s19;
	v35 =	vld [tilespmem:s20+$0x2B0]  }
0x226: {  	v19 =	vsel vm0, v1, v13;
	v38 =	vld [tilespmem:s20+$0xF];
	v18 =	vadd.s32 s22, v10  }
0x227: {  	v39 =	vld [tilespmem:s20+$0xEF];
	v19 =	vsel vm1, v9, v19;
	v18 =	vand.u32 $0x1FF80, v18  }
0x228: {  	v41 =	vld [tilespmem:s20+$0x1CF];
	v18 =	vor.u32 v19, v18  }
0x229: {  	v43 =	vld [tilespmem:s20+$0x2AF]  }
0x22a: {  	s21 =	sadd.s32 $0xFFFFFC80, s19;
	v45 =	vld [tilespmem:s20+$0x11]  }
0x22b: {  	s23 =	sadd.s32 $0xFFFFFE40, s19;
	v46 =	vld [tilespmem:s20+$0xF1];
	v21 =	vadd.s32 s21, v10  }
0x22c: {  	v48 =	vld [tilespmem:s20+$0x1D1];
	v23 =	vadd.s32 s23, v10  }
0x22d: {  	s25 =	sor.u32 $0x21, s21;
	v18 =	vld.idx.msk [tilespmem:v18+s12+$0x0], $0xffff  }
0x22e: {  	s30 =	sor.u32 $0x30, s21;
	v28 =	vld [tilespmem:s25+$0xC400]  }
0x22f: {  	s24 =	sadd.s32 $0xFFFFFF20, s19;
	v36 =	vld [tilespmem:s30+$0xC400]  }
0x230: {  	v25 =	vadd.s32 s24, v10;
	v21 =	vld.idx.msk [tilespmem:v21+s12+$0x0], $0xffff  }
0x231: {  	v27 =	vadd.s32 s19, v10;
	s31 =	sor.u32 $0x2F, s21;
	v40 =	vshll.u32 v20, $0x4;
	v23 =	vld.idx.msk [tilespmem:v23+s12+$0x0], $0xffff  }
0x232: {  	s26 =	sor.u32 $0x31, s21;
	v37 =	vld [tilespmem:s31+$0xC400];
	v42 =	vadd.s32 v40, v18  }
0x233: {  	v44 =	vld [tilespmem:s26+$0xC400];
	v28 =	vadd.s32 v40, v28  }
0x234: {  	v19 =	vld [tilespmem:s20+$0x1C0];
	v26 =	vadd.s32 v40, v26  }
0x235: {  	v56 =	vshll.u32 v22, $0x4;
	v25 =	vld.idx.msk [tilespmem:v25+s12+$0x0], $0xffff;
	v21 =	vadd.s32 v40, v21  }
0x236: {  	v27 =	vld.idx.msk [tilespmem:v27+s12+$0x0], $0xffff;
	v47 =	vadd.s32 v56, v23  }
0x237: {  	v29 =	vadd.s32 v56, v29;
	[tilespmem:v42+s13+$0x0] =	vst.idx.add.f32.msk $0xffff, v11  }
0x238: {  	v20 =	vadd.s32 v20, v56;
	[tilespmem:v28+s13+$0x0] =	vst.idx.add.f32.msk $0xffff, v11  }
0x239: {  	v57 =	vshll.u32 v19, $0x4;
	v18 =	vadd.s32 v56, v18;
	[tilespmem:v26+s13+$0x0] =	vst.idx.add.f32.msk $0xffff, v11  }
0x23a: {  	v58 =	vadd.s32 v57, v25;
	[tilespmem:v21+s13+$0x0] =	vst.idx.add.f32.msk $0xffff, v11  }
0x23b: {  	v59 =	vadd.s32 v57, v30;
	[tilespmem:v47+s13+$0x0] =	vst.idx.add.f32.msk $0xffff, v11  }
0x23c: {  	v22 =	vadd.s32 v22, v57;
	[tilespmem:v29+s13+$0x0] =	vst.idx.add.f32.msk $0xffff, v11  }
0x23d: {  	v24 =	vshll.u32 v24, $0x4;
	v23 =	vadd.s32 v57, v23;
	[tilespmem:v20+s13+$0x0] =	vst.idx.add.f32.msk $0xffff, v11  }
0x23e: {  	v60 =	vadd.s32 v24, v27;
	[tilespmem:v18+s13+$0x0] =	vst.idx.add.f32.msk $0xffff, v11  }
0x23f: {  	v18 =	vadd.s32 v24, v31;
	[tilespmem:v58+s13+$0x0] =	vst.idx.add.f32.msk $0xffff, v11  }
0x240: {  	v19 =	vadd.s32 v19, v24;
	[tilespmem:v59+s13+$0x0] =	vst.idx.add.f32.msk $0xffff, v11  }
0x241: {  	v61 =	vadd.s32 v24, v25;
	[tilespmem:v22+s13+$0x0] =	vst.idx.add.f32.msk $0xffff, v11  }
0x242: {  	[tilespmem:v23+s13+$0x0] =	vst.idx.add.f32.msk $0xffff, v11  }
0x243: {  	[tilespmem:v60+s13+$0x0] =	vst.idx.add.f32.msk $0xffff, v11  }
0x244: {  	[tilespmem:v18+s13+$0x0] =	vst.idx.add.f32.msk $0xffff, v11  }
0x245: {  	[tilespmem:v19+s13+$0x0] =	vst.idx.add.f32.msk $0xffff, v11  }
0x246: {  	[tilespmem:v61+s13+$0x0] =	vst.idx.add.f32.msk $0xffff, v11  }
0x247: {  	v18 =	vld [tilespmem:s20+$0x20]  }
0x248: {  	v19 =	vld [tilespmem:s20+$0x100]  }
0x249: {  	v20 =	vld [tilespmem:s20+$0x1E0]  }
0x24a: {  	v21 =	vld [tilespmem:s20+$0x2C0]  }
0x24b: {  	s28 =	sor.u32 $0x3F, s21;
	v22 =	vld [tilespmem:s20+$0xFFFFFF40]  }
0x24c: {  	v23 =	vld [tilespmem:s28+$0xC400]  }
0x24d: {  	v24 =	vld [tilespmem:s20+$0x1F]  }
0x24e: {  	v25 =	vld [tilespmem:s20+$0xFF]  }
0x24f: {  	s25 =	sadd.s32 $0xFFFFFCA0, s19;
	v62 =	vshll.u32 v32, $0x4;
	v27 =	vld [tilespmem:s20+$0x1DF]  }
0x250: {  	s26 =	sor.u32 $0x41, s25;
	v63 =	vadd.s32 v62, v38;
	v29 =	vld [tilespmem:s20+$0x2BF]  }
0x251: {  	v49 =	vadd.s32 v62, v44;
	v50 =	vld [tilespmem:s26+$0xC400]  }
0x252: {  	v36 =	vadd.s32 v62, v36;
	v40 =	vld [tilespmem:s20+$0x21]  }
0x253: {  	v51 =	vshll.u32 v33, $0x4;
	v26 =	vadd.s32 v62, v37;
	v42 =	vld [tilespmem:s20+$0x101]  }
0x254: {  	v52 =	vadd.s32 v51, v39;
	v47 =	vld [tilespmem:s20+$0x1E1]  }
0x255: {  	v45 =	vadd.s32 v51, v45;
	[tilespmem:v63+s13+$0x0] =	vst.idx.add.f32.msk $0xffff, v11  }
0x256: {  	v53 =	vadd.s32 v32, v51;
	[tilespmem:v49+s13+$0x0] =	vst.idx.add.f32.msk $0xffff, v11  }
0x257: {  	v55 =	vshll.u32 v34, $0x4;
	v54 =	vadd.s32 v51, v38;
	[tilespmem:v36+s13+$0x0] =	vst.idx.add.f32.msk $0xffff, v11  }
0x258: {  	v56 =	vadd.s32 v55, v41;
	[tilespmem:v26+s13+$0x0] =	vst.idx.add.f32.msk $0xffff, v11  }
0x259: {  	v57 =	vadd.s32 v55, v46;
	[tilespmem:v52+s13+$0x0] =	vst.idx.add.f32.msk $0xffff, v11  }
0x25a: {  	v33 =	vadd.s32 v33, v55;
	[tilespmem:v45+s13+$0x0] =	vst.idx.add.f32.msk $0xffff, v11  }
0x25b: {  	v35 =	vshll.u32 v35, $0x4;
	v32 =	vadd.s32 v55, v39;
	[tilespmem:v53+s13+$0x0] =	vst.idx.add.f32.msk $0xffff, v11  }
0x25c: {  	v58 =	vadd.s32 v35, v43;
	[tilespmem:v54+s13+$0x0] =	vst.idx.add.f32.msk $0xffff, v11  }
0x25d: {  	v59 =	vadd.s32 v35, v48;
	[tilespmem:v56+s13+$0x0] =	vst.idx.add.f32.msk $0xffff, v11  }
0x25e: {  	v34 =	vadd.s32 v34, v35;
	[tilespmem:v57+s13+$0x0] =	vst.idx.add.f32.msk $0xffff, v11  }
0x25f: {  	v60 =	vadd.s32 v35, v41;
	[tilespmem:v33+s13+$0x0] =	vst.idx.add.f32.msk $0xffff, v11  }
0x260: {  	[tilespmem:v32+s13+$0x0] =	vst.idx.add.f32.msk $0xffff, v11  }
0x261: {  	[tilespmem:v58+s13+$0x0] =	vst.idx.add.f32.msk $0xffff, v11  }
0x262: {  	[tilespmem:v59+s13+$0x0] =	vst.idx.add.f32.msk $0xffff, v11  }
0x263: {  	[tilespmem:v34+s13+$0x0] =	vst.idx.add.f32.msk $0xffff, v11  }
0x264: {  	[tilespmem:v60+s13+$0x0] =	vst.idx.add.f32.msk $0xffff, v11  }
0x265: {  	v26 =	vld [tilespmem:s20+$0x30]  }
0x266: {  	v28 =	vld [tilespmem:s20+$0x110]  }
0x267: {  	v30 =	vld [tilespmem:s20+$0x1F0]  }
0x268: {  	s29 =	sor.u32 $0x50, s25;
	v32 =	vld [tilespmem:s20+$0x2D0]  }
0x269: {  	s30 =	sor.u32 $0x4F, s25;
	v33 =	vld [tilespmem:s29+$0xC400]  }
0x26a: {  	v34 =	vld [tilespmem:s30+$0xC400]  }
0x26b: {  	v35 =	vld [tilespmem:s20+$0x2F]  }
0x26c: {  	v36 =	vld [tilespmem:s20+$0x10F]  }
0x26d: {  	v61 =	vshll.u32 v18, $0x4;
	v38 =	vld [tilespmem:s20+$0x1EF]  }
0x26e: {  	s31 =	sor.u32 $0x51, s25;
	v62 =	vadd.s32 v61, v24;
	v41 =	vld [tilespmem:s20+$0x2CF]  }
0x26f: {  	v31 =	vadd.s32 v61, v50;
	v63 =	vld [tilespmem:s31+$0xC400]  }
0x270: {  	v22 =	vadd.s32 v61, v22;
	v44 =	vld [tilespmem:s20+$0x31]  }
0x271: {  	v52 =	vshll.u32 v19, $0x4;
	v23 =	vadd.s32 v61, v23;
	v45 =	vld [tilespmem:s20+$0x111]  }
0x272: {  	v53 =	vadd.s32 v52, v25;
	v54 =	vld [tilespmem:s20+$0x1F1]  }
0x273: {  	v40 =	vadd.s32 v52, v40;
	[tilespmem:v62+s13+$0x0] =	vst.idx.add.f32.msk $0xffff, v11  }
0x274: {  	v18 =	vadd.s32 v18, v52;
	[tilespmem:v31+s13+$0x0] =	vst.idx.add.f32.msk $0xffff, v11  }
0x275: {  	v55 =	vshll.u32 v20, $0x4;
	v24 =	vadd.s32 v52, v24;
	[tilespmem:v22+s13+$0x0] =	vst.idx.add.f32.msk $0xffff, v11  }
0x276: {  	v56 =	vadd.s32 v55, v27;
	[tilespmem:v23+s13+$0x0] =	vst.idx.add.f32.msk $0xffff, v11  }
0x277: {  	v57 =	vadd.s32 v55, v42;
	[tilespmem:v53+s13+$0x0] =	vst.idx.add.f32.msk $0xffff, v11  }
0x278: {  	v19 =	vadd.s32 v19, v55;
	[tilespmem:v40+s13+$0x0] =	vst.idx.add.f32.msk $0xffff, v11  }
0x279: {  	v21 =	vshll.u32 v21, $0x4;
	v25 =	vadd.s32 v55, v25;
	[tilespmem:v18+s13+$0x0] =	vst.idx.add.f32.msk $0xffff, v11  }
0x27a: {  	v18 =	vadd.s32 v21, v29;
	[tilespmem:v24+s13+$0x0] =	vst.idx.add.f32.msk $0xffff, v11  }
0x27b: {  	v58 =	vadd.s32 v21, v47;
	[tilespmem:v56+s13+$0x0] =	vst.idx.add.f32.msk $0xffff, v11  }
0x27c: {  	v20 =	vadd.s32 v20, v21;
	[tilespmem:v57+s13+$0x0] =	vst.idx.add.f32.msk $0xffff, v11  }
0x27d: {  	v21 =	vadd.s32 v21, v27;
	[tilespmem:v19+s13+$0x0] =	vst.idx.add.f32.msk $0xffff, v11  }
0x27e: {  	[tilespmem:v25+s13+$0x0] =	vst.idx.add.f32.msk $0xffff, v11  }
0x27f: {  	[tilespmem:v18+s13+$0x0] =	vst.idx.add.f32.msk $0xffff, v11  }
0x280: {  	[tilespmem:v58+s13+$0x0] =	vst.idx.add.f32.msk $0xffff, v11  }
0x281: {  	[tilespmem:v20+s13+$0x0] =	vst.idx.add.f32.msk $0xffff, v11  }
0x282: {  	[tilespmem:v21+s13+$0x0] =	vst.idx.add.f32.msk $0xffff, v11  }
0x283: {  	v18 =	vld [tilespmem:s20+$0x40]  }
0x284: {  	v19 =	vld [tilespmem:s20+$0x120]  }
0x285: {  	v20 =	vld [tilespmem:s20+$0x200]  }
0x286: {  	s28 =	sor.u32 $0x60, s21;
	v21 =	vld [tilespmem:s20+$0x2E0]  }
0x287: {  	s25 =	sor.u32 $0x5F, s25;
	v22 =	vld [tilespmem:s28+$0xC400]  }
0x288: {  	v23 =	vld [tilespmem:s25+$0xC400]  }
0x289: {  	v24 =	vld [tilespmem:s20+$0x3F]  }
0x28a: {  	v25 =	vld [tilespmem:s20+$0x11F]  }
0x28b: {  	v59 =	vshll.u32 v26, $0x4;
	v29 =	vld [tilespmem:s20+$0x1FF]  }
0x28c: {  	s29 =	sor.u32 $0x61, s21;
	v60 =	vadd.s32 v59, v35;
	v37 =	vld [tilespmem:s20+$0x2DF]  }
0x28d: {  	v61 =	vadd.s32 v59, v63;
	v40 =	vld [tilespmem:s29+$0xC400]  }
0x28e: {  	v33 =	vadd.s32 v59, v33;
	v42 =	vld [tilespmem:s20+$0x41]  }
0x28f: {  	v62 =	vshll.u32 v28, $0x4;
	v27 =	vadd.s32 v59, v34;
	v43 =	vld [tilespmem:s20+$0x121]  }
0x290: {  	v63 =	vadd.s32 v62, v36;
	v47 =	vld [tilespmem:s20+$0x201]  }
0x291: {  	v44 =	vadd.s32 v62, v44;
	[tilespmem:v60+s13+$0x0] =	vst.idx.add.f32.msk $0xffff, v11  }
0x292: {  	v26 =	vadd.s32 v26, v62;
	[tilespmem:v61+s13+$0x0] =	vst.idx.add.f32.msk $0xffff, v11  }
0x293: {  	v50 =	vshll.u32 v30, $0x4;
	v49 =	vadd.s32 v62, v35;
	[tilespmem:v33+s13+$0x0] =	vst.idx.add.f32.msk $0xffff, v11  }
0x294: {  	v51 =	vadd.s32 v50, v38;
	[tilespmem:v27+s13+$0x0] =	vst.idx.add.f32.msk $0xffff, v11  }
0x295: {  	v52 =	vadd.s32 v50, v45;
	[tilespmem:v63+s13+$0x0] =	vst.idx.add.f32.msk $0xffff, v11  }
0x296: {  	v28 =	vadd.s32 v28, v50;
	[tilespmem:v44+s13+$0x0] =	vst.idx.add.f32.msk $0xffff, v11  }
0x297: {  	v32 =	vshll.u32 v32, $0x4;
	v34 =	vadd.s32 v50, v36;
	[tilespmem:v26+s13+$0x0] =	vst.idx.add.f32.msk $0xffff, v11  }
0x298: {  	v53 =	vadd.s32 v32, v41;
	[tilespmem:v49+s13+$0x0] =	vst.idx.add.f32.msk $0xffff, v11  }
0x299: {  	v54 =	vadd.s32 v32, v54;
	[tilespmem:v51+s13+$0x0] =	vst.idx.add.f32.msk $0xffff, v11  }
0x29a: {  	v30 =	vadd.s32 v30, v32;
	[tilespmem:v52+s13+$0x0] =	vst.idx.add.f32.msk $0xffff, v11  }
0x29b: {  	v55 =	vadd.s32 v32, v38;
	[tilespmem:v28+s13+$0x0] =	vst.idx.add.f32.msk $0xffff, v11  }
0x29c: {  	[tilespmem:v34+s13+$0x0] =	vst.idx.add.f32.msk $0xffff, v11  }
0x29d: {  	[tilespmem:v53+s13+$0x0] =	vst.idx.add.f32.msk $0xffff, v11  }
0x29e: {  	[tilespmem:v54+s13+$0x0] =	vst.idx.add.f32.msk $0xffff, v11  }
0x29f: {  	[tilespmem:v30+s13+$0x0] =	vst.idx.add.f32.msk $0xffff, v11  }
0x2a0: {  	[tilespmem:v55+s13+$0x0] =	vst.idx.add.f32.msk $0xffff, v11  }
0x2a1: {  	v26 =	vld [tilespmem:s20+$0x50]  }
0x2a2: {  	v27 =	vld [tilespmem:s20+$0x130]  }
0x2a3: {  	v28 =	vld [tilespmem:s20+$0x210]  }
0x2a4: {  	s30 =	sor.u32 $0x70, s21;
	v30 =	vld [tilespmem:s20+$0x2F0]  }
0x2a5: {  	s31 =	sor.u32 $0x6F, s21;
	v31 =	vld [tilespmem:s30+$0xC400]  }
0x2a6: {  	v56 =	vld [tilespmem:s31+$0xC400]  }
0x2a7: {  	v33 =	vld [tilespmem:s20+$0x4F]  }
0x2a8: {  	v34 =	vld [tilespmem:s20+$0x12F]  }
0x2a9: {  	v57 =	vshll.u32 v18, $0x4;
	v36 =	vld [tilespmem:s20+$0x20F]  }
0x2aa: {  	s26 =	sor.u32 $0x71, s21;
	v58 =	vadd.s32 v57, v24;
	v39 =	vld [tilespmem:s20+$0x2EF]  }
0x2ab: {  	v40 =	vadd.s32 v57, v40;
	v59 =	vld [tilespmem:s26+$0xC400]  }
0x2ac: {  	v22 =	vadd.s32 v57, v22;
	v44 =	vld [tilespmem:s20+$0x51]  }
0x2ad: {  	v60 =	vshll.u32 v19, $0x4;
	v23 =	vadd.s32 v57, v23;
	v61 =	vld [tilespmem:s20+$0x131]  }
0x2ae: {  	v62 =	vadd.s32 v60, v25;
	v63 =	vld [tilespmem:s20+$0x211]  }
0x2af: {  	v42 =	vadd.s32 v60, v42;
	[tilespmem:v58+s13+$0x0] =	vst.idx.add.f32.msk $0xffff, v11  }
0x2b0: {  	v18 =	vadd.s32 v18, v60;
	[tilespmem:v40+s13+$0x0] =	vst.idx.add.f32.msk $0xffff, v11  }
0x2b1: {  	v38 =	vshll.u32 v20, $0x4;
	v24 =	vadd.s32 v60, v24;
	[tilespmem:v22+s13+$0x0] =	vst.idx.add.f32.msk $0xffff, v11  }
0x2b2: {  	v40 =	vadd.s32 v38, v29;
	[tilespmem:v23+s13+$0x0] =	vst.idx.add.f32.msk $0xffff, v11  }
0x2b3: {  	v43 =	vadd.s32 v38, v43;
	[tilespmem:v62+s13+$0x0] =	vst.idx.add.f32.msk $0xffff, v11  }
0x2b4: {  	v19 =	vadd.s32 v19, v38;
	[tilespmem:v42+s13+$0x0] =	vst.idx.add.f32.msk $0xffff, v11  }
0x2b5: {  	v21 =	vshll.u32 v21, $0x4;
	v25 =	vadd.s32 v38, v25;
	[tilespmem:v18+s13+$0x0] =	vst.idx.add.f32.msk $0xffff, v11  }
0x2b6: {  	v18 =	vadd.s32 v21, v37;
	[tilespmem:v24+s13+$0x0] =	vst.idx.add.f32.msk $0xffff, v11  }
0x2b7: {  	v46 =	vadd.s32 v21, v47;
	[tilespmem:v40+s13+$0x0] =	vst.idx.add.f32.msk $0xffff, v11  }
0x2b8: {  	v20 =	vadd.s32 v20, v21;
	[tilespmem:v43+s13+$0x0] =	vst.idx.add.f32.msk $0xffff, v11  }
0x2b9: {  	v21 =	vadd.s32 v21, v29;
	[tilespmem:v19+s13+$0x0] =	vst.idx.add.f32.msk $0xffff, v11  }
0x2ba: {  	[tilespmem:v25+s13+$0x0] =	vst.idx.add.f32.msk $0xffff, v11  }
0x2bb: {  	[tilespmem:v18+s13+$0x0] =	vst.idx.add.f32.msk $0xffff, v11  }
0x2bc: {  	[tilespmem:v46+s13+$0x0] =	vst.idx.add.f32.msk $0xffff, v11  }
0x2bd: {  	[tilespmem:v20+s13+$0x0] =	vst.idx.add.f32.msk $0xffff, v11  }
0x2be: {  	[tilespmem:v21+s13+$0x0] =	vst.idx.add.f32.msk $0xffff, v11  }
0x2bf: {  	v18 =	vld [tilespmem:s20+$0x60]  }
0x2c0: {  	v19 =	vld [tilespmem:s20+$0x140]  }
0x2c1: {  	v20 =	vld [tilespmem:s20+$0x220]  }
0x2c2: {  	v21 =	vld [tilespmem:s20+$0x300]  }
0x2c3: {  	s28 =	sor.u32 $0x7F, s21;
	v22 =	vld [tilespmem:s20+$0xFFFFFF80]  }
0x2c4: {  	v23 =	vld [tilespmem:s28+$0xC400]  }
0x2c5: {  	v24 =	vld [tilespmem:s20+$0x5F]  }
0x2c6: {  	v25 =	vld [tilespmem:s20+$0x13F]  }
0x2c7: {  	v47 =	vshll.u32 v26, $0x4;
	v35 =	vld [tilespmem:s20+$0x21F]  }
0x2c8: {  	v49 =	vadd.s32 v47, v33;
	v38 =	vld [tilespmem:s20+$0x2FF]  }
0x2c9: {  	v50 =	vadd.s32 v47, v59;
	v51 =	vld [tilespmem:s20+$0xFFFFFF81]  }
0x2ca: {  	v31 =	vadd.s32 v47, v31;
	v42 =	vld [tilespmem:s20+$0x61]  }
0x2cb: {  	v52 =	vshll.u32 v27, $0x4;
	v29 =	vadd.s32 v47, v56;
	v43 =	vld [tilespmem:s20+$0x141]  }
0x2cc: {  	v53 =	vadd.s32 v52, v34;
	v47 =	vld [tilespmem:s20+$0x221]  }
0x2cd: {  	v44 =	vadd.s32 v52, v44;
	[tilespmem:v49+s13+$0x0] =	vst.idx.add.f32.msk $0xffff, v11  }
0x2ce: {  	v26 =	vadd.s32 v26, v52;
	[tilespmem:v50+s13+$0x0] =	vst.idx.add.f32.msk $0xffff, v11  }
0x2cf: {  	v54 =	vshll.u32 v28, $0x4;
	v32 =	vadd.s32 v52, v33;
	[tilespmem:v31+s13+$0x0] =	vst.idx.add.f32.msk $0xffff, v11  }
0x2d0: {  	v55 =	vadd.s32 v54, v36;
	[tilespmem:v29+s13+$0x0] =	vst.idx.add.f32.msk $0xffff, v11  }
0x2d1: {  	v56 =	vadd.s32 v54, v61;
	[tilespmem:v53+s13+$0x0] =	vst.idx.add.f32.msk $0xffff, v11  }
0x2d2: {  	v27 =	vadd.s32 v27, v54;
	[tilespmem:v44+s13+$0x0] =	vst.idx.add.f32.msk $0xffff, v11  }
0x2d3: {  	v30 =	vshll.u32 v30, $0x4;
	v33 =	vadd.s32 v54, v34;
	[tilespmem:v26+s13+$0x0] =	vst.idx.add.f32.msk $0xffff, v11  }
0x2d4: {  	v57 =	vadd.s32 v30, v39;
	[tilespmem:v32+s13+$0x0] =	vst.idx.add.f32.msk $0xffff, v11  }
0x2d5: {  	v58 =	vadd.s32 v30, v63;
	[tilespmem:v55+s13+$0x0] =	vst.idx.add.f32.msk $0xffff, v11  }
0x2d6: {  	v28 =	vadd.s32 v28, v30;
	[tilespmem:v56+s13+$0x0] =	vst.idx.add.f32.msk $0xffff, v11  }
0x2d7: {  	v59 =	vadd.s32 v30, v36;
	[tilespmem:v27+s13+$0x0] =	vst.idx.add.f32.msk $0xffff, v11  }
0x2d8: {  	[tilespmem:v33+s13+$0x0] =	vst.idx.add.f32.msk $0xffff, v11  }
0x2d9: {  	[tilespmem:v57+s13+$0x0] =	vst.idx.add.f32.msk $0xffff, v11  }
0x2da: {  	[tilespmem:v58+s13+$0x0] =	vst.idx.add.f32.msk $0xffff, v11  }
0x2db: {  	[tilespmem:v28+s13+$0x0] =	vst.idx.add.f32.msk $0xffff, v11  }
0x2dc: {  	[tilespmem:v59+s13+$0x0] =	vst.idx.add.f32.msk $0xffff, v11  }
0x2dd: {  	v26 =	vld [tilespmem:s20+$0x70]  }
0x2de: {  	v27 =	vld [tilespmem:s20+$0x150]  }
0x2df: {  	v28 =	vld [tilespmem:s20+$0x230]  }
0x2e0: {  	v29 =	vld [tilespmem:s20+$0x310]  }
0x2e1: {  	v30 =	vld [tilespmem:s20+$0xFFFFFF90]  }
0x2e2: {  	v31 =	vld [tilespmem:s20+$0xFFFFFF8F]  }
0x2e3: {  	v32 =	vld [tilespmem:s20+$0x6F]  }
0x2e4: {  	v33 =	vld [tilespmem:s20+$0x14F]  }
0x2e5: {  	v60 =	vshll.u32 v18, $0x4;
	v36 =	vld [tilespmem:s20+$0x22F]  }
0x2e6: {  	v61 =	vadd.s32 v60, v24;
	v39 =	vld [tilespmem:s20+$0x30F]  }
0x2e7: {  	v62 =	vadd.s32 v60, v51;
	v63 =	vld [tilespmem:s20+$0xFFFFFF91]  }
0x2e8: {  	v22 =	vadd.s32 v60, v22;
	v44 =	vld [tilespmem:s20+$0x71]  }
0x2e9: {  	v52 =	vshll.u32 v19, $0x4;
	v23 =	vadd.s32 v60, v23;
	v53 =	vld [tilespmem:s20+$0x151]  }
0x2ea: {  	v54 =	vadd.s32 v52, v25;
	v55 =	vld [tilespmem:s20+$0x231]  }
0x2eb: {  	v42 =	vadd.s32 v52, v42;
	[tilespmem:v61+s13+$0x0] =	vst.idx.add.f32.msk $0xffff, v11  }
0x2ec: {  	v18 =	vadd.s32 v18, v52;
	[tilespmem:v62+s13+$0x0] =	vst.idx.add.f32.msk $0xffff, v11  }
0x2ed: {  	v24 =	vadd.s32 v52, v24;
	v56 =	vshll.u32 v20, $0x4;
	[tilespmem:v22+s13+$0x0] =	vst.idx.add.f32.msk $0xffff, v11  }
0x2ee: {  	v57 =	vadd.s32 v56, v35;
	[tilespmem:v23+s13+$0x0] =	vst.idx.add.f32.msk $0xffff, v11  }
0x2ef: {  	v58 =	vadd.s32 v56, v43;
	[tilespmem:v54+s13+$0x0] =	vst.idx.add.f32.msk $0xffff, v11  }
0x2f0: {  	v19 =	vadd.s32 v19, v56;
	[tilespmem:v42+s13+$0x0] =	vst.idx.add.f32.msk $0xffff, v11  }
0x2f1: {  	v21 =	vshll.u32 v21, $0x4;
	v25 =	vadd.s32 v56, v25;
	[tilespmem:v18+s13+$0x0] =	vst.idx.add.f32.msk $0xffff, v11  }
0x2f2: {  	v18 =	vadd.s32 v21, v38;
	[tilespmem:v24+s13+$0x0] =	vst.idx.add.f32.msk $0xffff, v11  }
0x2f3: {  	v59 =	vadd.s32 v21, v47;
	[tilespmem:v57+s13+$0x0] =	vst.idx.add.f32.msk $0xffff, v11  }
0x2f4: {  	v20 =	vadd.s32 v20, v21;
	[tilespmem:v58+s13+$0x0] =	vst.idx.add.f32.msk $0xffff, v11  }
0x2f5: {  	v21 =	vadd.s32 v21, v35;
	[tilespmem:v19+s13+$0x0] =	vst.idx.add.f32.msk $0xffff, v11  }
0x2f6: {  	[tilespmem:v25+s13+$0x0] =	vst.idx.add.f32.msk $0xffff, v11  }
0x2f7: {  	[tilespmem:v18+s13+$0x0] =	vst.idx.add.f32.msk $0xffff, v11  }
0x2f8: {  	[tilespmem:v59+s13+$0x0] =	vst.idx.add.f32.msk $0xffff, v11  }
0x2f9: {  	[tilespmem:v20+s13+$0x0] =	vst.idx.add.f32.msk $0xffff, v11  }
0x2fa: {  	[tilespmem:v21+s13+$0x0] =	vst.idx.add.f32.msk $0xffff, v11  }
0x2fb: {  	v18 =	vld [tilespmem:s20+$0x80]  }
0x2fc: {  	v19 =	vld [tilespmem:s20+$0x160]  }
0x2fd: {  	v20 =	vld [tilespmem:s20+$0x240]  }
0x2fe: {  	v21 =	vld [tilespmem:s20+$0x320]  }
0x2ff: {  	v22 =	vld [tilespmem:s20+$0xFFFFFFA0]  }
0x300: {  	v23 =	vld [tilespmem:s20+$0xFFFFFF9F]  }
0x301: {  	v24 =	vld [tilespmem:s20+$0x7F]  }
0x302: {  	v25 =	vld [tilespmem:s20+$0x15F]  }
0x303: {  	v60 =	vshll.u32 v26, $0x4;
	v35 =	vld [tilespmem:s20+$0x23F]  }
0x304: {  	v61 =	vadd.s32 v60, v32;
	v38 =	vld [tilespmem:s20+$0x31F]  }
0x305: {  	v62 =	vadd.s32 v60, v63;
	v63 =	vld [tilespmem:s20+$0xFFFFFFA1]  }
0x306: {  	v30 =	vadd.s32 v60, v30;
	v42 =	vld [tilespmem:s20+$0x81]  }
0x307: {  	v49 =	vshll.u32 v27, $0x4;
	v31 =	vadd.s32 v60, v31;
	v43 =	vld [tilespmem:s20+$0x161]  }
0x308: {  	v50 =	vadd.s32 v49, v33;
	v47 =	vld [tilespmem:s20+$0x241]  }
0x309: {  	v44 =	vadd.s32 v49, v44;
	[tilespmem:v61+s13+$0x0] =	vst.idx.add.f32.msk $0xffff, v11  }
0x30a: {  	v26 =	vadd.s32 v26, v49;
	[tilespmem:v62+s13+$0x0] =	vst.idx.add.f32.msk $0xffff, v11  }
0x30b: {  	v51 =	vshll.u32 v28, $0x4;
	v32 =	vadd.s32 v49, v32;
	[tilespmem:v30+s13+$0x0] =	vst.idx.add.f32.msk $0xffff, v11  }
0x30c: {  	v52 =	vadd.s32 v51, v36;
	[tilespmem:v31+s13+$0x0] =	vst.idx.add.f32.msk $0xffff, v11  }
0x30d: {  	v53 =	vadd.s32 v51, v53;
	[tilespmem:v50+s13+$0x0] =	vst.idx.add.f32.msk $0xffff, v11  }
0x30e: {  	v27 =	vadd.s32 v27, v51;
	[tilespmem:v44+s13+$0x0] =	vst.idx.add.f32.msk $0xffff, v11  }
0x30f: {  	v29 =	vshll.u32 v29, $0x4;
	v33 =	vadd.s32 v51, v33;
	[tilespmem:v26+s13+$0x0] =	vst.idx.add.f32.msk $0xffff, v11  }
0x310: {  	v54 =	vadd.s32 v29, v39;
	[tilespmem:v32+s13+$0x0] =	vst.idx.add.f32.msk $0xffff, v11  }
0x311: {  	v55 =	vadd.s32 v29, v55;
	[tilespmem:v52+s13+$0x0] =	vst.idx.add.f32.msk $0xffff, v11  }
0x312: {  	v28 =	vadd.s32 v28, v29;
	[tilespmem:v53+s13+$0x0] =	vst.idx.add.f32.msk $0xffff, v11  }
0x313: {  	v29 =	vadd.s32 v29, v36;
	[tilespmem:v27+s13+$0x0] =	vst.idx.add.f32.msk $0xffff, v11  }
0x314: {  	[tilespmem:v33+s13+$0x0] =	vst.idx.add.f32.msk $0xffff, v11  }
0x315: {  	[tilespmem:v54+s13+$0x0] =	vst.idx.add.f32.msk $0xffff, v11  }
0x316: {  	[tilespmem:v55+s13+$0x0] =	vst.idx.add.f32.msk $0xffff, v11  }
0x317: {  	[tilespmem:v28+s13+$0x0] =	vst.idx.add.f32.msk $0xffff, v11  }
0x318: {  	[tilespmem:v29+s13+$0x0] =	vst.idx.add.f32.msk $0xffff, v11  }
0x319: {  	v26 =	vld [tilespmem:s20+$0x90]  }
0x31a: {  	v27 =	vld [tilespmem:s20+$0x170]  }
0x31b: {  	v28 =	vld [tilespmem:s20+$0x250]  }
0x31c: {  	v29 =	vld [tilespmem:s20+$0x330]  }
0x31d: {  	v30 =	vld [tilespmem:s20+$0xFFFFFFB0]  }
0x31e: {  	v31 =	vld [tilespmem:s20+$0xFFFFFFAF]  }
0x31f: {  	v32 =	vld [tilespmem:s20+$0x8F]  }
0x320: {  	v33 =	vld [tilespmem:s20+$0x16F]  }
0x321: {  	v56 =	vshll.u32 v18, $0x4;
	v36 =	vld [tilespmem:s20+$0x24F]  }
0x322: {  	v57 =	vadd.s32 v56, v24;
	v39 =	vld [tilespmem:s20+$0x32F]  }
0x323: {  	v58 =	vadd.s32 v56, v63;
	v59 =	vld [tilespmem:s20+$0xFFFFFFB1]  }
0x324: {  	v22 =	vadd.s32 v56, v22;
	v44 =	vld [tilespmem:s20+$0x91]  }
0x325: {  	v60 =	vshll.u32 v19, $0x4;
	v23 =	vadd.s32 v56, v23;
	v61 =	vld [tilespmem:s20+$0x171]  }
0x326: {  	v62 =	vadd.s32 v60, v25;
	v63 =	vld [tilespmem:s20+$0x251]  }
0x327: {  	v42 =	vadd.s32 v60, v42;
	[tilespmem:v57+s13+$0x0] =	vst.idx.add.f32.msk $0xffff, v11  }
0x328: {  	v18 =	vadd.s32 v18, v60;
	[tilespmem:v58+s13+$0x0] =	vst.idx.add.f32.msk $0xffff, v11  }
0x329: {  	v37 =	vshll.u32 v20, $0x4;
	v24 =	vadd.s32 v60, v24;
	[tilespmem:v22+s13+$0x0] =	vst.idx.add.f32.msk $0xffff, v11  }
0x32a: {  	v40 =	vadd.s32 v37, v35;
	[tilespmem:v23+s13+$0x0] =	vst.idx.add.f32.msk $0xffff, v11  }
0x32b: {  	v43 =	vadd.s32 v37, v43;
	[tilespmem:v62+s13+$0x0] =	vst.idx.add.f32.msk $0xffff, v11  }
0x32c: {  	v19 =	vadd.s32 v19, v37;
	[tilespmem:v42+s13+$0x0] =	vst.idx.add.f32.msk $0xffff, v11  }
0x32d: {  	v21 =	vshll.u32 v21, $0x4;
	v25 =	vadd.s32 v37, v25;
	[tilespmem:v18+s13+$0x0] =	vst.idx.add.f32.msk $0xffff, v11  }
0x32e: {  	v18 =	vadd.s32 v21, v38;
	[tilespmem:v24+s13+$0x0] =	vst.idx.add.f32.msk $0xffff, v11  }
0x32f: {  	v47 =	vadd.s32 v21, v47;
	[tilespmem:v40+s13+$0x0] =	vst.idx.add.f32.msk $0xffff, v11  }
0x330: {  	v20 =	vadd.s32 v20, v21;
	[tilespmem:v43+s13+$0x0] =	vst.idx.add.f32.msk $0xffff, v11  }
0x331: {  	v21 =	vadd.s32 v21, v35;
	[tilespmem:v19+s13+$0x0] =	vst.idx.add.f32.msk $0xffff, v11  }
0x332: {  	[tilespmem:v25+s13+$0x0] =	vst.idx.add.f32.msk $0xffff, v11  }
0x333: {  	[tilespmem:v18+s13+$0x0] =	vst.idx.add.f32.msk $0xffff, v11  }
0x334: {  	[tilespmem:v47+s13+$0x0] =	vst.idx.add.f32.msk $0xffff, v11  }
0x335: {  	[tilespmem:v20+s13+$0x0] =	vst.idx.add.f32.msk $0xffff, v11  }
0x336: {  	[tilespmem:v21+s13+$0x0] =	vst.idx.add.f32.msk $0xffff, v11  }
0x337: {  	v18 =	vld [tilespmem:s20+$0xA0]  }
0x338: {  	v19 =	vld [tilespmem:s20+$0x180]  }
0x339: {  	v20 =	vld [tilespmem:s20+$0x260]  }
0x33a: {  	v21 =	vld [tilespmem:s20+$0x340]  }
0x33b: {  	v22 =	vld [tilespmem:s20+$0xFFFFFFC0]  }
0x33c: {  	v23 =	vld [tilespmem:s20+$0xFFFFFFBF]  }
0x33d: {  	v24 =	vld [tilespmem:s20+$0x9F]  }
0x33e: {  	v25 =	vld [tilespmem:s20+$0x17F]  }
0x33f: {  	s25 =	sadd.s32 $0xFFFFFD20, s19;
	v49 =	vshll.u32 v26, $0x4;
	v35 =	vld [tilespmem:s20+$0x25F]  }
0x340: {  	s29 =	sor.u32 $0x41, s25;
	v50 =	vadd.s32 v49, v32;
	v38 =	vld [tilespmem:s20+$0x33F]  }
0x341: {  	v51 =	vadd.s32 v49, v59;
	v52 =	vld [tilespmem:s29+$0xC400]  }
0x342: {  	v30 =	vadd.s32 v49, v30;
	v42 =	vld [tilespmem:s20+$0xA1]  }
0x343: {  	v53 =	vshll.u32 v27, $0x4;
	v31 =	vadd.s32 v49, v31;
	v43 =	vld [tilespmem:s20+$0x181]  }
0x344: {  	v54 =	vadd.s32 v53, v33;
	v47 =	vld [tilespmem:s20+$0x261]  }
0x345: {  	v44 =	vadd.s32 v53, v44;
	[tilespmem:v50+s13+$0x0] =	vst.idx.add.f32.msk $0xffff, v11  }
0x346: {  	v26 =	vadd.s32 v26, v53;
	[tilespmem:v51+s13+$0x0] =	vst.idx.add.f32.msk $0xffff, v11  }
0x347: {  	v55 =	vshll.u32 v28, $0x4;
	v32 =	vadd.s32 v53, v32;
	[tilespmem:v30+s13+$0x0] =	vst.idx.add.f32.msk $0xffff, v11  }
0x348: {  	v56 =	vadd.s32 v55, v36;
	[tilespmem:v31+s13+$0x0] =	vst.idx.add.f32.msk $0xffff, v11  }
0x349: {  	v57 =	vadd.s32 v55, v61;
	[tilespmem:v54+s13+$0x0] =	vst.idx.add.f32.msk $0xffff, v11  }
0x34a: {  	v27 =	vadd.s32 v27, v55;
	[tilespmem:v44+s13+$0x0] =	vst.idx.add.f32.msk $0xffff, v11  }
0x34b: {  	v29 =	vshll.u32 v29, $0x4;
	v33 =	vadd.s32 v55, v33;
	[tilespmem:v26+s13+$0x0] =	vst.idx.add.f32.msk $0xffff, v11  }
0x34c: {  	v58 =	vadd.s32 v29, v39;
	[tilespmem:v32+s13+$0x0] =	vst.idx.add.f32.msk $0xffff, v11  }
0x34d: {  	v59 =	vadd.s32 v29, v63;
	[tilespmem:v56+s13+$0x0] =	vst.idx.add.f32.msk $0xffff, v11  }
0x34e: {  	v28 =	vadd.s32 v28, v29;
	[tilespmem:v57+s13+$0x0] =	vst.idx.add.f32.msk $0xffff, v11  }
0x34f: {  	v29 =	vadd.s32 v29, v36;
	[tilespmem:v27+s13+$0x0] =	vst.idx.add.f32.msk $0xffff, v11  }
0x350: {  	[tilespmem:v33+s13+$0x0] =	vst.idx.add.f32.msk $0xffff, v11  }
0x351: {  	[tilespmem:v58+s13+$0x0] =	vst.idx.add.f32.msk $0xffff, v11  }
0x352: {  	[tilespmem:v59+s13+$0x0] =	vst.idx.add.f32.msk $0xffff, v11  }
0x353: {  	[tilespmem:v28+s13+$0x0] =	vst.idx.add.f32.msk $0xffff, v11  }
0x354: {  	[tilespmem:v29+s13+$0x0] =	vst.idx.add.f32.msk $0xffff, v11  }
0x355: {  	v26 =	vld [tilespmem:s20+$0xB0]  }
0x356: {  	v27 =	vld [tilespmem:s20+$0x190]  }
0x357: {  	v28 =	vld [tilespmem:s20+$0x270]  }
0x358: {  	s30 =	sor.u32 $0x50, s25;
	v29 =	vld [tilespmem:s20+$0x350]  }
0x359: {  	s31 =	sor.u32 $0x4F, s25;
	v30 =	vld [tilespmem:s30+$0xC400]  }
0x35a: {  	v31 =	vld [tilespmem:s31+$0xC400]  }
0x35b: {  	v32 =	vld [tilespmem:s20+$0xAF]  }
0x35c: {  	v33 =	vld [tilespmem:s20+$0x18F]  }
0x35d: {  	v60 =	vshll.u32 v18, $0x4;
	v36 =	vld [tilespmem:s20+$0x26F]  }
0x35e: {  	s28 =	sor.u32 $0x51, s25;
	v61 =	vadd.s32 v60, v24;
	v39 =	vld [tilespmem:s20+$0x34F]  }
0x35f: {  	v62 =	vadd.s32 v60, v52;
	v63 =	vld [tilespmem:s28+$0xC400]  }
0x360: {  	v22 =	vadd.s32 v60, v22;
	v44 =	vld [tilespmem:s20+$0xB1]  }
0x361: {  	v23 =	vadd.s32 v60, v23;
	v52 =	vshll.u32 v19, $0x4;
	v53 =	vld [tilespmem:s20+$0x191]  }
0x362: {  	v54 =	vadd.s32 v52, v25;
	v55 =	vld [tilespmem:s20+$0x271]  }
0x363: {  	v42 =	vadd.s32 v52, v42;
	[tilespmem:v61+s13+$0x0] =	vst.idx.add.f32.msk $0xffff, v11  }
0x364: {  	v18 =	vadd.s32 v18, v52;
	[tilespmem:v62+s13+$0x0] =	vst.idx.add.f32.msk $0xffff, v11  }
0x365: {  	v24 =	vadd.s32 v52, v24;
	v56 =	vshll.u32 v20, $0x4;
	[tilespmem:v22+s13+$0x0] =	vst.idx.add.f32.msk $0xffff, v11  }
0x366: {  	v57 =	vadd.s32 v56, v35;
	[tilespmem:v23+s13+$0x0] =	vst.idx.add.f32.msk $0xffff, v11  }
0x367: {  	v58 =	vadd.s32 v56, v43;
	[tilespmem:v54+s13+$0x0] =	vst.idx.add.f32.msk $0xffff, v11  }
0x368: {  	v19 =	vadd.s32 v19, v56;
	[tilespmem:v42+s13+$0x0] =	vst.idx.add.f32.msk $0xffff, v11  }
0x369: {  	v21 =	vshll.u32 v21, $0x4;
	v25 =	vadd.s32 v56, v25;
	[tilespmem:v18+s13+$0x0] =	vst.idx.add.f32.msk $0xffff, v11  }
0x36a: {  	v18 =	vadd.s32 v21, v38;
	[tilespmem:v24+s13+$0x0] =	vst.idx.add.f32.msk $0xffff, v11  }
0x36b: {  	v59 =	vadd.s32 v21, v47;
	[tilespmem:v57+s13+$0x0] =	vst.idx.add.f32.msk $0xffff, v11  }
0x36c: {  	v20 =	vadd.s32 v20, v21;
	[tilespmem:v58+s13+$0x0] =	vst.idx.add.f32.msk $0xffff, v11  }
0x36d: {  	v21 =	vadd.s32 v21, v35;
	[tilespmem:v19+s13+$0x0] =	vst.idx.add.f32.msk $0xffff, v11  }
0x36e: {  	[tilespmem:v25+s13+$0x0] =	vst.idx.add.f32.msk $0xffff, v11  }
0x36f: {  	[tilespmem:v18+s13+$0x0] =	vst.idx.add.f32.msk $0xffff, v11  }
0x370: {  	[tilespmem:v59+s13+$0x0] =	vst.idx.add.f32.msk $0xffff, v11  }
0x371: {  	[tilespmem:v20+s13+$0x0] =	vst.idx.add.f32.msk $0xffff, v11  }
0x372: {  	[tilespmem:v21+s13+$0x0] =	vst.idx.add.f32.msk $0xffff, v11  }
0x373: {  	v18 =	vld [tilespmem:s20+$0xC0]  }
0x374: {  	v19 =	vld [tilespmem:s20+$0x1A0]  }
0x375: {  	v20 =	vld [tilespmem:s20+$0x280]  }
0x376: {  	v21 =	vld [tilespmem:s20+$0x360]  }
0x377: {  	s25 =	sor.u32 $0x5F, s25;
	v22 =	vld [tilespmem:s20+$0xFFFFFFE0]  }
0x378: {  	v23 =	vld [tilespmem:s25+$0xC400]  }
0x379: {  	v24 =	vld [tilespmem:s20+$0xBF]  }
0x37a: {  	v25 =	vld [tilespmem:s20+$0x19F]  }
0x37b: {  	s29 =	sadd.s32 $0xFFFFFD40, s19;
	v60 =	vshll.u32 v26, $0x4;
	v35 =	vld [tilespmem:s20+$0x27F]  }
0x37c: {  	s30 =	sor.u32 $0x61, s29;
	v61 =	vadd.s32 v60, v32;
	v38 =	vld [tilespmem:s20+$0x35F]  }
0x37d: {  	v62 =	vadd.s32 v60, v63;
	v63 =	vld [tilespmem:s30+$0xC400]  }
0x37e: {  	v30 =	vadd.s32 v60, v30;
	v42 =	vld [tilespmem:s20+$0xC1]  }
0x37f: {  	v49 =	vshll.u32 v27, $0x4;
	v31 =	vadd.s32 v60, v31;
	v43 =	vld [tilespmem:s20+$0x1A1]  }
0x380: {  	v50 =	vadd.s32 v49, v33;
	v47 =	vld [tilespmem:s20+$0x281]  }
0x381: {  	v44 =	vadd.s32 v49, v44;
	[tilespmem:v61+s13+$0x0] =	vst.idx.add.f32.msk $0xffff, v11  }
0x382: {  	v26 =	vadd.s32 v26, v49;
	[tilespmem:v62+s13+$0x0] =	vst.idx.add.f32.msk $0xffff, v11  }
0x383: {  	v51 =	vshll.u32 v28, $0x4;
	v32 =	vadd.s32 v49, v32;
	[tilespmem:v30+s13+$0x0] =	vst.idx.add.f32.msk $0xffff, v11  }
0x384: {  	v52 =	vadd.s32 v51, v36;
	[tilespmem:v31+s13+$0x0] =	vst.idx.add.f32.msk $0xffff, v11  }
0x385: {  	v53 =	vadd.s32 v51, v53;
	[tilespmem:v50+s13+$0x0] =	vst.idx.add.f32.msk $0xffff, v11  }
0x386: {  	v27 =	vadd.s32 v27, v51;
	[tilespmem:v44+s13+$0x0] =	vst.idx.add.f32.msk $0xffff, v11  }
0x387: {  	v29 =	vshll.u32 v29, $0x4;
	v33 =	vadd.s32 v51, v33;
	[tilespmem:v26+s13+$0x0] =	vst.idx.add.f32.msk $0xffff, v11  }
0x388: {  	v54 =	vadd.s32 v29, v39;
	[tilespmem:v32+s13+$0x0] =	vst.idx.add.f32.msk $0xffff, v11  }
0x389: {  	v55 =	vadd.s32 v29, v55;
	[tilespmem:v52+s13+$0x0] =	vst.idx.add.f32.msk $0xffff, v11  }
0x38a: {  	v28 =	vadd.s32 v28, v29;
	[tilespmem:v53+s13+$0x0] =	vst.idx.add.f32.msk $0xffff, v11  }
0x38b: {  	v29 =	vadd.s32 v29, v36;
	[tilespmem:v27+s13+$0x0] =	vst.idx.add.f32.msk $0xffff, v11  }
0x38c: {  	[tilespmem:v33+s13+$0x0] =	vst.idx.add.f32.msk $0xffff, v11  }
0x38d: {  	[tilespmem:v54+s13+$0x0] =	vst.idx.add.f32.msk $0xffff, v11  }
0x38e: {  	[tilespmem:v55+s13+$0x0] =	vst.idx.add.f32.msk $0xffff, v11  }
0x38f: {  	[tilespmem:v28+s13+$0x0] =	vst.idx.add.f32.msk $0xffff, v11  }
0x390: {  	[tilespmem:v29+s13+$0x0] =	vst.idx.add.f32.msk $0xffff, v11  }
0x391: {  	v26 =	vld [tilespmem:s20+$0xD0]  }
0x392: {  	v27 =	vld [tilespmem:s20+$0x1B0]  }
0x393: {  	v28 =	vld [tilespmem:s20+$0x290]  }
0x394: {  	s31 =	sor.u32 $0x70, s29;
	v29 =	vld [tilespmem:s20+$0x370]  }
0x395: {  	v56 =	vadd.s32 s22, v12;
	s25 =	sor.u32 $0x6F, s29;
	v30 =	vld [tilespmem:s31+$0xC400]  }
0x396: {  	v57 =	vadd.s32 s21, v12;
	v31 =	vand.u32 $0x1FF80, v56;
	v32 =	vld [tilespmem:s25+$0xC400]  }
0x397: {  	v58 =	vadd.s32 s24, v12;
	v31 =	vor.u32 v14, v31;
	v34 =	vld [tilespmem:s20+$0xCF]  }
0x398: {  	v36 =	vand.u32 $0x3FF80, v58;
	v59 =	vadd.s32 s23, v12;
	v37 =	vld [tilespmem:s20+$0x1AF]  }
0x399: {  	v36 =	vor.u32 v15, v36;
	v60 =	vshll.u32 v18, $0x4;
	v44 =	vld [tilespmem:s20+$0x28F]  }
0x39a: {  	v61 =	vadd.s32 v60, v24;
	v46 =	vld [tilespmem:s20+$0x36F]  }
0x39b: {  	v41 =	vadd.s32 v60, v63;
	v33 =	vld.idx.msk [tilespmem:v57+s12+$0x0], $0xffff  }
0x39c: {  	v22 =	vadd.s32 v60, v22;
	v31 =	vld.idx.msk [tilespmem:v31+s12+$0x0], $0xffff  }
0x39d: {  	v62 =	vshll.u32 v19, $0x4;
	v23 =	vadd.s32 v60, v23;
	v39 =	vld.idx.msk [tilespmem:v59+s12+$0x0], $0xffff  }
0x39e: {  	v63 =	vadd.s32 v62, v25;
	v36 =	vld.idx.msk [tilespmem:v36+s12+$0x0], $0xffff  }
0x39f: {  	v42 =	vadd.s32 v62, v42;
	[tilespmem:v61+s13+$0x0] =	vst.idx.add.f32.msk $0xffff, v11  }
0x3a0: {  	v18 =	vadd.s32 v18, v62;
	[tilespmem:v41+s13+$0x0] =	vst.idx.add.f32.msk $0xffff, v11  }
0x3a1: {  	v45 =	vshll.u32 v20, $0x4;
	v24 =	vadd.s32 v62, v24;
	[tilespmem:v22+s13+$0x0] =	vst.idx.add.f32.msk $0xffff, v11  }
0x3a2: {  	v49 =	vadd.s32 v45, v35;
	[tilespmem:v23+s13+$0x0] =	vst.idx.add.f32.msk $0xffff, v11  }
0x3a3: {  	v50 =	vadd.s32 v45, v43;
	[tilespmem:v63+s13+$0x0] =	vst.idx.add.f32.msk $0xffff, v11  }
0x3a4: {  	v19 =	vadd.s32 v19, v45;
	[tilespmem:v42+s13+$0x0] =	vst.idx.add.f32.msk $0xffff, v11  }
0x3a5: {  	v21 =	vshll.u32 v21, $0x4;
	v25 =	vadd.s32 v45, v25;
	[tilespmem:v18+s13+$0x0] =	vst.idx.add.f32.msk $0xffff, v11  }
0x3a6: {  	v18 =	vadd.s32 v21, v38;
	[tilespmem:v24+s13+$0x0] =	vst.idx.add.f32.msk $0xffff, v11  }
0x3a7: {  	v51 =	vadd.s32 v21, v47;
	[tilespmem:v49+s13+$0x0] =	vst.idx.add.f32.msk $0xffff, v11  }
0x3a8: {  	v20 =	vadd.s32 v20, v21;
	[tilespmem:v50+s13+$0x0] =	vst.idx.add.f32.msk $0xffff, v11  }
0x3a9: {  	v21 =	vadd.s32 v21, v35;
	[tilespmem:v19+s13+$0x0] =	vst.idx.add.f32.msk $0xffff, v11;
	v19 =	vshll.u32 v26, $0x4  }
0x3aa: {  	[tilespmem:v25+s13+$0x0] =	vst.idx.add.f32.msk $0xffff, v11;
	v52 =	vadd.s32 v19, v34  }
0x3ab: {  	[tilespmem:v18+s13+$0x0] =	vst.idx.add.f32.msk $0xffff, v11;
	v18 =	vadd.s32 v19, v33  }
0x3ac: {  	v53 =	vadd.s32 v19, v30;
	[tilespmem:v51+s13+$0x0] =	vst.idx.add.f32.msk $0xffff, v11  }
0x3ad: {  	v54 =	vshll.u32 v27, $0x4;
	v19 =	vadd.s32 v19, v32;
	[tilespmem:v20+s13+$0x0] =	vst.idx.add.f32.msk $0xffff, v11  }
0x3ae: {  	v55 =	vadd.s32 v54, v37;
	[tilespmem:v21+s13+$0x0] =	vst.idx.add.f32.msk $0xffff, v11  }
0x3af: {  	v56 =	vadd.s32 v54, v31;
	[tilespmem:v52+s13+$0x0] =	vst.idx.add.f32.msk $0xffff, v11  }
0x3b0: {  	v57 =	vadd.s32 v26, v54;
	[tilespmem:v18+s13+$0x0] =	vst.idx.add.f32.msk $0xffff, v11  }
0x3b1: {  	v58 =	vshll.u32 v28, $0x4;
	v18 =	vadd.s32 v54, v34;
	[tilespmem:v53+s13+$0x0] =	vst.idx.add.f32.msk $0xffff, v11  }
0x3b2: {  	v59 =	vadd.s32 v58, v44;
	[tilespmem:v19+s13+$0x0] =	vst.idx.add.f32.msk $0xffff, v11  }
0x3b3: {  	v19 =	vadd.s32 v58, v39;
	[tilespmem:v55+s13+$0x0] =	vst.idx.add.f32.msk $0xffff, v11  }
0x3b4: {  	v60 =	vadd.s32 v27, v58;
	[tilespmem:v56+s13+$0x0] =	vst.idx.add.f32.msk $0xffff, v11  }
0x3b5: {  	v61 =	vshll.u32 v29, $0x4;
	v20 =	vadd.s32 v58, v37;
	[tilespmem:v57+s13+$0x0] =	vst.idx.add.f32.msk $0xffff, v11  }
0x3b6: {  	v62 =	vadd.s32 v61, v46;
	[tilespmem:v18+s13+$0x0] =	vst.idx.add.f32.msk $0xffff, v11  }
0x3b7: {  	v18 =	vadd.s32 v61, v36;
	[tilespmem:v59+s13+$0x0] =	vst.idx.add.f32.msk $0xffff, v11  }
0x3b8: {  	v63 =	vadd.s32 v28, v61;
	[tilespmem:v19+s13+$0x0] =	vst.idx.add.f32.msk $0xffff, v11  }
0x3b9: {  	p0 =	sne.s32 s19, $0xC320;
	v19 =	vadd.s32 v61, v44;
	[tilespmem:v60+s13+$0x0] =	vst.idx.add.f32.msk $0xffff, v11  }
.Ltmp1:
0x3ba: {  	[tilespmem:v20+s13+$0x0] =	vst.idx.add.f32.msk $0xffff, v11;
	(pc) =	sbr.rel @p0 .LBB2_5-.Ltmp1, $4  }
0x3bb: {  	[tilespmem:v62+s13+$0x0] =	vst.idx.add.f32.msk $0xffff, v11  }
0x3bc: {  	[tilespmem:v18+s13+$0x0] =	vst.idx.add.f32.msk $0xffff, v11  }
0x3bd: {  	[tilespmem:v63+s13+$0x0] =	vst.idx.add.f32.msk $0xffff, v11  }
0x3be: {  	s19 =	sadd.s32 $0x380, s19;
	s20 =	sadd.s32 $0x380, s20;
	[tilespmem:v19+s13+$0x0] =	vst.idx.add.f32.msk $0xffff, v11  }
0x3bf: {  	v18 =	vld [tilespmem:$0x18800];
	_ =	sdelay $0x4  }
0x3c0: {  	v19 =	vtrunc.f32 v18  }
0x3c1: {  	v19 =	vcvt.f32.s32 v19;
	_ =	sdelay $0x1  }
0x3c2: {  	vm2 =	vgt.s32 v19, $0x1;
	vm3 =	vgt.s32 v19, $0x3  }
0x3c3: {  	v20 =	vsel vm2, $0x1, v17;
	v21 =	vsel vm3, $0x1, v17;
	vm2 =	vgt.s32 v19, $0x7  }
0x3c4: {  	v20 =	vadd.s32 v21, v20;
	v24 =	vsel vm2, $0x1, v17;
	vm2 =	vgt.s32 v19, $0xF  }
0x3c5: {  	v20 =	vadd.s32 v24, v20;
	v25 =	vsel vm2, $0x1, v17;
	vm2 =	vgt.s32 v19, $0x1F  }
0x3c6: {  	v20 =	vadd.s32 v25, v20;
	v26 =	vsel vm2, $0x1, v17;
	vm2 =	vgt.s32 v19, $0x3F  }
0x3c7: {  	v20 =	vadd.s32 v26, v20;
	v27 =	vsel vm2, $0x1, v17;
	vm2 =	vgt.s32 v19, $0x7F  }
0x3c8: {  	v20 =	vadd.s32 v27, v20;
	v28 =	vsel vm2, $0x1, v17;
	vm2 =	vgt.s32 v19, $0xFF  }
0x3c9: {  	v20 =	vadd.s32 v28, v20;
	v29 =	vsel vm2, $0x1, v17;
	vm2 =	vgt.s32 v19, $0x1FF  }
0x3ca: {  	v20 =	vadd.s32 v29, v20;
	v30 =	vsel vm2, $0x1, v17;
	vm2 =	vgt.s32 v19, $0x3FF  }
0x3cb: {  	v20 =	vadd.s32 v30, v20;
	v31 =	vsel vm2, $0x1, v17;
	vm2 =	vgt.s32 v19, $0x7FF  }
0x3cc: {  	v20 =	vadd.s32 v31, v20;
	v32 =	vsel vm2, $0x1, v17;
	vm2 =	vgt.s32 v19, $0xFFF  }
0x3cd: {  	v20 =	vadd.s32 v32, v20;
	v33 =	vsel vm2, $0x1, v17;
	vm2 =	vgt.s32 v19, $0x1FFF  }
0x3ce: {  	v20 =	vadd.s32 v33, v20;
	v34 =	vsel vm2, $0x1, v17;
	vm2 =	vgt.s32 v19, $0x3FFF  }
0x3cf: {  	v20 =	vadd.s32 v34, v20;
	v35 =	vsel vm2, $0x1, v17;
	vm2 =	vgt.s32 v19, $0x7FFF  }
0x3d0: {  	v20 =	vadd.s32 v35, v20;
	v36 =	vsel vm2, $0x1, v17;
	vm2 =	vgt.s32 v19, $0xFFFF  }
0x3d1: {  	v20 =	vadd.s32 v36, v20;
	v37 =	vsel vm2, $0x1, v17;
	vm2 =	vgt.s32 v19, $0x1FFFF  }
0x3d2: {  	v21 =	vld [tilespmem:$0x18810];
	v19 =	vadd.s32 v37, v20;
	v38 =	vsel vm2, $0x1, v17  }
0x3d3: {  	v34 =	vadd.s32 v38, v19  }
0x3d4: {  	v19 =	vshll.u32 v16, v34  }
0x3d5: {  	v19 =	vcvt.s32.f32 v19;
	_ =	sdelay $0x1  }
0x3d6: {  	(erf) = vrcp.f32 v19;
	v19 =	vtrunc.f32 v21  }
0x3d7: {  	v19 =	vcvt.f32.s32 v19;
	_ =	sdelay $0x1  }
0x3d8: {  	vm2 =	vgt.s32 v19, $0x1  }
0x3d9: {  	v22 =	vsel vm2, $0x1, v17;
	vm2 =	vgt.s32 v19, $0x3  }
0x3da: {  	v23 =	vsel vm2, $0x1, v17;
	vm2 =	vgt.s32 v19, $0x7  }
0x3db: {  	v22 =	vadd.s32 v23, v22;
	v40 =	vsel vm2, $0x1, v17;
	vm2 =	vgt.s32 v19, $0xF  }
0x3dc: {  	v22 =	vadd.s32 v40, v22;
	v41 =	vsel vm2, $0x1, v17;
	vm2 =	vgt.s32 v19, $0x1F  }
0x3dd: {  	v22 =	vadd.s32 v41, v22;
	v42 =	vsel vm2, $0x1, v17;
	vm2 =	vgt.s32 v19, $0x3F  }
0x3de: {  	v22 =	vadd.s32 v42, v22;
	v43 =	vsel vm2, $0x1, v17;
	vm2 =	vgt.s32 v19, $0x7F  }
0x3df: {  	v39 =	vpop (erf);
	v22 =	vadd.s32 v43, v22;
	v44 =	vsel vm2, $0x1, v17;
	vm2 =	vgt.s32 v19, $0xFF  }
0x3e0: {  	v20 =	vmul.f32 v39, v18;
	v22 =	vadd.s32 v44, v22;
	v45 =	vsel vm2, $0x1, v17  }
0x3e1: {  	vm2 =	vgt.s32 v19, $0x1FF;
	v22 =	vadd.s32 v45, v22  }
0x3e2: {  	v46 =	vsel vm2, $0x1, v17;
	vm2 =	vgt.s32 v19, $0x3FF;
	v37 =	vadd.f32 $-1.000000000e+00, v20  }
0x3e3: {  	v22 =	vadd.s32 v46, v22;
	v47 =	vsel vm2, $0x1, v17;
	vm2 =	vgt.s32 v19, $0x7FF  }
0x3e4: {  	v22 =	vadd.s32 v47, v22;
	v48 =	vsel vm2, $0x1, v17;
	vm2 =	vgt.s32 v19, $0xFFF  }
0x3e5: {  	v22 =	vadd.s32 v48, v22;
	v49 =	vsel vm2, $0x1, v17;
	vm2 =	vgt.s32 v19, $0x1FFF  }
0x3e6: {  	v22 =	vadd.s32 v49, v22;
	v50 =	vsel vm2, $0x1, v17;
	vm2 =	vgt.s32 v19, $0x3FFF  }
0x3e7: {  	v22 =	vadd.s32 v50, v22;
	v51 =	vsel vm2, $0x1, v17;
	vm2 =	vgt.s32 v19, $0x7FFF  }
0x3e8: {  	v24 =	vld [tilespmem:$0x18820];
	v22 =	vadd.s32 v51, v22;
	v52 =	vsel vm2, $0x1, v17;
	vm2 =	vgt.s32 v19, $0xFFFF  }
0x3e9: {  	v22 =	vadd.s32 v52, v22;
	v53 =	vsel vm2, $0x1, v17;
	vm2 =	vgt.s32 v19, $0x1FFFF  }
0x3ea: {  	v19 =	vadd.s32 v53, v22;
	v54 =	vsel vm2, $0x1, v17  }
0x3eb: {  	v29 =	vadd.s32 v54, v19;
	v19 =	vadd.f32 $2.000000000e+00, v37;
	_ =	sdelay $0x1  }
0x3ec: {  	v20 =	vshll.u32 v16, v29;
	(erf) = vrcp.f32 v19;
	v19 =	vtrunc.f32 v24  }
0x3ed: {  	v20 =	vcvt.s32.f32 v20;
	v19 =	vcvt.f32.s32 v19;
	_ =	sdelay $0x1  }
0x3ee: {  	(erf) = vrcp.f32 v20;
	vm2 =	vgt.s32 v19, $0x1  }
0x3ef: {  	v55 =	vsel vm2, $0x1, v17;
	vm2 =	vgt.s32 v19, $0x3  }
0x3f0: {  	v56 =	vsel vm2, $0x1, v17;
	vm2 =	vgt.s32 v19, $0x7  }
0x3f1: {  	v22 =	vadd.s32 v56, v55;
	v57 =	vsel vm2, $0x1, v17;
	vm2 =	vgt.s32 v19, $0xF  }
0x3f2: {  	v22 =	vadd.s32 v57, v22;
	v58 =	vsel vm2, $0x1, v17;
	vm2 =	vgt.s32 v19, $0x1F  }
0x3f3: {  	v22 =	vadd.s32 v58, v22;
	v59 =	vsel vm2, $0x1, v17;
	vm2 =	vgt.s32 v19, $0x3F  }
0x3f4: {  	v22 =	vadd.s32 v59, v22;
	v60 =	vsel vm2, $0x1, v17;
	vm2 =	vgt.s32 v19, $0x7F  }
0x3f5: {  	v22 =	vadd.s32 v60, v22;
	v61 =	vsel vm2, $0x1, v17;
	vm2 =	vgt.s32 v19, $0xFF  }
0x3f6: {  	v39 =	vpop (erf);
	v22 =	vadd.s32 v61, v22;
	v62 =	vsel vm2, $0x1, v17;
	vm2 =	vgt.s32 v19, $0x1FF  }
0x3f7: {  	v20 =	vpop (erf);
	v22 =	vadd.s32 v62, v22;
	v63 =	vsel vm2, $0x1, v17;
	vm2 =	vgt.s32 v19, $0x3FF  }
0x3f8: {  	v20 =	vmul.f32 v20, v21;
	v22 =	vadd.s32 v63, v22;
	v25 =	vsel vm2, $0x1, v17  }
0x3f9: {  	vm2 =	vgt.s32 v19, $0x7FF;
	v22 =	vadd.s32 v25, v22  }
0x3fa: {  	v26 =	vsel vm2, $0x1, v17;
	vm2 =	vgt.s32 v19, $0xFFF;
	v38 =	vadd.f32 $-1.000000000e+00, v20  }
0x3fb: {  	v22 =	vadd.s32 v26, v22;
	v27 =	vsel vm2, $0x1, v17;
	vm2 =	vgt.s32 v19, $0x1FFF  }
0x3fc: {  	v22 =	vadd.s32 v27, v22;
	v28 =	vsel vm2, $0x1, v17;
	vm2 =	vgt.s32 v19, $0x3FFF  }
0x3fd: {  	v22 =	vadd.s32 v28, v22;
	v30 =	vsel vm2, $0x1, v17;
	vm2 =	vgt.s32 v19, $0x7FFF  }
0x3fe: {  	v22 =	vadd.s32 v30, v22;
	v31 =	vsel vm2, $0x1, v17;
	vm2 =	vgt.s32 v19, $0xFFFF  }
0x3ff: {  	v22 =	vadd.s32 v31, v22;
	v32 =	vsel vm2, $0x1, v17;
	vm2 =	vgt.s32 v19, $0x1FFFF  }
0x400: {  	v19 =	vadd.s32 v32, v22;
	v33 =	vsel vm2, $0x1, v17  }
0x401: {  	v33 =	vadd.s32 v33, v19;
	v19 =	vadd.f32 $2.000000000e+00, v38  }
0x402: {  	v20 =	vshll.u32 v16, v33  }
0x403: {  	v20 =	vcvt.s32.f32 v20;
	(erf) = vrcp.f32 v19;
	v19 =	vld [tilespmem:$0x18830];
	_ =	sdelay $0x1  }
0x404: {  	(erf) = vrcp.f32 v20;
	_ =	sdelay $0x2  }
0x405: {  	v35 =	vtrunc.f32 v19  }
0x406: {  	v20 =	vcvt.f32.s32 v35;
	_ =	sdelay $0x1  }
0x407: {  	vm2 =	vgt.s32 v20, $0x1  }
0x408: {  	v40 =	vsel vm2, $0x1, v17;
	vm2 =	vgt.s32 v20, $0x3  }
0x409: {  	v41 =	vpop (erf);
	v25 =	vsel vm2, $0x1, v17  }
0x40a: {  	vm2 =	vgt.s32 v20, $0x7;
	v36 =	vpop (erf);
	v23 =	vadd.s32 v25, v40  }
0x40b: {  	v42 =	vsel vm2, $0x1, v17;
	vm2 =	vgt.s32 v20, $0xF;
	v22 =	vmul.f32 v36, v24  }
0x40c: {  	v23 =	vadd.s32 v42, v23;
	v43 =	vsel vm2, $0x1, v17;
	vm2 =	vgt.s32 v20, $0x1F  }
0x40d: {  	v23 =	vadd.s32 v43, v23;
	v44 =	vsel vm2, $0x1, v17;
	vm2 =	vgt.s32 v20, $0x3F  }
0x40e: {  	v23 =	vadd.s32 v44, v23;
	v45 =	vsel vm2, $0x1, v17;
	vm2 =	vgt.s32 v20, $0x7F  }
0x40f: {  	v23 =	vadd.s32 v45, v23;
	v46 =	vsel vm2, $0x1, v17;
	vm2 =	vgt.s32 v20, $0xFF  }
0x410: {  	v23 =	vadd.s32 v46, v23;
	v47 =	vsel vm2, $0x1, v17;
	vm2 =	vgt.s32 v20, $0x1FF  }
0x411: {  	v23 =	vadd.s32 v47, v23;
	v48 =	vsel vm2, $0x1, v17;
	vm2 =	vgt.s32 v20, $0x3FF  }
0x412: {  	v23 =	vadd.s32 v48, v23;
	v49 =	vsel vm2, $0x1, v17;
	vm2 =	vgt.s32 v20, $0x7FF  }
0x413: {  	v23 =	vadd.s32 v49, v23;
	v50 =	vsel vm2, $0x1, v17;
	vm2 =	vgt.s32 v20, $0xFFF  }
0x414: {  	v23 =	vadd.s32 v50, v23;
	v51 =	vsel vm2, $0x1, v17;
	vm2 =	vgt.s32 v20, $0x1FFF  }
0x415: {  	v23 =	vadd.s32 v51, v23;
	v52 =	vsel vm2, $0x1, v17;
	vm2 =	vgt.s32 v20, $0x3FFF  }
0x416: {  	v23 =	vadd.s32 v52, v23;
	v53 =	vsel vm2, $0x1, v17;
	vm2 =	vgt.s32 v20, $0x7FFF  }
0x417: {  	v23 =	vadd.s32 v53, v23;
	v54 =	vsel vm2, $0x1, v17;
	vm2 =	vgt.s32 v20, $0xFFFF  }
0x418: {  	v23 =	vadd.s32 v54, v23;
	v55 =	vsel vm2, $0x1, v17;
	vm2 =	vgt.s32 v20, $0x1FFFF  }
0x419: {  	v49 =	vadd.f32 $-1.000000000e+00, v22;
	v56 =	vadd.s32 v55, v23;
	v57 =	vsel vm2, $0x1, v17  }
0x41a: {  	v25 =	vadd.s32 v57, v56  }
0x41b: {  	v58 =	vadd.f32 $2.000000000e+00, v49;
	v22 =	vshll.u32 v16, v25  }
0x41c: {  	v22 =	vcvt.s32.f32 v22  }
0x41d: {  	(erf) = vrcp.f32 v58  }
0x41e: {  	(erf) = vrcp.f32 v22;
	v22 =	vld [tilespmem:$0x18840];
	_ =	sdelay $0x4  }
0x41f: {  	v59 =	vtrunc.f32 v22  }
0x420: {  	v20 =	vcvt.f32.s32 v59;
	_ =	sdelay $0x1  }
0x421: {  	v51 =	vpop (erf);
	vm2 =	vgt.s32 v20, $0x1  }
0x422: {  	v60 =	vpop (erf);
	v26 =	vsel vm2, $0x1, v17;
	vm2 =	vgt.s32 v20, $0x3  }
0x423: {  	v23 =	vmul.f32 v60, v19;
	v27 =	vsel vm2, $0x1, v17;
	vm2 =	vgt.s32 v20, $0x7  }
0x424: {  	v26 =	vadd.s32 v27, v26;
	v61 =	vsel vm2, $0x1, v17;
	vm2 =	vgt.s32 v20, $0xF  }
0x425: {  	v26 =	vadd.s32 v61, v26;
	v62 =	vsel vm2, $0x1, v17;
	vm2 =	vgt.s32 v20, $0x1F  }
0x426: {  	v26 =	vadd.s32 v62, v26;
	v63 =	vsel vm2, $0x1, v17;
	vm2 =	vgt.s32 v20, $0x3F  }
0x427: {  	v26 =	vadd.s32 v63, v26;
	v30 =	vsel vm2, $0x1, v17;
	vm2 =	vgt.s32 v20, $0x7F  }
0x428: {  	v26 =	vadd.s32 v30, v26;
	v31 =	vsel vm2, $0x1, v17;
	vm2 =	vgt.s32 v20, $0xFF  }
0x429: {  	v26 =	vadd.s32 v31, v26;
	v32 =	vsel vm2, $0x1, v17;
	vm2 =	vgt.s32 v20, $0x1FF  }
0x42a: {  	v26 =	vadd.s32 v32, v26;
	v35 =	vsel vm2, $0x1, v17;
	vm2 =	vgt.s32 v20, $0x3FF  }
0x42b: {  	v28 =	vld [tilespmem:$0x18850];
	v26 =	vadd.s32 v35, v26;
	v36 =	vsel vm2, $0x1, v17;
	vm2 =	vgt.s32 v20, $0x7FF  }
0x42c: {  	v26 =	vadd.s32 v36, v26;
	v40 =	vsel vm2, $0x1, v17;
	vm2 =	vgt.s32 v20, $0xFFF  }
0x42d: {  	v26 =	vadd.s32 v40, v26;
	v42 =	vsel vm2, $0x1, v17;
	vm2 =	vgt.s32 v20, $0x1FFF  }
0x42e: {  	v26 =	vadd.s32 v42, v26;
	v43 =	vsel vm2, $0x1, v17;
	vm2 =	vgt.s32 v20, $0x3FFF  }
0x42f: {  	v26 =	vadd.s32 v43, v26;
	v44 =	vsel vm2, $0x1, v17;
	vm2 =	vgt.s32 v20, $0x7FFF  }
0x430: {  	v52 =	vtrunc.f32 v28;
	v26 =	vadd.s32 v44, v26;
	v45 =	vsel vm2, $0x1, v17  }
0x431: {  	v40 =	vadd.f32 $-1.000000000e+00, v23;
	vm2 =	vgt.s32 v20, $0xFFFF;
	v26 =	vadd.s32 v45, v26  }
0x432: {  	v46 =	vsel vm2, $0x1, v17;
	vm2 =	vgt.s32 v20, $0x1FFFF;
	v20 =	vcvt.f32.s32 v52  }
0x433: {  	v47 =	vadd.s32 v46, v26;
	v48 =	vsel vm2, $0x1, v17  }
0x434: {  	v50 =	vadd.f32 $2.000000000e+00, v40;
	v30 =	vadd.s32 v48, v47;
	vm2 =	vgt.s32 v20, $0x1  }
0x435: {  	v23 =	vshll.u32 v16, v30;
	v53 =	vsel vm2, $0x1, v17;
	vm2 =	vgt.s32 v20, $0x3  }
0x436: {  	v23 =	vcvt.s32.f32 v23;
	v54 =	vsel vm2, $0x1, v17  }
0x437: {  	(erf) = vrcp.f32 v50;
	vm2 =	vgt.s32 v20, $0x7;
	v26 =	vadd.s32 v54, v53  }
0x438: {  	v55 =	vsel vm2, $0x1, v17;
	vm2 =	vgt.s32 v20, $0xF;
	(erf) = vrcp.f32 v23  }
0x439: {  	v26 =	vadd.s32 v55, v26;
	v56 =	vsel vm2, $0x1, v17;
	vm2 =	vgt.s32 v20, $0x1F  }
0x43a: {  	v26 =	vadd.s32 v56, v26;
	v57 =	vsel vm2, $0x1, v17;
	vm2 =	vgt.s32 v20, $0x3F  }
0x43b: {  	v26 =	vadd.s32 v57, v26;
	v58 =	vsel vm2, $0x1, v17;
	vm2 =	vgt.s32 v20, $0x7F  }
0x43c: {  	v26 =	vadd.s32 v58, v26;
	v59 =	vsel vm2, $0x1, v17;
	vm2 =	vgt.s32 v20, $0xFF  }
0x43d: {  	v26 =	vadd.s32 v59, v26;
	v60 =	vsel vm2, $0x1, v17;
	vm2 =	vgt.s32 v20, $0x1FF  }
0x43e: {  	v26 =	vadd.s32 v60, v26;
	v61 =	vsel vm2, $0x1, v17;
	vm2 =	vgt.s32 v20, $0x3FF  }
0x43f: {  	v26 =	vadd.s32 v61, v26;
	v62 =	vsel vm2, $0x1, v17;
	vm2 =	vgt.s32 v20, $0x7FF  }
0x440: {  	v26 =	vadd.s32 v62, v26;
	v63 =	vsel vm2, $0x1, v17;
	vm2 =	vgt.s32 v20, $0xFFF  }
0x441: {  	v43 =	vpop (erf);
	v26 =	vadd.s32 v63, v26;
	v31 =	vsel vm2, $0x1, v17  }
0x442: {  	vm2 =	vgt.s32 v20, $0x1FFF;
	v23 =	vpop (erf);
	v26 =	vadd.s32 v31, v26  }
0x443: {  	v32 =	vsel vm2, $0x1, v17;
	vm2 =	vgt.s32 v20, $0x3FFF;
	v23 =	vmul.f32 v23, v22  }
0x444: {  	v26 =	vadd.s32 v32, v26;
	v35 =	vsel vm2, $0x1, v17;
	vm2 =	vgt.s32 v20, $0x7FFF  }
0x445: {  	v26 =	vadd.s32 v35, v26;
	v36 =	vsel vm2, $0x1, v17;
	vm2 =	vgt.s32 v20, $0xFFFF  }
0x446: {  	v26 =	vadd.s32 v36, v26;
	v42 =	vsel vm2, $0x1, v17;
	vm2 =	vgt.s32 v20, $0x1FFFF;
	v20 =	vld [tilespmem:$0x18860]  }
0x447: {  	v46 =	vadd.f32 $-1.000000000e+00, v23;
	v45 =	vadd.s32 v42, v26;
	v47 =	vsel vm2, $0x1, v17  }
0x448: {  	v35 =	vadd.s32 v47, v45  }
0x449: {  	v48 =	vadd.f32 $2.000000000e+00, v46;
	v23 =	vshll.u32 v16, v35  }
0x44a: {  	v23 =	vcvt.s32.f32 v23  }
0x44b: {  	(erf) = vrcp.f32 v48;
	v50 =	vtrunc.f32 v20  }
0x44c: {  	(erf) = vrcp.f32 v23;
	v23 =	vcvt.f32.s32 v50;
	_ =	sdelay $0x1  }
0x44d: {  	vm2 =	vgt.s32 v23, $0x1  }
0x44e: {  	v53 =	vsel vm2, $0x1, v17;
	vm2 =	vgt.s32 v23, $0x3  }
0x44f: {  	v31 =	vsel vm2, $0x1, v17;
	vm2 =	vgt.s32 v23, $0x7  }
0x450: {  	v27 =	vadd.s32 v31, v53;
	v54 =	vsel vm2, $0x1, v17;
	vm2 =	vgt.s32 v23, $0xF  }
0x451: {  	v27 =	vadd.s32 v54, v27;
	v55 =	vsel vm2, $0x1, v17;
	vm2 =	vgt.s32 v23, $0x1F  }
0x452: {  	v27 =	vadd.s32 v55, v27;
	v56 =	vsel vm2, $0x1, v17;
	vm2 =	vgt.s32 v23, $0x3F  }
0x453: {  	v47 =	vpop (erf);
	v27 =	vadd.s32 v56, v27;
	v57 =	vsel vm2, $0x1, v17  }
0x454: {  	vm2 =	vgt.s32 v23, $0x7F;
	v52 =	vpop (erf);
	v27 =	vadd.s32 v57, v27  }
0x455: {  	v58 =	vsel vm2, $0x1, v17;
	vm2 =	vgt.s32 v23, $0xFF;
	v26 =	vmul.f32 v52, v28  }
0x456: {  	v27 =	vadd.s32 v58, v27;
	v59 =	vsel vm2, $0x1, v17;
	vm2 =	vgt.s32 v23, $0x1FF  }
0x457: {  	v27 =	vadd.s32 v59, v27;
	v60 =	vsel vm2, $0x1, v17;
	vm2 =	vgt.s32 v23, $0x3FF  }
0x458: {  	v27 =	vadd.s32 v60, v27;
	v61 =	vsel vm2, $0x1, v17;
	vm2 =	vgt.s32 v23, $0x7FF  }
0x459: {  	v27 =	vadd.s32 v61, v27;
	v62 =	vsel vm2, $0x1, v17;
	vm2 =	vgt.s32 v23, $0xFFF  }
0x45a: {  	v27 =	vadd.s32 v62, v27;
	v63 =	vsel vm2, $0x1, v17;
	vm2 =	vgt.s32 v23, $0x1FFF  }
0x45b: {  	v27 =	vadd.s32 v63, v27;
	v36 =	vsel vm2, $0x1, v17;
	vm2 =	vgt.s32 v23, $0x3FFF  }
0x45c: {  	v27 =	vadd.s32 v36, v27;
	v42 =	vsel vm2, $0x1, v17;
	vm2 =	vgt.s32 v23, $0x7FFF  }
0x45d: {  	v27 =	vadd.s32 v42, v27;
	v44 =	vsel vm2, $0x1, v17;
	vm2 =	vgt.s32 v23, $0xFFFF  }
0x45e: {  	v27 =	vadd.s32 v44, v27;
	v45 =	vsel vm2, $0x1, v17;
	vm2 =	vgt.s32 v23, $0x1FFFF;
	v23 =	vld [tilespmem:$0x18870]  }
0x45f: {  	v52 =	vadd.f32 $-1.000000000e+00, v26;
	v48 =	vadd.s32 v45, v27;
	v50 =	vsel vm2, $0x1, v17  }
0x460: {  	v26 =	vadd.s32 v50, v48  }
0x461: {  	v53 =	vadd.f32 $2.000000000e+00, v52;
	v54 =	vshll.u32 v16, v26  }
0x462: {  	v27 =	vcvt.s32.f32 v54  }
0x463: {  	(erf) = vrcp.f32 v53;
	v55 =	vtrunc.f32 v23  }
0x464: {  	(erf) = vrcp.f32 v27;
	v27 =	vcvt.f32.s32 v55;
	_ =	sdelay $0x1  }
0x465: {  	vm2 =	vgt.s32 v27, $0x1  }
0x466: {  	v32 =	vsel vm2, $0x1, v17;
	vm2 =	vgt.s32 v27, $0x3  }
0x467: {  	v36 =	vsel vm2, $0x1, v17;
	vm2 =	vgt.s32 v27, $0x7  }
0x468: {  	v32 =	vadd.s32 v36, v32;
	v57 =	vsel vm2, $0x1, v17;
	vm2 =	vgt.s32 v27, $0xF  }
0x469: {  	v32 =	vadd.s32 v57, v32;
	v58 =	vsel vm2, $0x1, v17;
	vm2 =	vgt.s32 v27, $0x1F  }
0x46a: {  	v32 =	vadd.s32 v58, v32;
	v59 =	vsel vm2, $0x1, v17;
	vm2 =	vgt.s32 v27, $0x3F  }
0x46b: {  	v53 =	vpop (erf);
	v32 =	vadd.s32 v59, v32;
	v60 =	vsel vm2, $0x1, v17  }
0x46c: {  	vm2 =	vgt.s32 v27, $0x7F;
	v56 =	vpop (erf);
	v32 =	vadd.s32 v60, v32  }
0x46d: {  	v61 =	vsel vm2, $0x1, v17;
	vm2 =	vgt.s32 v27, $0xFF;
	v31 =	vmul.f32 v56, v20  }
0x46e: {  	v32 =	vadd.s32 v61, v32;
	v62 =	vsel vm2, $0x1, v17;
	vm2 =	vgt.s32 v27, $0x1FF  }
0x46f: {  	v32 =	vadd.s32 v62, v32;
	v63 =	vsel vm2, $0x1, v17;
	vm2 =	vgt.s32 v27, $0x3FF  }
0x470: {  	v32 =	vadd.s32 v63, v32;
	v42 =	vsel vm2, $0x1, v17;
	vm2 =	vgt.s32 v27, $0x7FF  }
0x471: {  	v32 =	vadd.s32 v42, v32;
	v44 =	vsel vm2, $0x1, v17;
	vm2 =	vgt.s32 v27, $0xFFF  }
0x472: {  	v32 =	vadd.s32 v44, v32;
	v45 =	vsel vm2, $0x1, v17;
	vm2 =	vgt.s32 v27, $0x1FFF  }
0x473: {  	v32 =	vadd.s32 v45, v32;
	v48 =	vsel vm2, $0x1, v17;
	vm2 =	vgt.s32 v27, $0x3FFF  }
0x474: {  	v32 =	vadd.s32 v48, v32;
	v50 =	vsel vm2, $0x1, v17;
	vm2 =	vgt.s32 v27, $0x7FFF  }
0x475: {  	v32 =	vadd.s32 v50, v32;
	v54 =	vsel vm2, $0x1, v17;
	vm2 =	vgt.s32 v27, $0xFFFF  }
0x476: {  	v32 =	vadd.s32 v54, v32;
	v55 =	vsel vm2, $0x1, v17;
	vm2 =	vgt.s32 v27, $0x1FFFF;
	v27 =	vld [tilespmem:$0x18880]  }
0x477: {  	v42 =	vadd.f32 $-1.000000000e+00, v31;
	v56 =	vadd.s32 v55, v32;
	v57 =	vsel vm2, $0x1, v17  }
0x478: {  	v31 =	vadd.s32 v57, v56  }
0x479: {  	v58 =	vadd.f32 $2.000000000e+00, v42;
	v59 =	vshll.u32 v16, v31  }
0x47a: {  	v32 =	vcvt.s32.f32 v59  }
0x47b: {  	(erf) = vrcp.f32 v58;
	v60 =	vtrunc.f32 v27  }
0x47c: {  	(erf) = vrcp.f32 v32;
	v32 =	vcvt.f32.s32 v60;
	_ =	sdelay $0x1  }
0x47d: {  	vm2 =	vgt.s32 v32, $0x1  }
0x47e: {  	v45 =	vsel vm2, $0x1, v17;
	vm2 =	vgt.s32 v32, $0x3  }
0x47f: {  	v48 =	vsel vm2, $0x1, v17;
	vm2 =	vgt.s32 v32, $0x7  }
0x480: {  	v45 =	vadd.s32 v48, v45;
	v62 =	vsel vm2, $0x1, v17;
	vm2 =	vgt.s32 v32, $0xF  }
0x481: {  	v45 =	vadd.s32 v62, v45;
	v63 =	vsel vm2, $0x1, v17;
	vm2 =	vgt.s32 v32, $0x1F  }
0x482: {  	v45 =	vadd.s32 v63, v45;
	v54 =	vsel vm2, $0x1, v17;
	vm2 =	vgt.s32 v32, $0x3F  }
0x483: {  	v44 =	vpop (erf);
	v45 =	vadd.s32 v54, v45;
	v55 =	vsel vm2, $0x1, v17  }
0x484: {  	vm2 =	vgt.s32 v32, $0x7F;
	v61 =	vpop (erf);
	v45 =	vadd.s32 v55, v45  }
0x485: {  	v56 =	vsel vm2, $0x1, v17;
	vm2 =	vgt.s32 v32, $0xFF;
	v36 =	vmul.f32 v61, v23  }
0x486: {  	v45 =	vadd.s32 v56, v45;
	v57 =	vsel vm2, $0x1, v17;
	vm2 =	vgt.s32 v32, $0x1FF  }
0x487: {  	v45 =	vadd.s32 v57, v45;
	v58 =	vsel vm2, $0x1, v17;
	vm2 =	vgt.s32 v32, $0x3FF  }
0x488: {  	v45 =	vadd.s32 v58, v45;
	v59 =	vsel vm2, $0x1, v17;
	vm2 =	vgt.s32 v32, $0x7FF  }
0x489: {  	v45 =	vadd.s32 v59, v45;
	v60 =	vsel vm2, $0x1, v17;
	vm2 =	vgt.s32 v32, $0xFFF  }
0x48a: {  	v45 =	vadd.s32 v60, v45;
	v61 =	vsel vm2, $0x1, v17;
	vm2 =	vgt.s32 v32, $0x1FFF  }
0x48b: {  	v45 =	vadd.s32 v61, v45;
	v62 =	vsel vm2, $0x1, v17;
	vm2 =	vgt.s32 v32, $0x3FFF  }
0x48c: {  	v45 =	vadd.s32 v62, v45;
	v63 =	vsel vm2, $0x1, v17;
	vm2 =	vgt.s32 v32, $0x7FFF  }
0x48d: {  	v45 =	vadd.s32 v63, v45;
	v54 =	vsel vm2, $0x1, v17;
	vm2 =	vgt.s32 v32, $0xFFFF  }
0x48e: {  	v45 =	vadd.s32 v54, v45;
	v50 =	vsel vm2, $0x1, v17;
	vm2 =	vgt.s32 v32, $0x1FFFF;
	v32 =	vld [tilespmem:$0x18890]  }
0x48f: {  	v48 =	vadd.f32 $-1.000000000e+00, v36;
	v55 =	vadd.s32 v50, v45;
	v56 =	vsel vm2, $0x1, v17  }
0x490: {  	v39 =	vmul.f32 v39, v37;
	v36 =	vadd.s32 v56, v55  }
0x491: {  	v57 =	vadd.f32 $2.000000000e+00, v48;
	v58 =	vshll.u32 v16, v36  }
0x492: {  	v37 =	vmul.f32 v39, v39;
	v45 =	vcvt.s32.f32 v58  }
0x493: {  	(erf) = vrcp.f32 v57;
	v59 =	vtrunc.f32 v32  }
0x494: {  	(erf) = vrcp.f32 v45;
	v45 =	vcvt.f32.s32 v59;
	_ =	sdelay $0x1  }
0x495: {  	v54 =	vmul.f32 $1.428571490e-01, v37;
	vm2 =	vgt.s32 v45, $0x1  }
0x496: {  	v56 =	vsel vm2, $0x1, v17;
	vm2 =	vgt.s32 v45, $0x3  }
0x497: {  	v54 =	vadd.f32 $2.000000030e-01, v54;
	v57 =	vsel vm2, $0x1, v17;
	vm2 =	vgt.s32 v45, $0x7  }
0x498: {  	v56 =	vadd.s32 v57, v56;
	v60 =	vsel vm2, $0x1, v17;
	vm2 =	vgt.s32 v45, $0xF  }
0x499: {  	v56 =	vadd.s32 v60, v56;
	v61 =	vsel vm2, $0x1, v17;
	vm2 =	vgt.s32 v45, $0x1F  }
0x49a: {  	v56 =	vadd.s32 v61, v56;
	v62 =	vsel vm2, $0x1, v17;
	vm2 =	vgt.s32 v45, $0x3F  }
0x49b: {  	v41 =	vmul.f32 v41, v38;
	v50 =	vpop (erf);
	v56 =	vadd.s32 v62, v56;
	v63 =	vsel vm2, $0x1, v17  }
0x49c: {  	v54 =	vmul.f32 v54, v37;
	vm2 =	vgt.s32 v45, $0x7F;
	v55 =	vpop (erf);
	v56 =	vadd.s32 v63, v56  }
0x49d: {  	v60 =	vsel vm2, $0x1, v17;
	vm2 =	vgt.s32 v45, $0xFF;
	v55 =	vmul.f32 v55, v27  }
0x49e: {  	v56 =	vadd.s32 v60, v56;
	v61 =	vsel vm2, $0x1, v17;
	vm2 =	vgt.s32 v45, $0x1FF  }
0x49f: {  	v56 =	vadd.s32 v61, v56;
	v62 =	vsel vm2, $0x1, v17;
	vm2 =	vgt.s32 v45, $0x3FF  }
0x4a0: {  	v56 =	vadd.s32 v62, v56;
	v63 =	vsel vm2, $0x1, v17;
	vm2 =	vgt.s32 v45, $0x7FF  }
0x4a1: {  	v56 =	vadd.s32 v63, v56;
	v60 =	vsel vm2, $0x1, v17;
	vm2 =	vgt.s32 v45, $0xFFF  }
0x4a2: {  	v56 =	vadd.s32 v60, v56;
	v61 =	vsel vm2, $0x1, v17;
	vm2 =	vgt.s32 v45, $0x1FFF  }
0x4a3: {  	v56 =	vadd.s32 v61, v56;
	v62 =	vsel vm2, $0x1, v17;
	vm2 =	vgt.s32 v45, $0x3FFF  }
0x4a4: {  	v56 =	vadd.s32 v62, v56;
	v63 =	vsel vm2, $0x1, v17;
	vm2 =	vgt.s32 v45, $0x7FFF  }
0x4a5: {  	v56 =	vadd.s32 v63, v56;
	v60 =	vsel vm2, $0x1, v17;
	vm2 =	vgt.s32 v45, $0xFFFF  }
0x4a6: {  	v56 =	vadd.s32 v60, v56;
	v61 =	vsel vm2, $0x1, v17;
	vm2 =	vgt.s32 v45, $0x1FFFF  }
0x4a7: {  	v45 =	vadd.f32 $-1.000000000e+00, v55;
	v62 =	vadd.s32 v61, v56;
	v63 =	vsel vm2, $0x1, v17  }
0x4a8: {  	v58 =	vmul.f32 v41, v41;
	v38 =	vadd.s32 v63, v62  }
0x4a9: {  	v54 =	vadd.f32 $3.333333430e-01, v54;
	v60 =	vadd.f32 $2.000000000e+00, v45;
	v56 =	vshll.u32 v16, v38  }
0x4aa: {  	v61 =	vmul.f32 $1.428571490e-01, v58;
	v56 =	vcvt.s32.f32 v56  }
0x4ab: {  	v54 =	vmul.f32 v54, v37;
	v37 =	vld [tilespmem:$0x188A0];
	(erf) = vrcp.f32 v60  }
0x4ac: {  	v55 =	vadd.f32 $2.000000030e-01, v61;
	(erf) = vrcp.f32 v56;
	_ =	sdelay $0x1  }
0x4ad: {  	v62 =	vmul.f32 v55, v58  }
0x4ae: {  	v39 =	vadd.f32 v39, v39;
	v55 =	vmul.f32 v51, v49  }
0x4af: {  	v54 =	vadd.f32 $1.000000000e+00, v54;
	v60 =	vtrunc.f32 v37;
	v63 =	vadd.f32 $3.333333430e-01, v62  }
0x4b0: {  	v51 =	vcvt.f32.s32 v60;
	v57 =	vmul.f32 v55, v55  }
0x4b1: {  	v54 =	vmul.f32 v54, v39;
	v39 =	vmul.f32 v63, v58  }
0x4b2: {  	v56 =	vcvt.s32.f32 v34;
	vm2 =	vgt.s32 v51, $0x1;
	v61 =	vmul.f32 $1.428571490e-01, v57  }
0x4b3: {  	v63 =	vsel vm2, $0x1, v17;
	vm2 =	vgt.s32 v51, $0x3;
	v59 =	vadd.f32 $1.000000000e+00, v39;
	v49 =	vpop (erf)  }
0x4b4: {  	v60 =	vadd.f32 $2.000000030e-01, v61;
	v61 =	vsel vm2, $0x1, v17;
	vm2 =	vgt.s32 v51, $0x7;
	v62 =	vpop (erf)  }
0x4b5: {  	v34 =	vadd.s32 v61, v63;
	v39 =	vmul.f32 v62, v32;
	v62 =	vsel vm2, $0x1, v17  }
0x4b6: {  	v58 =	vadd.f32 v41, v41;
	vm2 =	vgt.s32 v51, $0xF;
	v34 =	vadd.s32 v62, v34  }
0x4b7: {  	v63 =	vsel vm2, $0x1, v17;
	vm2 =	vgt.s32 v51, $0x1F;
	v41 =	vadd.f32 $-1.000000000e+00, v39  }
0x4b8: {  	v34 =	vadd.s32 v63, v34;
	v61 =	vsel vm2, $0x1, v17;
	vm2 =	vgt.s32 v51, $0x3F  }
0x4b9: {  	v34 =	vadd.s32 v61, v34;
	v62 =	vsel vm2, $0x1, v17;
	vm2 =	vgt.s32 v51, $0x7F  }
0x4ba: {  	v34 =	vadd.s32 v62, v34;
	v63 =	vsel vm2, $0x1, v17;
	vm2 =	vgt.s32 v51, $0xFF  }
0x4bb: {  	v34 =	vadd.s32 v63, v34;
	v61 =	vsel vm2, $0x1, v17;
	vm2 =	vgt.s32 v51, $0x1FF  }
0x4bc: {  	v34 =	vadd.s32 v61, v34;
	v62 =	vsel vm2, $0x1, v17;
	vm2 =	vgt.s32 v51, $0x3FF  }
0x4bd: {  	v34 =	vadd.s32 v62, v34;
	v63 =	vsel vm2, $0x1, v17;
	vm2 =	vgt.s32 v51, $0x7FF  }
0x4be: {  	v34 =	vadd.s32 v63, v34;
	v61 =	vsel vm2, $0x1, v17;
	vm2 =	vgt.s32 v51, $0xFFF  }
0x4bf: {  	v39 =	vadd.s32 v61, v34;
	v61 =	vsel vm2, $0x1, v17;
	vm2 =	vgt.s32 v51, $0x1FFF;
	v34 =	vld [tilespmem:$0x188B0]  }
0x4c0: {  	v39 =	vadd.s32 v61, v39;
	v61 =	vsel vm2, $0x1, v17;
	vm2 =	vgt.s32 v51, $0x3FFF  }
0x4c1: {  	v39 =	vadd.s32 v61, v39;
	v61 =	vsel vm2, $0x1, v17;
	vm2 =	vgt.s32 v51, $0x7FFF  }
0x4c2: {  	v39 =	vadd.s32 v61, v39;
	v61 =	vsel vm2, $0x1, v17;
	vm2 =	vgt.s32 v51, $0xFFFF  }
0x4c3: {  	v39 =	vadd.s32 v61, v39;
	v61 =	vsel vm2, $0x1, v17;
	vm2 =	vgt.s32 v51, $0x1FFFF  }
0x4c4: {  	v39 =	vadd.s32 v61, v39;
	v51 =	vsel vm2, $0x1, v17;
	v61 =	vtrunc.f32 v34  }
0x4c5: {  	v39 =	vadd.s32 v51, v39;
	v61 =	vcvt.f32.s32 v61  }
0x4c6: {  	v58 =	vmul.f32 v59, v58;
	v51 =	vadd.f32 $2.000000000e+00, v41;
	v59 =	vshll.u32 v16, v39  }
0x4c7: {  	v59 =	vcvt.s32.f32 v59;
	vm2 =	vgt.s32 v61, $0x1  }
0x4c8: {  	(erf) = vrcp.f32 v51;
	v62 =	vsel vm2, $0x1, v17;
	vm2 =	vgt.s32 v61, $0x3  }
0x4c9: {  	(erf) = vrcp.f32 v59;
	v63 =	vsel vm2, $0x1, v17;
	vm2 =	vgt.s32 v61, $0x7  }
0x4ca: {  	v51 =	vadd.s32 v63, v62;
	v62 =	vsel vm2, $0x1, v17;
	vm2 =	vgt.s32 v61, $0xF  }
0x4cb: {  	v51 =	vadd.s32 v62, v51;
	v63 =	vsel vm2, $0x1, v17;
	vm2 =	vgt.s32 v61, $0x1F  }
0x4cc: {  	v51 =	vadd.s32 v63, v51;
	v62 =	vsel vm2, $0x1, v17;
	vm2 =	vgt.s32 v61, $0x3F  }
0x4cd: {  	v51 =	vadd.s32 v62, v51;
	v63 =	vsel vm2, $0x1, v17;
	vm2 =	vgt.s32 v61, $0x7F  }
0x4ce: {  	v51 =	vadd.s32 v63, v51;
	v62 =	vsel vm2, $0x1, v17;
	vm2 =	vgt.s32 v61, $0xFF  }
0x4cf: {  	v51 =	vadd.s32 v62, v51;
	v63 =	vsel vm2, $0x1, v17;
	vm2 =	vgt.s32 v61, $0x1FF  }
0x4d0: {  	v51 =	vadd.s32 v63, v51;
	v62 =	vsel vm2, $0x1, v17;
	vm2 =	vgt.s32 v61, $0x3FF  }
0x4d1: {  	v51 =	vadd.s32 v62, v51;
	v63 =	vsel vm2, $0x1, v17;
	vm2 =	vgt.s32 v61, $0x7FF  }
0x4d2: {  	v51 =	vadd.s32 v63, v51;
	v62 =	vsel vm2, $0x1, v17;
	vm2 =	vgt.s32 v61, $0xFFF  }
0x4d3: {  	v51 =	vadd.s32 v62, v51;
	v63 =	vsel vm2, $0x1, v17  }
0x4d4: {  	vm2 =	vgt.s32 v61, $0x1FFF;
	v59 =	vadd.s32 v63, v51  }
0x4d5: {  	v62 =	vsel vm2, $0x1, v17;
	vm2 =	vgt.s32 v61, $0x3FFF;
	v63 =	vmul.f32 v43, v40  }
0x4d6: {  	v59 =	vadd.s32 v62, v59;
	v62 =	vsel vm2, $0x1, v17;
	vm2 =	vgt.s32 v61, $0x7FFF  }
0x4d7: {  	v60 =	vmul.f32 v60, v57;
	v51 =	vpop (erf);
	v43 =	vadd.s32 v62, v59;
	v62 =	vsel vm2, $0x1, v17  }
0x4d8: {  	vm2 =	vgt.s32 v61, $0xFFFF;
	v40 =	vpop (erf);
	v59 =	vadd.s32 v62, v43;
	v62 =	vmul.f32 v63, v63  }
0x4d9: {  	v0 =	vsel vm2, $0x1, v17;
	vm2 =	vgt.s32 v61, $0x1FFFF;
	v40 =	vmul.f32 v40, v37  }
0x4da: {  	v60 =	vadd.f32 $3.333333430e-01, v60;
	v0 =	vadd.s32 v0, v59;
	v61 =	vsel vm2, $0x1, v17  }
0x4db: {  	v43 =	vadd.f32 $-1.000000000e+00, v40;
	v40 =	vadd.s32 v61, v0;
	v0 =	vmul.f32 $1.428571490e-01, v62  }
0x4dc: {  	v57 =	vmul.f32 v60, v57  }
0x4dd: {  	v60 =	vshll.u32 v16, v40;
	v59 =	vadd.f32 $2.000000000e+00, v43;
	v0 =	vadd.f32 $2.000000030e-01, v0  }
0x4de: {  	v60 =	vcvt.s32.f32 v60  }
0x4df: {  	(erf) = vrcp.f32 v59;
	v0 =	vmul.f32 v0, v62  }
0x4e0: {  	v29 =	vcvt.s32.f32 v29;
	(erf) = vrcp.f32 v60  }
0x4e1: {  	v61 =	vmul.f32 $6.931471820e-01, v56;
	v56 =	vmul.f32 v47, v46;
	v0 =	vadd.f32 $3.333333430e-01, v0  }
0x4e2: {  	v2 =	vmul.f32 $6.931471820e-01, v29;
	v29 =	vld [tilespmem:$0x188C0];
	v33 =	vcvt.s32.f32 v33;
	v46 =	vadd.f32 v55, v55  }
0x4e3: {  	v59 =	vmul.f32 v56, v56;
	v60 =	vadd.f32 $1.000000000e+00, v57;
	v0 =	vmul.f32 v0, v62  }
0x4e4: {  	v33 =	vmul.f32 $6.931471820e-01, v33;
	v54 =	vadd.f32 v54, v61  }
0x4e5: {  	v46 =	vmul.f32 v60, v46;
	v60 =	vmul.f32 $1.428571490e-01, v59;
	v0 =	vadd.f32 $1.000000000e+00, v0  }
0x4e6: {  	v2 =	vadd.f32 v58, v2;
	v61 =	vadd.f32 v63, v63  }
0x4e7: {  	v57 =	vmul.f32 v54, v18;
	v62 =	vtrunc.f32 v29;
	v18 =	vadd.f32 $2.000000030e-01, v60  }
0x4e8: {  	v54 =	vmul.f32 v2, v21;
	v2 =	vadd.f32 v46, v33;
	v46 =	vcvt.f32.s32 v62;
	v33 =	vpop (erf)  }
0x4e9: {  	v18 =	vmul.f32 v18, v59;
	v58 =	vmul.f32 v0, v61;
	v0 =	vpop (erf)  }
0x4ea: {  	v55 =	vmul.f32 v2, v24;
	vm2 =	vgt.s32 v46, $0x1;
	v0 =	vmul.f32 v0, v34  }
0x4eb: {  	v2 =	vadd.f32 $3.333333430e-01, v18;
	v18 =	vsel vm2, $0x1, v17;
	vm2 =	vgt.s32 v46, $0x3  }
0x4ec: {  	v24 =	vadd.f32 $-1.000000000e+00, v0;
	v0 =	vsel vm2, $0x1, v17;
	vm2 =	vgt.s32 v46, $0x7  }
0x4ed: {  	v0 =	vadd.s32 v0, v18;
	v18 =	vsel vm2, $0x1, v17;
	vm2 =	vgt.s32 v46, $0xF  }
0x4ee: {  	v0 =	vadd.s32 v18, v0;
	v18 =	vsel vm2, $0x1, v17;
	vm2 =	vgt.s32 v46, $0x1F  }
0x4ef: {  	v0 =	vadd.s32 v18, v0;
	v18 =	vsel vm2, $0x1, v17;
	vm2 =	vgt.s32 v46, $0x3F  }
0x4f0: {  	v0 =	vadd.s32 v18, v0;
	v18 =	vsel vm2, $0x1, v17;
	vm2 =	vgt.s32 v46, $0x7F  }
0x4f1: {  	v0 =	vadd.s32 v18, v0;
	v18 =	vsel vm2, $0x1, v17;
	vm2 =	vgt.s32 v46, $0xFF  }
0x4f2: {  	v0 =	vadd.s32 v18, v0;
	v18 =	vsel vm2, $0x1, v17;
	vm2 =	vgt.s32 v46, $0x1FF  }
0x4f3: {  	v0 =	vadd.s32 v18, v0;
	v18 =	vsel vm2, $0x1, v17;
	vm2 =	vgt.s32 v46, $0x3FF  }
0x4f4: {  	v0 =	vadd.s32 v18, v0;
	v18 =	vsel vm2, $0x1, v17;
	vm2 =	vgt.s32 v46, $0x7FF  }
0x4f5: {  	v0 =	vadd.s32 v18, v0;
	v18 =	vsel vm2, $0x1, v17;
	vm2 =	vgt.s32 v46, $0xFFF  }
0x4f6: {  	v0 =	vadd.s32 v18, v0;
	v63 =	vsel vm2, $0x1, v17;
	vm2 =	vgt.s32 v46, $0x1FFF  }
0x4f7: {  	v18 =	vld [tilespmem:$0x188D0];
	v0 =	vadd.s32 v63, v0;
	v47 =	vsel vm2, $0x1, v17;
	vm2 =	vgt.s32 v46, $0x3FFF  }
0x4f8: {  	v52 =	vmul.f32 v53, v52;
	v0 =	vadd.s32 v47, v0;
	v53 =	vsel vm2, $0x1, v17  }
0x4f9: {  	v30 =	vcvt.s32.f32 v30;
	vm2 =	vgt.s32 v46, $0x7FFF;
	v0 =	vadd.s32 v53, v0  }
0x4fa: {  	v60 =	vsel vm2, $0x1, v17;
	vm2 =	vgt.s32 v46, $0xFFFF;
	v53 =	vmul.f32 v52, v52  }
0x4fb: {  	v0 =	vadd.s32 v60, v0;
	v61 =	vsel vm2, $0x1, v17;
	vm2 =	vgt.s32 v46, $0x1FFFF  }
0x4fc: {  	v0 =	vadd.s32 v61, v0;
	v62 =	vsel vm2, $0x1, v17;
	v63 =	vtrunc.f32 v18  }
0x4fd: {  	v60 =	vadd.f32 $2.000000000e+00, v24;
	v21 =	vadd.s32 v62, v0;
	v0 =	vcvt.f32.s32 v63  }
0x4fe: {  	v2 =	vmul.f32 v2, v59;
	v59 =	vmul.f32 $1.428571490e-01, v53;
	v61 =	vshll.u32 v16, v21  }
0x4ff: {  	(erf) = vrcp.f32 v60;
	v47 =	vcvt.s32.f32 v61;
	vm2 =	vgt.s32 v0, $0x1  }
0x500: {  	v59 =	vadd.f32 $2.000000030e-01, v59;
	v62 =	vsel vm2, $0x1, v17;
	vm2 =	vgt.s32 v0, $0x3  }
0x501: {  	(erf) = vrcp.f32 v47;
	v63 =	vsel vm2, $0x1, v17;
	vm2 =	vgt.s32 v0, $0x7  }
0x502: {  	v46 =	vadd.s32 v63, v62;
	v60 =	vsel vm2, $0x1, v17;
	vm2 =	vgt.s32 v0, $0xF  }
0x503: {  	v46 =	vadd.s32 v60, v46;
	v61 =	vsel vm2, $0x1, v17;
	vm2 =	vgt.s32 v0, $0x1F  }
0x504: {  	v46 =	vadd.s32 v61, v46;
	v62 =	vsel vm2, $0x1, v17;
	vm2 =	vgt.s32 v0, $0x3F  }
0x505: {  	v46 =	vadd.s32 v62, v46;
	v63 =	vsel vm2, $0x1, v17;
	vm2 =	vgt.s32 v0, $0x7F  }
0x506: {  	v46 =	vadd.s32 v63, v46;
	v60 =	vsel vm2, $0x1, v17;
	vm2 =	vgt.s32 v0, $0xFF  }
0x507: {  	v46 =	vadd.s32 v60, v46;
	v61 =	vsel vm2, $0x1, v17;
	vm2 =	vgt.s32 v0, $0x1FF  }
0x508: {  	v46 =	vadd.s32 v61, v46;
	v62 =	vsel vm2, $0x1, v17;
	vm2 =	vgt.s32 v0, $0x3FF  }
0x509: {  	v46 =	vadd.s32 v62, v46;
	v63 =	vsel vm2, $0x1, v17;
	vm2 =	vgt.s32 v0, $0x7FF  }
0x50a: {  	v46 =	vadd.s32 v63, v46;
	v60 =	vsel vm2, $0x1, v17;
	vm2 =	vgt.s32 v0, $0xFFF  }
0x50b: {  	v46 =	vadd.s32 v60, v46;
	v60 =	vsel vm2, $0x1, v17;
	vm2 =	vgt.s32 v0, $0x1FFF  }
0x50c: {  	v59 =	vmul.f32 v59, v53;
	v46 =	vadd.s32 v60, v46;
	v60 =	vsel vm2, $0x1, v17  }
0x50d: {  	v25 =	vcvt.s32.f32 v25;
	v2 =	vadd.f32 $1.000000000e+00, v2;
	v63 =	vadd.f32 v56, v56  }
0x50e: {  	v30 =	vmul.f32 $6.931471820e-01, v30;
	v26 =	vcvt.s32.f32 v26;
	v59 =	vadd.f32 $3.333333430e-01, v59;
	v47 =	vpop (erf)  }
0x50f: {  	vm2 =	vgt.s32 v0, $0x3FFF;
	v2 =	vmul.f32 v2, v63;
	v46 =	vadd.s32 v60, v46;
	v60 =	vpop (erf)  }
0x510: {  	v63 =	vcvt.s32.f32 v35;
	v61 =	vsel vm2, $0x1, v17;
	v60 =	vmul.f32 v60, v29  }
0x511: {  	v35 =	vmul.f32 v50, v48;
	vm2 =	vgt.s32 v0, $0x7FFF;
	v61 =	vadd.s32 v61, v46  }
0x512: {  	v62 =	vsel vm2, $0x1, v17;
	vm2 =	vgt.s32 v0, $0xFFFF;
	v46 =	vadd.f32 $-1.000000000e+00, v60  }
0x513: {  	v60 =	vadd.s32 v62, v61;
	v61 =	vsel vm2, $0x1, v17;
	vm2 =	vgt.s32 v0, $0x1FFFF  }
0x514: {  	v62 =	vmul.f32 v44, v42;
	v0 =	vadd.s32 v61, v60;
	v61 =	vsel vm2, $0x1, v17  }
0x515: {  	v60 =	vadd.f32 $2.000000000e+00, v46;
	v42 =	vadd.s32 v61, v0;
	v0 =	vmul.f32 $6.931471820e-01, v25  }
0x516: {  	v52 =	vadd.f32 v52, v52;
	v25 =	vmul.f32 v59, v53;
	v59 =	vmul.f32 v62, v62  }
0x517: {  	v2 =	vadd.f32 v2, v30;
	v61 =	vshll.u32 v16, v42;
	(erf) = vrcp.f32 v60  }
0x518: {  	v44 =	vcvt.s32.f32 v61;
	v56 =	vmul.f32 $1.428571490e-01, v59;
	v60 =	vadd.f32 $1.000000000e+00, v25;
	v25 =	vld [tilespmem:$0x188E0]  }
0x519: {  	v63 =	vmul.f32 $6.931471820e-01, v63;
	v0 =	vadd.f32 v58, v0;
	v61 =	vadd.f32 $0.0e+00, v57  }
0x51a: {  	(erf) = vrcp.f32 v44;
	v44 =	vadd.f32 $2.000000030e-01, v56;
	v58 =	vmul.f32 v60, v52  }
0x51b: {  	v52 =	vmul.f32 v35, v35;
	v50 =	vmul.f32 v0, v19  }
0x51c: {  	v61 =	vadd.f32 v54, v61;
	v60 =	vmul.f32 v44, v59;
	v44 =	vmul.f32 v2, v22  }
0x51d: {  	v19 =	vmul.f32 $1.428571490e-01, v52;
	v48 =	vtrunc.f32 v25  }
0x51e: {  	v2 =	vadd.f32 v58, v63;
	v53 =	vadd.f32 v55, v61;
	v22 =	vcvt.f32.s32 v48  }
0x51f: {  	v26 =	vmul.f32 $6.931471820e-01, v26;
	v0 =	vadd.f32 $3.333333430e-01, v60;
	v19 =	vadd.f32 $2.000000030e-01, v19  }
0x520: {  	v48 =	vmul.f32 v2, v28;
	v2 =	vadd.f32 v62, v62;
	vm2 =	vgt.s32 v22, $0x1  }
0x521: {  	v54 =	vmul.f32 v19, v52;
	v19 =	vsel vm2, $0x1, v17;
	vm2 =	vgt.s32 v22, $0x3  }
0x522: {  	v0 =	vmul.f32 v0, v59;
	v30 =	vpop (erf);
	v57 =	vsel vm2, $0x1, v17;
	vm2 =	vgt.s32 v22, $0x7  }
0x523: {  	v56 =	vpop (erf);
	v19 =	vadd.s32 v57, v19;
	v58 =	vsel vm2, $0x1, v17;
	vm2 =	vgt.s32 v22, $0xF  }
0x524: {  	v28 =	vmul.f32 v56, v18;
	v19 =	vadd.s32 v58, v19;
	v59 =	vsel vm2, $0x1, v17  }
0x525: {  	v0 =	vadd.f32 $1.000000000e+00, v0;
	vm2 =	vgt.s32 v22, $0x1F;
	v19 =	vadd.s32 v59, v19  }
0x526: {  	v60 =	vsel vm2, $0x1, v17;
	vm2 =	vgt.s32 v22, $0x3F;
	v28 =	vadd.f32 $-1.000000000e+00, v28  }
0x527: {  	v19 =	vadd.s32 v60, v19;
	v61 =	vsel vm2, $0x1, v17;
	vm2 =	vgt.s32 v22, $0x7F  }
0x528: {  	v19 =	vadd.s32 v61, v19;
	v62 =	vsel vm2, $0x1, v17;
	vm2 =	vgt.s32 v22, $0xFF  }
0x529: {  	v19 =	vadd.s32 v62, v19;
	v63 =	vsel vm2, $0x1, v17;
	vm2 =	vgt.s32 v22, $0x1FF  }
0x52a: {  	v19 =	vadd.s32 v63, v19;
	v57 =	vsel vm2, $0x1, v17;
	vm2 =	vgt.s32 v22, $0x3FF  }
0x52b: {  	v19 =	vadd.s32 v57, v19;
	v58 =	vsel vm2, $0x1, v17;
	vm2 =	vgt.s32 v22, $0x7FF  }
0x52c: {  	v19 =	vadd.s32 v58, v19;
	v59 =	vsel vm2, $0x1, v17;
	vm2 =	vgt.s32 v22, $0xFFF  }
0x52d: {  	v55 =	vadd.s32 v59, v19;
	v60 =	vsel vm2, $0x1, v17;
	vm2 =	vgt.s32 v22, $0x1FFF;
	v19 =	vld [tilespmem:$0x188F0]  }
0x52e: {  	v55 =	vadd.s32 v60, v55;
	v61 =	vsel vm2, $0x1, v17;
	vm2 =	vgt.s32 v22, $0x3FFF  }
0x52f: {  	v55 =	vadd.s32 v61, v55;
	v62 =	vsel vm2, $0x1, v17;
	vm2 =	vgt.s32 v22, $0x7FFF  }
0x530: {  	v55 =	vadd.s32 v62, v55;
	v63 =	vsel vm2, $0x1, v17;
	vm2 =	vgt.s32 v22, $0xFFFF  }
0x531: {  	v55 =	vadd.s32 v63, v55;
	v60 =	vsel vm2, $0x1, v17;
	vm2 =	vgt.s32 v22, $0x1FFFF  }
0x532: {  	v61 =	vadd.s32 v60, v55;
	v62 =	vsel vm2, $0x1, v17;
	v63 =	vtrunc.f32 v19  }
0x533: {  	v0 =	vmul.f32 v0, v2;
	v22 =	vadd.s32 v62, v61;
	v2 =	vcvt.f32.s32 v63  }
0x534: {  	v31 =	vcvt.s32.f32 v31;
	v60 =	vadd.f32 $2.000000000e+00, v28;
	v61 =	vshll.u32 v16, v22  }
0x535: {  	v49 =	vmul.f32 v49, v45;
	v62 =	vcvt.s32.f32 v61;
	vm2 =	vgt.s32 v2, $0x1  }
0x536: {  	(erf) = vrcp.f32 v60;
	v63 =	vsel vm2, $0x1, v17;
	vm2 =	vgt.s32 v2, $0x3  }
0x537: {  	(erf) = vrcp.f32 v62;
	v57 =	vsel vm2, $0x1, v17;
	vm2 =	vgt.s32 v2, $0x7  }
0x538: {  	v45 =	vadd.s32 v57, v63;
	v58 =	vsel vm2, $0x1, v17;
	vm2 =	vgt.s32 v2, $0xF  }
0x539: {  	v45 =	vadd.s32 v58, v45;
	v59 =	vsel vm2, $0x1, v17;
	vm2 =	vgt.s32 v2, $0x1F  }
0x53a: {  	v45 =	vadd.s32 v59, v45;
	v60 =	vsel vm2, $0x1, v17;
	vm2 =	vgt.s32 v2, $0x3F  }
0x53b: {  	v45 =	vadd.s32 v60, v45;
	v61 =	vsel vm2, $0x1, v17;
	vm2 =	vgt.s32 v2, $0x7F  }
0x53c: {  	v45 =	vadd.s32 v61, v45;
	v62 =	vsel vm2, $0x1, v17;
	vm2 =	vgt.s32 v2, $0xFF  }
0x53d: {  	v45 =	vadd.s32 v62, v45;
	v63 =	vsel vm2, $0x1, v17;
	vm2 =	vgt.s32 v2, $0x1FF  }
0x53e: {  	v45 =	vadd.s32 v63, v45;
	v57 =	vsel vm2, $0x1, v17;
	vm2 =	vgt.s32 v2, $0x3FF  }
0x53f: {  	v45 =	vadd.s32 v57, v45;
	v58 =	vsel vm2, $0x1, v17;
	vm2 =	vgt.s32 v2, $0x7FF  }
0x540: {  	v56 =	vpop (erf);
	v45 =	vadd.s32 v58, v45;
	v59 =	vsel vm2, $0x1, v17;
	vm2 =	vgt.s32 v2, $0xFFF  }
0x541: {  	v62 =	vpop (erf);
	v45 =	vadd.s32 v59, v45;
	v60 =	vsel vm2, $0x1, v17;
	vm2 =	vgt.s32 v2, $0x1FFF  }
0x542: {  	v57 =	vmul.f32 v62, v25;
	v45 =	vadd.s32 v60, v45;
	v61 =	vsel vm2, $0x1, v17  }
0x543: {  	v31 =	vmul.f32 $6.931471820e-01, v31;
	vm2 =	vgt.s32 v2, $0x3FFF;
	v45 =	vadd.s32 v61, v45  }
0x544: {  	v63 =	vsel vm2, $0x1, v17;
	vm2 =	vgt.s32 v2, $0x7FFF;
	v55 =	vadd.f32 $-1.000000000e+00, v57  }
0x545: {  	v45 =	vadd.s32 v63, v45;
	v60 =	vsel vm2, $0x1, v17;
	vm2 =	vgt.s32 v2, $0xFFFF  }
0x546: {  	v45 =	vadd.s32 v60, v45;
	v61 =	vsel vm2, $0x1, v17;
	vm2 =	vgt.s32 v2, $0x1FFFF  }
0x547: {  	v41 =	vmul.f32 v51, v41;
	v2 =	vadd.s32 v61, v45;
	v63 =	vsel vm2, $0x1, v17  }
0x548: {  	v21 =	vcvt.s32.f32 v21;
	v45 =	vadd.s32 v63, v2;
	v2 =	vadd.f32 $2.000000000e+00, v55  }
0x549: {  	v54 =	vadd.f32 $3.333333430e-01, v54;
	v58 =	vmul.f32 v49, v49;
	v60 =	vshll.u32 v16, v45  }
0x54a: {  	(erf) = vrcp.f32 v2;
	v2 =	vcvt.s32.f32 v60  }
0x54b: {  	v24 =	vmul.f32 v47, v24;
	v52 =	vmul.f32 v54, v52  }
0x54c: {  	v50 =	vadd.f32 v50, v53;
	v62 =	vmul.f32 $1.428571490e-01, v58;
	(erf) = vrcp.f32 v2  }
0x54d: {  	v21 =	vmul.f32 $6.931471820e-01, v21;
	v35 =	vadd.f32 v35, v35;
	v52 =	vadd.f32 $1.000000000e+00, v52  }
0x54e: {  	v51 =	vmul.f32 v24, v24;
	v44 =	vadd.f32 v44, v50;
	v59 =	vadd.f32 $2.000000030e-01, v62  }
0x54f: {  	v30 =	vmul.f32 v30, v46;
	v0 =	vadd.f32 v0, v26;
	v35 =	vmul.f32 v52, v35  }
0x550: {  	v22 =	vcvt.s32.f32 v22;
	v61 =	vmul.f32 v59, v58  }
0x551: {  	v52 =	vadd.f32 v48, v44;
	v0 =	vmul.f32 v0, v20;
	v57 =	vadd.f32 v35, v31  }
0x552: {  	v26 =	vmul.f32 v33, v43;
	v22 =	vmul.f32 $6.931471820e-01, v22;
	v62 =	vadd.f32 $3.333333430e-01, v61  }
0x553: {  	v0 =	vadd.f32 v0, v52;
	v20 =	vmul.f32 v57, v23;
	v2 =	vmul.f32 v41, v41  }
0x554: {  	v59 =	vadd.f32 v49, v49;
	v53 =	vmul.f32 v62, v58;
	v58 =	vmul.f32 v26, v26;
	v48 =	vpop (erf)  }
0x555: {  	v0 =	vadd.f32 v20, v0;
	v60 =	vcvt.s32.f32 v36;
	v63 =	vmul.f32 $1.428571490e-01, v2;
	v47 =	vpop (erf)  }
0x556: {  	v43 =	vadd.f32 $1.000000000e+00, v53;
	v61 =	vmul.f32 $1.428571490e-01, v58;
	v49 =	vmul.f32 v47, v19  }
0x557: {  	v33 =	vmul.f32 $6.931471820e-01, v60;
	v60 =	vcvt.s32.f32 v39;
	v54 =	vadd.f32 $2.000000030e-01, v63  }
0x558: {  	v62 =	vmul.f32 v43, v59;
	v36 =	vadd.f32 $2.000000030e-01, v61;
	v20 =	vadd.f32 $-1.000000000e+00, v49  }
0x559: {  	v59 =	vmul.f32 v30, v30;
	v44 =	vmul.f32 v54, v2  }
0x55a: {  	v53 =	vmul.f32 $1.428571490e-01, v51;
	v36 =	vmul.f32 v36, v58;
	v57 =	vadd.f32 $2.000000000e+00, v20  }
0x55b: {  	v23 =	vadd.f32 v62, v33;
	v62 =	vmul.f32 $1.428571490e-01, v59;
	v63 =	vadd.f32 $3.333333430e-01, v44  }
0x55c: {  	v24 =	vadd.f32 v24, v24;
	v54 =	vcvt.s32.f32 v38;
	(erf) = vrcp.f32 v57  }
0x55d: {  	v52 =	vadd.f32 $3.333333430e-01, v36;
	v23 =	vmul.f32 v23, v27;
	v2 =	vmul.f32 v63, v2  }
0x55e: {  	v50 =	vadd.f32 v41, v41;
	v27 =	vmul.f32 $6.931471820e-01, v60;
	v35 =	vmul.f32 $6.931471820e-01, v54  }
0x55f: {  	v31 =	vmul.f32 v52, v58;
	v58 =	vadd.f32 $2.000000030e-01, v53;
	v2 =	vadd.f32 $1.000000000e+00, v2  }
0x560: {  	v26 =	vadd.f32 v26, v26;
	v44 =	vmul.f32 v48, v55;
	v63 =	vmul.f32 v56, v28  }
0x561: {  	v31 =	vadd.f32 $1.000000000e+00, v31;
	v33 =	vmul.f32 v58, v51;
	v2 =	vmul.f32 v2, v50  }
0x562: {  	v43 =	vadd.f32 $2.000000030e-01, v62;
	v46 =	vmul.f32 v63, v63;
	v49 =	vmul.f32 v44, v44  }
0x563: {  	v26 =	vmul.f32 v31, v26;
	v61 =	vadd.f32 $3.333333430e-01, v33;
	v2 =	vadd.f32 v2, v35  }
0x564: {  	v30 =	vadd.f32 v30, v30;
	v31 =	vmul.f32 v43, v59;
	v47 =	vmul.f32 $1.428571490e-01, v46  }
0x565: {  	v0 =	vadd.f32 v23, v0;
	v41 =	vmul.f32 v61, v51;
	v2 =	vmul.f32 v2, v32;
	v50 =	vpop (erf)  }
0x566: {  	v26 =	vadd.f32 v26, v27;
	v48 =	vadd.f32 $3.333333430e-01, v31;
	v20 =	vmul.f32 v50, v20  }
0x567: {  	v52 =	vmul.f32 $1.428571490e-01, v49;
	v28 =	vadd.f32 $1.000000000e+00, v41;
	v0 =	vadd.f32 v2, v0  }
0x568: {  	v2 =	vmul.f32 v26, v37;
	v26 =	vadd.f32 $2.000000030e-01, v47;
	v53 =	vmul.f32 v20, v20  }
0x569: {  	v33 =	vadd.f32 $2.000000030e-01, v52;
	v24 =	vmul.f32 v28, v24;
	v28 =	vmul.f32 v48, v59  }
0x56a: {  	v0 =	vadd.f32 v2, v0;
	v2 =	vmul.f32 v26, v46;
	v54 =	vmul.f32 $1.428571490e-01, v53  }
0x56b: {  	v62 =	vcvt.s32.f32 v45;
	v51 =	vcvt.s32.f32 v40;
	v28 =	vadd.f32 $1.000000000e+00, v28  }
0x56c: {  	v33 =	vmul.f32 v33, v49;
	v2 =	vadd.f32 $3.333333430e-01, v2;
	v55 =	vadd.f32 $2.000000030e-01, v54  }
0x56d: {  	v23 =	vadd.f32 v63, v63;
	v35 =	vmul.f32 $6.931471820e-01, v51;
	v28 =	vmul.f32 v28, v30  }
0x56e: {  	v56 =	vadd.f32 $3.333333430e-01, v33;
	v2 =	vmul.f32 v2, v46;
	v30 =	vmul.f32 v55, v53  }
0x56f: {  	v27 =	vadd.f32 v44, v44;
	v57 =	vcvt.s32.f32 v42;
	v24 =	vadd.f32 v24, v35  }
0x570: {  	v58 =	vmul.f32 v56, v49;
	v2 =	vadd.f32 $1.000000000e+00, v2;
	v30 =	vadd.f32 $3.333333430e-01, v30  }
0x571: {  	v59 =	vmul.f32 $6.931471820e-01, v57;
	v24 =	vmul.f32 v24, v34;
	v21 =	vadd.f32 v28, v21  }
0x572: {  	v28 =	vadd.f32 $1.000000000e+00, v58;
	v2 =	vmul.f32 v2, v23;
	v60 =	vmul.f32 v30, v53  }
0x573: {  	v0 =	vadd.f32 v24, v0;
	v21 =	vmul.f32 v21, v29;
	v20 =	vadd.f32 v20, v20  }
0x574: {  	v61 =	vmul.f32 v28, v27;
	v2 =	vadd.f32 v2, v59;
	v24 =	vadd.f32 $1.000000000e+00, v60  }
0x575: {  	v63 =	vmul.f32 $6.931471820e-01, v62;
	v0 =	vadd.f32 v21, v0  }
0x576: {  	v2 =	vmul.f32 v2, v18;
	v18 =	vadd.f32 v61, v22;
	v20 =	vmul.f32 v24, v20;
	_ =	sdelay $0x1  }
0x577: {  	v0 =	vadd.f32 v2, v0;
	v2 =	vmul.f32 v18, v25;
	v18 =	vadd.f32 v20, v63;
	_ =	sdelay $0x1  }
0x578: {  	v0 =	vadd.f32 v2, v0;
	v2 =	vmul.f32 v18, v19;
	_ =	sdelay $0x1  }
0x579: {  	v0 =	vadd.f32 v2, v0;
	_ =	sdelay $0x1  }
0x57a: {  	(xrf2) =	vadd.scan.msk.f32 $0xffff, v0;
	_ =	sdelay $0x9  }
0x57b: {  	v0, _, _ =	vpop (xrf2)  }
0x57c: {  	(v2sf) =	vpush v0, $0xF;
	_ =	sdelay $0xe  }
0x57d: {  	s19 =	spop (v2sf)  }
0x57e: {  	s19 =	smul.f32 $4.982461630e-06, s19;
	_ =	sdelay $0x1  }
0x57f: {  	v0 =	vmov s19  }
0x580: {  	v0 =	vsub.f32 $1.220958610e+01, v0;
	_ =	sdelay $0x1  }
0x581: {  	s17 =	sadd.s32 $0x1, s17;
	v0 =	vbroadcast v0, $0x0  }
0x582: {  	s18 =	sshll.u32 s18, $0x4;
	p0 =	sne.s32 s17, $0x6  }
.Ltmp2:
0x583: {  	s18 =	sadd.s32 s4, s18;
	[tilespmem:$0x18900] =	vst v0;
	(pc) =	sbr.rel @p0 .LBB2_2-.Ltmp2, $4  }
0x584: {  	[hbm4b:s18+s5] =	stream.linear.scatter [tilespmem:s14], [sflag:$0x2], $0x80, $0x38;
	[tilespmem:$0x18980] =	vst v63  }
0x585: {  	_ =	swait.ge [sflag:s15], $0x80  }
0x586: {  	[sflag:s15] =	ssyncset.done $0x0  }
0x587: {  	[sflag:s15] =	ssyncadd.s32 $0xFFFFFF80  }
0x588: {  	s16 =	sadd.s32 $0x1, s16  }
0x589: {  	p0 =	sne.s32 s16, s8  }
.Ltmp3:
0x58a: {  	_ = 	snop;
	(pc) =	sbr.rel @p0 .LBB2_1-.Ltmp3, $4  }
0x58b: {  	_ = 	snop  }
0x58c: {  	_ =	swait.ge [sflag:s11], $0xC400  }
0x58d: {  	[sflag:s11] =	ssyncset.done $0x0  }
0x58e: {  	[sflag:s11] =	ssyncadd.s32 $0xFFFF3C00  }
0x58f: {  	_ =	sfence.sel $0x180000  }
0x590: {  	[bflag:$0x0] =	sbarrier.arrive $0xFFFF  }
0x591: {  	p0 =	sne.s32 s0, $0x0;
	_ =	strace $0x90000047  }
0x592: {  	s0 =	sadd.s32 @!p0 $0x100000, s3;
	[bflag:$0x2] =	sbarrier.arrive $0xFFFF  }
0x593: {  	[sflag:s0] =	ssyncadd.tile.s32 @!p0 $0x1;
	_ =	shalt  }
.Lfunc_end2:
_tile_overlayer_lowered:
.L_overlay_start_2:
0x594: {  	(tag) =	ssettag $0x2  }
0x595: {  	s0 =	rddreg [dreg:$0x0];
	s2 =	stileid.u32  }
0x596: {  	s1 =	rddreg [dreg:$0x1];
	p0 =	sne.s32 s2, $0x0  }
0x597: {  	s3 =	rddreg [dreg:$0x2];
	[bflag:$0x3] =	sbarrier.arrive $0xFFFF;
	s2 =	simm.s32 @!p0 $0x1C02  }
0x598: {  	[timem:s3], [sflag:s2] =	dma.local @!p0 [hbm:s0], s1  }
0x599: {  	s0 =	simm.s32 @!p0 $0x2  }
0x59a: {  	_ =	swait.ge @!p0 [sflag:s0], s1  }
0x59b: {  	s1 =	ssub.s32 @!p0 $0x0, s1;
	[sflag:s0] =	ssyncset.done @!p0 $0x0  }
0x59c: {  	[sflag:s0] =	ssyncadd.s32 @!p0 s1  }
0x59d: {  	[bflag:$0x3] =	sbarrier.arrive $0xFFFF  }
0x59e: {  	_ =	shalt  }

</sc_bundles>
